<compile_context>
chip_gen: v7x
topology: tpu7x:2x2x1
jax: 0.10.2.dev20260603
libtpu: 0.0.44.dev20260713+nightly
codegen_flags: <defaults>
</compile_context>

<pallas_src>
import math

import jax
import jax.numpy as jnp
import numpy as np
from jax import lax
from jax.experimental import pallas as pl
from jax.experimental.pallas import tpu as pltpu
from jax.experimental.pallas import tpu_sc as plsc

B = 32
N = 100000
K = int(math.ceil((1.0 - 0.9) * N))
L = 16
NV = N // L
CHUNK = 10000
NCV = CHUNK // L
NCH = N // CHUNK
NBINS = 256
HIST = NBINS * L
UNROLL = 10
FUNROLL = 5

_SIGN = np.uint32(0x80000000)
_NEG_INF = np.float32(-np.inf)

_mesh = plsc.VectorSubcoreMesh(core_axis_name="c", subcore_axis_name="s")
_params = pltpu.CompilerParams(needs_layout_passes=False)


def _monotone_u32(x):
    ub = plsc.bitcast(x, jnp.uint32)
    return jnp.where(x < 0.0, ~ub, ub | _SIGN)


def _body_a(logits_hbm, thr_hbm, row_v, hist_v, st_v, rsem0, rsem1):
    info = plsc.get_sparse_core_info()
    nc = info.num_cores
    wid = lax.axis_index("s") * nc + lax.axis_index("c")
    row = wid

    zero = wid * 0
    zvec = jnp.broadcast_to(zero, (L,))
    zvecf = zvec.astype(jnp.float32)
    ones = zvec + 1
    lane = (plsc.cumsum(zvecf + 1.0) - 1.0).astype(jnp.int32)
    ninf = zvecf + _NEG_INF

    def rcopy(c, sem):
        return pltpu.make_async_copy(
            logits_hbm.at[pl.ds(row * N + c * CHUNK, CHUNK)],
            row_v.at[pl.ds(c * CHUNK, CHUNK)], sem)

    rcopy(0, rsem0).start()
    rcopy(1, rsem1).start()

    def zero_hist(i, _):
        hist_v[pl.ds(i * L, L)] = zvec
        return 0

    def hist_pass(shift, prefix):
        def body(i, mx):
            if shift == 24:
                x = row_v[pl.ds(i * L, L)]
                u = _monotone_u32(x)
                row_v[pl.ds(i * L, L)] = plsc.bitcast(u, jnp.float32)
                dig = ((u >> shift) & np.uint32(0xFF)).astype(jnp.int32)
                plsc.addupdate_scatter(hist_v, [dig * L + lane], ones)
                return jnp.maximum(mx, x)
            u = plsc.bitcast(row_v[pl.ds(i * L, L)], jnp.uint32)
            dig = ((u >> shift) & np.uint32(0xFF)).astype(jnp.int32)
            ok = (u >> (shift + 8)) == prefix
            plsc.addupdate_scatter(hist_v, [dig * L + lane], ones, mask=ok)
            return mx
        return body

    def scan_digits(r):
        def body(i, carry):
            csum, dig, r = carry
            j = 255 - i
            h = hist_v[pl.ds(j * L, L)]
            hist_v[pl.ds(j * L, L)] = zvec
            cj = jnp.sum(h.astype(jnp.float32)).astype(jnp.int32)
            hit = (dig < 0) & (csum + cj >= r)
            new_dig = jnp.where(hit, j, dig)
            new_r = jnp.where(hit, r - csum, r)
            new_csum = jnp.where((dig < 0) & (~hit), csum + cj, csum)
            return new_csum, new_dig, new_r
        csum, dig, r = lax.fori_loop(
            0, NBINS, body, (zero, zero - 1, r))
        return dig, r

    prefix = np.uint32(0)
    r = zero + K
    macc = ninf
    for p in range(4):
        shift = 24 - 8 * p
        if p == 0:
            lax.fori_loop(0, NBINS, zero_hist, 0)
        if p == 0:
            for c in range(NCH):
                rcopy(c, (rsem0, rsem1)[c % 2]).wait()
                if c + 2 < NCH:
                    rcopy(c + 2, (rsem0, rsem1)[c % 2]).start()
                macc = plsc.parallel_loop(
                    c * NCV, (c + 1) * NCV, 1, unroll=UNROLL, carry=macc)(
                    hist_pass(shift, prefix))
        else:
            plsc.parallel_loop(0, NV, 1, unroll=UNROLL, carry=ninf)(
                hist_pass(shift, prefix))
        dig, r = scan_digits(r)
        prefix = (prefix << 8) | dig.astype(jnp.uint32)

    tb = jnp.where((prefix >> 31) == np.uint32(1),
                   prefix ^ _SIGN, ~prefix)
    tvec = plsc.bitcast(jnp.broadcast_to(tb, (L,)), jnp.float32)
    uvec = jnp.broadcast_to(prefix, (L,))
    mvec = jnp.broadcast_to(jnp.max(macc), (L,))

    def sum_body(i, acc):
        u = plsc.bitcast(row_v[pl.ds(i * L, L)], jnp.uint32)
        ub = jnp.where((u >> 31) == np.uint32(1), u ^ _SIGN, ~u)
        x = plsc.bitcast(ub, jnp.float32)
        e = jnp.exp(x - mvec)
        return acc + jnp.where(u >= uvec, e, 0.0)
    sacc = plsc.parallel_loop(0, NV, 1, unroll=UNROLL, carry=zvecf)(sum_body)
    svec = jnp.broadcast_to(jnp.sum(sacc), (L,))

    st_v[pl.ds(0, L)] = tvec
    st_v[pl.ds(L, L)] = mvec
    st_v[pl.ds(2 * L, L)] = svec
    pltpu.sync_copy(st_v, thr_hbm.at[pl.ds(row * 3 * L, 3 * L)])


def _body_b(logits_hbm, gumbel_hbm, thr_hbm, probs_hbm, samp_hbm,
            rbufs, gbufs, obufs, st_v, samp_v, rsems, gsems, osems):
    info = plsc.get_sparse_core_info()
    nc = info.num_cores
    wid = lax.axis_index("s") * nc + lax.axis_index("c")
    row = wid

    zero = wid * 0
    zvec = jnp.broadcast_to(zero, (L,))
    zvecf = zvec.astype(jnp.float32)
    lane = (plsc.cumsum(zvecf + 1.0) - 1.0).astype(jnp.int32)
    ninf = zvecf + _NEG_INF

    def rcopy(c):
        return pltpu.make_async_copy(
            logits_hbm.at[pl.ds(row * N + c * CHUNK, CHUNK)],
            rbufs[c % 3], rsems[c % 3])

    def gcopy(c):
        return pltpu.make_async_copy(
            gumbel_hbm.at[pl.ds(row * N + c * CHUNK, CHUNK)],
            gbufs[c % 3], gsems[c % 3])

    def ocopy(c):
        return pltpu.make_async_copy(
            obufs[c % 3],
            probs_hbm.at[pl.ds(row * N + c * CHUNK, CHUNK)], osems[c % 3])

    rcopy(0).start()
    gcopy(0).start()
    rcopy(1).start()
    gcopy(1).start()
    pltpu.sync_copy(thr_hbm.at[pl.ds(row * 3 * L, 3 * L)], st_v)
    tvec = st_v[pl.ds(0, L)]
    mvec = st_v[pl.ds(L, L)]
    rvec = (zvecf + 1.0) / st_v[pl.ds(2 * L, L)]

    bvals, bidxs = ninf, zvec
    for c in range(NCH):
        if c + 2 < NCH:
            rcopy(c + 2).start()
            gcopy(c + 2).start()
        rcopy(c).wait()
        gcopy(c).wait()
        if c >= 3:
            ocopy(c - 3).wait()
        rbuf, gbuf, obuf = rbufs[c % 3], gbufs[c % 3], obufs[c % 3]

        def chunk_body(i, carry, c=c, rbuf=rbuf, gbuf=gbuf, obuf=obuf):
            bval, bidx = carry
            off = i * L
            x = rbuf[pl.ds(off, L)]
            g = gbuf[pl.ds(off, L)]
            kept = x >= tvec
            pr = jnp.where(kept, jnp.exp(x - mvec) * rvec, 0.0)
            obuf[pl.ds(off, L)] = pr
            score = jnp.where(kept, x + g, _NEG_INF)
            better = score > bval
            bval = jnp.where(better, score, bval)
            bidx = jnp.where(better, c * CHUNK + off + lane, bidx)
            return bval, bidx

        bvals, bidxs = plsc.parallel_loop(
            0, NCV, 1, unroll=FUNROLL, carry=(bvals, bidxs))(chunk_body)
        ocopy(c).start()
    ocopy(NCH - 3).wait()
    ocopy(NCH - 2).wait()
    ocopy(NCH - 1).wait()

    mbest = jnp.max(bvals)
    cand = jnp.where(bvals == mbest, bidxs.astype(jnp.float32),
                     np.float32(3e7))
    samp = jnp.min(cand).astype(jnp.int32)
    samp_v[...] = jnp.broadcast_to(samp, (L,))
    pltpu.sync_copy(samp_v, samp_hbm.at[pl.ds(row * L, L)])


_sc_a = pl.kernel(
    _body_a,
    out_type=jax.ShapeDtypeStruct((B * 3 * L,), jnp.float32),
    mesh=_mesh,
    compiler_params=_params,
    scratch_types=[
        pltpu.VMEM((N,), jnp.float32),
        pltpu.VMEM((HIST,), jnp.int32),
        pltpu.VMEM((3 * L,), jnp.float32),
        pltpu.SemaphoreType.DMA,
        pltpu.SemaphoreType.DMA,
    ],
)

_sc_b = pl.kernel(
    _body_b,
    out_type=(
        jax.ShapeDtypeStruct((B * N,), jnp.float32),
        jax.ShapeDtypeStruct((B * L,), jnp.int32),
    ),
    mesh=_mesh,
    compiler_params=_params,
    scratch_types=[
        [pltpu.VMEM((CHUNK,), jnp.float32)] * 3,
        [pltpu.VMEM((CHUNK,), jnp.float32)] * 3,
        [pltpu.VMEM((CHUNK,), jnp.float32)] * 3,
        pltpu.VMEM((3 * L,), jnp.float32),
        pltpu.VMEM((L,), jnp.int32),
        [pltpu.SemaphoreType.DMA] * 3,
        [pltpu.SemaphoreType.DMA] * 3,
        [pltpu.SemaphoreType.DMA] * 3,
    ],
)


@jax.jit
def kernel(logits):
    lf = logits.reshape(-1)
    thr = _sc_a(lf)
    gumbel = jax.random.gumbel(jax.random.key(1), (B * N,), jnp.float32)
    probs, samp = _sc_b(lf, gumbel, thr)
    return probs.reshape(B, N), samp.reshape(B, L)[:, :1]

# --- scband reference (transcript-rebuilt; emitter-appended) ---
"""Pipeline reference for scband-music-autoregressive-wrapper-63745904607549 (READ-ONLY COPY).

The authoritative reference and input builder live on the scoring server;
editing this copy changes nothing except your own understanding.
"""

import jax, jax.numpy as jnp
import numpy as np
import math


def setup_inputs(seed: int = 0) -> dict:
    key = jax.random.key(seed)
    logits = jax.random.normal(key, (32, 100000), dtype=jnp.float32) * 3.0
    return {"logits": logits}


def reference(logits):
    # Faithful port of MusicAutoregressiveWrapper sampling kernel:
    # sample(logits, kind='top_k', threshold=0.9, temperature=1.0)
    thres = 0.9
    temperature = 1.0
    num_tokens = logits.shape[-1]
    k = int(math.ceil((1.0 - thres) * num_tokens))  # lucidrains top_k convention
    vals, idx = jax.lax.top_k(logits, k)
    b = logits.shape[0]
    neg = jnp.full_like(logits, -jnp.inf)
    masked = neg.at[jnp.arange(b)[:, None], idx].set(vals)
    probs = jax.nn.softmax(masked / temperature, axis=-1)
    # torch.multinomial(probs, 1) equivalent: categorical sample per row
    samples = jax.random.categorical(jax.random.key(1), jnp.log(probs + 1e-20), axis=-1)
    samples = samples[:, None].astype(jnp.int32)
    return probs, samples

if __name__ == "__main__":
    import jax
    _d = setup_inputs()
    print(jax.jit(kernel)(*tuple(_d.values())))

</pallas_src>

<mosaic_0001>
#map = affine_map<(d0, d1) -> (0)>
module attributes {stable_mosaic.version = 14 : i64} {
  func.func @_body_a(%arg0: i32, %arg1: i32, %arg2: memref<3200000xf32, #tpu.memory_space<hbm>>, %arg3: memref<1536xf32, #tpu.memory_space<hbm>>, %arg4: memref<100000xf32, #tpu.memory_space<vmem>>, %arg5: memref<4096xi32, #tpu.memory_space<vmem>>, %arg6: memref<48xf32, #tpu.memory_space<vmem>>, %arg7: memref<!tpu.dma_semaphore, #tpu.memory_space<semaphore_mem>>, %arg8: memref<!tpu.dma_semaphore, #tpu.memory_space<semaphore_mem>>) attributes {dimension_semantics = [#tpu.dimension_semantics<core_parallel>, #tpu.dimension_semantics<subcore_parallel>], iteration_bounds = array<i64: 2, 16>, scalar_prefetch = 0 : i64, scratch_operands = 5 : i64, tpu.core_type = #tpu.core_type<sc_vector_subcore>, window_params = [{transform_indices = #map}, {transform_indices = #map}]} {
    %mul3A = arith.constant 2 : i32
    %mul3A_0 = arith.muli %arg1, %mul3A : i32
    %add3A = arith.addi %mul3A_0, %arg0 : i32
    %mul3A_1 = arith.constant 0 : i32
    %mul3A_2 = arith.muli %add3A, %mul3A_1 : i32
    %broadcast_in_dim3A = vector.broadcast %mul3A_2 : i32 to vector<16xi32>
    %convert_element_type3A = arith.sitofp %broadcast_in_dim3A : vector<16xi32> to vector<16xf32>
    %add3A_3 = arith.constant 1 : i32
    %add3A_4 = vector.broadcast %add3A_3 : i32 to vector<16xi32>
    %add3A_5 = arith.addi %broadcast_in_dim3A, %add3A_4 : vector<16xi32>
    %add3A_6 = arith.constant 1.000000e+00 : f32
    %add3A_7 = vector.broadcast %add3A_6 : f32 to vector<16xf32>
    %add3A_8 = arith.addf %convert_element_type3A, %add3A_7 : vector<16xf32>
    %broadcast_in_dim3A_9 = arith.constant true
    %broadcast_in_dim3A_10 = vector.broadcast %broadcast_in_dim3A_9 : i1 to vector<16xi1>
    %masked_cumsum3A = tpu.scan <sum>, %add3A_8 masked %broadcast_in_dim3A_10 : vector<16xf32>, vector<16xi1> -> vector<16xf32>
    %sub3A = arith.constant 1.000000e+00 : f32
    %sub3A_11 = vector.broadcast %sub3A : f32 to vector<16xf32>
    %sub3A_12 = arith.subf %masked_cumsum3A, %sub3A_11 : vector<16xf32>
    %convert_element_type3A_13 = arith.fptosi %sub3A_12 : vector<16xf32> to vector<16xi32>
    %add3A_14 = arith.constant 0xFF800000 : f32
    %add3A_15 = vector.broadcast %add3A_14 : f32 to vector<16xf32>
    %add3A_16 = arith.addf %convert_element_type3A, %add3A_15 : vector<16xf32>
    %mul3A_17 = arith.constant 100000 : i32
    %mul3A_18 = arith.muli %add3A, %mul3A_17 : i32
    %add3A_19 = arith.constant 0 : i32
    %add3A_20 = arith.addi %mul3A_18, %add3A_19 : i32
    %dma_start3A = arith.constant 0 : i32
    %dma_start3A_21 = tpu.memref_slice %arg4[%dma_start3A] : memref<100000xf32, #tpu.memory_space<vmem>> -> memref<10000xf32, #tpu.memory_space<vmem>>
    %dma_start3A_22 = tpu.memref_slice %arg2[%add3A_20] : memref<3200000xf32, #tpu.memory_space<hbm>> -> memref<10000xf32, #tpu.memory_space<hbm>>
    %dma_start3A_23 = arith.constant 0 : i32
    %dma_start3A_24 = tpu.memref_slice %arg4[%dma_start3A_23] : memref<100000xf32, #tpu.memory_space<vmem>> -> memref<10000xf32, #tpu.memory_space<vmem>>
    %dma_start3A_25 = tpu.memref_slice %arg2[%add3A_20] : memref<3200000xf32, #tpu.memory_space<hbm>> -> memref<10000xf32, #tpu.memory_space<hbm>>
    tpu.enqueue_dma source(%dma_start3A_25 : memref<10000xf32, #tpu.memory_space<hbm>>) target(%dma_start3A_24 : memref<10000xf32, #tpu.memory_space<vmem>>) target_semaphore(%arg7 : memref<!tpu.dma_semaphore, #tpu.memory_space<semaphore_mem>>)
    %mul3A_26 = arith.constant 100000 : i32
    %mul3A_27 = arith.muli %add3A, %mul3A_26 : i32
    %add3A_28 = arith.constant 10000 : i32
    %add3A_29 = arith.addi %mul3A_27, %add3A_28 : i32
    %dma_start3A_30 = arith.constant 10000 : i32
    %dma_start3A_31 = tpu.memref_slice %arg4[%dma_start3A_30] : memref<100000xf32, #tpu.memory_space<vmem>> -> memref<10000xf32, #tpu.memory_space<vmem>>
    %dma_start3A_32 = tpu.memref_slice %arg2[%add3A_29] : memref<3200000xf32, #tpu.memory_space<hbm>> -> memref<10000xf32, #tpu.memory_space<hbm>>
    %dma_start3A_33 = arith.constant 10000 : i32
    %dma_start3A_34 = tpu.memref_slice %arg4[%dma_start3A_33] : memref<100000xf32, #tpu.memory_space<vmem>> -> memref<10000xf32, #tpu.memory_space<vmem>>
    %dma_start3A_35 = tpu.memref_slice %arg2[%add3A_29] : memref<3200000xf32, #tpu.memory_space<hbm>> -> memref<10000xf32, #tpu.memory_space<hbm>>
    tpu.enqueue_dma source(%dma_start3A_35 : memref<10000xf32, #tpu.memory_space<hbm>>) target(%dma_start3A_34 : memref<10000xf32, #tpu.memory_space<vmem>>) target_semaphore(%arg8 : memref<!tpu.dma_semaphore, #tpu.memory_space<semaphore_mem>>)
    %add3A_36 = arith.constant 10000 : i32
    %add3A_37 = arith.addi %mul3A_2, %add3A_36 : i32
    %scan3A = arith.constant 0 : i32
    %scan3A_38 = arith.constant 0 : i32
    %scan3A_39 = arith.constant 256 : i32
    %scan3A_40 = arith.addi %scan3A_38, %scan3A_39 : i32
    %scan3A_41 = arith.constant 1 : i32
    %scan3A_42 = scf.for %scan3A_342 = %scan3A_38 to %scan3A_40 step %scan3A_41 iter_args(%scan3A_343 = %scan3A) -> (i32)  : i32 {
      %mul3A_344 = arith.constant 16 : i32
      %mul3A_345 = arith.muli %scan3A_342, %mul3A_344 : i32
      %swap3A_346 = arith.index_cast %mul3A_345 : i32 to index
      %swap3A_347 = tpu.vector_load %arg5[%swap3A_346] {strides = array<i32>} : memref<4096xi32, #tpu.memory_space<vmem>>, vector<16xi32>,
      tpu.vector_store %arg5[%swap3A_346], %broadcast_in_dim3A {strides = array<i32>} : memref<4096xi32, #tpu.memory_space<vmem>>, vector<16xi32>,
      %scan3A_348 = arith.constant 0 : i32
      scf.yield %scan3A_348 : i32
    }
    %scan3A_43 = arith.constant 256 : i32
    %mul3A_44 = arith.constant 100000 : i32
    %mul3A_45 = arith.muli %add3A, %mul3A_44 : i32
    %add3A_46 = arith.constant 0 : i32
    %add3A_47 = arith.addi %mul3A_45, %add3A_46 : i32
    %dma_wait3A = arith.constant 0 : i32
    %dma_wait3A_48 = tpu.memref_slice %arg4[%dma_wait3A] : memref<100000xf32, #tpu.memory_space<vmem>> -> memref<10000xf32, #tpu.memory_space<vmem>>
    %dma_wait3A_49 = tpu.memref_slice %arg2[%add3A_47] : memref<3200000xf32, #tpu.memory_space<hbm>> -> memref<10000xf32, #tpu.memory_space<hbm>>
    %dma_wait3A_50 = arith.constant 0 : i32
    %dma_wait3A_51 = tpu.memref_slice %arg4[%dma_wait3A_50] : memref<100000xf32, #tpu.memory_space<vmem>> -> memref<10000xf32, #tpu.memory_space<vmem>>
    %dma_wait3A_52 = tpu.memref_slice %arg2[%add3A_47] : memref<3200000xf32, #tpu.memory_space<hbm>> -> memref<10000xf32, #tpu.memory_space<hbm>>
    tpu.wait_dma2 semaphore(%arg7 : memref<!tpu.dma_semaphore, #tpu.memory_space<semaphore_mem>>) src(%dma_wait3A_52 : memref<10000xf32, #tpu.memory_space<hbm>>) dst(%dma_wait3A_51 : memref<10000xf32, #tpu.memory_space<vmem>>)
    %mul3A_53 = arith.constant 100000 : i32
    %mul3A_54 = arith.muli %add3A, %mul3A_53 : i32
    %add3A_55 = arith.constant 20000 : i32
    %add3A_56 = arith.addi %mul3A_54, %add3A_55 : i32
    %dma_start3A_57 = arith.constant 20000 : i32
    %dma_start3A_58 = tpu.memref_slice %arg4[%dma_start3A_57] : memref<100000xf32, #tpu.memory_space<vmem>> -> memref<10000xf32, #tpu.memory_space<vmem>>
    %dma_start3A_59 = tpu.memref_slice %arg2[%add3A_56] : memref<3200000xf32, #tpu.memory_space<hbm>> -> memref<10000xf32, #tpu.memory_space<hbm>>
    %dma_start3A_60 = arith.constant 20000 : i32
    %dma_start3A_61 = tpu.memref_slice %arg4[%dma_start3A_60] : memref<100000xf32, #tpu.memory_space<vmem>> -> memref<10000xf32, #tpu.memory_space<vmem>>
    %dma_start3A_62 = tpu.memref_slice %arg2[%add3A_56] : memref<3200000xf32, #tpu.memory_space<hbm>> -> memref<10000xf32, #tpu.memory_space<hbm>>
    tpu.enqueue_dma source(%dma_start3A_62 : memref<10000xf32, #tpu.memory_space<hbm>>) target(%dma_start3A_61 : memref<10000xf32, #tpu.memory_space<vmem>>) target_semaphore(%arg7 : memref<!tpu.dma_semaphore, #tpu.memory_space<semaphore_mem>>)
    %parallel_loop3A = arith.constant 0 : i32
    %parallel_loop3A_63 = arith.constant 625 : i32
    %parallel_loop3A_64 = arith.constant 1 : i32
    %parallel_loop3A_65 = scf.for %parallel_loop3A_342 = %parallel_loop3A to %parallel_loop3A_63 step %parallel_loop3A_64 iter_args(%parallel_loop3A_343 = %add3A_16) -> (vector<16xf32>)  : i32 {
      %parallel_loop3A_344 = arith.constant 16 : i32
      %parallel_loop3A_345 = arith.muli %parallel_loop3A_342, %parallel_loop3A_344 : i32
      %parallel_loop3A_346 = arith.index_cast %parallel_loop3A_345 : i32 to index
      %parallel_loop3A_347 = tpu.vector_load %arg4[%parallel_loop3A_346] {strides = array<i32>} : memref<100000xf32, #tpu.memory_space<vmem>>, vector<16xf32>,
      %parallel_loop3A_348 = vector.bitcast %parallel_loop3A_347 : vector<16xf32> to vector<16xi32>
      %parallel_loop3A_349 = arith.constant 0.000000e+00 : f32
      %parallel_loop3A_350 = vector.broadcast %parallel_loop3A_349 : f32 to vector<16xf32>
      %parallel_loop3A_351 = arith.cmpf olt, %parallel_loop3A_347, %parallel_loop3A_350 : vector<16xf32>
      %parallel_loop3A_352 = arith.constant dense<-1> : vector<16xi32>
      %parallel_loop3A_353 = arith.xori %parallel_loop3A_348, %parallel_loop3A_352 : vector<16xi32>
      %parallel_loop3A_354 = arith.constant -2147483648 : i32
      %parallel_loop3A_355 = vector.broadcast %parallel_loop3A_354 : i32 to vector<16xi32>
      %parallel_loop3A_356 = arith.ori %parallel_loop3A_348, %parallel_loop3A_355 : vector<16xi32>
      %parallel_loop3A_357 = arith.select %parallel_loop3A_351, %parallel_loop3A_353, %parallel_loop3A_356 : vector<16xi1>, vector<16xi32>
      %parallel_loop3A_358 = vector.bitcast %parallel_loop3A_357 : vector<16xi32> to vector<16xf32>
      %parallel_loop3A_359 = arith.constant 16 : i32
      %parallel_loop3A_360 = arith.muli %parallel_loop3A_342, %parallel_loop3A_359 : i32
      %parallel_loop3A_361 = arith.index_cast %parallel_loop3A_360 : i32 to index
      %parallel_loop3A_362 = tpu.vector_load %arg4[%parallel_loop3A_361] {strides = array<i32>} : memref<100000xf32, #tpu.memory_space<vmem>>, vector<16xf32>,
      tpu.vector_store %arg4[%parallel_loop3A_361], %parallel_loop3A_358 {strides = array<i32>} : memref<100000xf32, #tpu.memory_space<vmem>>, vector<16xf32>,
      %parallel_loop3A_363 = arith.constant 24 : i32
      %parallel_loop3A_364 = vector.broadcast %parallel_loop3A_363 : i32 to vector<16xi32>
      %parallel_loop3A_365 = arith.shrui %parallel_loop3A_357, %parallel_loop3A_364 : vector<16xi32>
      %parallel_loop3A_366 = arith.constant 255 : i32
      %parallel_loop3A_367 = vector.broadcast %parallel_loop3A_366 : i32 to vector<16xi32>
      %parallel_loop3A_368 = arith.andi %parallel_loop3A_365, %parallel_loop3A_367 : vector<16xi32>
      %parallel_loop3A_369 = arith.constant 16 : i32
      %parallel_loop3A_370 = vector.broadcast %parallel_loop3A_369 : i32 to vector<16xi32>
      %parallel_loop3A_371 = arith.muli %parallel_loop3A_368, %parallel_loop3A_370 : vector<16xi32>
      %parallel_loop3A_372 = arith.addi %parallel_loop3A_371, %convert_element_type3A_13 : vector<16xi32>
      tpu.vector_store_idx %arg5[%parallel_loop3A_372], %add3A_5 {add = true} : memref<4096xi32, #tpu.memory_space<vmem>>[vector<16xi32>], vector<16xi32>,
      %parallel_loop3A_373 = arith.maximumf %parallel_loop3A_343, %parallel_loop3A_347 : vector<16xf32>
      scf.yield %parallel_loop3A_373 : vector<16xf32>
    } {sc.loop_unroll_factor = 10 : i64, sc.parallel_access}
    %mul3A_66 = arith.constant 100000 : i32
    %mul3A_67 = arith.muli %add3A, %mul3A_66 : i32
    %add3A_68 = arith.constant 10000 : i32
    %add3A_69 = arith.addi %mul3A_67, %add3A_68 : i32
    %dma_wait3A_70 = arith.constant 10000 : i32
    %dma_wait3A_71 = tpu.memref_slice %arg4[%dma_wait3A_70] : memref<100000xf32, #tpu.memory_space<vmem>> -> memref<10000xf32, #tpu.memory_space<vmem>>
    %dma_wait3A_72 = tpu.memref_slice %arg2[%add3A_69] : memref<3200000xf32, #tpu.memory_space<hbm>> -> memref<10000xf32, #tpu.memory_space<hbm>>
    %dma_wait3A_73 = arith.constant 10000 : i32
    %dma_wait3A_74 = tpu.memref_slice %arg4[%dma_wait3A_73] : memref<100000xf32, #tpu.memory_space<vmem>> -> memref<10000xf32, #tpu.memory_space<vmem>>
    %dma_wait3A_75 = tpu.memref_slice %arg2[%add3A_69] : memref<3200000xf32, #tpu.memory_space<hbm>> -> memref<10000xf32, #tpu.memory_space<hbm>>
    tpu.wait_dma2 semaphore(%arg8 : memref<!tpu.dma_semaphore, #tpu.memory_space<semaphore_mem>>) src(%dma_wait3A_75 : memref<10000xf32, #tpu.memory_space<hbm>>) dst(%dma_wait3A_74 : memref<10000xf32, #tpu.memory_space<vmem>>)
    %mul3A_76 = arith.constant 100000 : i32
    %mul3A_77 = arith.muli %add3A, %mul3A_76 : i32
    %add3A_78 = arith.constant 30000 : i32
    %add3A_79 = arith.addi %mul3A_77, %add3A_78 : i32
    %dma_start3A_80 = arith.constant 30000 : i32
    %dma_start3A_81 = tpu.memref_slice %arg4[%dma_start3A_80] : memref<100000xf32, #tpu.memory_space<vmem>> -> memref<10000xf32, #tpu.memory_space<vmem>>
    %dma_start3A_82 = tpu.memref_slice %arg2[%add3A_79] : memref<3200000xf32, #tpu.memory_space<hbm>> -> memref<10000xf32, #tpu.memory_space<hbm>>
    %dma_start3A_83 = arith.constant 30000 : i32
    %dma_start3A_84 = tpu.memref_slice %arg4[%dma_start3A_83] : memref<100000xf32, #tpu.memory_space<vmem>> -> memref<10000xf32, #tpu.memory_space<vmem>>
    %dma_start3A_85 = tpu.memref_slice %arg2[%add3A_79] : memref<3200000xf32, #tpu.memory_space<hbm>> -> memref<10000xf32, #tpu.memory_space<hbm>>
    tpu.enqueue_dma source(%dma_start3A_85 : memref<10000xf32, #tpu.memory_space<hbm>>) target(%dma_start3A_84 : memref<10000xf32, #tpu.memory_space<vmem>>) target_semaphore(%arg8 : memref<!tpu.dma_semaphore, #tpu.memory_space<semaphore_mem>>)
    %parallel_loop3A_86 = arith.constant 625 : i32
    %parallel_loop3A_87 = arith.constant 1250 : i32
    %parallel_loop3A_88 = arith.constant 1 : i32
    %parallel_loop3A_89 = scf.for %parallel_loop3A_342 = %parallel_loop3A_86 to %parallel_loop3A_87 step %parallel_loop3A_88 iter_args(%parallel_loop3A_343 = %parallel_loop3A_65) -> (vector<16xf32>)  : i32 {
      %parallel_loop3A_344 = arith.constant 16 : i32
      %parallel_loop3A_345 = arith.muli %parallel_loop3A_342, %parallel_loop3A_344 : i32
      %parallel_loop3A_346 = arith.index_cast %parallel_loop3A_345 : i32 to index
      %parallel_loop3A_347 = tpu.vector_load %arg4[%parallel_loop3A_346] {strides = array<i32>} : memref<100000xf32, #tpu.memory_space<vmem>>, vector<16xf32>,
      %parallel_loop3A_348 = vector.bitcast %parallel_loop3A_347 : vector<16xf32> to vector<16xi32>
      %parallel_loop3A_349 = arith.constant 0.000000e+00 : f32
      %parallel_loop3A_350 = vector.broadcast %parallel_loop3A_349 : f32 to vector<16xf32>
      %parallel_loop3A_351 = arith.cmpf olt, %parallel_loop3A_347, %parallel_loop3A_350 : vector<16xf32>
      %parallel_loop3A_352 = arith.constant dense<-1> : vector<16xi32>
      %parallel_loop3A_353 = arith.xori %parallel_loop3A_348, %parallel_loop3A_352 : vector<16xi32>
      %parallel_loop3A_354 = arith.constant -2147483648 : i32
      %parallel_loop3A_355 = vector.broadcast %parallel_loop3A_354 : i32 to vector<16xi32>
      %parallel_loop3A_356 = arith.ori %parallel_loop3A_348, %parallel_loop3A_355 : vector<16xi32>
      %parallel_loop3A_357 = arith.select %parallel_loop3A_351, %parallel_loop3A_353, %parallel_loop3A_356 : vector<16xi1>, vector<16xi32>
      %parallel_loop3A_358 = vector.bitcast %parallel_loop3A_357 : vector<16xi32> to vector<16xf32>
      %parallel_loop3A_359 = arith.constant 16 : i32
      %parallel_loop3A_360 = arith.muli %parallel_loop3A_342, %parallel_loop3A_359 : i32
      %parallel_loop3A_361 = arith.index_cast %parallel_loop3A_360 : i32 to index
      %parallel_loop3A_362 = tpu.vector_load %arg4[%parallel_loop3A_361] {strides = array<i32>} : memref<100000xf32, #tpu.memory_space<vmem>>, vector<16xf32>,
      tpu.vector_store %arg4[%parallel_loop3A_361], %parallel_loop3A_358 {strides = array<i32>} : memref<100000xf32, #tpu.memory_space<vmem>>, vector<16xf32>,
      %parallel_loop3A_363 = arith.constant 24 : i32
      %parallel_loop3A_364 = vector.broadcast %parallel_loop3A_363 : i32 to vector<16xi32>
      %parallel_loop3A_365 = arith.shrui %parallel_loop3A_357, %parallel_loop3A_364 : vector<16xi32>
      %parallel_loop3A_366 = arith.constant 255 : i32
      %parallel_loop3A_367 = vector.broadcast %parallel_loop3A_366 : i32 to vector<16xi32>
      %parallel_loop3A_368 = arith.andi %parallel_loop3A_365, %parallel_loop3A_367 : vector<16xi32>
      %parallel_loop3A_369 = arith.constant 16 : i32
      %parallel_loop3A_370 = vector.broadcast %parallel_loop3A_369 : i32 to vector<16xi32>
      %parallel_loop3A_371 = arith.muli %parallel_loop3A_368, %parallel_loop3A_370 : vector<16xi32>
      %parallel_loop3A_372 = arith.addi %parallel_loop3A_371, %convert_element_type3A_13 : vector<16xi32>
      tpu.vector_store_idx %arg5[%parallel_loop3A_372], %add3A_5 {add = true} : memref<4096xi32, #tpu.memory_space<vmem>>[vector<16xi32>], vector<16xi32>,
      %parallel_loop3A_373 = arith.maximumf %parallel_loop3A_343, %parallel_loop3A_347 : vector<16xf32>
      scf.yield %parallel_loop3A_373 : vector<16xf32>
    } {sc.loop_unroll_factor = 10 : i64, sc.parallel_access}
    %mul3A_90 = arith.constant 100000 : i32
    %mul3A_91 = arith.muli %add3A, %mul3A_90 : i32
    %add3A_92 = arith.constant 20000 : i32
    %add3A_93 = arith.addi %mul3A_91, %add3A_92 : i32
    %dma_wait3A_94 = arith.constant 20000 : i32
    %dma_wait3A_95 = tpu.memref_slice %arg4[%dma_wait3A_94] : memref<100000xf32, #tpu.memory_space<vmem>> -> memref<10000xf32, #tpu.memory_space<vmem>>
    %dma_wait3A_96 = tpu.memref_slice %arg2[%add3A_93] : memref<3200000xf32, #tpu.memory_space<hbm>> -> memref<10000xf32, #tpu.memory_space<hbm>>
    %dma_wait3A_97 = arith.constant 20000 : i32
    %dma_wait3A_98 = tpu.memref_slice %arg4[%dma_wait3A_97] : memref<100000xf32, #tpu.memory_space<vmem>> -> memref<10000xf32, #tpu.memory_space<vmem>>
    %dma_wait3A_99 = tpu.memref_slice %arg2[%add3A_93] : memref<3200000xf32, #tpu.memory_space<hbm>> -> memref<10000xf32, #tpu.memory_space<hbm>>
    tpu.wait_dma2 semaphore(%arg7 : memref<!tpu.dma_semaphore, #tpu.memory_space<semaphore_mem>>) src(%dma_wait3A_99 : memref<10000xf32, #tpu.memory_space<hbm>>) dst(%dma_wait3A_98 : memref<10000xf32, #tpu.memory_space<vmem>>)
    %mul3A_100 = arith.constant 100000 : i32
    %mul3A_101 = arith.muli %add3A, %mul3A_100 : i32
    %add3A_102 = arith.constant 40000 : i32
    %add3A_103 = arith.addi %mul3A_101, %add3A_102 : i32
    %dma_start3A_104 = arith.constant 40000 : i32
    %dma_start3A_105 = tpu.memref_slice %arg4[%dma_start3A_104] : memref<100000xf32, #tpu.memory_space<vmem>> -> memref<10000xf32, #tpu.memory_space<vmem>>
    %dma_start3A_106 = tpu.memref_slice %arg2[%add3A_103] : memref<3200000xf32, #tpu.memory_space<hbm>> -> memref<10000xf32, #tpu.memory_space<hbm>>
    %dma_start3A_107 = arith.constant 40000 : i32
    %dma_start3A_108 = tpu.memref_slice %arg4[%dma_start3A_107] : memref<100000xf32, #tpu.memory_space<vmem>> -> memref<10000xf32, #tpu.memory_space<vmem>>
    %dma_start3A_109 = tpu.memref_slice %arg2[%add3A_103] : memref<3200000xf32, #tpu.memory_space<hbm>> -> memref<10000xf32, #tpu.memory_space<hbm>>
    tpu.enqueue_dma source(%dma_start3A_109 : memref<10000xf32, #tpu.memory_space<hbm>>) target(%dma_start3A_108 : memref<10000xf32, #tpu.memory_space<vmem>>) target_semaphore(%arg7 : memref<!tpu.dma_semaphore, #tpu.memory_space<semaphore_mem>>)
    %parallel_loop3A_110 = arith.constant 1250 : i32
    %parallel_loop3A_111 = arith.constant 1875 : i32
    %parallel_loop3A_112 = arith.constant 1 : i32
    %parallel_loop3A_113 = scf.for %parallel_loop3A_342 = %parallel_loop3A_110 to %parallel_loop3A_111 step %parallel_loop3A_112 iter_args(%parallel_loop3A_343 = %parallel_loop3A_89) -> (vector<16xf32>)  : i32 {
      %parallel_loop3A_344 = arith.constant 16 : i32
      %parallel_loop3A_345 = arith.muli %parallel_loop3A_342, %parallel_loop3A_344 : i32
      %parallel_loop3A_346 = arith.index_cast %parallel_loop3A_345 : i32 to index
      %parallel_loop3A_347 = tpu.vector_load %arg4[%parallel_loop3A_346] {strides = array<i32>} : memref<100000xf32, #tpu.memory_space<vmem>>, vector<16xf32>,
      %parallel_loop3A_348 = vector.bitcast %parallel_loop3A_347 : vector<16xf32> to vector<16xi32>
      %parallel_loop3A_349 = arith.constant 0.000000e+00 : f32
      %parallel_loop3A_350 = vector.broadcast %parallel_loop3A_349 : f32 to vector<16xf32>
      %parallel_loop3A_351 = arith.cmpf olt, %parallel_loop3A_347, %parallel_loop3A_350 : vector<16xf32>
      %parallel_loop3A_352 = arith.constant dense<-1> : vector<16xi32>
      %parallel_loop3A_353 = arith.xori %parallel_loop3A_348, %parallel_loop3A_352 : vector<16xi32>
      %parallel_loop3A_354 = arith.constant -2147483648 : i32
      %parallel_loop3A_355 = vector.broadcast %parallel_loop3A_354 : i32 to vector<16xi32>
      %parallel_loop3A_356 = arith.ori %parallel_loop3A_348, %parallel_loop3A_355 : vector<16xi32>
      %parallel_loop3A_357 = arith.select %parallel_loop3A_351, %parallel_loop3A_353, %parallel_loop3A_356 : vector<16xi1>, vector<16xi32>
      %parallel_loop3A_358 = vector.bitcast %parallel_loop3A_357 : vector<16xi32> to vector<16xf32>
      %parallel_loop3A_359 = arith.constant 16 : i32
      %parallel_loop3A_360 = arith.muli %parallel_loop3A_342, %parallel_loop3A_359 : i32
      %parallel_loop3A_361 = arith.index_cast %parallel_loop3A_360 : i32 to index
      %parallel_loop3A_362 = tpu.vector_load %arg4[%parallel_loop3A_361] {strides = array<i32>} : memref<100000xf32, #tpu.memory_space<vmem>>, vector<16xf32>,
      tpu.vector_store %arg4[%parallel_loop3A_361], %parallel_loop3A_358 {strides = array<i32>} : memref<100000xf32, #tpu.memory_space<vmem>>, vector<16xf32>,
      %parallel_loop3A_363 = arith.constant 24 : i32
      %parallel_loop3A_364 = vector.broadcast %parallel_loop3A_363 : i32 to vector<16xi32>
      %parallel_loop3A_365 = arith.shrui %parallel_loop3A_357, %parallel_loop3A_364 : vector<16xi32>
      %parallel_loop3A_366 = arith.constant 255 : i32
      %parallel_loop3A_367 = vector.broadcast %parallel_loop3A_366 : i32 to vector<16xi32>
      %parallel_loop3A_368 = arith.andi %parallel_loop3A_365, %parallel_loop3A_367 : vector<16xi32>
      %parallel_loop3A_369 = arith.constant 16 : i32
      %parallel_loop3A_370 = vector.broadcast %parallel_loop3A_369 : i32 to vector<16xi32>
      %parallel_loop3A_371 = arith.muli %parallel_loop3A_368, %parallel_loop3A_370 : vector<16xi32>
      %parallel_loop3A_372 = arith.addi %parallel_loop3A_371, %convert_element_type3A_13 : vector<16xi32>
      tpu.vector_store_idx %arg5[%parallel_loop3A_372], %add3A_5 {add = true} : memref<4096xi32, #tpu.memory_space<vmem>>[vector<16xi32>], vector<16xi32>,
      %parallel_loop3A_373 = arith.maximumf %parallel_loop3A_343, %parallel_loop3A_347 : vector<16xf32>
      scf.yield %parallel_loop3A_373 : vector<16xf32>
    } {sc.loop_unroll_factor = 10 : i64, sc.parallel_access}
    %mul3A_114 = arith.constant 100000 : i32
    %mul3A_115 = arith.muli %add3A, %mul3A_114 : i32
    %add3A_116 = arith.constant 30000 : i32
    %add3A_117 = arith.addi %mul3A_115, %add3A_116 : i32
    %dma_wait3A_118 = arith.constant 30000 : i32
    %dma_wait3A_119 = tpu.memref_slice %arg4[%dma_wait3A_118] : memref<100000xf32, #tpu.memory_space<vmem>> -> memref<10000xf32, #tpu.memory_space<vmem>>
    %dma_wait3A_120 = tpu.memref_slice %arg2[%add3A_117] : memref<3200000xf32, #tpu.memory_space<hbm>> -> memref<10000xf32, #tpu.memory_space<hbm>>
    %dma_wait3A_121 = arith.constant 30000 : i32
    %dma_wait3A_122 = tpu.memref_slice %arg4[%dma_wait3A_121] : memref<100000xf32, #tpu.memory_space<vmem>> -> memref<10000xf32, #tpu.memory_space<vmem>>
    %dma_wait3A_123 = tpu.memref_slice %arg2[%add3A_117] : memref<3200000xf32, #tpu.memory_space<hbm>> -> memref<10000xf32, #tpu.memory_space<hbm>>
    tpu.wait_dma2 semaphore(%arg8 : memref<!tpu.dma_semaphore, #tpu.memory_space<semaphore_mem>>) src(%dma_wait3A_123 : memref<10000xf32, #tpu.memory_space<hbm>>) dst(%dma_wait3A_122 : memref<10000xf32, #tpu.memory_space<vmem>>)
    %mul3A_124 = arith.constant 100000 : i32
    %mul3A_125 = arith.muli %add3A, %mul3A_124 : i32
    %add3A_126 = arith.constant 50000 : i32
    %add3A_127 = arith.addi %mul3A_125, %add3A_126 : i32
    %dma_start3A_128 = arith.constant 50000 : i32
    %dma_start3A_129 = tpu.memref_slice %arg4[%dma_start3A_128] : memref<100000xf32, #tpu.memory_space<vmem>> -> memref<10000xf32, #tpu.memory_space<vmem>>
    %dma_start3A_130 = tpu.memref_slice %arg2[%add3A_127] : memref<3200000xf32, #tpu.memory_space<hbm>> -> memref<10000xf32, #tpu.memory_space<hbm>>
    %dma_start3A_131 = arith.constant 50000 : i32
    %dma_start3A_132 = tpu.memref_slice %arg4[%dma_start3A_131] : memref<100000xf32, #tpu.memory_space<vmem>> -> memref<10000xf32, #tpu.memory_space<vmem>>
    %dma_start3A_133 = tpu.memref_slice %arg2[%add3A_127] : memref<3200000xf32, #tpu.memory_space<hbm>> -> memref<10000xf32, #tpu.memory_space<hbm>>
    tpu.enqueue_dma source(%dma_start3A_133 : memref<10000xf32, #tpu.memory_space<hbm>>) target(%dma_start3A_132 : memref<10000xf32, #tpu.memory_space<vmem>>) target_semaphore(%arg8 : memref<!tpu.dma_semaphore, #tpu.memory_space<semaphore_mem>>)
    %parallel_loop3A_134 = arith.constant 1875 : i32
    %parallel_loop3A_135 = arith.constant 2500 : i32
    %parallel_loop3A_136 = arith.constant 1 : i32
    %parallel_loop3A_137 = scf.for %parallel_loop3A_342 = %parallel_loop3A_134 to %parallel_loop3A_135 step %parallel_loop3A_136 iter_args(%parallel_loop3A_343 = %parallel_loop3A_113) -> (vector<16xf32>)  : i32 {
      %parallel_loop3A_344 = arith.constant 16 : i32
      %parallel_loop3A_345 = arith.muli %parallel_loop3A_342, %parallel_loop3A_344 : i32
      %parallel_loop3A_346 = arith.index_cast %parallel_loop3A_345 : i32 to index
      %parallel_loop3A_347 = tpu.vector_load %arg4[%parallel_loop3A_346] {strides = array<i32>} : memref<100000xf32, #tpu.memory_space<vmem>>, vector<16xf32>,
      %parallel_loop3A_348 = vector.bitcast %parallel_loop3A_347 : vector<16xf32> to vector<16xi32>
      %parallel_loop3A_349 = arith.constant 0.000000e+00 : f32
      %parallel_loop3A_350 = vector.broadcast %parallel_loop3A_349 : f32 to vector<16xf32>
      %parallel_loop3A_351 = arith.cmpf olt, %parallel_loop3A_347, %parallel_loop3A_350 : vector<16xf32>
      %parallel_loop3A_352 = arith.constant dense<-1> : vector<16xi32>
      %parallel_loop3A_353 = arith.xori %parallel_loop3A_348, %parallel_loop3A_352 : vector<16xi32>
      %parallel_loop3A_354 = arith.constant -2147483648 : i32
      %parallel_loop3A_355 = vector.broadcast %parallel_loop3A_354 : i32 to vector<16xi32>
      %parallel_loop3A_356 = arith.ori %parallel_loop3A_348, %parallel_loop3A_355 : vector<16xi32>
      %parallel_loop3A_357 = arith.select %parallel_loop3A_351, %parallel_loop3A_353, %parallel_loop3A_356 : vector<16xi1>, vector<16xi32>
      %parallel_loop3A_358 = vector.bitcast %parallel_loop3A_357 : vector<16xi32> to vector<16xf32>
      %parallel_loop3A_359 = arith.constant 16 : i32
      %parallel_loop3A_360 = arith.muli %parallel_loop3A_342, %parallel_loop3A_359 : i32
      %parallel_loop3A_361 = arith.index_cast %parallel_loop3A_360 : i32 to index
      %parallel_loop3A_362 = tpu.vector_load %arg4[%parallel_loop3A_361] {strides = array<i32>} : memref<100000xf32, #tpu.memory_space<vmem>>, vector<16xf32>,
      tpu.vector_store %arg4[%parallel_loop3A_361], %parallel_loop3A_358 {strides = array<i32>} : memref<100000xf32, #tpu.memory_space<vmem>>, vector<16xf32>,
      %parallel_loop3A_363 = arith.constant 24 : i32
      %parallel_loop3A_364 = vector.broadcast %parallel_loop3A_363 : i32 to vector<16xi32>
      %parallel_loop3A_365 = arith.shrui %parallel_loop3A_357, %parallel_loop3A_364 : vector<16xi32>
      %parallel_loop3A_366 = arith.constant 255 : i32
      %parallel_loop3A_367 = vector.broadcast %parallel_loop3A_366 : i32 to vector<16xi32>
      %parallel_loop3A_368 = arith.andi %parallel_loop3A_365, %parallel_loop3A_367 : vector<16xi32>
      %parallel_loop3A_369 = arith.constant 16 : i32
      %parallel_loop3A_370 = vector.broadcast %parallel_loop3A_369 : i32 to vector<16xi32>
      %parallel_loop3A_371 = arith.muli %parallel_loop3A_368, %parallel_loop3A_370 : vector<16xi32>
      %parallel_loop3A_372 = arith.addi %parallel_loop3A_371, %convert_element_type3A_13 : vector<16xi32>
      tpu.vector_store_idx %arg5[%parallel_loop3A_372], %add3A_5 {add = true} : memref<4096xi32, #tpu.memory_space<vmem>>[vector<16xi32>], vector<16xi32>,
      %parallel_loop3A_373 = arith.maximumf %parallel_loop3A_343, %parallel_loop3A_347 : vector<16xf32>
      scf.yield %parallel_loop3A_373 : vector<16xf32>
    } {sc.loop_unroll_factor = 10 : i64, sc.parallel_access}
    %mul3A_138 = arith.constant 100000 : i32
    %mul3A_139 = arith.muli %add3A, %mul3A_138 : i32
    %add3A_140 = arith.constant 40000 : i32
    %add3A_141 = arith.addi %mul3A_139, %add3A_140 : i32
    %dma_wait3A_142 = arith.constant 40000 : i32
    %dma_wait3A_143 = tpu.memref_slice %arg4[%dma_wait3A_142] : memref<100000xf32, #tpu.memory_space<vmem>> -> memref<10000xf32, #tpu.memory_space<vmem>>
    %dma_wait3A_144 = tpu.memref_slice %arg2[%add3A_141] : memref<3200000xf32, #tpu.memory_space<hbm>> -> memref<10000xf32, #tpu.memory_space<hbm>>
    %dma_wait3A_145 = arith.constant 40000 : i32
    %dma_wait3A_146 = tpu.memref_slice %arg4[%dma_wait3A_145] : memref<100000xf32, #tpu.memory_space<vmem>> -> memref<10000xf32, #tpu.memory_space<vmem>>
    %dma_wait3A_147 = tpu.memref_slice %arg2[%add3A_141] : memref<3200000xf32, #tpu.memory_space<hbm>> -> memref<10000xf32, #tpu.memory_space<hbm>>
    tpu.wait_dma2 semaphore(%arg7 : memref<!tpu.dma_semaphore, #tpu.memory_space<semaphore_mem>>) src(%dma_wait3A_147 : memref<10000xf32, #tpu.memory_space<hbm>>) dst(%dma_wait3A_146 : memref<10000xf32, #tpu.memory_space<vmem>>)
    %mul3A_148 = arith.constant 100000 : i32
    %mul3A_149 = arith.muli %add3A, %mul3A_148 : i32
    %add3A_150 = arith.constant 60000 : i32
    %add3A_151 = arith.addi %mul3A_149, %add3A_150 : i32
    %dma_start3A_152 = arith.constant 60000 : i32
    %dma_start3A_153 = tpu.memref_slice %arg4[%dma_start3A_152] : memref<100000xf32, #tpu.memory_space<vmem>> -> memref<10000xf32, #tpu.memory_space<vmem>>
    %dma_start3A_154 = tpu.memref_slice %arg2[%add3A_151] : memref<3200000xf32, #tpu.memory_space<hbm>> -> memref<10000xf32, #tpu.memory_space<hbm>>
    %dma_start3A_155 = arith.constant 60000 : i32
    %dma_start3A_156 = tpu.memref_slice %arg4[%dma_start3A_155] : memref<100000xf32, #tpu.memory_space<vmem>> -> memref<10000xf32, #tpu.memory_space<vmem>>
    %dma_start3A_157 = tpu.memref_slice %arg2[%add3A_151] : memref<3200000xf32, #tpu.memory_space<hbm>> -> memref<10000xf32, #tpu.memory_space<hbm>>
    tpu.enqueue_dma source(%dma_start3A_157 : memref<10000xf32, #tpu.memory_space<hbm>>) target(%dma_start3A_156 : memref<10000xf32, #tpu.memory_space<vmem>>) target_semaphore(%arg7 : memref<!tpu.dma_semaphore, #tpu.memory_space<semaphore_mem>>)
    %parallel_loop3A_158 = arith.constant 2500 : i32
    %parallel_loop3A_159 = arith.constant 3125 : i32
    %parallel_loop3A_160 = arith.constant 1 : i32
    %parallel_loop3A_161 = scf.for %parallel_loop3A_342 = %parallel_loop3A_158 to %parallel_loop3A_159 step %parallel_loop3A_160 iter_args(%parallel_loop3A_343 = %parallel_loop3A_137) -> (vector<16xf32>)  : i32 {
      %parallel_loop3A_344 = arith.constant 16 : i32
      %parallel_loop3A_345 = arith.muli %parallel_loop3A_342, %parallel_loop3A_344 : i32
      %parallel_loop3A_346 = arith.index_cast %parallel_loop3A_345 : i32 to index
      %parallel_loop3A_347 = tpu.vector_load %arg4[%parallel_loop3A_346] {strides = array<i32>} : memref<100000xf32, #tpu.memory_space<vmem>>, vector<16xf32>,
      %parallel_loop3A_348 = vector.bitcast %parallel_loop3A_347 : vector<16xf32> to vector<16xi32>
      %parallel_loop3A_349 = arith.constant 0.000000e+00 : f32
      %parallel_loop3A_350 = vector.broadcast %parallel_loop3A_349 : f32 to vector<16xf32>
      %parallel_loop3A_351 = arith.cmpf olt, %parallel_loop3A_347, %parallel_loop3A_350 : vector<16xf32>
      %parallel_loop3A_352 = arith.constant dense<-1> : vector<16xi32>
      %parallel_loop3A_353 = arith.xori %parallel_loop3A_348, %parallel_loop3A_352 : vector<16xi32>
      %parallel_loop3A_354 = arith.constant -2147483648 : i32
      %parallel_loop3A_355 = vector.broadcast %parallel_loop3A_354 : i32 to vector<16xi32>
      %parallel_loop3A_356 = arith.ori %parallel_loop3A_348, %parallel_loop3A_355 : vector<16xi32>
      %parallel_loop3A_357 = arith.select %parallel_loop3A_351, %parallel_loop3A_353, %parallel_loop3A_356 : vector<16xi1>, vector<16xi32>
      %parallel_loop3A_358 = vector.bitcast %parallel_loop3A_357 : vector<16xi32> to vector<16xf32>
      %parallel_loop3A_359 = arith.constant 16 : i32
      %parallel_loop3A_360 = arith.muli %parallel_loop3A_342, %parallel_loop3A_359 : i32
      %parallel_loop3A_361 = arith.index_cast %parallel_loop3A_360 : i32 to index
      %parallel_loop3A_362 = tpu.vector_load %arg4[%parallel_loop3A_361] {strides = array<i32>} : memref<100000xf32, #tpu.memory_space<vmem>>, vector<16xf32>,
      tpu.vector_store %arg4[%parallel_loop3A_361], %parallel_loop3A_358 {strides = array<i32>} : memref<100000xf32, #tpu.memory_space<vmem>>, vector<16xf32>,
      %parallel_loop3A_363 = arith.constant 24 : i32
      %parallel_loop3A_364 = vector.broadcast %parallel_loop3A_363 : i32 to vector<16xi32>
      %parallel_loop3A_365 = arith.shrui %parallel_loop3A_357, %parallel_loop3A_364 : vector<16xi32>
      %parallel_loop3A_366 = arith.constant 255 : i32
      %parallel_loop3A_367 = vector.broadcast %parallel_loop3A_366 : i32 to vector<16xi32>
      %parallel_loop3A_368 = arith.andi %parallel_loop3A_365, %parallel_loop3A_367 : vector<16xi32>
      %parallel_loop3A_369 = arith.constant 16 : i32
      %parallel_loop3A_370 = vector.broadcast %parallel_loop3A_369 : i32 to vector<16xi32>
      %parallel_loop3A_371 = arith.muli %parallel_loop3A_368, %parallel_loop3A_370 : vector<16xi32>
      %parallel_loop3A_372 = arith.addi %parallel_loop3A_371, %convert_element_type3A_13 : vector<16xi32>
      tpu.vector_store_idx %arg5[%parallel_loop3A_372], %add3A_5 {add = true} : memref<4096xi32, #tpu.memory_space<vmem>>[vector<16xi32>], vector<16xi32>,
      %parallel_loop3A_373 = arith.maximumf %parallel_loop3A_343, %parallel_loop3A_347 : vector<16xf32>
      scf.yield %parallel_loop3A_373 : vector<16xf32>
    } {sc.loop_unroll_factor = 10 : i64, sc.parallel_access}
    %mul3A_162 = arith.constant 100000 : i32
    %mul3A_163 = arith.muli %add3A, %mul3A_162 : i32
    %add3A_164 = arith.constant 50000 : i32
    %add3A_165 = arith.addi %mul3A_163, %add3A_164 : i32
    %dma_wait3A_166 = arith.constant 50000 : i32
    %dma_wait3A_167 = tpu.memref_slice %arg4[%dma_wait3A_166] : memref<100000xf32, #tpu.memory_space<vmem>> -> memref<10000xf32, #tpu.memory_space<vmem>>
    %dma_wait3A_168 = tpu.memref_slice %arg2[%add3A_165] : memref<3200000xf32, #tpu.memory_space<hbm>> -> memref<10000xf32, #tpu.memory_space<hbm>>
    %dma_wait3A_169 = arith.constant 50000 : i32
    %dma_wait3A_170 = tpu.memref_slice %arg4[%dma_wait3A_169] : memref<100000xf32, #tpu.memory_space<vmem>> -> memref<10000xf32, #tpu.memory_space<vmem>>
    %dma_wait3A_171 = tpu.memref_slice %arg2[%add3A_165] : memref<3200000xf32, #tpu.memory_space<hbm>> -> memref<10000xf32, #tpu.memory_space<hbm>>
    tpu.wait_dma2 semaphore(%arg8 : memref<!tpu.dma_semaphore, #tpu.memory_space<semaphore_mem>>) src(%dma_wait3A_171 : memref<10000xf32, #tpu.memory_space<hbm>>) dst(%dma_wait3A_170 : memref<10000xf32, #tpu.memory_space<vmem>>)
    %mul3A_172 = arith.constant 100000 : i32
    %mul3A_173 = arith.muli %add3A, %mul3A_172 : i32
    %add3A_174 = arith.constant 70000 : i32
    %add3A_175 = arith.addi %mul3A_173, %add3A_174 : i32
    %dma_start3A_176 = arith.constant 70000 : i32
    %dma_start3A_177 = tpu.memref_slice %arg4[%dma_start3A_176] : memref<100000xf32, #tpu.memory_space<vmem>> -> memref<10000xf32, #tpu.memory_space<vmem>>
    %dma_start3A_178 = tpu.memref_slice %arg2[%add3A_175] : memref<3200000xf32, #tpu.memory_space<hbm>> -> memref<10000xf32, #tpu.memory_space<hbm>>
    %dma_start3A_179 = arith.constant 70000 : i32
    %dma_start3A_180 = tpu.memref_slice %arg4[%dma_start3A_179] : memref<100000xf32, #tpu.memory_space<vmem>> -> memref<10000xf32, #tpu.memory_space<vmem>>
    %dma_start3A_181 = tpu.memref_slice %arg2[%add3A_175] : memref<3200000xf32, #tpu.memory_space<hbm>> -> memref<10000xf32, #tpu.memory_space<hbm>>
    tpu.enqueue_dma source(%dma_start3A_181 : memref<10000xf32, #tpu.memory_space<hbm>>) target(%dma_start3A_180 : memref<10000xf32, #tpu.memory_space<vmem>>) target_semaphore(%arg8 : memref<!tpu.dma_semaphore, #tpu.memory_space<semaphore_mem>>)
    %parallel_loop3A_182 = arith.constant 3125 : i32
    %parallel_loop3A_183 = arith.constant 3750 : i32
    %parallel_loop3A_184 = arith.constant 1 : i32
    %parallel_loop3A_185 = scf.for %parallel_loop3A_342 = %parallel_loop3A_182 to %parallel_loop3A_183 step %parallel_loop3A_184 iter_args(%parallel_loop3A_343 = %parallel_loop3A_161) -> (vector<16xf32>)  : i32 {
      %parallel_loop3A_344 = arith.constant 16 : i32
      %parallel_loop3A_345 = arith.muli %parallel_loop3A_342, %parallel_loop3A_344 : i32
      %parallel_loop3A_346 = arith.index_cast %parallel_loop3A_345 : i32 to index
      %parallel_loop3A_347 = tpu.vector_load %arg4[%parallel_loop3A_346] {strides = array<i32>} : memref<100000xf32, #tpu.memory_space<vmem>>, vector<16xf32>,
      %parallel_loop3A_348 = vector.bitcast %parallel_loop3A_347 : vector<16xf32> to vector<16xi32>
      %parallel_loop3A_349 = arith.constant 0.000000e+00 : f32
      %parallel_loop3A_350 = vector.broadcast %parallel_loop3A_349 : f32 to vector<16xf32>
      %parallel_loop3A_351 = arith.cmpf olt, %parallel_loop3A_347, %parallel_loop3A_350 : vector<16xf32>
      %parallel_loop3A_352 = arith.constant dense<-1> : vector<16xi32>
      %parallel_loop3A_353 = arith.xori %parallel_loop3A_348, %parallel_loop3A_352 : vector<16xi32>
      %parallel_loop3A_354 = arith.constant -2147483648 : i32
      %parallel_loop3A_355 = vector.broadcast %parallel_loop3A_354 : i32 to vector<16xi32>
      %parallel_loop3A_356 = arith.ori %parallel_loop3A_348, %parallel_loop3A_355 : vector<16xi32>
      %parallel_loop3A_357 = arith.select %parallel_loop3A_351, %parallel_loop3A_353, %parallel_loop3A_356 : vector<16xi1>, vector<16xi32>
      %parallel_loop3A_358 = vector.bitcast %parallel_loop3A_357 : vector<16xi32> to vector<16xf32>
      %parallel_loop3A_359 = arith.constant 16 : i32
      %parallel_loop3A_360 = arith.muli %parallel_loop3A_342, %parallel_loop3A_359 : i32
      %parallel_loop3A_361 = arith.index_cast %parallel_loop3A_360 : i32 to index
      %parallel_loop3A_362 = tpu.vector_load %arg4[%parallel_loop3A_361] {strides = array<i32>} : memref<100000xf32, #tpu.memory_space<vmem>>, vector<16xf32>,
      tpu.vector_store %arg4[%parallel_loop3A_361], %parallel_loop3A_358 {strides = array<i32>} : memref<100000xf32, #tpu.memory_space<vmem>>, vector<16xf32>,
      %parallel_loop3A_363 = arith.constant 24 : i32
      %parallel_loop3A_364 = vector.broadcast %parallel_loop3A_363 : i32 to vector<16xi32>
      %parallel_loop3A_365 = arith.shrui %parallel_loop3A_357, %parallel_loop3A_364 : vector<16xi32>
      %parallel_loop3A_366 = arith.constant 255 : i32
      %parallel_loop3A_367 = vector.broadcast %parallel_loop3A_366 : i32 to vector<16xi32>
      %parallel_loop3A_368 = arith.andi %parallel_loop3A_365, %parallel_loop3A_367 : vector<16xi32>
      %parallel_loop3A_369 = arith.constant 16 : i32
      %parallel_loop3A_370 = vector.broadcast %parallel_loop3A_369 : i32 to vector<16xi32>
      %parallel_loop3A_371 = arith.muli %parallel_loop3A_368, %parallel_loop3A_370 : vector<16xi32>
      %parallel_loop3A_372 = arith.addi %parallel_loop3A_371, %convert_element_type3A_13 : vector<16xi32>
      tpu.vector_store_idx %arg5[%parallel_loop3A_372], %add3A_5 {add = true} : memref<4096xi32, #tpu.memory_space<vmem>>[vector<16xi32>], vector<16xi32>,
      %parallel_loop3A_373 = arith.maximumf %parallel_loop3A_343, %parallel_loop3A_347 : vector<16xf32>
      scf.yield %parallel_loop3A_373 : vector<16xf32>
    } {sc.loop_unroll_factor = 10 : i64, sc.parallel_access}
    %mul3A_186 = arith.constant 100000 : i32
    %mul3A_187 = arith.muli %add3A, %mul3A_186 : i32
    %add3A_188 = arith.constant 60000 : i32
    %add3A_189 = arith.addi %mul3A_187, %add3A_188 : i32
    %dma_wait3A_190 = arith.constant 60000 : i32
    %dma_wait3A_191 = tpu.memref_slice %arg4[%dma_wait3A_190] : memref<100000xf32, #tpu.memory_space<vmem>> -> memref<10000xf32, #tpu.memory_space<vmem>>
    %dma_wait3A_192 = tpu.memref_slice %arg2[%add3A_189] : memref<3200000xf32, #tpu.memory_space<hbm>> -> memref<10000xf32, #tpu.memory_space<hbm>>
    %dma_wait3A_193 = arith.constant 60000 : i32
    %dma_wait3A_194 = tpu.memref_slice %arg4[%dma_wait3A_193] : memref<100000xf32, #tpu.memory_space<vmem>> -> memref<10000xf32, #tpu.memory_space<vmem>>
    %dma_wait3A_195 = tpu.memref_slice %arg2[%add3A_189] : memref<3200000xf32, #tpu.memory_space<hbm>> -> memref<10000xf32, #tpu.memory_space<hbm>>
    tpu.wait_dma2 semaphore(%arg7 : memref<!tpu.dma_semaphore, #tpu.memory_space<semaphore_mem>>) src(%dma_wait3A_195 : memref<10000xf32, #tpu.memory_space<hbm>>) dst(%dma_wait3A_194 : memref<10000xf32, #tpu.memory_space<vmem>>)
    %mul3A_196 = arith.constant 100000 : i32
    %mul3A_197 = arith.muli %add3A, %mul3A_196 : i32
    %add3A_198 = arith.constant 80000 : i32
    %add3A_199 = arith.addi %mul3A_197, %add3A_198 : i32
    %dma_start3A_200 = arith.constant 80000 : i32
    %dma_start3A_201 = tpu.memref_slice %arg4[%dma_start3A_200] : memref<100000xf32, #tpu.memory_space<vmem>> -> memref<10000xf32, #tpu.memory_space<vmem>>
    %dma_start3A_202 = tpu.memref_slice %arg2[%add3A_199] : memref<3200000xf32, #tpu.memory_space<hbm>> -> memref<10000xf32, #tpu.memory_space<hbm>>
    %dma_start3A_203 = arith.constant 80000 : i32
    %dma_start3A_204 = tpu.memref_slice %arg4[%dma_start3A_203] : memref<100000xf32, #tpu.memory_space<vmem>> -> memref<10000xf32, #tpu.memory_space<vmem>>
    %dma_start3A_205 = tpu.memref_slice %arg2[%add3A_199] : memref<3200000xf32, #tpu.memory_space<hbm>> -> memref<10000xf32, #tpu.memory_space<hbm>>
    tpu.enqueue_dma source(%dma_start3A_205 : memref<10000xf32, #tpu.memory_space<hbm>>) target(%dma_start3A_204 : memref<10000xf32, #tpu.memory_space<vmem>>) target_semaphore(%arg7 : memref<!tpu.dma_semaphore, #tpu.memory_space<semaphore_mem>>)
    %parallel_loop3A_206 = arith.constant 3750 : i32
    %parallel_loop3A_207 = arith.constant 4375 : i32
    %parallel_loop3A_208 = arith.constant 1 : i32
    %parallel_loop3A_209 = scf.for %parallel_loop3A_342 = %parallel_loop3A_206 to %parallel_loop3A_207 step %parallel_loop3A_208 iter_args(%parallel_loop3A_343 = %parallel_loop3A_185) -> (vector<16xf32>)  : i32 {
      %parallel_loop3A_344 = arith.constant 16 : i32
      %parallel_loop3A_345 = arith.muli %parallel_loop3A_342, %parallel_loop3A_344 : i32
      %parallel_loop3A_346 = arith.index_cast %parallel_loop3A_345 : i32 to index
      %parallel_loop3A_347 = tpu.vector_load %arg4[%parallel_loop3A_346] {strides = array<i32>} : memref<100000xf32, #tpu.memory_space<vmem>>, vector<16xf32>,
      %parallel_loop3A_348 = vector.bitcast %parallel_loop3A_347 : vector<16xf32> to vector<16xi32>
      %parallel_loop3A_349 = arith.constant 0.000000e+00 : f32
      %parallel_loop3A_350 = vector.broadcast %parallel_loop3A_349 : f32 to vector<16xf32>
      %parallel_loop3A_351 = arith.cmpf olt, %parallel_loop3A_347, %parallel_loop3A_350 : vector<16xf32>
      %parallel_loop3A_352 = arith.constant dense<-1> : vector<16xi32>
      %parallel_loop3A_353 = arith.xori %parallel_loop3A_348, %parallel_loop3A_352 : vector<16xi32>
      %parallel_loop3A_354 = arith.constant -2147483648 : i32
      %parallel_loop3A_355 = vector.broadcast %parallel_loop3A_354 : i32 to vector<16xi32>
      %parallel_loop3A_356 = arith.ori %parallel_loop3A_348, %parallel_loop3A_355 : vector<16xi32>
      %parallel_loop3A_357 = arith.select %parallel_loop3A_351, %parallel_loop3A_353, %parallel_loop3A_356 : vector<16xi1>, vector<16xi32>
      %parallel_loop3A_358 = vector.bitcast %parallel_loop3A_357 : vector<16xi32> to vector<16xf32>
      %parallel_loop3A_359 = arith.constant 16 : i32
      %parallel_loop3A_360 = arith.muli %parallel_loop3A_342, %parallel_loop3A_359 : i32
      %parallel_loop3A_361 = arith.index_cast %parallel_loop3A_360 : i32 to index
      %parallel_loop3A_362 = tpu.vector_load %arg4[%parallel_loop3A_361] {strides = array<i32>} : memref<100000xf32, #tpu.memory_space<vmem>>, vector<16xf32>,
      tpu.vector_store %arg4[%parallel_loop3A_361], %parallel_loop3A_358 {strides = array<i32>} : memref<100000xf32, #tpu.memory_space<vmem>>, vector<16xf32>,
      %parallel_loop3A_363 = arith.constant 24 : i32
      %parallel_loop3A_364 = vector.broadcast %parallel_loop3A_363 : i32 to vector<16xi32>
      %parallel_loop3A_365 = arith.shrui %parallel_loop3A_357, %parallel_loop3A_364 : vector<16xi32>
      %parallel_loop3A_366 = arith.constant 255 : i32
      %parallel_loop3A_367 = vector.broadcast %parallel_loop3A_366 : i32 to vector<16xi32>
      %parallel_loop3A_368 = arith.andi %parallel_loop3A_365, %parallel_loop3A_367 : vector<16xi32>
      %parallel_loop3A_369 = arith.constant 16 : i32
      %parallel_loop3A_370 = vector.broadcast %parallel_loop3A_369 : i32 to vector<16xi32>
      %parallel_loop3A_371 = arith.muli %parallel_loop3A_368, %parallel_loop3A_370 : vector<16xi32>
      %parallel_loop3A_372 = arith.addi %parallel_loop3A_371, %convert_element_type3A_13 : vector<16xi32>
      tpu.vector_store_idx %arg5[%parallel_loop3A_372], %add3A_5 {add = true} : memref<4096xi32, #tpu.memory_space<vmem>>[vector<16xi32>], vector<16xi32>,
      %parallel_loop3A_373 = arith.maximumf %parallel_loop3A_343, %parallel_loop3A_347 : vector<16xf32>
      scf.yield %parallel_loop3A_373 : vector<16xf32>
    } {sc.loop_unroll_factor = 10 : i64, sc.parallel_access}
    %mul3A_210 = arith.constant 100000 : i32
    %mul3A_211 = arith.muli %add3A, %mul3A_210 : i32
    %add3A_212 = arith.constant 70000 : i32
    %add3A_213 = arith.addi %mul3A_211, %add3A_212 : i32
    %dma_wait3A_214 = arith.constant 70000 : i32
    %dma_wait3A_215 = tpu.memref_slice %arg4[%dma_wait3A_214] : memref<100000xf32, #tpu.memory_space<vmem>> -> memref<10000xf32, #tpu.memory_space<vmem>>
    %dma_wait3A_216 = tpu.memref_slice %arg2[%add3A_213] : memref<3200000xf32, #tpu.memory_space<hbm>> -> memref<10000xf32, #tpu.memory_space<hbm>>
    %dma_wait3A_217 = arith.constant 70000 : i32
    %dma_wait3A_218 = tpu.memref_slice %arg4[%dma_wait3A_217] : memref<100000xf32, #tpu.memory_space<vmem>> -> memref<10000xf32, #tpu.memory_space<vmem>>
    %dma_wait3A_219 = tpu.memref_slice %arg2[%add3A_213] : memref<3200000xf32, #tpu.memory_space<hbm>> -> memref<10000xf32, #tpu.memory_space<hbm>>
    tpu.wait_dma2 semaphore(%arg8 : memref<!tpu.dma_semaphore, #tpu.memory_space<semaphore_mem>>) src(%dma_wait3A_219 : memref<10000xf32, #tpu.memory_space<hbm>>) dst(%dma_wait3A_218 : memref<10000xf32, #tpu.memory_space<vmem>>)
    %mul3A_220 = arith.constant 100000 : i32
    %mul3A_221 = arith.muli %add3A, %mul3A_220 : i32
    %add3A_222 = arith.constant 90000 : i32
    %add3A_223 = arith.addi %mul3A_221, %add3A_222 : i32
    %dma_start3A_224 = arith.constant 90000 : i32
    %dma_start3A_225 = tpu.memref_slice %arg4[%dma_start3A_224] : memref<100000xf32, #tpu.memory_space<vmem>> -> memref<10000xf32, #tpu.memory_space<vmem>>
    %dma_start3A_226 = tpu.memref_slice %arg2[%add3A_223] : memref<3200000xf32, #tpu.memory_space<hbm>> -> memref<10000xf32, #tpu.memory_space<hbm>>
    %dma_start3A_227 = arith.constant 90000 : i32
    %dma_start3A_228 = tpu.memref_slice %arg4[%dma_start3A_227] : memref<100000xf32, #tpu.memory_space<vmem>> -> memref<10000xf32, #tpu.memory_space<vmem>>
    %dma_start3A_229 = tpu.memref_slice %arg2[%add3A_223] : memref<3200000xf32, #tpu.memory_space<hbm>> -> memref<10000xf32, #tpu.memory_space<hbm>>
    tpu.enqueue_dma source(%dma_start3A_229 : memref<10000xf32, #tpu.memory_space<hbm>>) target(%dma_start3A_228 : memref<10000xf32, #tpu.memory_space<vmem>>) target_semaphore(%arg8 : memref<!tpu.dma_semaphore, #tpu.memory_space<semaphore_mem>>)
    %parallel_loop3A_230 = arith.constant 4375 : i32
    %parallel_loop3A_231 = arith.constant 5000 : i32
    %parallel_loop3A_232 = arith.constant 1 : i32
    %parallel_loop3A_233 = scf.for %parallel_loop3A_342 = %parallel_loop3A_230 to %parallel_loop3A_231 step %parallel_loop3A_232 iter_args(%parallel_loop3A_343 = %parallel_loop3A_209) -> (vector<16xf32>)  : i32 {
      %parallel_loop3A_344 = arith.constant 16 : i32
      %parallel_loop3A_345 = arith.muli %parallel_loop3A_342, %parallel_loop3A_344 : i32
      %parallel_loop3A_346 = arith.index_cast %parallel_loop3A_345 : i32 to index
      %parallel_loop3A_347 = tpu.vector_load %arg4[%parallel_loop3A_346] {strides = array<i32>} : memref<100000xf32, #tpu.memory_space<vmem>>, vector<16xf32>,
      %parallel_loop3A_348 = vector.bitcast %parallel_loop3A_347 : vector<16xf32> to vector<16xi32>
      %parallel_loop3A_349 = arith.constant 0.000000e+00 : f32
      %parallel_loop3A_350 = vector.broadcast %parallel_loop3A_349 : f32 to vector<16xf32>
      %parallel_loop3A_351 = arith.cmpf olt, %parallel_loop3A_347, %parallel_loop3A_350 : vector<16xf32>
      %parallel_loop3A_352 = arith.constant dense<-1> : vector<16xi32>
      %parallel_loop3A_353 = arith.xori %parallel_loop3A_348, %parallel_loop3A_352 : vector<16xi32>
      %parallel_loop3A_354 = arith.constant -2147483648 : i32
      %parallel_loop3A_355 = vector.broadcast %parallel_loop3A_354 : i32 to vector<16xi32>
      %parallel_loop3A_356 = arith.ori %parallel_loop3A_348, %parallel_loop3A_355 : vector<16xi32>
      %parallel_loop3A_357 = arith.select %parallel_loop3A_351, %parallel_loop3A_353, %parallel_loop3A_356 : vector<16xi1>, vector<16xi32>
      %parallel_loop3A_358 = vector.bitcast %parallel_loop3A_357 : vector<16xi32> to vector<16xf32>
      %parallel_loop3A_359 = arith.constant 16 : i32
      %parallel_loop3A_360 = arith.muli %parallel_loop3A_342, %parallel_loop3A_359 : i32
      %parallel_loop3A_361 = arith.index_cast %parallel_loop3A_360 : i32 to index
      %parallel_loop3A_362 = tpu.vector_load %arg4[%parallel_loop3A_361] {strides = array<i32>} : memref<100000xf32, #tpu.memory_space<vmem>>, vector<16xf32>,
      tpu.vector_store %arg4[%parallel_loop3A_361], %parallel_loop3A_358 {strides = array<i32>} : memref<100000xf32, #tpu.memory_space<vmem>>, vector<16xf32>,
      %parallel_loop3A_363 = arith.constant 24 : i32
      %parallel_loop3A_364 = vector.broadcast %parallel_loop3A_363 : i32 to vector<16xi32>
      %parallel_loop3A_365 = arith.shrui %parallel_loop3A_357, %parallel_loop3A_364 : vector<16xi32>
      %parallel_loop3A_366 = arith.constant 255 : i32
      %parallel_loop3A_367 = vector.broadcast %parallel_loop3A_366 : i32 to vector<16xi32>
      %parallel_loop3A_368 = arith.andi %parallel_loop3A_365, %parallel_loop3A_367 : vector<16xi32>
      %parallel_loop3A_369 = arith.constant 16 : i32
      %parallel_loop3A_370 = vector.broadcast %parallel_loop3A_369 : i32 to vector<16xi32>
      %parallel_loop3A_371 = arith.muli %parallel_loop3A_368, %parallel_loop3A_370 : vector<16xi32>
      %parallel_loop3A_372 = arith.addi %parallel_loop3A_371, %convert_element_type3A_13 : vector<16xi32>
      tpu.vector_store_idx %arg5[%parallel_loop3A_372], %add3A_5 {add = true} : memref<4096xi32, #tpu.memory_space<vmem>>[vector<16xi32>], vector<16xi32>,
      %parallel_loop3A_373 = arith.maximumf %parallel_loop3A_343, %parallel_loop3A_347 : vector<16xf32>
      scf.yield %parallel_loop3A_373 : vector<16xf32>
    } {sc.loop_unroll_factor = 10 : i64, sc.parallel_access}
    %mul3A_234 = arith.constant 100000 : i32
    %mul3A_235 = arith.muli %add3A, %mul3A_234 : i32
    %add3A_236 = arith.constant 80000 : i32
    %add3A_237 = arith.addi %mul3A_235, %add3A_236 : i32
    %dma_wait3A_238 = arith.constant 80000 : i32
    %dma_wait3A_239 = tpu.memref_slice %arg4[%dma_wait3A_238] : memref<100000xf32, #tpu.memory_space<vmem>> -> memref<10000xf32, #tpu.memory_space<vmem>>
    %dma_wait3A_240 = tpu.memref_slice %arg2[%add3A_237] : memref<3200000xf32, #tpu.memory_space<hbm>> -> memref<10000xf32, #tpu.memory_space<hbm>>
    %dma_wait3A_241 = arith.constant 80000 : i32
    %dma_wait3A_242 = tpu.memref_slice %arg4[%dma_wait3A_241] : memref<100000xf32, #tpu.memory_space<vmem>> -> memref<10000xf32, #tpu.memory_space<vmem>>
    %dma_wait3A_243 = tpu.memref_slice %arg2[%add3A_237] : memref<3200000xf32, #tpu.memory_space<hbm>> -> memref<10000xf32, #tpu.memory_space<hbm>>
    tpu.wait_dma2 semaphore(%arg7 : memref<!tpu.dma_semaphore, #tpu.memory_space<semaphore_mem>>) src(%dma_wait3A_243 : memref<10000xf32, #tpu.memory_space<hbm>>) dst(%dma_wait3A_242 : memref<10000xf32, #tpu.memory_space<vmem>>)
    %parallel_loop3A_244 = arith.constant 5000 : i32
    %parallel_loop3A_245 = arith.constant 5625 : i32
    %parallel_loop3A_246 = arith.constant 1 : i32
    %parallel_loop3A_247 = scf.for %parallel_loop3A_342 = %parallel_loop3A_244 to %parallel_loop3A_245 step %parallel_loop3A_246 iter_args(%parallel_loop3A_343 = %parallel_loop3A_233) -> (vector<16xf32>)  : i32 {
      %parallel_loop3A_344 = arith.constant 16 : i32
      %parallel_loop3A_345 = arith.muli %parallel_loop3A_342, %parallel_loop3A_344 : i32
      %parallel_loop3A_346 = arith.index_cast %parallel_loop3A_345 : i32 to index
      %parallel_loop3A_347 = tpu.vector_load %arg4[%parallel_loop3A_346] {strides = array<i32>} : memref<100000xf32, #tpu.memory_space<vmem>>, vector<16xf32>,
      %parallel_loop3A_348 = vector.bitcast %parallel_loop3A_347 : vector<16xf32> to vector<16xi32>
      %parallel_loop3A_349 = arith.constant 0.000000e+00 : f32
      %parallel_loop3A_350 = vector.broadcast %parallel_loop3A_349 : f32 to vector<16xf32>
      %parallel_loop3A_351 = arith.cmpf olt, %parallel_loop3A_347, %parallel_loop3A_350 : vector<16xf32>
      %parallel_loop3A_352 = arith.constant dense<-1> : vector<16xi32>
      %parallel_loop3A_353 = arith.xori %parallel_loop3A_348, %parallel_loop3A_352 : vector<16xi32>
      %parallel_loop3A_354 = arith.constant -2147483648 : i32
      %parallel_loop3A_355 = vector.broadcast %parallel_loop3A_354 : i32 to vector<16xi32>
      %parallel_loop3A_356 = arith.ori %parallel_loop3A_348, %parallel_loop3A_355 : vector<16xi32>
      %parallel_loop3A_357 = arith.select %parallel_loop3A_351, %parallel_loop3A_353, %parallel_loop3A_356 : vector<16xi1>, vector<16xi32>
      %parallel_loop3A_358 = vector.bitcast %parallel_loop3A_357 : vector<16xi32> to vector<16xf32>
      %parallel_loop3A_359 = arith.constant 16 : i32
      %parallel_loop3A_360 = arith.muli %parallel_loop3A_342, %parallel_loop3A_359 : i32
      %parallel_loop3A_361 = arith.index_cast %parallel_loop3A_360 : i32 to index
      %parallel_loop3A_362 = tpu.vector_load %arg4[%parallel_loop3A_361] {strides = array<i32>} : memref<100000xf32, #tpu.memory_space<vmem>>, vector<16xf32>,
      tpu.vector_store %arg4[%parallel_loop3A_361], %parallel_loop3A_358 {strides = array<i32>} : memref<100000xf32, #tpu.memory_space<vmem>>, vector<16xf32>,
      %parallel_loop3A_363 = arith.constant 24 : i32
      %parallel_loop3A_364 = vector.broadcast %parallel_loop3A_363 : i32 to vector<16xi32>
      %parallel_loop3A_365 = arith.shrui %parallel_loop3A_357, %parallel_loop3A_364 : vector<16xi32>
      %parallel_loop3A_366 = arith.constant 255 : i32
      %parallel_loop3A_367 = vector.broadcast %parallel_loop3A_366 : i32 to vector<16xi32>
      %parallel_loop3A_368 = arith.andi %parallel_loop3A_365, %parallel_loop3A_367 : vector<16xi32>
      %parallel_loop3A_369 = arith.constant 16 : i32
      %parallel_loop3A_370 = vector.broadcast %parallel_loop3A_369 : i32 to vector<16xi32>
      %parallel_loop3A_371 = arith.muli %parallel_loop3A_368, %parallel_loop3A_370 : vector<16xi32>
      %parallel_loop3A_372 = arith.addi %parallel_loop3A_371, %convert_element_type3A_13 : vector<16xi32>
      tpu.vector_store_idx %arg5[%parallel_loop3A_372], %add3A_5 {add = true} : memref<4096xi32, #tpu.memory_space<vmem>>[vector<16xi32>], vector<16xi32>,
      %parallel_loop3A_373 = arith.maximumf %parallel_loop3A_343, %parallel_loop3A_347 : vector<16xf32>
      scf.yield %parallel_loop3A_373 : vector<16xf32>
    } {sc.loop_unroll_factor = 10 : i64, sc.parallel_access}
    %mul3A_248 = arith.constant 100000 : i32
    %mul3A_249 = arith.muli %add3A, %mul3A_248 : i32
    %add3A_250 = arith.constant 90000 : i32
    %add3A_251 = arith.addi %mul3A_249, %add3A_250 : i32
    %dma_wait3A_252 = arith.constant 90000 : i32
    %dma_wait3A_253 = tpu.memref_slice %arg4[%dma_wait3A_252] : memref<100000xf32, #tpu.memory_space<vmem>> -> memref<10000xf32, #tpu.memory_space<vmem>>
    %dma_wait3A_254 = tpu.memref_slice %arg2[%add3A_251] : memref<3200000xf32, #tpu.memory_space<hbm>> -> memref<10000xf32, #tpu.memory_space<hbm>>
    %dma_wait3A_255 = arith.constant 90000 : i32
    %dma_wait3A_256 = tpu.memref_slice %arg4[%dma_wait3A_255] : memref<100000xf32, #tpu.memory_space<vmem>> -> memref<10000xf32, #tpu.memory_space<vmem>>
    %dma_wait3A_257 = tpu.memref_slice %arg2[%add3A_251] : memref<3200000xf32, #tpu.memory_space<hbm>> -> memref<10000xf32, #tpu.memory_space<hbm>>
    tpu.wait_dma2 semaphore(%arg8 : memref<!tpu.dma_semaphore, #tpu.memory_space<semaphore_mem>>) src(%dma_wait3A_257 : memref<10000xf32, #tpu.memory_space<hbm>>) dst(%dma_wait3A_256 : memref<10000xf32, #tpu.memory_space<vmem>>)
    %parallel_loop3A_258 = arith.constant 5625 : i32
    %parallel_loop3A_259 = arith.constant 6250 : i32
    %parallel_loop3A_260 = arith.constant 1 : i32
    %parallel_loop3A_261 = scf.for %parallel_loop3A_342 = %parallel_loop3A_258 to %parallel_loop3A_259 step %parallel_loop3A_260 iter_args(%parallel_loop3A_343 = %parallel_loop3A_247) -> (vector<16xf32>)  : i32 {
      %parallel_loop3A_344 = arith.constant 16 : i32
      %parallel_loop3A_345 = arith.muli %parallel_loop3A_342, %parallel_loop3A_344 : i32
      %parallel_loop3A_346 = arith.index_cast %parallel_loop3A_345 : i32 to index
      %parallel_loop3A_347 = tpu.vector_load %arg4[%parallel_loop3A_346] {strides = array<i32>} : memref<100000xf32, #tpu.memory_space<vmem>>, vector<16xf32>,
      %parallel_loop3A_348 = vector.bitcast %parallel_loop3A_347 : vector<16xf32> to vector<16xi32>
      %parallel_loop3A_349 = arith.constant 0.000000e+00 : f32
      %parallel_loop3A_350 = vector.broadcast %parallel_loop3A_349 : f32 to vector<16xf32>
      %parallel_loop3A_351 = arith.cmpf olt, %parallel_loop3A_347, %parallel_loop3A_350 : vector<16xf32>
      %parallel_loop3A_352 = arith.constant dense<-1> : vector<16xi32>
      %parallel_loop3A_353 = arith.xori %parallel_loop3A_348, %parallel_loop3A_352 : vector<16xi32>
      %parallel_loop3A_354 = arith.constant -2147483648 : i32
      %parallel_loop3A_355 = vector.broadcast %parallel_loop3A_354 : i32 to vector<16xi32>
      %parallel_loop3A_356 = arith.ori %parallel_loop3A_348, %parallel_loop3A_355 : vector<16xi32>
      %parallel_loop3A_357 = arith.select %parallel_loop3A_351, %parallel_loop3A_353, %parallel_loop3A_356 : vector<16xi1>, vector<16xi32>
      %parallel_loop3A_358 = vector.bitcast %parallel_loop3A_357 : vector<16xi32> to vector<16xf32>
      %parallel_loop3A_359 = arith.constant 16 : i32
      %parallel_loop3A_360 = arith.muli %parallel_loop3A_342, %parallel_loop3A_359 : i32
      %parallel_loop3A_361 = arith.index_cast %parallel_loop3A_360 : i32 to index
      %parallel_loop3A_362 = tpu.vector_load %arg4[%parallel_loop3A_361] {strides = array<i32>} : memref<100000xf32, #tpu.memory_space<vmem>>, vector<16xf32>,
      tpu.vector_store %arg4[%parallel_loop3A_361], %parallel_loop3A_358 {strides = array<i32>} : memref<100000xf32, #tpu.memory_space<vmem>>, vector<16xf32>,
      %parallel_loop3A_363 = arith.constant 24 : i32
      %parallel_loop3A_364 = vector.broadcast %parallel_loop3A_363 : i32 to vector<16xi32>
      %parallel_loop3A_365 = arith.shrui %parallel_loop3A_357, %parallel_loop3A_364 : vector<16xi32>
      %parallel_loop3A_366 = arith.constant 255 : i32
      %parallel_loop3A_367 = vector.broadcast %parallel_loop3A_366 : i32 to vector<16xi32>
      %parallel_loop3A_368 = arith.andi %parallel_loop3A_365, %parallel_loop3A_367 : vector<16xi32>
      %parallel_loop3A_369 = arith.constant 16 : i32
      %parallel_loop3A_370 = vector.broadcast %parallel_loop3A_369 : i32 to vector<16xi32>
      %parallel_loop3A_371 = arith.muli %parallel_loop3A_368, %parallel_loop3A_370 : vector<16xi32>
      %parallel_loop3A_372 = arith.addi %parallel_loop3A_371, %convert_element_type3A_13 : vector<16xi32>
      tpu.vector_store_idx %arg5[%parallel_loop3A_372], %add3A_5 {add = true} : memref<4096xi32, #tpu.memory_space<vmem>>[vector<16xi32>], vector<16xi32>,
      %parallel_loop3A_373 = arith.maximumf %parallel_loop3A_343, %parallel_loop3A_347 : vector<16xf32>
      scf.yield %parallel_loop3A_373 : vector<16xf32>
    } {sc.loop_unroll_factor = 10 : i64, sc.parallel_access}
    %sub3A_262 = arith.constant 1 : i32
    %sub3A_263 = arith.subi %mul3A_2, %sub3A_262 : i32
    %scan3A_264 = arith.constant 0 : i32
    %scan3A_265 = arith.constant 256 : i32
    %scan3A_266 = arith.addi %scan3A_264, %scan3A_265 : i32
    %scan3A_267 = arith.constant 1 : i32
    %scan3A_268:3 = scf.for %scan3A_342 = %scan3A_264 to %scan3A_266 step %scan3A_267 iter_args(%scan3A_343 = %mul3A_2, %scan3A_344 = %sub3A_263, %scan3A_345 = %add3A_37) -> (i32, i32, i32)  : i32 {
      %sub3A_346 = arith.constant 255 : i32
      %sub3A_347 = arith.subi %sub3A_346, %scan3A_342 : i32
      %mul3A_348 = arith.constant 16 : i32
      %mul3A_349 = arith.muli %sub3A_347, %mul3A_348 : i32
      %get3A = arith.index_cast %mul3A_349 : i32 to index
      %get3A_350 = tpu.vector_load %arg5[%get3A] {strides = array<i32>} : memref<4096xi32, #tpu.memory_space<vmem>>, vector<16xi32>,
      %mul3A_351 = arith.constant 16 : i32
      %mul3A_352 = arith.muli %sub3A_347, %mul3A_351 : i32
      %swap3A_353 = arith.index_cast %mul3A_352 : i32 to index
      %swap3A_354 = tpu.vector_load %arg5[%swap3A_353] {strides = array<i32>} : memref<4096xi32, #tpu.memory_space<vmem>>, vector<16xi32>,
      tpu.vector_store %arg5[%swap3A_353], %broadcast_in_dim3A {strides = array<i32>} : memref<4096xi32, #tpu.memory_space<vmem>>, vector<16xi32>,
      %convert_element_type3A_355 = arith.sitofp %get3A_350 : vector<16xi32> to vector<16xf32>
      %reduce_sum3A_356 = arith.constant true
      %reduce_sum3A_357 = vector.broadcast %reduce_sum3A_356 : i1 to vector<16xi1>
      %reduce_sum3A_358 = tpu.scan <sum>, %convert_element_type3A_355 masked %reduce_sum3A_357 : vector<16xf32>, vector<16xi1> -> vector<16xf32>
      %reduce_sum3A_359 = vector.extract %reduce_sum3A_358[15] : f32 from vector<16xf32>
      %convert_element_type3A_360 = arith.fptosi %reduce_sum3A_359 : f32 to i32
      %lt3A = arith.constant 0 : i32
      %lt3A_361 = arith.cmpi slt, %scan3A_344, %lt3A : i32
      %add3A_362 = arith.addi %scan3A_343, %convert_element_type3A_360 : i32
      %ge3A = arith.cmpi sge, %add3A_362, %scan3A_345 : i32
      %and3A = arith.andi %lt3A_361, %ge3A : i1
      %select_n3A_363 = arith.select %and3A, %sub3A_347, %scan3A_344 : i32
      %sub3A_364 = arith.subi %scan3A_345, %scan3A_343 : i32
      %select_n3A_365 = arith.select %and3A, %sub3A_364, %scan3A_345 : i32
      %lt3A_366 = arith.constant 0 : i32
      %lt3A_367 = arith.cmpi slt, %scan3A_344, %lt3A_366 : i32
      %not3A_368 = arith.constant true
      %not3A_369 = arith.xori %and3A, %not3A_368 : i1
      %and3A_370 = arith.andi %lt3A_367, %not3A_369 : i1
      %add3A_371 = arith.addi %scan3A_343, %convert_element_type3A_360 : i32
      %select_n3A_372 = arith.select %and3A_370, %add3A_371, %scan3A_343 : i32
      scf.yield %select_n3A_372, %select_n3A_363, %select_n3A_365 : i32, i32, i32
    }
    %scan3A_269 = arith.constant 256 : i32
    %or3A = arith.constant 0 : i32
    %or3A_270 = arith.ori %or3A, %scan3A_268#1 : i32
    %parallel_loop3A_271 = arith.constant 0 : i32
    %parallel_loop3A_272 = arith.constant 6250 : i32
    %parallel_loop3A_273 = arith.constant 1 : i32
    %parallel_loop3A_274 = scf.for %parallel_loop3A_342 = %parallel_loop3A_271 to %parallel_loop3A_272 step %parallel_loop3A_273 iter_args(%parallel_loop3A_343 = %add3A_16) -> (vector<16xf32>)  : i32 {
      %parallel_loop3A_344 = arith.constant 16 : i32
      %parallel_loop3A_345 = arith.muli %parallel_loop3A_342, %parallel_loop3A_344 : i32
      %parallel_loop3A_346 = arith.index_cast %parallel_loop3A_345 : i32 to index
      %parallel_loop3A_347 = tpu.vector_load %arg4[%parallel_loop3A_346] {strides = array<i32>} : memref<100000xf32, #tpu.memory_space<vmem>>, vector<16xf32>,
      %parallel_loop3A_348 = vector.bitcast %parallel_loop3A_347 : vector<16xf32> to vector<16xi32>
      %parallel_loop3A_349 = arith.constant 16 : i32
      %parallel_loop3A_350 = vector.broadcast %parallel_loop3A_349 : i32 to vector<16xi32>
      %parallel_loop3A_351 = arith.shrui %parallel_loop3A_348, %parallel_loop3A_350 : vector<16xi32>
      %parallel_loop3A_352 = arith.constant 255 : i32
      %parallel_loop3A_353 = vector.broadcast %parallel_loop3A_352 : i32 to vector<16xi32>
      %parallel_loop3A_354 = arith.andi %parallel_loop3A_351, %parallel_loop3A_353 : vector<16xi32>
      %parallel_loop3A_355 = arith.constant 24 : i32
      %parallel_loop3A_356 = vector.broadcast %parallel_loop3A_355 : i32 to vector<16xi32>
      %parallel_loop3A_357 = arith.shrui %parallel_loop3A_348, %parallel_loop3A_356 : vector<16xi32>
      %parallel_loop3A_358 = vector.broadcast %or3A_270 : i32 to vector<16xi32>
      %parallel_loop3A_359 = arith.cmpi eq, %parallel_loop3A_357, %parallel_loop3A_358 : vector<16xi32>
      %parallel_loop3A_360 = arith.constant 16 : i32
      %parallel_loop3A_361 = vector.broadcast %parallel_loop3A_360 : i32 to vector<16xi32>
      %parallel_loop3A_362 = arith.muli %parallel_loop3A_354, %parallel_loop3A_361 : vector<16xi32>
      %parallel_loop3A_363 = arith.addi %parallel_loop3A_362, %convert_element_type3A_13 : vector<16xi32>
      tpu.vector_store_idx %arg5[%parallel_loop3A_363], %add3A_5 masked %parallel_loop3A_359 {add = true} : memref<4096xi32, #tpu.memory_space<vmem>>[vector<16xi32>], vector<16xi32>, vector<16xi1>
      scf.yield %parallel_loop3A_343 : vector<16xf32>
    } {sc.loop_unroll_factor = 10 : i64, sc.parallel_access}
    %sub3A_275 = arith.constant 1 : i32
    %sub3A_276 = arith.subi %mul3A_2, %sub3A_275 : i32
    %scan3A_277 = arith.constant 0 : i32
    %scan3A_278 = arith.constant 256 : i32
    %scan3A_279 = arith.addi %scan3A_277, %scan3A_278 : i32
    %scan3A_280 = arith.constant 1 : i32
    %scan3A_281:3 = scf.for %scan3A_342 = %scan3A_277 to %scan3A_279 step %scan3A_280 iter_args(%scan3A_343 = %mul3A_2, %scan3A_344 = %sub3A_276, %scan3A_345 = %scan3A_268#2) -> (i32, i32, i32)  : i32 {
      %sub3A_346 = arith.constant 255 : i32
      %sub3A_347 = arith.subi %sub3A_346, %scan3A_342 : i32
      %mul3A_348 = arith.constant 16 : i32
      %mul3A_349 = arith.muli %sub3A_347, %mul3A_348 : i32
      %get3A = arith.index_cast %mul3A_349 : i32 to index
      %get3A_350 = tpu.vector_load %arg5[%get3A] {strides = array<i32>} : memref<4096xi32, #tpu.memory_space<vmem>>, vector<16xi32>,
      %mul3A_351 = arith.constant 16 : i32
      %mul3A_352 = arith.muli %sub3A_347, %mul3A_351 : i32
      %swap3A_353 = arith.index_cast %mul3A_352 : i32 to index
      %swap3A_354 = tpu.vector_load %arg5[%swap3A_353] {strides = array<i32>} : memref<4096xi32, #tpu.memory_space<vmem>>, vector<16xi32>,
      tpu.vector_store %arg5[%swap3A_353], %broadcast_in_dim3A {strides = array<i32>} : memref<4096xi32, #tpu.memory_space<vmem>>, vector<16xi32>,
      %convert_element_type3A_355 = arith.sitofp %get3A_350 : vector<16xi32> to vector<16xf32>
      %reduce_sum3A_356 = arith.constant true
      %reduce_sum3A_357 = vector.broadcast %reduce_sum3A_356 : i1 to vector<16xi1>
      %reduce_sum3A_358 = tpu.scan <sum>, %convert_element_type3A_355 masked %reduce_sum3A_357 : vector<16xf32>, vector<16xi1> -> vector<16xf32>
      %reduce_sum3A_359 = vector.extract %reduce_sum3A_358[15] : f32 from vector<16xf32>
      %convert_element_type3A_360 = arith.fptosi %reduce_sum3A_359 : f32 to i32
      %lt3A = arith.constant 0 : i32
      %lt3A_361 = arith.cmpi slt, %scan3A_344, %lt3A : i32
      %add3A_362 = arith.addi %scan3A_343, %convert_element_type3A_360 : i32
      %ge3A = arith.cmpi sge, %add3A_362, %scan3A_345 : i32
      %and3A = arith.andi %lt3A_361, %ge3A : i1
      %select_n3A_363 = arith.select %and3A, %sub3A_347, %scan3A_344 : i32
      %sub3A_364 = arith.subi %scan3A_345, %scan3A_343 : i32
      %select_n3A_365 = arith.select %and3A, %sub3A_364, %scan3A_345 : i32
      %lt3A_366 = arith.constant 0 : i32
      %lt3A_367 = arith.cmpi slt, %scan3A_344, %lt3A_366 : i32
      %not3A_368 = arith.constant true
      %not3A_369 = arith.xori %and3A, %not3A_368 : i1
      %and3A_370 = arith.andi %lt3A_367, %not3A_369 : i1
      %add3A_371 = arith.addi %scan3A_343, %convert_element_type3A_360 : i32
      %select_n3A_372 = arith.select %and3A_370, %add3A_371, %scan3A_343 : i32
      scf.yield %select_n3A_372, %select_n3A_363, %select_n3A_365 : i32, i32, i32
    }
    %scan3A_282 = arith.constant 256 : i32
    %shift_left3A = arith.constant 8 : i32
    %shift_left3A_283 = arith.shli %or3A_270, %shift_left3A : i32
    %or3A_284 = arith.ori %shift_left3A_283, %scan3A_281#1 : i32
    %parallel_loop3A_285 = arith.constant 0 : i32
    %parallel_loop3A_286 = arith.constant 6250 : i32
    %parallel_loop3A_287 = arith.constant 1 : i32
    %parallel_loop3A_288 = scf.for %parallel_loop3A_342 = %parallel_loop3A_285 to %parallel_loop3A_286 step %parallel_loop3A_287 iter_args(%parallel_loop3A_343 = %add3A_16) -> (vector<16xf32>)  : i32 {
      %parallel_loop3A_344 = arith.constant 16 : i32
      %parallel_loop3A_345 = arith.muli %parallel_loop3A_342, %parallel_loop3A_344 : i32
      %parallel_loop3A_346 = arith.index_cast %parallel_loop3A_345 : i32 to index
      %parallel_loop3A_347 = tpu.vector_load %arg4[%parallel_loop3A_346] {strides = array<i32>} : memref<100000xf32, #tpu.memory_space<vmem>>, vector<16xf32>,
      %parallel_loop3A_348 = vector.bitcast %parallel_loop3A_347 : vector<16xf32> to vector<16xi32>
      %parallel_loop3A_349 = arith.constant 8 : i32
      %parallel_loop3A_350 = vector.broadcast %parallel_loop3A_349 : i32 to vector<16xi32>
      %parallel_loop3A_351 = arith.shrui %parallel_loop3A_348, %parallel_loop3A_350 : vector<16xi32>
      %parallel_loop3A_352 = arith.constant 255 : i32
      %parallel_loop3A_353 = vector.broadcast %parallel_loop3A_352 : i32 to vector<16xi32>
      %parallel_loop3A_354 = arith.andi %parallel_loop3A_351, %parallel_loop3A_353 : vector<16xi32>
      %parallel_loop3A_355 = arith.constant 16 : i32
      %parallel_loop3A_356 = vector.broadcast %parallel_loop3A_355 : i32 to vector<16xi32>
      %parallel_loop3A_357 = arith.shrui %parallel_loop3A_348, %parallel_loop3A_356 : vector<16xi32>
      %parallel_loop3A_358 = vector.broadcast %or3A_284 : i32 to vector<16xi32>
      %parallel_loop3A_359 = arith.cmpi eq, %parallel_loop3A_357, %parallel_loop3A_358 : vector<16xi32>
      %parallel_loop3A_360 = arith.constant 16 : i32
      %parallel_loop3A_361 = vector.broadcast %parallel_loop3A_360 : i32 to vector<16xi32>
      %parallel_loop3A_362 = arith.muli %parallel_loop3A_354, %parallel_loop3A_361 : vector<16xi32>
      %parallel_loop3A_363 = arith.addi %parallel_loop3A_362, %convert_element_type3A_13 : vector<16xi32>
      tpu.vector_store_idx %arg5[%parallel_loop3A_363], %add3A_5 masked %parallel_loop3A_359 {add = true} : memref<4096xi32, #tpu.memory_space<vmem>>[vector<16xi32>], vector<16xi32>, vector<16xi1>
      scf.yield %parallel_loop3A_343 : vector<16xf32>
    } {sc.loop_unroll_factor = 10 : i64, sc.parallel_access}
    %sub3A_289 = arith.constant 1 : i32
    %sub3A_290 = arith.subi %mul3A_2, %sub3A_289 : i32
    %scan3A_291 = arith.constant 0 : i32
    %scan3A_292 = arith.constant 256 : i32
    %scan3A_293 = arith.addi %scan3A_291, %scan3A_292 : i32
    %scan3A_294 = arith.constant 1 : i32
    %scan3A_295:3 = scf.for %scan3A_342 = %scan3A_291 to %scan3A_293 step %scan3A_294 iter_args(%scan3A_343 = %mul3A_2, %scan3A_344 = %sub3A_290, %scan3A_345 = %scan3A_281#2) -> (i32, i32, i32)  : i32 {
      %sub3A_346 = arith.constant 255 : i32
      %sub3A_347 = arith.subi %sub3A_346, %scan3A_342 : i32
      %mul3A_348 = arith.constant 16 : i32
      %mul3A_349 = arith.muli %sub3A_347, %mul3A_348 : i32
      %get3A = arith.index_cast %mul3A_349 : i32 to index
      %get3A_350 = tpu.vector_load %arg5[%get3A] {strides = array<i32>} : memref<4096xi32, #tpu.memory_space<vmem>>, vector<16xi32>,
      %mul3A_351 = arith.constant 16 : i32
      %mul3A_352 = arith.muli %sub3A_347, %mul3A_351 : i32
      %swap3A_353 = arith.index_cast %mul3A_352 : i32 to index
      %swap3A_354 = tpu.vector_load %arg5[%swap3A_353] {strides = array<i32>} : memref<4096xi32, #tpu.memory_space<vmem>>, vector<16xi32>,
      tpu.vector_store %arg5[%swap3A_353], %broadcast_in_dim3A {strides = array<i32>} : memref<4096xi32, #tpu.memory_space<vmem>>, vector<16xi32>,
      %convert_element_type3A_355 = arith.sitofp %get3A_350 : vector<16xi32> to vector<16xf32>
      %reduce_sum3A_356 = arith.constant true
      %reduce_sum3A_357 = vector.broadcast %reduce_sum3A_356 : i1 to vector<16xi1>
      %reduce_sum3A_358 = tpu.scan <sum>, %convert_element_type3A_355 masked %reduce_sum3A_357 : vector<16xf32>, vector<16xi1> -> vector<16xf32>
      %reduce_sum3A_359 = vector.extract %reduce_sum3A_358[15] : f32 from vector<16xf32>
      %convert_element_type3A_360 = arith.fptosi %reduce_sum3A_359 : f32 to i32
      %lt3A = arith.constant 0 : i32
      %lt3A_361 = arith.cmpi slt, %scan3A_344, %lt3A : i32
      %add3A_362 = arith.addi %scan3A_343, %convert_element_type3A_360 : i32
      %ge3A = arith.cmpi sge, %add3A_362, %scan3A_345 : i32
      %and3A = arith.andi %lt3A_361, %ge3A : i1
      %select_n3A_363 = arith.select %and3A, %sub3A_347, %scan3A_344 : i32
      %sub3A_364 = arith.subi %scan3A_345, %scan3A_343 : i32
      %select_n3A_365 = arith.select %and3A, %sub3A_364, %scan3A_345 : i32
      %lt3A_366 = arith.constant 0 : i32
      %lt3A_367 = arith.cmpi slt, %scan3A_344, %lt3A_366 : i32
      %not3A_368 = arith.constant true
      %not3A_369 = arith.xori %and3A, %not3A_368 : i1
      %and3A_370 = arith.andi %lt3A_367, %not3A_369 : i1
      %add3A_371 = arith.addi %scan3A_343, %convert_element_type3A_360 : i32
      %select_n3A_372 = arith.select %and3A_370, %add3A_371, %scan3A_343 : i32
      scf.yield %select_n3A_372, %select_n3A_363, %select_n3A_365 : i32, i32, i32
    }
    %scan3A_296 = arith.constant 256 : i32
    %shift_left3A_297 = arith.constant 8 : i32
    %shift_left3A_298 = arith.shli %or3A_284, %shift_left3A_297 : i32
    %or3A_299 = arith.ori %shift_left3A_298, %scan3A_295#1 : i32
    %parallel_loop3A_300 = arith.constant 0 : i32
    %parallel_loop3A_301 = arith.constant 6250 : i32
    %parallel_loop3A_302 = arith.constant 1 : i32
    %parallel_loop3A_303 = scf.for %parallel_loop3A_342 = %parallel_loop3A_300 to %parallel_loop3A_301 step %parallel_loop3A_302 iter_args(%parallel_loop3A_343 = %add3A_16) -> (vector<16xf32>)  : i32 {
      %parallel_loop3A_344 = arith.constant 16 : i32
      %parallel_loop3A_345 = arith.muli %parallel_loop3A_342, %parallel_loop3A_344 : i32
      %parallel_loop3A_346 = arith.index_cast %parallel_loop3A_345 : i32 to index
      %parallel_loop3A_347 = tpu.vector_load %arg4[%parallel_loop3A_346] {strides = array<i32>} : memref<100000xf32, #tpu.memory_space<vmem>>, vector<16xf32>,
      %parallel_loop3A_348 = vector.bitcast %parallel_loop3A_347 : vector<16xf32> to vector<16xi32>
      %parallel_loop3A_349 = arith.constant 0 : i32
      %parallel_loop3A_350 = vector.broadcast %parallel_loop3A_349 : i32 to vector<16xi32>
      %parallel_loop3A_351 = arith.shrui %parallel_loop3A_348, %parallel_loop3A_350 : vector<16xi32>
      %parallel_loop3A_352 = arith.constant 255 : i32
      %parallel_loop3A_353 = vector.broadcast %parallel_loop3A_352 : i32 to vector<16xi32>
      %parallel_loop3A_354 = arith.andi %parallel_loop3A_351, %parallel_loop3A_353 : vector<16xi32>
      %parallel_loop3A_355 = arith.constant 8 : i32
      %parallel_loop3A_356 = vector.broadcast %parallel_loop3A_355 : i32 to vector<16xi32>
      %parallel_loop3A_357 = arith.shrui %parallel_loop3A_348, %parallel_loop3A_356 : vector<16xi32>
      %parallel_loop3A_358 = vector.broadcast %or3A_299 : i32 to vector<16xi32>
      %parallel_loop3A_359 = arith.cmpi eq, %parallel_loop3A_357, %parallel_loop3A_358 : vector<16xi32>
      %parallel_loop3A_360 = arith.constant 16 : i32
      %parallel_loop3A_361 = vector.broadcast %parallel_loop3A_360 : i32 to vector<16xi32>
      %parallel_loop3A_362 = arith.muli %parallel_loop3A_354, %parallel_loop3A_361 : vector<16xi32>
      %parallel_loop3A_363 = arith.addi %parallel_loop3A_362, %convert_element_type3A_13 : vector<16xi32>
      tpu.vector_store_idx %arg5[%parallel_loop3A_363], %add3A_5 masked %parallel_loop3A_359 {add = true} : memref<4096xi32, #tpu.memory_space<vmem>>[vector<16xi32>], vector<16xi32>, vector<16xi1>
      scf.yield %parallel_loop3A_343 : vector<16xf32>
    } {sc.loop_unroll_factor = 10 : i64, sc.parallel_access}
    %sub3A_304 = arith.constant 1 : i32
    %sub3A_305 = arith.subi %mul3A_2, %sub3A_304 : i32
    %scan3A_306 = arith.constant 0 : i32
    %scan3A_307 = arith.constant 256 : i32
    %scan3A_308 = arith.addi %scan3A_306, %scan3A_307 : i32
    %scan3A_309 = arith.constant 1 : i32
    %scan3A_310:3 = scf.for %scan3A_342 = %scan3A_306 to %scan3A_308 step %scan3A_309 iter_args(%scan3A_343 = %mul3A_2, %scan3A_344 = %sub3A_305, %scan3A_345 = %scan3A_295#2) -> (i32, i32, i32)  : i32 {
      %sub3A_346 = arith.constant 255 : i32
      %sub3A_347 = arith.subi %sub3A_346, %scan3A_342 : i32
      %mul3A_348 = arith.constant 16 : i32
      %mul3A_349 = arith.muli %sub3A_347, %mul3A_348 : i32
      %get3A = arith.index_cast %mul3A_349 : i32 to index
      %get3A_350 = tpu.vector_load %arg5[%get3A] {strides = array<i32>} : memref<4096xi32, #tpu.memory_space<vmem>>, vector<16xi32>,
      %mul3A_351 = arith.constant 16 : i32
      %mul3A_352 = arith.muli %sub3A_347, %mul3A_351 : i32
      %swap3A_353 = arith.index_cast %mul3A_352 : i32 to index
      %swap3A_354 = tpu.vector_load %arg5[%swap3A_353] {strides = array<i32>} : memref<4096xi32, #tpu.memory_space<vmem>>, vector<16xi32>,
      tpu.vector_store %arg5[%swap3A_353], %broadcast_in_dim3A {strides = array<i32>} : memref<4096xi32, #tpu.memory_space<vmem>>, vector<16xi32>,
      %convert_element_type3A_355 = arith.sitofp %get3A_350 : vector<16xi32> to vector<16xf32>
      %reduce_sum3A_356 = arith.constant true
      %reduce_sum3A_357 = vector.broadcast %reduce_sum3A_356 : i1 to vector<16xi1>
      %reduce_sum3A_358 = tpu.scan <sum>, %convert_element_type3A_355 masked %reduce_sum3A_357 : vector<16xf32>, vector<16xi1> -> vector<16xf32>
      %reduce_sum3A_359 = vector.extract %reduce_sum3A_358[15] : f32 from vector<16xf32>
      %convert_element_type3A_360 = arith.fptosi %reduce_sum3A_359 : f32 to i32
      %lt3A = arith.constant 0 : i32
      %lt3A_361 = arith.cmpi slt, %scan3A_344, %lt3A : i32
      %add3A_362 = arith.addi %scan3A_343, %convert_element_type3A_360 : i32
      %ge3A = arith.cmpi sge, %add3A_362, %scan3A_345 : i32
      %and3A = arith.andi %lt3A_361, %ge3A : i1
      %select_n3A_363 = arith.select %and3A, %sub3A_347, %scan3A_344 : i32
      %sub3A_364 = arith.subi %scan3A_345, %scan3A_343 : i32
      %select_n3A_365 = arith.select %and3A, %sub3A_364, %scan3A_345 : i32
      %lt3A_366 = arith.constant 0 : i32
      %lt3A_367 = arith.cmpi slt, %scan3A_344, %lt3A_366 : i32
      %not3A_368 = arith.constant true
      %not3A_369 = arith.xori %and3A, %not3A_368 : i1
      %and3A_370 = arith.andi %lt3A_367, %not3A_369 : i1
      %add3A_371 = arith.addi %scan3A_343, %convert_element_type3A_360 : i32
      %select_n3A_372 = arith.select %and3A_370, %add3A_371, %scan3A_343 : i32
      scf.yield %select_n3A_372, %select_n3A_363, %select_n3A_365 : i32, i32, i32
    }
    %scan3A_311 = arith.constant 256 : i32
    %shift_left3A_312 = arith.constant 8 : i32
    %shift_left3A_313 = arith.shli %or3A_299, %shift_left3A_312 : i32
    %or3A_314 = arith.ori %shift_left3A_313, %scan3A_310#1 : i32
    %shift_right_logical3A = arith.constant 31 : i32
    %shift_right_logical3A_315 = arith.shrui %or3A_314, %shift_right_logical3A : i32
    %eq3A = arith.constant 1 : i32
    %eq3A_316 = arith.cmpi eq, %shift_right_logical3A_315, %eq3A : i32
    %xor3A = arith.constant -2147483648 : i32
    %xor3A_317 = arith.xori %or3A_314, %xor3A : i32
    %not3A = arith.constant -1 : i32
    %not3A_318 = arith.xori %or3A_314, %not3A : i32
    %select_n3A = arith.select %eq3A_316, %xor3A_317, %not3A_318 : i32
    %broadcast_in_dim3A_319 = vector.broadcast %select_n3A : i32 to vector<16xi32>
    %bitcast3A = vector.bitcast %broadcast_in_dim3A_319 : vector<16xi32> to vector<16xf32>
    %broadcast_in_dim3A_320 = vector.broadcast %or3A_314 : i32 to vector<16xi32>
    %reduce_max3A = arith.constant true
    %reduce_max3A_321 = vector.broadcast %reduce_max3A : i1 to vector<16xi1>
    %reduce_max3A_322 = tpu.scan <max>, %parallel_loop3A_261 masked %reduce_max3A_321 : vector<16xf32>, vector<16xi1> -> vector<16xf32>
    %reduce_max3A_323 = vector.extract %reduce_max3A_322[15] : f32 from vector<16xf32>
    %broadcast_in_dim3A_324 = vector.broadcast %reduce_max3A_323 : f32 to vector<16xf32>
    %parallel_loop3A_325 = arith.constant 0 : i32
    %parallel_loop3A_326 = arith.constant 6250 : i32
    %parallel_loop3A_327 = arith.constant 1 : i32
    %parallel_loop3A_328 = scf.for %parallel_loop3A_342 = %parallel_loop3A_325 to %parallel_loop3A_326 step %parallel_loop3A_327 iter_args(%parallel_loop3A_343 = %convert_element_type3A) -> (vector<16xf32>)  : i32 {
      %parallel_loop3A_344 = arith.constant 16 : i32
      %parallel_loop3A_345 = arith.muli %parallel_loop3A_342, %parallel_loop3A_344 : i32
      %parallel_loop3A_346 = arith.index_cast %parallel_loop3A_345 : i32 to index
      %parallel_loop3A_347 = tpu.vector_load %arg4[%parallel_loop3A_346] {strides = array<i32>} : memref<100000xf32, #tpu.memory_space<vmem>>, vector<16xf32>,
      %parallel_loop3A_348 = vector.bitcast %parallel_loop3A_347 : vector<16xf32> to vector<16xi32>
      %parallel_loop3A_349 = arith.constant 31 : i32
      %parallel_loop3A_350 = vector.broadcast %parallel_loop3A_349 : i32 to vector<16xi32>
      %parallel_loop3A_351 = arith.shrui %parallel_loop3A_348, %parallel_loop3A_350 : vector<16xi32>
      %parallel_loop3A_352 = arith.constant 1 : i32
      %parallel_loop3A_353 = vector.broadcast %parallel_loop3A_352 : i32 to vector<16xi32>
      %parallel_loop3A_354 = arith.cmpi eq, %parallel_loop3A_351, %parallel_loop3A_353 : vector<16xi32>
      %parallel_loop3A_355 = arith.constant -2147483648 : i32
      %parallel_loop3A_356 = vector.broadcast %parallel_loop3A_355 : i32 to vector<16xi32>
      %parallel_loop3A_357 = arith.xori %parallel_loop3A_348, %parallel_loop3A_356 : vector<16xi32>
      %parallel_loop3A_358 = arith.constant dense<-1> : vector<16xi32>
      %parallel_loop3A_359 = arith.xori %parallel_loop3A_348, %parallel_loop3A_358 : vector<16xi32>
      %parallel_loop3A_360 = arith.select %parallel_loop3A_354, %parallel_loop3A_357, %parallel_loop3A_359 : vector<16xi1>, vector<16xi32>
      %parallel_loop3A_361 = vector.bitcast %parallel_loop3A_360 : vector<16xi32> to vector<16xf32>
      %parallel_loop3A_362 = arith.subf %parallel_loop3A_361, %broadcast_in_dim3A_324 : vector<16xf32>
      %parallel_loop3A_363 = math.exp %parallel_loop3A_362 : vector<16xf32>
      %parallel_loop3A_364 = arith.cmpi uge, %parallel_loop3A_348, %broadcast_in_dim3A_320 : vector<16xi32>
      %parallel_loop3A_365 = arith.constant 0.000000e+00 : f32
      %parallel_loop3A_366 = vector.broadcast %parallel_loop3A_365 : f32 to vector<16xf32>
      %parallel_loop3A_367 = arith.select %parallel_loop3A_364, %parallel_loop3A_363, %parallel_loop3A_366 : vector<16xi1>, vector<16xf32>
      %parallel_loop3A_368 = arith.addf %parallel_loop3A_343, %parallel_loop3A_367 : vector<16xf32>
      scf.yield %parallel_loop3A_368 : vector<16xf32>
    } {sc.loop_unroll_factor = 10 : i64, sc.parallel_access}
    %reduce_sum3A = arith.constant true
    %reduce_sum3A_329 = vector.broadcast %reduce_sum3A : i1 to vector<16xi1>
    %reduce_sum3A_330 = tpu.scan <sum>, %parallel_loop3A_328 masked %reduce_sum3A_329 : vector<16xf32>, vector<16xi1> -> vector<16xf32>
    %reduce_sum3A_331 = vector.extract %reduce_sum3A_330[15] : f32 from vector<16xf32>
    %broadcast_in_dim3A_332 = vector.broadcast %reduce_sum3A_331 : f32 to vector<16xf32>
    %swap3A = arith.constant 0 : index
    %swap3A_333 = tpu.vector_load %arg6[%swap3A] {strides = array<i32>} : memref<48xf32, #tpu.memory_space<vmem>>, vector<16xf32>,
    tpu.vector_store %arg6[%swap3A], %bitcast3A {strides = array<i32>} : memref<48xf32, #tpu.memory_space<vmem>>, vector<16xf32>,
    %swap3A_334 = arith.constant 16 : index
    %swap3A_335 = tpu.vector_load %arg6[%swap3A_334] {strides = array<i32>} : memref<48xf32, #tpu.memory_space<vmem>>, vector<16xf32>,
    tpu.vector_store %arg6[%swap3A_334], %broadcast_in_dim3A_324 {strides = array<i32>} : memref<48xf32, #tpu.memory_space<vmem>>, vector<16xf32>,
    %swap3A_336 = arith.constant 32 : index
    %swap3A_337 = tpu.vector_load %arg6[%swap3A_336] {strides = array<i32>} : memref<48xf32, #tpu.memory_space<vmem>>, vector<16xf32>,
    tpu.vector_store %arg6[%swap3A_336], %broadcast_in_dim3A_332 {strides = array<i32>} : memref<48xf32, #tpu.memory_space<vmem>>, vector<16xf32>,
    %mul3A_338 = arith.constant 3 : i32
    %mul3A_339 = arith.muli %add3A, %mul3A_338 : i32
    %mul3A_340 = arith.constant 16 : i32
    %mul3A_341 = arith.muli %mul3A_339, %mul3A_340 : i32
    "tpu.region"() ({
      %run_scoped3A = tpu.sem_alloc : memref<!tpu.dma_semaphore, #tpu.memory_space<semaphore_mem>>
      %dma_start3A_342 = tpu.memref_slice %arg3[%mul3A_341] : memref<1536xf32, #tpu.memory_space<hbm>> -> memref<48xf32, #tpu.memory_space<hbm>>
      %dma_start3A_343 = tpu.memref_slice %arg3[%mul3A_341] : memref<1536xf32, #tpu.memory_space<hbm>> -> memref<48xf32, #tpu.memory_space<hbm>>
      tpu.enqueue_dma source(%arg6 : memref<48xf32, #tpu.memory_space<vmem>>) target(%dma_start3A_343 : memref<48xf32, #tpu.memory_space<hbm>>) target_semaphore(%run_scoped3A : memref<!tpu.dma_semaphore, #tpu.memory_space<semaphore_mem>>)
      %dma_wait3A_344 = tpu.memref_slice %arg3[%mul3A_341] : memref<1536xf32, #tpu.memory_space<hbm>> -> memref<48xf32, #tpu.memory_space<hbm>>
      %dma_wait3A_345 = tpu.memref_slice %arg3[%mul3A_341] : memref<1536xf32, #tpu.memory_space<hbm>> -> memref<48xf32, #tpu.memory_space<hbm>>
      tpu.wait_dma2 semaphore(%run_scoped3A : memref<!tpu.dma_semaphore, #tpu.memory_space<semaphore_mem>>) src(%arg6 : memref<48xf32, #tpu.memory_space<vmem>>) dst(%dma_wait3A_345 : memref<48xf32, #tpu.memory_space<hbm>>)
      tpu.yield
    }) : () -> ()
    return
  }
}

#map = affine_map<(d0, d1) -> (0)>
module attributes {stable_mosaic.version = 14 : i64} {
  func.func @_body_b(%arg0: i32, %arg1: i32, %arg2: memref<3200000xf32, #tpu.memory_space<hbm>>, %arg3: memref<3200000xf32, #tpu.memory_space<hbm>>, %arg4: memref<1536xf32, #tpu.memory_space<hbm>>, %arg5: memref<3200000xf32, #tpu.memory_space<hbm>>, %arg6: memref<512xi32, #tpu.memory_space<hbm>>, %arg7: memref<10000xf32, #tpu.memory_space<vmem>>, %arg8: memref<10000xf32, #tpu.memory_space<vmem>>, %arg9: memref<10000xf32, #tpu.memory_space<vmem>>, %arg10: memref<10000xf32, #tpu.memory_space<vmem>>, %arg11: memref<10000xf32, #tpu.memory_space<vmem>>, %arg12: memref<10000xf32, #tpu.memory_space<vmem>>, %arg13: memref<10000xf32, #tpu.memory_space<vmem>>, %arg14: memref<10000xf32, #tpu.memory_space<vmem>>, %arg15: memref<10000xf32, #tpu.memory_space<vmem>>, %arg16: memref<48xf32, #tpu.memory_space<vmem>>, %arg17: memref<16xi32, #tpu.memory_space<vmem>>, %arg18: memref<!tpu.dma_semaphore, #tpu.memory_space<semaphore_mem>>, %arg19: memref<!tpu.dma_semaphore, #tpu.memory_space<semaphore_mem>>, %arg20: memref<!tpu.dma_semaphore, #tpu.memory_space<semaphore_mem>>, %arg21: memref<!tpu.dma_semaphore, #tpu.memory_space<semaphore_mem>>, %arg22: memref<!tpu.dma_semaphore, #tpu.memory_space<semaphore_mem>>, %arg23: memref<!tpu.dma_semaphore, #tpu.memory_space<semaphore_mem>>, %arg24: memref<!tpu.dma_semaphore, #tpu.memory_space<semaphore_mem>>, %arg25: memref<!tpu.dma_semaphore, #tpu.memory_space<semaphore_mem>>, %arg26: memref<!tpu.dma_semaphore, #tpu.memory_space<semaphore_mem>>) attributes {dimension_semantics = [#tpu.dimension_semantics<core_parallel>, #tpu.dimension_semantics<subcore_parallel>], iteration_bounds = array<i64: 2, 16>, scalar_prefetch = 0 : i64, scratch_operands = 20 : i64, tpu.core_type = #tpu.core_type<sc_vector_subcore>, window_params = [{transform_indices = #map}, {transform_indices = #map}, {transform_indices = #map}, {transform_indices = #map}, {transform_indices = #map}]} {
    %mul3A = arith.constant 2 : i32
    %mul3A_0 = arith.muli %arg1, %mul3A : i32
    %add3A = arith.addi %mul3A_0, %arg0 : i32
    %mul3A_1 = arith.constant 0 : i32
    %mul3A_2 = arith.muli %add3A, %mul3A_1 : i32
    %broadcast_in_dim3A = vector.broadcast %mul3A_2 : i32 to vector<16xi32>
    %convert_element_type3A = arith.sitofp %broadcast_in_dim3A : vector<16xi32> to vector<16xf32>
    %add3A_3 = arith.constant 1.000000e+00 : f32
    %add3A_4 = vector.broadcast %add3A_3 : f32 to vector<16xf32>
    %add3A_5 = arith.addf %convert_element_type3A, %add3A_4 : vector<16xf32>
    %broadcast_in_dim3A_6 = arith.constant true
    %broadcast_in_dim3A_7 = vector.broadcast %broadcast_in_dim3A_6 : i1 to vector<16xi1>
    %masked_cumsum3A = tpu.scan <sum>, %add3A_5 masked %broadcast_in_dim3A_7 : vector<16xf32>, vector<16xi1> -> vector<16xf32>
    %sub3A = arith.constant 1.000000e+00 : f32
    %sub3A_8 = vector.broadcast %sub3A : f32 to vector<16xf32>
    %sub3A_9 = arith.subf %masked_cumsum3A, %sub3A_8 : vector<16xf32>
    %convert_element_type3A_10 = arith.fptosi %sub3A_9 : vector<16xf32> to vector<16xi32>
    %add3A_11 = arith.constant 0xFF800000 : f32
    %add3A_12 = vector.broadcast %add3A_11 : f32 to vector<16xf32>
    %add3A_13 = arith.addf %convert_element_type3A, %add3A_12 : vector<16xf32>
    %mul3A_14 = arith.constant 100000 : i32
    %mul3A_15 = arith.muli %add3A, %mul3A_14 : i32
    %add3A_16 = arith.constant 0 : i32
    %add3A_17 = arith.addi %mul3A_15, %add3A_16 : i32
    %dma_start3A = tpu.memref_slice %arg2[%add3A_17] : memref<3200000xf32, #tpu.memory_space<hbm>> -> memref<10000xf32, #tpu.memory_space<hbm>>
    %dma_start3A_18 = tpu.memref_slice %arg2[%add3A_17] : memref<3200000xf32, #tpu.memory_space<hbm>> -> memref<10000xf32, #tpu.memory_space<hbm>>
    tpu.enqueue_dma source(%dma_start3A_18 : memref<10000xf32, #tpu.memory_space<hbm>>) target(%arg7 : memref<10000xf32, #tpu.memory_space<vmem>>) target_semaphore(%arg18 : memref<!tpu.dma_semaphore, #tpu.memory_space<semaphore_mem>>)
    %mul3A_19 = arith.constant 100000 : i32
    %mul3A_20 = arith.muli %add3A, %mul3A_19 : i32
    %add3A_21 = arith.constant 0 : i32
    %add3A_22 = arith.addi %mul3A_20, %add3A_21 : i32
    %dma_start3A_23 = tpu.memref_slice %arg3[%add3A_22] : memref<3200000xf32, #tpu.memory_space<hbm>> -> memref<10000xf32, #tpu.memory_space<hbm>>
    %dma_start3A_24 = tpu.memref_slice %arg3[%add3A_22] : memref<3200000xf32, #tpu.memory_space<hbm>> -> memref<10000xf32, #tpu.memory_space<hbm>>
    tpu.enqueue_dma source(%dma_start3A_24 : memref<10000xf32, #tpu.memory_space<hbm>>) target(%arg10 : memref<10000xf32, #tpu.memory_space<vmem>>) target_semaphore(%arg21 : memref<!tpu.dma_semaphore, #tpu.memory_space<semaphore_mem>>)
    %mul3A_25 = arith.constant 100000 : i32
    %mul3A_26 = arith.muli %add3A, %mul3A_25 : i32
    %add3A_27 = arith.constant 10000 : i32
    %add3A_28 = arith.addi %mul3A_26, %add3A_27 : i32
    %dma_start3A_29 = tpu.memref_slice %arg2[%add3A_28] : memref<3200000xf32, #tpu.memory_space<hbm>> -> memref<10000xf32, #tpu.memory_space<hbm>>
    %dma_start3A_30 = tpu.memref_slice %arg2[%add3A_28] : memref<3200000xf32, #tpu.memory_space<hbm>> -> memref<10000xf32, #tpu.memory_space<hbm>>
    tpu.enqueue_dma source(%dma_start3A_30 : memref<10000xf32, #tpu.memory_space<hbm>>) target(%arg8 : memref<10000xf32, #tpu.memory_space<vmem>>) target_semaphore(%arg19 : memref<!tpu.dma_semaphore, #tpu.memory_space<semaphore_mem>>)
    %mul3A_31 = arith.constant 100000 : i32
    %mul3A_32 = arith.muli %add3A, %mul3A_31 : i32
    %add3A_33 = arith.constant 10000 : i32
    %add3A_34 = arith.addi %mul3A_32, %add3A_33 : i32
    %dma_start3A_35 = tpu.memref_slice %arg3[%add3A_34] : memref<3200000xf32, #tpu.memory_space<hbm>> -> memref<10000xf32, #tpu.memory_space<hbm>>
    %dma_start3A_36 = tpu.memref_slice %arg3[%add3A_34] : memref<3200000xf32, #tpu.memory_space<hbm>> -> memref<10000xf32, #tpu.memory_space<hbm>>
    tpu.enqueue_dma source(%dma_start3A_36 : memref<10000xf32, #tpu.memory_space<hbm>>) target(%arg11 : memref<10000xf32, #tpu.memory_space<vmem>>) target_semaphore(%arg22 : memref<!tpu.dma_semaphore, #tpu.memory_space<semaphore_mem>>)
    %mul3A_37 = arith.constant 3 : i32
    %mul3A_38 = arith.muli %add3A, %mul3A_37 : i32
    %mul3A_39 = arith.constant 16 : i32
    %mul3A_40 = arith.muli %mul3A_38, %mul3A_39 : i32
    "tpu.region"() ({
      %run_scoped3A = tpu.sem_alloc : memref<!tpu.dma_semaphore, #tpu.memory_space<semaphore_mem>>
      %dma_start3A_437 = tpu.memref_slice %arg4[%mul3A_40] : memref<1536xf32, #tpu.memory_space<hbm>> -> memref<48xf32, #tpu.memory_space<hbm>>
      %dma_start3A_438 = tpu.memref_slice %arg4[%mul3A_40] : memref<1536xf32, #tpu.memory_space<hbm>> -> memref<48xf32, #tpu.memory_space<hbm>>
      tpu.enqueue_dma source(%dma_start3A_438 : memref<48xf32, #tpu.memory_space<hbm>>) target(%arg16 : memref<48xf32, #tpu.memory_space<vmem>>) target_semaphore(%run_scoped3A : memref<!tpu.dma_semaphore, #tpu.memory_space<semaphore_mem>>)
      %dma_wait3A_439 = tpu.memref_slice %arg4[%mul3A_40] : memref<1536xf32, #tpu.memory_space<hbm>> -> memref<48xf32, #tpu.memory_space<hbm>>
      %dma_wait3A_440 = tpu.memref_slice %arg4[%mul3A_40] : memref<1536xf32, #tpu.memory_space<hbm>> -> memref<48xf32, #tpu.memory_space<hbm>>
      tpu.wait_dma2 semaphore(%run_scoped3A : memref<!tpu.dma_semaphore, #tpu.memory_space<semaphore_mem>>) src(%dma_wait3A_440 : memref<48xf32, #tpu.memory_space<hbm>>) dst(%arg16 : memref<48xf32, #tpu.memory_space<vmem>>)
      tpu.yield
    }) : () -> ()
    %get3A = arith.constant 0 : index
    %get3A_41 = tpu.vector_load %arg16[%get3A] {strides = array<i32>} : memref<48xf32, #tpu.memory_space<vmem>>, vector<16xf32>,
    %get3A_42 = arith.constant 16 : index
    %get3A_43 = tpu.vector_load %arg16[%get3A_42] {strides = array<i32>} : memref<48xf32, #tpu.memory_space<vmem>>, vector<16xf32>,
    %add3A_44 = arith.constant 1.000000e+00 : f32
    %add3A_45 = vector.broadcast %add3A_44 : f32 to vector<16xf32>
    %add3A_46 = arith.addf %convert_element_type3A, %add3A_45 : vector<16xf32>
    %get3A_47 = arith.constant 32 : index
    %get3A_48 = tpu.vector_load %arg16[%get3A_47] {strides = array<i32>} : memref<48xf32, #tpu.memory_space<vmem>>, vector<16xf32>,
    %div3A = arith.divf %add3A_46, %get3A_48 : vector<16xf32>
    %mul3A_49 = arith.constant 100000 : i32
    %mul3A_50 = arith.muli %add3A, %mul3A_49 : i32
    %add3A_51 = arith.constant 20000 : i32
    %add3A_52 = arith.addi %mul3A_50, %add3A_51 : i32
    %dma_start3A_53 = tpu.memref_slice %arg2[%add3A_52] : memref<3200000xf32, #tpu.memory_space<hbm>> -> memref<10000xf32, #tpu.memory_space<hbm>>
    %dma_start3A_54 = tpu.memref_slice %arg2[%add3A_52] : memref<3200000xf32, #tpu.memory_space<hbm>> -> memref<10000xf32, #tpu.memory_space<hbm>>
    tpu.enqueue_dma source(%dma_start3A_54 : memref<10000xf32, #tpu.memory_space<hbm>>) target(%arg9 : memref<10000xf32, #tpu.memory_space<vmem>>) target_semaphore(%arg20 : memref<!tpu.dma_semaphore, #tpu.memory_space<semaphore_mem>>)
    %mul3A_55 = arith.constant 100000 : i32
    %mul3A_56 = arith.muli %add3A, %mul3A_55 : i32
    %add3A_57 = arith.constant 20000 : i32
    %add3A_58 = arith.addi %mul3A_56, %add3A_57 : i32
    %dma_start3A_59 = tpu.memref_slice %arg3[%add3A_58] : memref<3200000xf32, #tpu.memory_space<hbm>> -> memref<10000xf32, #tpu.memory_space<hbm>>
    %dma_start3A_60 = tpu.memref_slice %arg3[%add3A_58] : memref<3200000xf32, #tpu.memory_space<hbm>> -> memref<10000xf32, #tpu.memory_space<hbm>>
    tpu.enqueue_dma source(%dma_start3A_60 : memref<10000xf32, #tpu.memory_space<hbm>>) target(%arg12 : memref<10000xf32, #tpu.memory_space<vmem>>) target_semaphore(%arg23 : memref<!tpu.dma_semaphore, #tpu.memory_space<semaphore_mem>>)
    %mul3A_61 = arith.constant 100000 : i32
    %mul3A_62 = arith.muli %add3A, %mul3A_61 : i32
    %add3A_63 = arith.constant 0 : i32
    %add3A_64 = arith.addi %mul3A_62, %add3A_63 : i32
    %dma_wait3A = tpu.memref_slice %arg2[%add3A_64] : memref<3200000xf32, #tpu.memory_space<hbm>> -> memref<10000xf32, #tpu.memory_space<hbm>>
    %dma_wait3A_65 = tpu.memref_slice %arg2[%add3A_64] : memref<3200000xf32, #tpu.memory_space<hbm>> -> memref<10000xf32, #tpu.memory_space<hbm>>
    tpu.wait_dma2 semaphore(%arg18 : memref<!tpu.dma_semaphore, #tpu.memory_space<semaphore_mem>>) src(%dma_wait3A_65 : memref<10000xf32, #tpu.memory_space<hbm>>) dst(%arg7 : memref<10000xf32, #tpu.memory_space<vmem>>)
    %mul3A_66 = arith.constant 100000 : i32
    %mul3A_67 = arith.muli %add3A, %mul3A_66 : i32
    %add3A_68 = arith.constant 0 : i32
    %add3A_69 = arith.addi %mul3A_67, %add3A_68 : i32
    %dma_wait3A_70 = tpu.memref_slice %arg3[%add3A_69] : memref<3200000xf32, #tpu.memory_space<hbm>> -> memref<10000xf32, #tpu.memory_space<hbm>>
    %dma_wait3A_71 = tpu.memref_slice %arg3[%add3A_69] : memref<3200000xf32, #tpu.memory_space<hbm>> -> memref<10000xf32, #tpu.memory_space<hbm>>
    tpu.wait_dma2 semaphore(%arg21 : memref<!tpu.dma_semaphore, #tpu.memory_space<semaphore_mem>>) src(%dma_wait3A_71 : memref<10000xf32, #tpu.memory_space<hbm>>) dst(%arg10 : memref<10000xf32, #tpu.memory_space<vmem>>)
    %parallel_loop3A = arith.constant 0 : i32
    %parallel_loop3A_72 = arith.constant 625 : i32
    %parallel_loop3A_73 = arith.constant 1 : i32
    %parallel_loop3A_74:2 = scf.for %parallel_loop3A_437 = %parallel_loop3A to %parallel_loop3A_72 step %parallel_loop3A_73 iter_args(%parallel_loop3A_438 = %add3A_13, %parallel_loop3A_439 = %broadcast_in_dim3A) -> (vector<16xf32>, vector<16xi32>)  : i32 {
      %parallel_loop3A_440 = arith.constant 16 : i32
      %parallel_loop3A_441 = arith.muli %parallel_loop3A_437, %parallel_loop3A_440 : i32
      %parallel_loop3A_442 = arith.index_cast %parallel_loop3A_441 : i32 to index
      %parallel_loop3A_443 = tpu.vector_load %arg7[%parallel_loop3A_442] {strides = array<i32>} : memref<10000xf32, #tpu.memory_space<vmem>>, vector<16xf32>,
      %parallel_loop3A_444 = arith.index_cast %parallel_loop3A_441 : i32 to index
      %parallel_loop3A_445 = tpu.vector_load %arg10[%parallel_loop3A_444] {strides = array<i32>} : memref<10000xf32, #tpu.memory_space<vmem>>, vector<16xf32>,
      %parallel_loop3A_446 = arith.cmpf oge, %parallel_loop3A_443, %get3A_41 : vector<16xf32>
      %parallel_loop3A_447 = arith.subf %parallel_loop3A_443, %get3A_43 : vector<16xf32>
      %parallel_loop3A_448 = math.exp %parallel_loop3A_447 : vector<16xf32>
      %parallel_loop3A_449 = arith.mulf %parallel_loop3A_448, %div3A : vector<16xf32>
      %parallel_loop3A_450 = arith.constant 0.000000e+00 : f32
      %parallel_loop3A_451 = vector.broadcast %parallel_loop3A_450 : f32 to vector<16xf32>
      %parallel_loop3A_452 = arith.select %parallel_loop3A_446, %parallel_loop3A_449, %parallel_loop3A_451 : vector<16xi1>, vector<16xf32>
      %parallel_loop3A_453 = arith.index_cast %parallel_loop3A_441 : i32 to index
      %parallel_loop3A_454 = tpu.vector_load %arg13[%parallel_loop3A_453] {strides = array<i32>} : memref<10000xf32, #tpu.memory_space<vmem>>, vector<16xf32>,
      tpu.vector_store %arg13[%parallel_loop3A_453], %parallel_loop3A_452 {strides = array<i32>} : memref<10000xf32, #tpu.memory_space<vmem>>, vector<16xf32>,
      %parallel_loop3A_455 = arith.addf %parallel_loop3A_443, %parallel_loop3A_445 : vector<16xf32>
      %parallel_loop3A_456 = arith.constant 0xFF800000 : f32
      %parallel_loop3A_457 = vector.broadcast %parallel_loop3A_456 : f32 to vector<16xf32>
      %parallel_loop3A_458 = arith.select %parallel_loop3A_446, %parallel_loop3A_455, %parallel_loop3A_457 : vector<16xi1>, vector<16xf32>
      %parallel_loop3A_459 = arith.cmpf ogt, %parallel_loop3A_458, %parallel_loop3A_438 : vector<16xf32>
      %parallel_loop3A_460 = arith.select %parallel_loop3A_459, %parallel_loop3A_458, %parallel_loop3A_438 : vector<16xi1>, vector<16xf32>
      %parallel_loop3A_461 = arith.constant 0 : i32
      %parallel_loop3A_462 = arith.addi %parallel_loop3A_461, %parallel_loop3A_441 : i32
      %parallel_loop3A_463 = vector.broadcast %parallel_loop3A_462 : i32 to vector<16xi32>
      %parallel_loop3A_464 = arith.addi %parallel_loop3A_463, %convert_element_type3A_10 : vector<16xi32>
      %parallel_loop3A_465 = arith.select %parallel_loop3A_459, %parallel_loop3A_464, %parallel_loop3A_439 : vector<16xi1>, vector<16xi32>
      scf.yield %parallel_loop3A_460, %parallel_loop3A_465 : vector<16xf32>, vector<16xi32>
    } {sc.loop_unroll_factor = 5 : i64, sc.parallel_access}
    %mul3A_75 = arith.constant 100000 : i32
    %mul3A_76 = arith.muli %add3A, %mul3A_75 : i32
    %add3A_77 = arith.constant 0 : i32
    %add3A_78 = arith.addi %mul3A_76, %add3A_77 : i32
    %dma_start3A_79 = tpu.memref_slice %arg5[%add3A_78] : memref<3200000xf32, #tpu.memory_space<hbm>> -> memref<10000xf32, #tpu.memory_space<hbm>>
    %dma_start3A_80 = tpu.memref_slice %arg5[%add3A_78] : memref<3200000xf32, #tpu.memory_space<hbm>> -> memref<10000xf32, #tpu.memory_space<hbm>>
    tpu.enqueue_dma source(%arg13 : memref<10000xf32, #tpu.memory_space<vmem>>) target(%dma_start3A_80 : memref<10000xf32, #tpu.memory_space<hbm>>) target_semaphore(%arg24 : memref<!tpu.dma_semaphore, #tpu.memory_space<semaphore_mem>>)
    %mul3A_81 = arith.constant 100000 : i32
    %mul3A_82 = arith.muli %add3A, %mul3A_81 : i32
    %add3A_83 = arith.constant 30000 : i32
    %add3A_84 = arith.addi %mul3A_82, %add3A_83 : i32
    %dma_start3A_85 = tpu.memref_slice %arg2[%add3A_84] : memref<3200000xf32, #tpu.memory_space<hbm>> -> memref<10000xf32, #tpu.memory_space<hbm>>
    %dma_start3A_86 = tpu.memref_slice %arg2[%add3A_84] : memref<3200000xf32, #tpu.memory_space<hbm>> -> memref<10000xf32, #tpu.memory_space<hbm>>
    tpu.enqueue_dma source(%dma_start3A_86 : memref<10000xf32, #tpu.memory_space<hbm>>) target(%arg7 : memref<10000xf32, #tpu.memory_space<vmem>>) target_semaphore(%arg18 : memref<!tpu.dma_semaphore, #tpu.memory_space<semaphore_mem>>)
    %mul3A_87 = arith.constant 100000 : i32
    %mul3A_88 = arith.muli %add3A, %mul3A_87 : i32
    %add3A_89 = arith.constant 30000 : i32
    %add3A_90 = arith.addi %mul3A_88, %add3A_89 : i32
    %dma_start3A_91 = tpu.memref_slice %arg3[%add3A_90] : memref<3200000xf32, #tpu.memory_space<hbm>> -> memref<10000xf32, #tpu.memory_space<hbm>>
    %dma_start3A_92 = tpu.memref_slice %arg3[%add3A_90] : memref<3200000xf32, #tpu.memory_space<hbm>> -> memref<10000xf32, #tpu.memory_space<hbm>>
    tpu.enqueue_dma source(%dma_start3A_92 : memref<10000xf32, #tpu.memory_space<hbm>>) target(%arg10 : memref<10000xf32, #tpu.memory_space<vmem>>) target_semaphore(%arg21 : memref<!tpu.dma_semaphore, #tpu.memory_space<semaphore_mem>>)
    %mul3A_93 = arith.constant 100000 : i32
    %mul3A_94 = arith.muli %add3A, %mul3A_93 : i32
    %add3A_95 = arith.constant 10000 : i32
    %add3A_96 = arith.addi %mul3A_94, %add3A_95 : i32
    %dma_wait3A_97 = tpu.memref_slice %arg2[%add3A_96] : memref<3200000xf32, #tpu.memory_space<hbm>> -> memref<10000xf32, #tpu.memory_space<hbm>>
    %dma_wait3A_98 = tpu.memref_slice %arg2[%add3A_96] : memref<3200000xf32, #tpu.memory_space<hbm>> -> memref<10000xf32, #tpu.memory_space<hbm>>
    tpu.wait_dma2 semaphore(%arg19 : memref<!tpu.dma_semaphore, #tpu.memory_space<semaphore_mem>>) src(%dma_wait3A_98 : memref<10000xf32, #tpu.memory_space<hbm>>) dst(%arg8 : memref<10000xf32, #tpu.memory_space<vmem>>)
    %mul3A_99 = arith.constant 100000 : i32
    %mul3A_100 = arith.muli %add3A, %mul3A_99 : i32
    %add3A_101 = arith.constant 10000 : i32
    %add3A_102 = arith.addi %mul3A_100, %add3A_101 : i32
    %dma_wait3A_103 = tpu.memref_slice %arg3[%add3A_102] : memref<3200000xf32, #tpu.memory_space<hbm>> -> memref<10000xf32, #tpu.memory_space<hbm>>
    %dma_wait3A_104 = tpu.memref_slice %arg3[%add3A_102] : memref<3200000xf32, #tpu.memory_space<hbm>> -> memref<10000xf32, #tpu.memory_space<hbm>>
    tpu.wait_dma2 semaphore(%arg22 : memref<!tpu.dma_semaphore, #tpu.memory_space<semaphore_mem>>) src(%dma_wait3A_104 : memref<10000xf32, #tpu.memory_space<hbm>>) dst(%arg11 : memref<10000xf32, #tpu.memory_space<vmem>>)
    %parallel_loop3A_105 = arith.constant 0 : i32
    %parallel_loop3A_106 = arith.constant 625 : i32
    %parallel_loop3A_107 = arith.constant 1 : i32
    %parallel_loop3A_108:2 = scf.for %parallel_loop3A_437 = %parallel_loop3A_105 to %parallel_loop3A_106 step %parallel_loop3A_107 iter_args(%parallel_loop3A_438 = %parallel_loop3A_74#0, %parallel_loop3A_439 = %parallel_loop3A_74#1) -> (vector<16xf32>, vector<16xi32>)  : i32 {
      %parallel_loop3A_440 = arith.constant 16 : i32
      %parallel_loop3A_441 = arith.muli %parallel_loop3A_437, %parallel_loop3A_440 : i32
      %parallel_loop3A_442 = arith.index_cast %parallel_loop3A_441 : i32 to index
      %parallel_loop3A_443 = tpu.vector_load %arg8[%parallel_loop3A_442] {strides = array<i32>} : memref<10000xf32, #tpu.memory_space<vmem>>, vector<16xf32>,
      %parallel_loop3A_444 = arith.index_cast %parallel_loop3A_441 : i32 to index
      %parallel_loop3A_445 = tpu.vector_load %arg11[%parallel_loop3A_444] {strides = array<i32>} : memref<10000xf32, #tpu.memory_space<vmem>>, vector<16xf32>,
      %parallel_loop3A_446 = arith.cmpf oge, %parallel_loop3A_443, %get3A_41 : vector<16xf32>
      %parallel_loop3A_447 = arith.subf %parallel_loop3A_443, %get3A_43 : vector<16xf32>
      %parallel_loop3A_448 = math.exp %parallel_loop3A_447 : vector<16xf32>
      %parallel_loop3A_449 = arith.mulf %parallel_loop3A_448, %div3A : vector<16xf32>
      %parallel_loop3A_450 = arith.constant 0.000000e+00 : f32
      %parallel_loop3A_451 = vector.broadcast %parallel_loop3A_450 : f32 to vector<16xf32>
      %parallel_loop3A_452 = arith.select %parallel_loop3A_446, %parallel_loop3A_449, %parallel_loop3A_451 : vector<16xi1>, vector<16xf32>
      %parallel_loop3A_453 = arith.index_cast %parallel_loop3A_441 : i32 to index
      %parallel_loop3A_454 = tpu.vector_load %arg14[%parallel_loop3A_453] {strides = array<i32>} : memref<10000xf32, #tpu.memory_space<vmem>>, vector<16xf32>,
      tpu.vector_store %arg14[%parallel_loop3A_453], %parallel_loop3A_452 {strides = array<i32>} : memref<10000xf32, #tpu.memory_space<vmem>>, vector<16xf32>,
      %parallel_loop3A_455 = arith.addf %parallel_loop3A_443, %parallel_loop3A_445 : vector<16xf32>
      %parallel_loop3A_456 = arith.constant 0xFF800000 : f32
      %parallel_loop3A_457 = vector.broadcast %parallel_loop3A_456 : f32 to vector<16xf32>
      %parallel_loop3A_458 = arith.select %parallel_loop3A_446, %parallel_loop3A_455, %parallel_loop3A_457 : vector<16xi1>, vector<16xf32>
      %parallel_loop3A_459 = arith.cmpf ogt, %parallel_loop3A_458, %parallel_loop3A_438 : vector<16xf32>
      %parallel_loop3A_460 = arith.select %parallel_loop3A_459, %parallel_loop3A_458, %parallel_loop3A_438 : vector<16xi1>, vector<16xf32>
      %parallel_loop3A_461 = arith.constant 10000 : i32
      %parallel_loop3A_462 = arith.addi %parallel_loop3A_461, %parallel_loop3A_441 : i32
      %parallel_loop3A_463 = vector.broadcast %parallel_loop3A_462 : i32 to vector<16xi32>
      %parallel_loop3A_464 = arith.addi %parallel_loop3A_463, %convert_element_type3A_10 : vector<16xi32>
      %parallel_loop3A_465 = arith.select %parallel_loop3A_459, %parallel_loop3A_464, %parallel_loop3A_439 : vector<16xi1>, vector<16xi32>
      scf.yield %parallel_loop3A_460, %parallel_loop3A_465 : vector<16xf32>, vector<16xi32>
    } {sc.loop_unroll_factor = 5 : i64, sc.parallel_access}
    %mul3A_109 = arith.constant 100000 : i32
    %mul3A_110 = arith.muli %add3A, %mul3A_109 : i32
    %add3A_111 = arith.constant 10000 : i32
    %add3A_112 = arith.addi %mul3A_110, %add3A_111 : i32
    %dma_start3A_113 = tpu.memref_slice %arg5[%add3A_112] : memref<3200000xf32, #tpu.memory_space<hbm>> -> memref<10000xf32, #tpu.memory_space<hbm>>
    %dma_start3A_114 = tpu.memref_slice %arg5[%add3A_112] : memref<3200000xf32, #tpu.memory_space<hbm>> -> memref<10000xf32, #tpu.memory_space<hbm>>
    tpu.enqueue_dma source(%arg14 : memref<10000xf32, #tpu.memory_space<vmem>>) target(%dma_start3A_114 : memref<10000xf32, #tpu.memory_space<hbm>>) target_semaphore(%arg25 : memref<!tpu.dma_semaphore, #tpu.memory_space<semaphore_mem>>)
    %mul3A_115 = arith.constant 100000 : i32
    %mul3A_116 = arith.muli %add3A, %mul3A_115 : i32
    %add3A_117 = arith.constant 40000 : i32
    %add3A_118 = arith.addi %mul3A_116, %add3A_117 : i32
    %dma_start3A_119 = tpu.memref_slice %arg2[%add3A_118] : memref<3200000xf32, #tpu.memory_space<hbm>> -> memref<10000xf32, #tpu.memory_space<hbm>>
    %dma_start3A_120 = tpu.memref_slice %arg2[%add3A_118] : memref<3200000xf32, #tpu.memory_space<hbm>> -> memref<10000xf32, #tpu.memory_space<hbm>>
    tpu.enqueue_dma source(%dma_start3A_120 : memref<10000xf32, #tpu.memory_space<hbm>>) target(%arg8 : memref<10000xf32, #tpu.memory_space<vmem>>) target_semaphore(%arg19 : memref<!tpu.dma_semaphore, #tpu.memory_space<semaphore_mem>>)
    %mul3A_121 = arith.constant 100000 : i32
    %mul3A_122 = arith.muli %add3A, %mul3A_121 : i32
    %add3A_123 = arith.constant 40000 : i32
    %add3A_124 = arith.addi %mul3A_122, %add3A_123 : i32
    %dma_start3A_125 = tpu.memref_slice %arg3[%add3A_124] : memref<3200000xf32, #tpu.memory_space<hbm>> -> memref<10000xf32, #tpu.memory_space<hbm>>
    %dma_start3A_126 = tpu.memref_slice %arg3[%add3A_124] : memref<3200000xf32, #tpu.memory_space<hbm>> -> memref<10000xf32, #tpu.memory_space<hbm>>
    tpu.enqueue_dma source(%dma_start3A_126 : memref<10000xf32, #tpu.memory_space<hbm>>) target(%arg11 : memref<10000xf32, #tpu.memory_space<vmem>>) target_semaphore(%arg22 : memref<!tpu.dma_semaphore, #tpu.memory_space<semaphore_mem>>)
    %mul3A_127 = arith.constant 100000 : i32
    %mul3A_128 = arith.muli %add3A, %mul3A_127 : i32
    %add3A_129 = arith.constant 20000 : i32
    %add3A_130 = arith.addi %mul3A_128, %add3A_129 : i32
    %dma_wait3A_131 = tpu.memref_slice %arg2[%add3A_130] : memref<3200000xf32, #tpu.memory_space<hbm>> -> memref<10000xf32, #tpu.memory_space<hbm>>
    %dma_wait3A_132 = tpu.memref_slice %arg2[%add3A_130] : memref<3200000xf32, #tpu.memory_space<hbm>> -> memref<10000xf32, #tpu.memory_space<hbm>>
    tpu.wait_dma2 semaphore(%arg20 : memref<!tpu.dma_semaphore, #tpu.memory_space<semaphore_mem>>) src(%dma_wait3A_132 : memref<10000xf32, #tpu.memory_space<hbm>>) dst(%arg9 : memref<10000xf32, #tpu.memory_space<vmem>>)
    %mul3A_133 = arith.constant 100000 : i32
    %mul3A_134 = arith.muli %add3A, %mul3A_133 : i32
    %add3A_135 = arith.constant 20000 : i32
    %add3A_136 = arith.addi %mul3A_134, %add3A_135 : i32
    %dma_wait3A_137 = tpu.memref_slice %arg3[%add3A_136] : memref<3200000xf32, #tpu.memory_space<hbm>> -> memref<10000xf32, #tpu.memory_space<hbm>>
    %dma_wait3A_138 = tpu.memref_slice %arg3[%add3A_136] : memref<3200000xf32, #tpu.memory_space<hbm>> -> memref<10000xf32, #tpu.memory_space<hbm>>
    tpu.wait_dma2 semaphore(%arg23 : memref<!tpu.dma_semaphore, #tpu.memory_space<semaphore_mem>>) src(%dma_wait3A_138 : memref<10000xf32, #tpu.memory_space<hbm>>) dst(%arg12 : memref<10000xf32, #tpu.memory_space<vmem>>)
    %parallel_loop3A_139 = arith.constant 0 : i32
    %parallel_loop3A_140 = arith.constant 625 : i32
    %parallel_loop3A_141 = arith.constant 1 : i32
    %parallel_loop3A_142:2 = scf.for %parallel_loop3A_437 = %parallel_loop3A_139 to %parallel_loop3A_140 step %parallel_loop3A_141 iter_args(%parallel_loop3A_438 = %parallel_loop3A_108#0, %parallel_loop3A_439 = %parallel_loop3A_108#1) -> (vector<16xf32>, vector<16xi32>)  : i32 {
      %parallel_loop3A_440 = arith.constant 16 : i32
      %parallel_loop3A_441 = arith.muli %parallel_loop3A_437, %parallel_loop3A_440 : i32
      %parallel_loop3A_442 = arith.index_cast %parallel_loop3A_441 : i32 to index
      %parallel_loop3A_443 = tpu.vector_load %arg9[%parallel_loop3A_442] {strides = array<i32>} : memref<10000xf32, #tpu.memory_space<vmem>>, vector<16xf32>,
      %parallel_loop3A_444 = arith.index_cast %parallel_loop3A_441 : i32 to index
      %parallel_loop3A_445 = tpu.vector_load %arg12[%parallel_loop3A_444] {strides = array<i32>} : memref<10000xf32, #tpu.memory_space<vmem>>, vector<16xf32>,
      %parallel_loop3A_446 = arith.cmpf oge, %parallel_loop3A_443, %get3A_41 : vector<16xf32>
      %parallel_loop3A_447 = arith.subf %parallel_loop3A_443, %get3A_43 : vector<16xf32>
      %parallel_loop3A_448 = math.exp %parallel_loop3A_447 : vector<16xf32>
      %parallel_loop3A_449 = arith.mulf %parallel_loop3A_448, %div3A : vector<16xf32>
      %parallel_loop3A_450 = arith.constant 0.000000e+00 : f32
      %parallel_loop3A_451 = vector.broadcast %parallel_loop3A_450 : f32 to vector<16xf32>
      %parallel_loop3A_452 = arith.select %parallel_loop3A_446, %parallel_loop3A_449, %parallel_loop3A_451 : vector<16xi1>, vector<16xf32>
      %parallel_loop3A_453 = arith.index_cast %parallel_loop3A_441 : i32 to index
      %parallel_loop3A_454 = tpu.vector_load %arg15[%parallel_loop3A_453] {strides = array<i32>} : memref<10000xf32, #tpu.memory_space<vmem>>, vector<16xf32>,
      tpu.vector_store %arg15[%parallel_loop3A_453], %parallel_loop3A_452 {strides = array<i32>} : memref<10000xf32, #tpu.memory_space<vmem>>, vector<16xf32>,
      %parallel_loop3A_455 = arith.addf %parallel_loop3A_443, %parallel_loop3A_445 : vector<16xf32>
      %parallel_loop3A_456 = arith.constant 0xFF800000 : f32
      %parallel_loop3A_457 = vector.broadcast %parallel_loop3A_456 : f32 to vector<16xf32>
      %parallel_loop3A_458 = arith.select %parallel_loop3A_446, %parallel_loop3A_455, %parallel_loop3A_457 : vector<16xi1>, vector<16xf32>
      %parallel_loop3A_459 = arith.cmpf ogt, %parallel_loop3A_458, %parallel_loop3A_438 : vector<16xf32>
      %parallel_loop3A_460 = arith.select %parallel_loop3A_459, %parallel_loop3A_458, %parallel_loop3A_438 : vector<16xi1>, vector<16xf32>
      %parallel_loop3A_461 = arith.constant 20000 : i32
      %parallel_loop3A_462 = arith.addi %parallel_loop3A_461, %parallel_loop3A_441 : i32
      %parallel_loop3A_463 = vector.broadcast %parallel_loop3A_462 : i32 to vector<16xi32>
      %parallel_loop3A_464 = arith.addi %parallel_loop3A_463, %convert_element_type3A_10 : vector<16xi32>
      %parallel_loop3A_465 = arith.select %parallel_loop3A_459, %parallel_loop3A_464, %parallel_loop3A_439 : vector<16xi1>, vector<16xi32>
      scf.yield %parallel_loop3A_460, %parallel_loop3A_465 : vector<16xf32>, vector<16xi32>
    } {sc.loop_unroll_factor = 5 : i64, sc.parallel_access}
    %mul3A_143 = arith.constant 100000 : i32
    %mul3A_144 = arith.muli %add3A, %mul3A_143 : i32
    %add3A_145 = arith.constant 20000 : i32
    %add3A_146 = arith.addi %mul3A_144, %add3A_145 : i32
    %dma_start3A_147 = tpu.memref_slice %arg5[%add3A_146] : memref<3200000xf32, #tpu.memory_space<hbm>> -> memref<10000xf32, #tpu.memory_space<hbm>>
    %dma_start3A_148 = tpu.memref_slice %arg5[%add3A_146] : memref<3200000xf32, #tpu.memory_space<hbm>> -> memref<10000xf32, #tpu.memory_space<hbm>>
    tpu.enqueue_dma source(%arg15 : memref<10000xf32, #tpu.memory_space<vmem>>) target(%dma_start3A_148 : memref<10000xf32, #tpu.memory_space<hbm>>) target_semaphore(%arg26 : memref<!tpu.dma_semaphore, #tpu.memory_space<semaphore_mem>>)
    %mul3A_149 = arith.constant 100000 : i32
    %mul3A_150 = arith.muli %add3A, %mul3A_149 : i32
    %add3A_151 = arith.constant 50000 : i32
    %add3A_152 = arith.addi %mul3A_150, %add3A_151 : i32
    %dma_start3A_153 = tpu.memref_slice %arg2[%add3A_152] : memref<3200000xf32, #tpu.memory_space<hbm>> -> memref<10000xf32, #tpu.memory_space<hbm>>
    %dma_start3A_154 = tpu.memref_slice %arg2[%add3A_152] : memref<3200000xf32, #tpu.memory_space<hbm>> -> memref<10000xf32, #tpu.memory_space<hbm>>
    tpu.enqueue_dma source(%dma_start3A_154 : memref<10000xf32, #tpu.memory_space<hbm>>) target(%arg9 : memref<10000xf32, #tpu.memory_space<vmem>>) target_semaphore(%arg20 : memref<!tpu.dma_semaphore, #tpu.memory_space<semaphore_mem>>)
    %mul3A_155 = arith.constant 100000 : i32
    %mul3A_156 = arith.muli %add3A, %mul3A_155 : i32
    %add3A_157 = arith.constant 50000 : i32
    %add3A_158 = arith.addi %mul3A_156, %add3A_157 : i32
    %dma_start3A_159 = tpu.memref_slice %arg3[%add3A_158] : memref<3200000xf32, #tpu.memory_space<hbm>> -> memref<10000xf32, #tpu.memory_space<hbm>>
    %dma_start3A_160 = tpu.memref_slice %arg3[%add3A_158] : memref<3200000xf32, #tpu.memory_space<hbm>> -> memref<10000xf32, #tpu.memory_space<hbm>>
    tpu.enqueue_dma source(%dma_start3A_160 : memref<10000xf32, #tpu.memory_space<hbm>>) target(%arg12 : memref<10000xf32, #tpu.memory_space<vmem>>) target_semaphore(%arg23 : memref<!tpu.dma_semaphore, #tpu.memory_space<semaphore_mem>>)
    %mul3A_161 = arith.constant 100000 : i32
    %mul3A_162 = arith.muli %add3A, %mul3A_161 : i32
    %add3A_163 = arith.constant 30000 : i32
    %add3A_164 = arith.addi %mul3A_162, %add3A_163 : i32
    %dma_wait3A_165 = tpu.memref_slice %arg2[%add3A_164] : memref<3200000xf32, #tpu.memory_space<hbm>> -> memref<10000xf32, #tpu.memory_space<hbm>>
    %dma_wait3A_166 = tpu.memref_slice %arg2[%add3A_164] : memref<3200000xf32, #tpu.memory_space<hbm>> -> memref<10000xf32, #tpu.memory_space<hbm>>
    tpu.wait_dma2 semaphore(%arg18 : memref<!tpu.dma_semaphore, #tpu.memory_space<semaphore_mem>>) src(%dma_wait3A_166 : memref<10000xf32, #tpu.memory_space<hbm>>) dst(%arg7 : memref<10000xf32, #tpu.memory_space<vmem>>)
    %mul3A_167 = arith.constant 100000 : i32
    %mul3A_168 = arith.muli %add3A, %mul3A_167 : i32
    %add3A_169 = arith.constant 30000 : i32
    %add3A_170 = arith.addi %mul3A_168, %add3A_169 : i32
    %dma_wait3A_171 = tpu.memref_slice %arg3[%add3A_170] : memref<3200000xf32, #tpu.memory_space<hbm>> -> memref<10000xf32, #tpu.memory_space<hbm>>
    %dma_wait3A_172 = tpu.memref_slice %arg3[%add3A_170] : memref<3200000xf32, #tpu.memory_space<hbm>> -> memref<10000xf32, #tpu.memory_space<hbm>>
    tpu.wait_dma2 semaphore(%arg21 : memref<!tpu.dma_semaphore, #tpu.memory_space<semaphore_mem>>) src(%dma_wait3A_172 : memref<10000xf32, #tpu.memory_space<hbm>>) dst(%arg10 : memref<10000xf32, #tpu.memory_space<vmem>>)
    %mul3A_173 = arith.constant 100000 : i32
    %mul3A_174 = arith.muli %add3A, %mul3A_173 : i32
    %add3A_175 = arith.constant 0 : i32
    %add3A_176 = arith.addi %mul3A_174, %add3A_175 : i32
    %dma_wait3A_177 = tpu.memref_slice %arg5[%add3A_176] : memref<3200000xf32, #tpu.memory_space<hbm>> -> memref<10000xf32, #tpu.memory_space<hbm>>
    %dma_wait3A_178 = tpu.memref_slice %arg5[%add3A_176] : memref<3200000xf32, #tpu.memory_space<hbm>> -> memref<10000xf32, #tpu.memory_space<hbm>>
    tpu.wait_dma2 semaphore(%arg24 : memref<!tpu.dma_semaphore, #tpu.memory_space<semaphore_mem>>) src(%arg13 : memref<10000xf32, #tpu.memory_space<vmem>>) dst(%dma_wait3A_178 : memref<10000xf32, #tpu.memory_space<hbm>>)
    %parallel_loop3A_179 = arith.constant 0 : i32
    %parallel_loop3A_180 = arith.constant 625 : i32
    %parallel_loop3A_181 = arith.constant 1 : i32
    %parallel_loop3A_182:2 = scf.for %parallel_loop3A_437 = %parallel_loop3A_179 to %parallel_loop3A_180 step %parallel_loop3A_181 iter_args(%parallel_loop3A_438 = %parallel_loop3A_142#0, %parallel_loop3A_439 = %parallel_loop3A_142#1) -> (vector<16xf32>, vector<16xi32>)  : i32 {
      %parallel_loop3A_440 = arith.constant 16 : i32
      %parallel_loop3A_441 = arith.muli %parallel_loop3A_437, %parallel_loop3A_440 : i32
      %parallel_loop3A_442 = arith.index_cast %parallel_loop3A_441 : i32 to index
      %parallel_loop3A_443 = tpu.vector_load %arg7[%parallel_loop3A_442] {strides = array<i32>} : memref<10000xf32, #tpu.memory_space<vmem>>, vector<16xf32>,
      %parallel_loop3A_444 = arith.index_cast %parallel_loop3A_441 : i32 to index
      %parallel_loop3A_445 = tpu.vector_load %arg10[%parallel_loop3A_444] {strides = array<i32>} : memref<10000xf32, #tpu.memory_space<vmem>>, vector<16xf32>,
      %parallel_loop3A_446 = arith.cmpf oge, %parallel_loop3A_443, %get3A_41 : vector<16xf32>
      %parallel_loop3A_447 = arith.subf %parallel_loop3A_443, %get3A_43 : vector<16xf32>
      %parallel_loop3A_448 = math.exp %parallel_loop3A_447 : vector<16xf32>
      %parallel_loop3A_449 = arith.mulf %parallel_loop3A_448, %div3A : vector<16xf32>
      %parallel_loop3A_450 = arith.constant 0.000000e+00 : f32
      %parallel_loop3A_451 = vector.broadcast %parallel_loop3A_450 : f32 to vector<16xf32>
      %parallel_loop3A_452 = arith.select %parallel_loop3A_446, %parallel_loop3A_449, %parallel_loop3A_451 : vector<16xi1>, vector<16xf32>
      %parallel_loop3A_453 = arith.index_cast %parallel_loop3A_441 : i32 to index
      %parallel_loop3A_454 = tpu.vector_load %arg13[%parallel_loop3A_453] {strides = array<i32>} : memref<10000xf32, #tpu.memory_space<vmem>>, vector<16xf32>,
      tpu.vector_store %arg13[%parallel_loop3A_453], %parallel_loop3A_452 {strides = array<i32>} : memref<10000xf32, #tpu.memory_space<vmem>>, vector<16xf32>,
      %parallel_loop3A_455 = arith.addf %parallel_loop3A_443, %parallel_loop3A_445 : vector<16xf32>
      %parallel_loop3A_456 = arith.constant 0xFF800000 : f32
      %parallel_loop3A_457 = vector.broadcast %parallel_loop3A_456 : f32 to vector<16xf32>
      %parallel_loop3A_458 = arith.select %parallel_loop3A_446, %parallel_loop3A_455, %parallel_loop3A_457 : vector<16xi1>, vector<16xf32>
      %parallel_loop3A_459 = arith.cmpf ogt, %parallel_loop3A_458, %parallel_loop3A_438 : vector<16xf32>
      %parallel_loop3A_460 = arith.select %parallel_loop3A_459, %parallel_loop3A_458, %parallel_loop3A_438 : vector<16xi1>, vector<16xf32>
      %parallel_loop3A_461 = arith.constant 30000 : i32
      %parallel_loop3A_462 = arith.addi %parallel_loop3A_461, %parallel_loop3A_441 : i32
      %parallel_loop3A_463 = vector.broadcast %parallel_loop3A_462 : i32 to vector<16xi32>
      %parallel_loop3A_464 = arith.addi %parallel_loop3A_463, %convert_element_type3A_10 : vector<16xi32>
      %parallel_loop3A_465 = arith.select %parallel_loop3A_459, %parallel_loop3A_464, %parallel_loop3A_439 : vector<16xi1>, vector<16xi32>
      scf.yield %parallel_loop3A_460, %parallel_loop3A_465 : vector<16xf32>, vector<16xi32>
    } {sc.loop_unroll_factor = 5 : i64, sc.parallel_access}
    %mul3A_183 = arith.constant 100000 : i32
    %mul3A_184 = arith.muli %add3A, %mul3A_183 : i32
    %add3A_185 = arith.constant 30000 : i32
    %add3A_186 = arith.addi %mul3A_184, %add3A_185 : i32
    %dma_start3A_187 = tpu.memref_slice %arg5[%add3A_186] : memref<3200000xf32, #tpu.memory_space<hbm>> -> memref<10000xf32, #tpu.memory_space<hbm>>
    %dma_start3A_188 = tpu.memref_slice %arg5[%add3A_186] : memref<3200000xf32, #tpu.memory_space<hbm>> -> memref<10000xf32, #tpu.memory_space<hbm>>
    tpu.enqueue_dma source(%arg13 : memref<10000xf32, #tpu.memory_space<vmem>>) target(%dma_start3A_188 : memref<10000xf32, #tpu.memory_space<hbm>>) target_semaphore(%arg24 : memref<!tpu.dma_semaphore, #tpu.memory_space<semaphore_mem>>)
    %mul3A_189 = arith.constant 100000 : i32
    %mul3A_190 = arith.muli %add3A, %mul3A_189 : i32
    %add3A_191 = arith.constant 60000 : i32
    %add3A_192 = arith.addi %mul3A_190, %add3A_191 : i32
    %dma_start3A_193 = tpu.memref_slice %arg2[%add3A_192] : memref<3200000xf32, #tpu.memory_space<hbm>> -> memref<10000xf32, #tpu.memory_space<hbm>>
    %dma_start3A_194 = tpu.memref_slice %arg2[%add3A_192] : memref<3200000xf32, #tpu.memory_space<hbm>> -> memref<10000xf32, #tpu.memory_space<hbm>>
    tpu.enqueue_dma source(%dma_start3A_194 : memref<10000xf32, #tpu.memory_space<hbm>>) target(%arg7 : memref<10000xf32, #tpu.memory_space<vmem>>) target_semaphore(%arg18 : memref<!tpu.dma_semaphore, #tpu.memory_space<semaphore_mem>>)
    %mul3A_195 = arith.constant 100000 : i32
    %mul3A_196 = arith.muli %add3A, %mul3A_195 : i32
    %add3A_197 = arith.constant 60000 : i32
    %add3A_198 = arith.addi %mul3A_196, %add3A_197 : i32
    %dma_start3A_199 = tpu.memref_slice %arg3[%add3A_198] : memref<3200000xf32, #tpu.memory_space<hbm>> -> memref<10000xf32, #tpu.memory_space<hbm>>
    %dma_start3A_200 = tpu.memref_slice %arg3[%add3A_198] : memref<3200000xf32, #tpu.memory_space<hbm>> -> memref<10000xf32, #tpu.memory_space<hbm>>
    tpu.enqueue_dma source(%dma_start3A_200 : memref<10000xf32, #tpu.memory_space<hbm>>) target(%arg10 : memref<10000xf32, #tpu.memory_space<vmem>>) target_semaphore(%arg21 : memref<!tpu.dma_semaphore, #tpu.memory_space<semaphore_mem>>)
    %mul3A_201 = arith.constant 100000 : i32
    %mul3A_202 = arith.muli %add3A, %mul3A_201 : i32
    %add3A_203 = arith.constant 40000 : i32
    %add3A_204 = arith.addi %mul3A_202, %add3A_203 : i32
    %dma_wait3A_205 = tpu.memref_slice %arg2[%add3A_204] : memref<3200000xf32, #tpu.memory_space<hbm>> -> memref<10000xf32, #tpu.memory_space<hbm>>
    %dma_wait3A_206 = tpu.memref_slice %arg2[%add3A_204] : memref<3200000xf32, #tpu.memory_space<hbm>> -> memref<10000xf32, #tpu.memory_space<hbm>>
    tpu.wait_dma2 semaphore(%arg19 : memref<!tpu.dma_semaphore, #tpu.memory_space<semaphore_mem>>) src(%dma_wait3A_206 : memref<10000xf32, #tpu.memory_space<hbm>>) dst(%arg8 : memref<10000xf32, #tpu.memory_space<vmem>>)
    %mul3A_207 = arith.constant 100000 : i32
    %mul3A_208 = arith.muli %add3A, %mul3A_207 : i32
    %add3A_209 = arith.constant 40000 : i32
    %add3A_210 = arith.addi %mul3A_208, %add3A_209 : i32
    %dma_wait3A_211 = tpu.memref_slice %arg3[%add3A_210] : memref<3200000xf32, #tpu.memory_space<hbm>> -> memref<10000xf32, #tpu.memory_space<hbm>>
    %dma_wait3A_212 = tpu.memref_slice %arg3[%add3A_210] : memref<3200000xf32, #tpu.memory_space<hbm>> -> memref<10000xf32, #tpu.memory_space<hbm>>
    tpu.wait_dma2 semaphore(%arg22 : memref<!tpu.dma_semaphore, #tpu.memory_space<semaphore_mem>>) src(%dma_wait3A_212 : memref<10000xf32, #tpu.memory_space<hbm>>) dst(%arg11 : memref<10000xf32, #tpu.memory_space<vmem>>)
    %mul3A_213 = arith.constant 100000 : i32
    %mul3A_214 = arith.muli %add3A, %mul3A_213 : i32
    %add3A_215 = arith.constant 10000 : i32
    %add3A_216 = arith.addi %mul3A_214, %add3A_215 : i32
    %dma_wait3A_217 = tpu.memref_slice %arg5[%add3A_216] : memref<3200000xf32, #tpu.memory_space<hbm>> -> memref<10000xf32, #tpu.memory_space<hbm>>
    %dma_wait3A_218 = tpu.memref_slice %arg5[%add3A_216] : memref<3200000xf32, #tpu.memory_space<hbm>> -> memref<10000xf32, #tpu.memory_space<hbm>>
    tpu.wait_dma2 semaphore(%arg25 : memref<!tpu.dma_semaphore, #tpu.memory_space<semaphore_mem>>) src(%arg14 : memref<10000xf32, #tpu.memory_space<vmem>>) dst(%dma_wait3A_218 : memref<10000xf32, #tpu.memory_space<hbm>>)
    %parallel_loop3A_219 = arith.constant 0 : i32
    %parallel_loop3A_220 = arith.constant 625 : i32
    %parallel_loop3A_221 = arith.constant 1 : i32
    %parallel_loop3A_222:2 = scf.for %parallel_loop3A_437 = %parallel_loop3A_219 to %parallel_loop3A_220 step %parallel_loop3A_221 iter_args(%parallel_loop3A_438 = %parallel_loop3A_182#0, %parallel_loop3A_439 = %parallel_loop3A_182#1) -> (vector<16xf32>, vector<16xi32>)  : i32 {
      %parallel_loop3A_440 = arith.constant 16 : i32
      %parallel_loop3A_441 = arith.muli %parallel_loop3A_437, %parallel_loop3A_440 : i32
      %parallel_loop3A_442 = arith.index_cast %parallel_loop3A_441 : i32 to index
      %parallel_loop3A_443 = tpu.vector_load %arg8[%parallel_loop3A_442] {strides = array<i32>} : memref<10000xf32, #tpu.memory_space<vmem>>, vector<16xf32>,
      %parallel_loop3A_444 = arith.index_cast %parallel_loop3A_441 : i32 to index
      %parallel_loop3A_445 = tpu.vector_load %arg11[%parallel_loop3A_444] {strides = array<i32>} : memref<10000xf32, #tpu.memory_space<vmem>>, vector<16xf32>,
      %parallel_loop3A_446 = arith.cmpf oge, %parallel_loop3A_443, %get3A_41 : vector<16xf32>
      %parallel_loop3A_447 = arith.subf %parallel_loop3A_443, %get3A_43 : vector<16xf32>
      %parallel_loop3A_448 = math.exp %parallel_loop3A_447 : vector<16xf32>
      %parallel_loop3A_449 = arith.mulf %parallel_loop3A_448, %div3A : vector<16xf32>
      %parallel_loop3A_450 = arith.constant 0.000000e+00 : f32
      %parallel_loop3A_451 = vector.broadcast %parallel_loop3A_450 : f32 to vector<16xf32>
      %parallel_loop3A_452 = arith.select %parallel_loop3A_446, %parallel_loop3A_449, %parallel_loop3A_451 : vector<16xi1>, vector<16xf32>
      %parallel_loop3A_453 = arith.index_cast %parallel_loop3A_441 : i32 to index
      %parallel_loop3A_454 = tpu.vector_load %arg14[%parallel_loop3A_453] {strides = array<i32>} : memref<10000xf32, #tpu.memory_space<vmem>>, vector<16xf32>,
      tpu.vector_store %arg14[%parallel_loop3A_453], %parallel_loop3A_452 {strides = array<i32>} : memref<10000xf32, #tpu.memory_space<vmem>>, vector<16xf32>,
      %parallel_loop3A_455 = arith.addf %parallel_loop3A_443, %parallel_loop3A_445 : vector<16xf32>
      %parallel_loop3A_456 = arith.constant 0xFF800000 : f32
      %parallel_loop3A_457 = vector.broadcast %parallel_loop3A_456 : f32 to vector<16xf32>
      %parallel_loop3A_458 = arith.select %parallel_loop3A_446, %parallel_loop3A_455, %parallel_loop3A_457 : vector<16xi1>, vector<16xf32>
      %parallel_loop3A_459 = arith.cmpf ogt, %parallel_loop3A_458, %parallel_loop3A_438 : vector<16xf32>
      %parallel_loop3A_460 = arith.select %parallel_loop3A_459, %parallel_loop3A_458, %parallel_loop3A_438 : vector<16xi1>, vector<16xf32>
      %parallel_loop3A_461 = arith.constant 40000 : i32
      %parallel_loop3A_462 = arith.addi %parallel_loop3A_461, %parallel_loop3A_441 : i32
      %parallel_loop3A_463 = vector.broadcast %parallel_loop3A_462 : i32 to vector<16xi32>
      %parallel_loop3A_464 = arith.addi %parallel_loop3A_463, %convert_element_type3A_10 : vector<16xi32>
      %parallel_loop3A_465 = arith.select %parallel_loop3A_459, %parallel_loop3A_464, %parallel_loop3A_439 : vector<16xi1>, vector<16xi32>
      scf.yield %parallel_loop3A_460, %parallel_loop3A_465 : vector<16xf32>, vector<16xi32>
    } {sc.loop_unroll_factor = 5 : i64, sc.parallel_access}
    %mul3A_223 = arith.constant 100000 : i32
    %mul3A_224 = arith.muli %add3A, %mul3A_223 : i32
    %add3A_225 = arith.constant 40000 : i32
    %add3A_226 = arith.addi %mul3A_224, %add3A_225 : i32
    %dma_start3A_227 = tpu.memref_slice %arg5[%add3A_226] : memref<3200000xf32, #tpu.memory_space<hbm>> -> memref<10000xf32, #tpu.memory_space<hbm>>
    %dma_start3A_228 = tpu.memref_slice %arg5[%add3A_226] : memref<3200000xf32, #tpu.memory_space<hbm>> -> memref<10000xf32, #tpu.memory_space<hbm>>
    tpu.enqueue_dma source(%arg14 : memref<10000xf32, #tpu.memory_space<vmem>>) target(%dma_start3A_228 : memref<10000xf32, #tpu.memory_space<hbm>>) target_semaphore(%arg25 : memref<!tpu.dma_semaphore, #tpu.memory_space<semaphore_mem>>)
    %mul3A_229 = arith.constant 100000 : i32
    %mul3A_230 = arith.muli %add3A, %mul3A_229 : i32
    %add3A_231 = arith.constant 70000 : i32
    %add3A_232 = arith.addi %mul3A_230, %add3A_231 : i32
    %dma_start3A_233 = tpu.memref_slice %arg2[%add3A_232] : memref<3200000xf32, #tpu.memory_space<hbm>> -> memref<10000xf32, #tpu.memory_space<hbm>>
    %dma_start3A_234 = tpu.memref_slice %arg2[%add3A_232] : memref<3200000xf32, #tpu.memory_space<hbm>> -> memref<10000xf32, #tpu.memory_space<hbm>>
    tpu.enqueue_dma source(%dma_start3A_234 : memref<10000xf32, #tpu.memory_space<hbm>>) target(%arg8 : memref<10000xf32, #tpu.memory_space<vmem>>) target_semaphore(%arg19 : memref<!tpu.dma_semaphore, #tpu.memory_space<semaphore_mem>>)
    %mul3A_235 = arith.constant 100000 : i32
    %mul3A_236 = arith.muli %add3A, %mul3A_235 : i32
    %add3A_237 = arith.constant 70000 : i32
    %add3A_238 = arith.addi %mul3A_236, %add3A_237 : i32
    %dma_start3A_239 = tpu.memref_slice %arg3[%add3A_238] : memref<3200000xf32, #tpu.memory_space<hbm>> -> memref<10000xf32, #tpu.memory_space<hbm>>
    %dma_start3A_240 = tpu.memref_slice %arg3[%add3A_238] : memref<3200000xf32, #tpu.memory_space<hbm>> -> memref<10000xf32, #tpu.memory_space<hbm>>
    tpu.enqueue_dma source(%dma_start3A_240 : memref<10000xf32, #tpu.memory_space<hbm>>) target(%arg11 : memref<10000xf32, #tpu.memory_space<vmem>>) target_semaphore(%arg22 : memref<!tpu.dma_semaphore, #tpu.memory_space<semaphore_mem>>)
    %mul3A_241 = arith.constant 100000 : i32
    %mul3A_242 = arith.muli %add3A, %mul3A_241 : i32
    %add3A_243 = arith.constant 50000 : i32
    %add3A_244 = arith.addi %mul3A_242, %add3A_243 : i32
    %dma_wait3A_245 = tpu.memref_slice %arg2[%add3A_244] : memref<3200000xf32, #tpu.memory_space<hbm>> -> memref<10000xf32, #tpu.memory_space<hbm>>
    %dma_wait3A_246 = tpu.memref_slice %arg2[%add3A_244] : memref<3200000xf32, #tpu.memory_space<hbm>> -> memref<10000xf32, #tpu.memory_space<hbm>>
    tpu.wait_dma2 semaphore(%arg20 : memref<!tpu.dma_semaphore, #tpu.memory_space<semaphore_mem>>) src(%dma_wait3A_246 : memref<10000xf32, #tpu.memory_space<hbm>>) dst(%arg9 : memref<10000xf32, #tpu.memory_space<vmem>>)
    %mul3A_247 = arith.constant 100000 : i32
    %mul3A_248 = arith.muli %add3A, %mul3A_247 : i32
    %add3A_249 = arith.constant 50000 : i32
    %add3A_250 = arith.addi %mul3A_248, %add3A_249 : i32
    %dma_wait3A_251 = tpu.memref_slice %arg3[%add3A_250] : memref<3200000xf32, #tpu.memory_space<hbm>> -> memref<10000xf32, #tpu.memory_space<hbm>>
    %dma_wait3A_252 = tpu.memref_slice %arg3[%add3A_250] : memref<3200000xf32, #tpu.memory_space<hbm>> -> memref<10000xf32, #tpu.memory_space<hbm>>
    tpu.wait_dma2 semaphore(%arg23 : memref<!tpu.dma_semaphore, #tpu.memory_space<semaphore_mem>>) src(%dma_wait3A_252 : memref<10000xf32, #tpu.memory_space<hbm>>) dst(%arg12 : memref<10000xf32, #tpu.memory_space<vmem>>)
    %mul3A_253 = arith.constant 100000 : i32
    %mul3A_254 = arith.muli %add3A, %mul3A_253 : i32
    %add3A_255 = arith.constant 20000 : i32
    %add3A_256 = arith.addi %mul3A_254, %add3A_255 : i32
    %dma_wait3A_257 = tpu.memref_slice %arg5[%add3A_256] : memref<3200000xf32, #tpu.memory_space<hbm>> -> memref<10000xf32, #tpu.memory_space<hbm>>
    %dma_wait3A_258 = tpu.memref_slice %arg5[%add3A_256] : memref<3200000xf32, #tpu.memory_space<hbm>> -> memref<10000xf32, #tpu.memory_space<hbm>>
    tpu.wait_dma2 semaphore(%arg26 : memref<!tpu.dma_semaphore, #tpu.memory_space<semaphore_mem>>) src(%arg15 : memref<10000xf32, #tpu.memory_space<vmem>>) dst(%dma_wait3A_258 : memref<10000xf32, #tpu.memory_space<hbm>>)
    %parallel_loop3A_259 = arith.constant 0 : i32
    %parallel_loop3A_260 = arith.constant 625 : i32
    %parallel_loop3A_261 = arith.constant 1 : i32
    %parallel_loop3A_262:2 = scf.for %parallel_loop3A_437 = %parallel_loop3A_259 to %parallel_loop3A_260 step %parallel_loop3A_261 iter_args(%parallel_loop3A_438 = %parallel_loop3A_222#0, %parallel_loop3A_439 = %parallel_loop3A_222#1) -> (vector<16xf32>, vector<16xi32>)  : i32 {
      %parallel_loop3A_440 = arith.constant 16 : i32
      %parallel_loop3A_441 = arith.muli %parallel_loop3A_437, %parallel_loop3A_440 : i32
      %parallel_loop3A_442 = arith.index_cast %parallel_loop3A_441 : i32 to index
      %parallel_loop3A_443 = tpu.vector_load %arg9[%parallel_loop3A_442] {strides = array<i32>} : memref<10000xf32, #tpu.memory_space<vmem>>, vector<16xf32>,
      %parallel_loop3A_444 = arith.index_cast %parallel_loop3A_441 : i32 to index
      %parallel_loop3A_445 = tpu.vector_load %arg12[%parallel_loop3A_444] {strides = array<i32>} : memref<10000xf32, #tpu.memory_space<vmem>>, vector<16xf32>,
      %parallel_loop3A_446 = arith.cmpf oge, %parallel_loop3A_443, %get3A_41 : vector<16xf32>
      %parallel_loop3A_447 = arith.subf %parallel_loop3A_443, %get3A_43 : vector<16xf32>
      %parallel_loop3A_448 = math.exp %parallel_loop3A_447 : vector<16xf32>
      %parallel_loop3A_449 = arith.mulf %parallel_loop3A_448, %div3A : vector<16xf32>
      %parallel_loop3A_450 = arith.constant 0.000000e+00 : f32
      %parallel_loop3A_451 = vector.broadcast %parallel_loop3A_450 : f32 to vector<16xf32>
      %parallel_loop3A_452 = arith.select %parallel_loop3A_446, %parallel_loop3A_449, %parallel_loop3A_451 : vector<16xi1>, vector<16xf32>
      %parallel_loop3A_453 = arith.index_cast %parallel_loop3A_441 : i32 to index
      %parallel_loop3A_454 = tpu.vector_load %arg15[%parallel_loop3A_453] {strides = array<i32>} : memref<10000xf32, #tpu.memory_space<vmem>>, vector<16xf32>,
      tpu.vector_store %arg15[%parallel_loop3A_453], %parallel_loop3A_452 {strides = array<i32>} : memref<10000xf32, #tpu.memory_space<vmem>>, vector<16xf32>,
      %parallel_loop3A_455 = arith.addf %parallel_loop3A_443, %parallel_loop3A_445 : vector<16xf32>
      %parallel_loop3A_456 = arith.constant 0xFF800000 : f32
      %parallel_loop3A_457 = vector.broadcast %parallel_loop3A_456 : f32 to vector<16xf32>
      %parallel_loop3A_458 = arith.select %parallel_loop3A_446, %parallel_loop3A_455, %parallel_loop3A_457 : vector<16xi1>, vector<16xf32>
      %parallel_loop3A_459 = arith.cmpf ogt, %parallel_loop3A_458, %parallel_loop3A_438 : vector<16xf32>
      %parallel_loop3A_460 = arith.select %parallel_loop3A_459, %parallel_loop3A_458, %parallel_loop3A_438 : vector<16xi1>, vector<16xf32>
      %parallel_loop3A_461 = arith.constant 50000 : i32
      %parallel_loop3A_462 = arith.addi %parallel_loop3A_461, %parallel_loop3A_441 : i32
      %parallel_loop3A_463 = vector.broadcast %parallel_loop3A_462 : i32 to vector<16xi32>
      %parallel_loop3A_464 = arith.addi %parallel_loop3A_463, %convert_element_type3A_10 : vector<16xi32>
      %parallel_loop3A_465 = arith.select %parallel_loop3A_459, %parallel_loop3A_464, %parallel_loop3A_439 : vector<16xi1>, vector<16xi32>
      scf.yield %parallel_loop3A_460, %parallel_loop3A_465 : vector<16xf32>, vector<16xi32>
    } {sc.loop_unroll_factor = 5 : i64, sc.parallel_access}
    %mul3A_263 = arith.constant 100000 : i32
    %mul3A_264 = arith.muli %add3A, %mul3A_263 : i32
    %add3A_265 = arith.constant 50000 : i32
    %add3A_266 = arith.addi %mul3A_264, %add3A_265 : i32
    %dma_start3A_267 = tpu.memref_slice %arg5[%add3A_266] : memref<3200000xf32, #tpu.memory_space<hbm>> -> memref<10000xf32, #tpu.memory_space<hbm>>
    %dma_start3A_268 = tpu.memref_slice %arg5[%add3A_266] : memref<3200000xf32, #tpu.memory_space<hbm>> -> memref<10000xf32, #tpu.memory_space<hbm>>
    tpu.enqueue_dma source(%arg15 : memref<10000xf32, #tpu.memory_space<vmem>>) target(%dma_start3A_268 : memref<10000xf32, #tpu.memory_space<hbm>>) target_semaphore(%arg26 : memref<!tpu.dma_semaphore, #tpu.memory_space<semaphore_mem>>)
    %mul3A_269 = arith.constant 100000 : i32
    %mul3A_270 = arith.muli %add3A, %mul3A_269 : i32
    %add3A_271 = arith.constant 80000 : i32
    %add3A_272 = arith.addi %mul3A_270, %add3A_271 : i32
    %dma_start3A_273 = tpu.memref_slice %arg2[%add3A_272] : memref<3200000xf32, #tpu.memory_space<hbm>> -> memref<10000xf32, #tpu.memory_space<hbm>>
    %dma_start3A_274 = tpu.memref_slice %arg2[%add3A_272] : memref<3200000xf32, #tpu.memory_space<hbm>> -> memref<10000xf32, #tpu.memory_space<hbm>>
    tpu.enqueue_dma source(%dma_start3A_274 : memref<10000xf32, #tpu.memory_space<hbm>>) target(%arg9 : memref<10000xf32, #tpu.memory_space<vmem>>) target_semaphore(%arg20 : memref<!tpu.dma_semaphore, #tpu.memory_space<semaphore_mem>>)
    %mul3A_275 = arith.constant 100000 : i32
    %mul3A_276 = arith.muli %add3A, %mul3A_275 : i32
    %add3A_277 = arith.constant 80000 : i32
    %add3A_278 = arith.addi %mul3A_276, %add3A_277 : i32
    %dma_start3A_279 = tpu.memref_slice %arg3[%add3A_278] : memref<3200000xf32, #tpu.memory_space<hbm>> -> memref<10000xf32, #tpu.memory_space<hbm>>
    %dma_start3A_280 = tpu.memref_slice %arg3[%add3A_278] : memref<3200000xf32, #tpu.memory_space<hbm>> -> memref<10000xf32, #tpu.memory_space<hbm>>
    tpu.enqueue_dma source(%dma_start3A_280 : memref<10000xf32, #tpu.memory_space<hbm>>) target(%arg12 : memref<10000xf32, #tpu.memory_space<vmem>>) target_semaphore(%arg23 : memref<!tpu.dma_semaphore, #tpu.memory_space<semaphore_mem>>)
    %mul3A_281 = arith.constant 100000 : i32
    %mul3A_282 = arith.muli %add3A, %mul3A_281 : i32
    %add3A_283 = arith.constant 60000 : i32
    %add3A_284 = arith.addi %mul3A_282, %add3A_283 : i32
    %dma_wait3A_285 = tpu.memref_slice %arg2[%add3A_284] : memref<3200000xf32, #tpu.memory_space<hbm>> -> memref<10000xf32, #tpu.memory_space<hbm>>
    %dma_wait3A_286 = tpu.memref_slice %arg2[%add3A_284] : memref<3200000xf32, #tpu.memory_space<hbm>> -> memref<10000xf32, #tpu.memory_space<hbm>>
    tpu.wait_dma2 semaphore(%arg18 : memref<!tpu.dma_semaphore, #tpu.memory_space<semaphore_mem>>) src(%dma_wait3A_286 : memref<10000xf32, #tpu.memory_space<hbm>>) dst(%arg7 : memref<10000xf32, #tpu.memory_space<vmem>>)
    %mul3A_287 = arith.constant 100000 : i32
    %mul3A_288 = arith.muli %add3A, %mul3A_287 : i32
    %add3A_289 = arith.constant 60000 : i32
    %add3A_290 = arith.addi %mul3A_288, %add3A_289 : i32
    %dma_wait3A_291 = tpu.memref_slice %arg3[%add3A_290] : memref<3200000xf32, #tpu.memory_space<hbm>> -> memref<10000xf32, #tpu.memory_space<hbm>>
    %dma_wait3A_292 = tpu.memref_slice %arg3[%add3A_290] : memref<3200000xf32, #tpu.memory_space<hbm>> -> memref<10000xf32, #tpu.memory_space<hbm>>
    tpu.wait_dma2 semaphore(%arg21 : memref<!tpu.dma_semaphore, #tpu.memory_space<semaphore_mem>>) src(%dma_wait3A_292 : memref<10000xf32, #tpu.memory_space<hbm>>) dst(%arg10 : memref<10000xf32, #tpu.memory_space<vmem>>)
    %mul3A_293 = arith.constant 100000 : i32
    %mul3A_294 = arith.muli %add3A, %mul3A_293 : i32
    %add3A_295 = arith.constant 30000 : i32
    %add3A_296 = arith.addi %mul3A_294, %add3A_295 : i32
    %dma_wait3A_297 = tpu.memref_slice %arg5[%add3A_296] : memref<3200000xf32, #tpu.memory_space<hbm>> -> memref<10000xf32, #tpu.memory_space<hbm>>
    %dma_wait3A_298 = tpu.memref_slice %arg5[%add3A_296] : memref<3200000xf32, #tpu.memory_space<hbm>> -> memref<10000xf32, #tpu.memory_space<hbm>>
    tpu.wait_dma2 semaphore(%arg24 : memref<!tpu.dma_semaphore, #tpu.memory_space<semaphore_mem>>) src(%arg13 : memref<10000xf32, #tpu.memory_space<vmem>>) dst(%dma_wait3A_298 : memref<10000xf32, #tpu.memory_space<hbm>>)
    %parallel_loop3A_299 = arith.constant 0 : i32
    %parallel_loop3A_300 = arith.constant 625 : i32
    %parallel_loop3A_301 = arith.constant 1 : i32
    %parallel_loop3A_302:2 = scf.for %parallel_loop3A_437 = %parallel_loop3A_299 to %parallel_loop3A_300 step %parallel_loop3A_301 iter_args(%parallel_loop3A_438 = %parallel_loop3A_262#0, %parallel_loop3A_439 = %parallel_loop3A_262#1) -> (vector<16xf32>, vector<16xi32>)  : i32 {
      %parallel_loop3A_440 = arith.constant 16 : i32
      %parallel_loop3A_441 = arith.muli %parallel_loop3A_437, %parallel_loop3A_440 : i32
      %parallel_loop3A_442 = arith.index_cast %parallel_loop3A_441 : i32 to index
      %parallel_loop3A_443 = tpu.vector_load %arg7[%parallel_loop3A_442] {strides = array<i32>} : memref<10000xf32, #tpu.memory_space<vmem>>, vector<16xf32>,
      %parallel_loop3A_444 = arith.index_cast %parallel_loop3A_441 : i32 to index
      %parallel_loop3A_445 = tpu.vector_load %arg10[%parallel_loop3A_444] {strides = array<i32>} : memref<10000xf32, #tpu.memory_space<vmem>>, vector<16xf32>,
      %parallel_loop3A_446 = arith.cmpf oge, %parallel_loop3A_443, %get3A_41 : vector<16xf32>
      %parallel_loop3A_447 = arith.subf %parallel_loop3A_443, %get3A_43 : vector<16xf32>
      %parallel_loop3A_448 = math.exp %parallel_loop3A_447 : vector<16xf32>
      %parallel_loop3A_449 = arith.mulf %parallel_loop3A_448, %div3A : vector<16xf32>
      %parallel_loop3A_450 = arith.constant 0.000000e+00 : f32
      %parallel_loop3A_451 = vector.broadcast %parallel_loop3A_450 : f32 to vector<16xf32>
      %parallel_loop3A_452 = arith.select %parallel_loop3A_446, %parallel_loop3A_449, %parallel_loop3A_451 : vector<16xi1>, vector<16xf32>
      %parallel_loop3A_453 = arith.index_cast %parallel_loop3A_441 : i32 to index
      %parallel_loop3A_454 = tpu.vector_load %arg13[%parallel_loop3A_453] {strides = array<i32>} : memref<10000xf32, #tpu.memory_space<vmem>>, vector<16xf32>,
      tpu.vector_store %arg13[%parallel_loop3A_453], %parallel_loop3A_452 {strides = array<i32>} : memref<10000xf32, #tpu.memory_space<vmem>>, vector<16xf32>,
      %parallel_loop3A_455 = arith.addf %parallel_loop3A_443, %parallel_loop3A_445 : vector<16xf32>
      %parallel_loop3A_456 = arith.constant 0xFF800000 : f32
      %parallel_loop3A_457 = vector.broadcast %parallel_loop3A_456 : f32 to vector<16xf32>
      %parallel_loop3A_458 = arith.select %parallel_loop3A_446, %parallel_loop3A_455, %parallel_loop3A_457 : vector<16xi1>, vector<16xf32>
      %parallel_loop3A_459 = arith.cmpf ogt, %parallel_loop3A_458, %parallel_loop3A_438 : vector<16xf32>
      %parallel_loop3A_460 = arith.select %parallel_loop3A_459, %parallel_loop3A_458, %parallel_loop3A_438 : vector<16xi1>, vector<16xf32>
      %parallel_loop3A_461 = arith.constant 60000 : i32
      %parallel_loop3A_462 = arith.addi %parallel_loop3A_461, %parallel_loop3A_441 : i32
      %parallel_loop3A_463 = vector.broadcast %parallel_loop3A_462 : i32 to vector<16xi32>
      %parallel_loop3A_464 = arith.addi %parallel_loop3A_463, %convert_element_type3A_10 : vector<16xi32>
      %parallel_loop3A_465 = arith.select %parallel_loop3A_459, %parallel_loop3A_464, %parallel_loop3A_439 : vector<16xi1>, vector<16xi32>
      scf.yield %parallel_loop3A_460, %parallel_loop3A_465 : vector<16xf32>, vector<16xi32>
    } {sc.loop_unroll_factor = 5 : i64, sc.parallel_access}
    %mul3A_303 = arith.constant 100000 : i32
    %mul3A_304 = arith.muli %add3A, %mul3A_303 : i32
    %add3A_305 = arith.constant 60000 : i32
    %add3A_306 = arith.addi %mul3A_304, %add3A_305 : i32
    %dma_start3A_307 = tpu.memref_slice %arg5[%add3A_306] : memref<3200000xf32, #tpu.memory_space<hbm>> -> memref<10000xf32, #tpu.memory_space<hbm>>
    %dma_start3A_308 = tpu.memref_slice %arg5[%add3A_306] : memref<3200000xf32, #tpu.memory_space<hbm>> -> memref<10000xf32, #tpu.memory_space<hbm>>
    tpu.enqueue_dma source(%arg13 : memref<10000xf32, #tpu.memory_space<vmem>>) target(%dma_start3A_308 : memref<10000xf32, #tpu.memory_space<hbm>>) target_semaphore(%arg24 : memref<!tpu.dma_semaphore, #tpu.memory_space<semaphore_mem>>)
    %mul3A_309 = arith.constant 100000 : i32
    %mul3A_310 = arith.muli %add3A, %mul3A_309 : i32
    %add3A_311 = arith.constant 90000 : i32
    %add3A_312 = arith.addi %mul3A_310, %add3A_311 : i32
    %dma_start3A_313 = tpu.memref_slice %arg2[%add3A_312] : memref<3200000xf32, #tpu.memory_space<hbm>> -> memref<10000xf32, #tpu.memory_space<hbm>>
    %dma_start3A_314 = tpu.memref_slice %arg2[%add3A_312] : memref<3200000xf32, #tpu.memory_space<hbm>> -> memref<10000xf32, #tpu.memory_space<hbm>>
    tpu.enqueue_dma source(%dma_start3A_314 : memref<10000xf32, #tpu.memory_space<hbm>>) target(%arg7 : memref<10000xf32, #tpu.memory_space<vmem>>) target_semaphore(%arg18 : memref<!tpu.dma_semaphore, #tpu.memory_space<semaphore_mem>>)
    %mul3A_315 = arith.constant 100000 : i32
    %mul3A_316 = arith.muli %add3A, %mul3A_315 : i32
    %add3A_317 = arith.constant 90000 : i32
    %add3A_318 = arith.addi %mul3A_316, %add3A_317 : i32
    %dma_start3A_319 = tpu.memref_slice %arg3[%add3A_318] : memref<3200000xf32, #tpu.memory_space<hbm>> -> memref<10000xf32, #tpu.memory_space<hbm>>
    %dma_start3A_320 = tpu.memref_slice %arg3[%add3A_318] : memref<3200000xf32, #tpu.memory_space<hbm>> -> memref<10000xf32, #tpu.memory_space<hbm>>
    tpu.enqueue_dma source(%dma_start3A_320 : memref<10000xf32, #tpu.memory_space<hbm>>) target(%arg10 : memref<10000xf32, #tpu.memory_space<vmem>>) target_semaphore(%arg21 : memref<!tpu.dma_semaphore, #tpu.memory_space<semaphore_mem>>)
    %mul3A_321 = arith.constant 100000 : i32
    %mul3A_322 = arith.muli %add3A, %mul3A_321 : i32
    %add3A_323 = arith.constant 70000 : i32
    %add3A_324 = arith.addi %mul3A_322, %add3A_323 : i32
    %dma_wait3A_325 = tpu.memref_slice %arg2[%add3A_324] : memref<3200000xf32, #tpu.memory_space<hbm>> -> memref<10000xf32, #tpu.memory_space<hbm>>
    %dma_wait3A_326 = tpu.memref_slice %arg2[%add3A_324] : memref<3200000xf32, #tpu.memory_space<hbm>> -> memref<10000xf32, #tpu.memory_space<hbm>>
    tpu.wait_dma2 semaphore(%arg19 : memref<!tpu.dma_semaphore, #tpu.memory_space<semaphore_mem>>) src(%dma_wait3A_326 : memref<10000xf32, #tpu.memory_space<hbm>>) dst(%arg8 : memref<10000xf32, #tpu.memory_space<vmem>>)
    %mul3A_327 = arith.constant 100000 : i32
    %mul3A_328 = arith.muli %add3A, %mul3A_327 : i32
    %add3A_329 = arith.constant 70000 : i32
    %add3A_330 = arith.addi %mul3A_328, %add3A_329 : i32
    %dma_wait3A_331 = tpu.memref_slice %arg3[%add3A_330] : memref<3200000xf32, #tpu.memory_space<hbm>> -> memref<10000xf32, #tpu.memory_space<hbm>>
    %dma_wait3A_332 = tpu.memref_slice %arg3[%add3A_330] : memref<3200000xf32, #tpu.memory_space<hbm>> -> memref<10000xf32, #tpu.memory_space<hbm>>
    tpu.wait_dma2 semaphore(%arg22 : memref<!tpu.dma_semaphore, #tpu.memory_space<semaphore_mem>>) src(%dma_wait3A_332 : memref<10000xf32, #tpu.memory_space<hbm>>) dst(%arg11 : memref<10000xf32, #tpu.memory_space<vmem>>)
    %mul3A_333 = arith.constant 100000 : i32
    %mul3A_334 = arith.muli %add3A, %mul3A_333 : i32
    %add3A_335 = arith.constant 40000 : i32
    %add3A_336 = arith.addi %mul3A_334, %add3A_335 : i32
    %dma_wait3A_337 = tpu.memref_slice %arg5[%add3A_336] : memref<3200000xf32, #tpu.memory_space<hbm>> -> memref<10000xf32, #tpu.memory_space<hbm>>
    %dma_wait3A_338 = tpu.memref_slice %arg5[%add3A_336] : memref<3200000xf32, #tpu.memory_space<hbm>> -> memref<10000xf32, #tpu.memory_space<hbm>>
    tpu.wait_dma2 semaphore(%arg25 : memref<!tpu.dma_semaphore, #tpu.memory_space<semaphore_mem>>) src(%arg14 : memref<10000xf32, #tpu.memory_space<vmem>>) dst(%dma_wait3A_338 : memref<10000xf32, #tpu.memory_space<hbm>>)
    %parallel_loop3A_339 = arith.constant 0 : i32
    %parallel_loop3A_340 = arith.constant 625 : i32
    %parallel_loop3A_341 = arith.constant 1 : i32
    %parallel_loop3A_342:2 = scf.for %parallel_loop3A_437 = %parallel_loop3A_339 to %parallel_loop3A_340 step %parallel_loop3A_341 iter_args(%parallel_loop3A_438 = %parallel_loop3A_302#0, %parallel_loop3A_439 = %parallel_loop3A_302#1) -> (vector<16xf32>, vector<16xi32>)  : i32 {
      %parallel_loop3A_440 = arith.constant 16 : i32
      %parallel_loop3A_441 = arith.muli %parallel_loop3A_437, %parallel_loop3A_440 : i32
      %parallel_loop3A_442 = arith.index_cast %parallel_loop3A_441 : i32 to index
      %parallel_loop3A_443 = tpu.vector_load %arg8[%parallel_loop3A_442] {strides = array<i32>} : memref<10000xf32, #tpu.memory_space<vmem>>, vector<16xf32>,
      %parallel_loop3A_444 = arith.index_cast %parallel_loop3A_441 : i32 to index
      %parallel_loop3A_445 = tpu.vector_load %arg11[%parallel_loop3A_444] {strides = array<i32>} : memref<10000xf32, #tpu.memory_space<vmem>>, vector<16xf32>,
      %parallel_loop3A_446 = arith.cmpf oge, %parallel_loop3A_443, %get3A_41 : vector<16xf32>
      %parallel_loop3A_447 = arith.subf %parallel_loop3A_443, %get3A_43 : vector<16xf32>
      %parallel_loop3A_448 = math.exp %parallel_loop3A_447 : vector<16xf32>
      %parallel_loop3A_449 = arith.mulf %parallel_loop3A_448, %div3A : vector<16xf32>
      %parallel_loop3A_450 = arith.constant 0.000000e+00 : f32
      %parallel_loop3A_451 = vector.broadcast %parallel_loop3A_450 : f32 to vector<16xf32>
      %parallel_loop3A_452 = arith.select %parallel_loop3A_446, %parallel_loop3A_449, %parallel_loop3A_451 : vector<16xi1>, vector<16xf32>
      %parallel_loop3A_453 = arith.index_cast %parallel_loop3A_441 : i32 to index
      %parallel_loop3A_454 = tpu.vector_load %arg14[%parallel_loop3A_453] {strides = array<i32>} : memref<10000xf32, #tpu.memory_space<vmem>>, vector<16xf32>,
      tpu.vector_store %arg14[%parallel_loop3A_453], %parallel_loop3A_452 {strides = array<i32>} : memref<10000xf32, #tpu.memory_space<vmem>>, vector<16xf32>,
      %parallel_loop3A_455 = arith.addf %parallel_loop3A_443, %parallel_loop3A_445 : vector<16xf32>
      %parallel_loop3A_456 = arith.constant 0xFF800000 : f32
      %parallel_loop3A_457 = vector.broadcast %parallel_loop3A_456 : f32 to vector<16xf32>
      %parallel_loop3A_458 = arith.select %parallel_loop3A_446, %parallel_loop3A_455, %parallel_loop3A_457 : vector<16xi1>, vector<16xf32>
      %parallel_loop3A_459 = arith.cmpf ogt, %parallel_loop3A_458, %parallel_loop3A_438 : vector<16xf32>
      %parallel_loop3A_460 = arith.select %parallel_loop3A_459, %parallel_loop3A_458, %parallel_loop3A_438 : vector<16xi1>, vector<16xf32>
      %parallel_loop3A_461 = arith.constant 70000 : i32
      %parallel_loop3A_462 = arith.addi %parallel_loop3A_461, %parallel_loop3A_441 : i32
      %parallel_loop3A_463 = vector.broadcast %parallel_loop3A_462 : i32 to vector<16xi32>
      %parallel_loop3A_464 = arith.addi %parallel_loop3A_463, %convert_element_type3A_10 : vector<16xi32>
      %parallel_loop3A_465 = arith.select %parallel_loop3A_459, %parallel_loop3A_464, %parallel_loop3A_439 : vector<16xi1>, vector<16xi32>
      scf.yield %parallel_loop3A_460, %parallel_loop3A_465 : vector<16xf32>, vector<16xi32>
    } {sc.loop_unroll_factor = 5 : i64, sc.parallel_access}
    %mul3A_343 = arith.constant 100000 : i32
    %mul3A_344 = arith.muli %add3A, %mul3A_343 : i32
    %add3A_345 = arith.constant 70000 : i32
    %add3A_346 = arith.addi %mul3A_344, %add3A_345 : i32
    %dma_start3A_347 = tpu.memref_slice %arg5[%add3A_346] : memref<3200000xf32, #tpu.memory_space<hbm>> -> memref<10000xf32, #tpu.memory_space<hbm>>
    %dma_start3A_348 = tpu.memref_slice %arg5[%add3A_346] : memref<3200000xf32, #tpu.memory_space<hbm>> -> memref<10000xf32, #tpu.memory_space<hbm>>
    tpu.enqueue_dma source(%arg14 : memref<10000xf32, #tpu.memory_space<vmem>>) target(%dma_start3A_348 : memref<10000xf32, #tpu.memory_space<hbm>>) target_semaphore(%arg25 : memref<!tpu.dma_semaphore, #tpu.memory_space<semaphore_mem>>)
    %mul3A_349 = arith.constant 100000 : i32
    %mul3A_350 = arith.muli %add3A, %mul3A_349 : i32
    %add3A_351 = arith.constant 80000 : i32
    %add3A_352 = arith.addi %mul3A_350, %add3A_351 : i32
    %dma_wait3A_353 = tpu.memref_slice %arg2[%add3A_352] : memref<3200000xf32, #tpu.memory_space<hbm>> -> memref<10000xf32, #tpu.memory_space<hbm>>
    %dma_wait3A_354 = tpu.memref_slice %arg2[%add3A_352] : memref<3200000xf32, #tpu.memory_space<hbm>> -> memref<10000xf32, #tpu.memory_space<hbm>>
    tpu.wait_dma2 semaphore(%arg20 : memref<!tpu.dma_semaphore, #tpu.memory_space<semaphore_mem>>) src(%dma_wait3A_354 : memref<10000xf32, #tpu.memory_space<hbm>>) dst(%arg9 : memref<10000xf32, #tpu.memory_space<vmem>>)
    %mul3A_355 = arith.constant 100000 : i32
    %mul3A_356 = arith.muli %add3A, %mul3A_355 : i32
    %add3A_357 = arith.constant 80000 : i32
    %add3A_358 = arith.addi %mul3A_356, %add3A_357 : i32
    %dma_wait3A_359 = tpu.memref_slice %arg3[%add3A_358] : memref<3200000xf32, #tpu.memory_space<hbm>> -> memref<10000xf32, #tpu.memory_space<hbm>>
    %dma_wait3A_360 = tpu.memref_slice %arg3[%add3A_358] : memref<3200000xf32, #tpu.memory_space<hbm>> -> memref<10000xf32, #tpu.memory_space<hbm>>
    tpu.wait_dma2 semaphore(%arg23 : memref<!tpu.dma_semaphore, #tpu.memory_space<semaphore_mem>>) src(%dma_wait3A_360 : memref<10000xf32, #tpu.memory_space<hbm>>) dst(%arg12 : memref<10000xf32, #tpu.memory_space<vmem>>)
    %mul3A_361 = arith.constant 100000 : i32
    %mul3A_362 = arith.muli %add3A, %mul3A_361 : i32
    %add3A_363 = arith.constant 50000 : i32
    %add3A_364 = arith.addi %mul3A_362, %add3A_363 : i32
    %dma_wait3A_365 = tpu.memref_slice %arg5[%add3A_364] : memref<3200000xf32, #tpu.memory_space<hbm>> -> memref<10000xf32, #tpu.memory_space<hbm>>
    %dma_wait3A_366 = tpu.memref_slice %arg5[%add3A_364] : memref<3200000xf32, #tpu.memory_space<hbm>> -> memref<10000xf32, #tpu.memory_space<hbm>>
    tpu.wait_dma2 semaphore(%arg26 : memref<!tpu.dma_semaphore, #tpu.memory_space<semaphore_mem>>) src(%arg15 : memref<10000xf32, #tpu.memory_space<vmem>>) dst(%dma_wait3A_366 : memref<10000xf32, #tpu.memory_space<hbm>>)
    %parallel_loop3A_367 = arith.constant 0 : i32
    %parallel_loop3A_368 = arith.constant 625 : i32
    %parallel_loop3A_369 = arith.constant 1 : i32
    %parallel_loop3A_370:2 = scf.for %parallel_loop3A_437 = %parallel_loop3A_367 to %parallel_loop3A_368 step %parallel_loop3A_369 iter_args(%parallel_loop3A_438 = %parallel_loop3A_342#0, %parallel_loop3A_439 = %parallel_loop3A_342#1) -> (vector<16xf32>, vector<16xi32>)  : i32 {
      %parallel_loop3A_440 = arith.constant 16 : i32
      %parallel_loop3A_441 = arith.muli %parallel_loop3A_437, %parallel_loop3A_440 : i32
      %parallel_loop3A_442 = arith.index_cast %parallel_loop3A_441 : i32 to index
      %parallel_loop3A_443 = tpu.vector_load %arg9[%parallel_loop3A_442] {strides = array<i32>} : memref<10000xf32, #tpu.memory_space<vmem>>, vector<16xf32>,
      %parallel_loop3A_444 = arith.index_cast %parallel_loop3A_441 : i32 to index
      %parallel_loop3A_445 = tpu.vector_load %arg12[%parallel_loop3A_444] {strides = array<i32>} : memref<10000xf32, #tpu.memory_space<vmem>>, vector<16xf32>,
      %parallel_loop3A_446 = arith.cmpf oge, %parallel_loop3A_443, %get3A_41 : vector<16xf32>
      %parallel_loop3A_447 = arith.subf %parallel_loop3A_443, %get3A_43 : vector<16xf32>
      %parallel_loop3A_448 = math.exp %parallel_loop3A_447 : vector<16xf32>
      %parallel_loop3A_449 = arith.mulf %parallel_loop3A_448, %div3A : vector<16xf32>
      %parallel_loop3A_450 = arith.constant 0.000000e+00 : f32
      %parallel_loop3A_451 = vector.broadcast %parallel_loop3A_450 : f32 to vector<16xf32>
      %parallel_loop3A_452 = arith.select %parallel_loop3A_446, %parallel_loop3A_449, %parallel_loop3A_451 : vector<16xi1>, vector<16xf32>
      %parallel_loop3A_453 = arith.index_cast %parallel_loop3A_441 : i32 to index
      %parallel_loop3A_454 = tpu.vector_load %arg15[%parallel_loop3A_453] {strides = array<i32>} : memref<10000xf32, #tpu.memory_space<vmem>>, vector<16xf32>,
      tpu.vector_store %arg15[%parallel_loop3A_453], %parallel_loop3A_452 {strides = array<i32>} : memref<10000xf32, #tpu.memory_space<vmem>>, vector<16xf32>,
      %parallel_loop3A_455 = arith.addf %parallel_loop3A_443, %parallel_loop3A_445 : vector<16xf32>
      %parallel_loop3A_456 = arith.constant 0xFF800000 : f32
      %parallel_loop3A_457 = vector.broadcast %parallel_loop3A_456 : f32 to vector<16xf32>
      %parallel_loop3A_458 = arith.select %parallel_loop3A_446, %parallel_loop3A_455, %parallel_loop3A_457 : vector<16xi1>, vector<16xf32>
      %parallel_loop3A_459 = arith.cmpf ogt, %parallel_loop3A_458, %parallel_loop3A_438 : vector<16xf32>
      %parallel_loop3A_460 = arith.select %parallel_loop3A_459, %parallel_loop3A_458, %parallel_loop3A_438 : vector<16xi1>, vector<16xf32>
      %parallel_loop3A_461 = arith.constant 80000 : i32
      %parallel_loop3A_462 = arith.addi %parallel_loop3A_461, %parallel_loop3A_441 : i32
      %parallel_loop3A_463 = vector.broadcast %parallel_loop3A_462 : i32 to vector<16xi32>
      %parallel_loop3A_464 = arith.addi %parallel_loop3A_463, %convert_element_type3A_10 : vector<16xi32>
      %parallel_loop3A_465 = arith.select %parallel_loop3A_459, %parallel_loop3A_464, %parallel_loop3A_439 : vector<16xi1>, vector<16xi32>
      scf.yield %parallel_loop3A_460, %parallel_loop3A_465 : vector<16xf32>, vector<16xi32>
    } {sc.loop_unroll_factor = 5 : i64, sc.parallel_access}
    %mul3A_371 = arith.constant 100000 : i32
    %mul3A_372 = arith.muli %add3A, %mul3A_371 : i32
    %add3A_373 = arith.constant 80000 : i32
    %add3A_374 = arith.addi %mul3A_372, %add3A_373 : i32
    %dma_start3A_375 = tpu.memref_slice %arg5[%add3A_374] : memref<3200000xf32, #tpu.memory_space<hbm>> -> memref<10000xf32, #tpu.memory_space<hbm>>
    %dma_start3A_376 = tpu.memref_slice %arg5[%add3A_374] : memref<3200000xf32, #tpu.memory_space<hbm>> -> memref<10000xf32, #tpu.memory_space<hbm>>
    tpu.enqueue_dma source(%arg15 : memref<10000xf32, #tpu.memory_space<vmem>>) target(%dma_start3A_376 : memref<10000xf32, #tpu.memory_space<hbm>>) target_semaphore(%arg26 : memref<!tpu.dma_semaphore, #tpu.memory_space<semaphore_mem>>)
    %mul3A_377 = arith.constant 100000 : i32
    %mul3A_378 = arith.muli %add3A, %mul3A_377 : i32
    %add3A_379 = arith.constant 90000 : i32
    %add3A_380 = arith.addi %mul3A_378, %add3A_379 : i32
    %dma_wait3A_381 = tpu.memref_slice %arg2[%add3A_380] : memref<3200000xf32, #tpu.memory_space<hbm>> -> memref<10000xf32, #tpu.memory_space<hbm>>
    %dma_wait3A_382 = tpu.memref_slice %arg2[%add3A_380] : memref<3200000xf32, #tpu.memory_space<hbm>> -> memref<10000xf32, #tpu.memory_space<hbm>>
    tpu.wait_dma2 semaphore(%arg18 : memref<!tpu.dma_semaphore, #tpu.memory_space<semaphore_mem>>) src(%dma_wait3A_382 : memref<10000xf32, #tpu.memory_space<hbm>>) dst(%arg7 : memref<10000xf32, #tpu.memory_space<vmem>>)
    %mul3A_383 = arith.constant 100000 : i32
    %mul3A_384 = arith.muli %add3A, %mul3A_383 : i32
    %add3A_385 = arith.constant 90000 : i32
    %add3A_386 = arith.addi %mul3A_384, %add3A_385 : i32
    %dma_wait3A_387 = tpu.memref_slice %arg3[%add3A_386] : memref<3200000xf32, #tpu.memory_space<hbm>> -> memref<10000xf32, #tpu.memory_space<hbm>>
    %dma_wait3A_388 = tpu.memref_slice %arg3[%add3A_386] : memref<3200000xf32, #tpu.memory_space<hbm>> -> memref<10000xf32, #tpu.memory_space<hbm>>
    tpu.wait_dma2 semaphore(%arg21 : memref<!tpu.dma_semaphore, #tpu.memory_space<semaphore_mem>>) src(%dma_wait3A_388 : memref<10000xf32, #tpu.memory_space<hbm>>) dst(%arg10 : memref<10000xf32, #tpu.memory_space<vmem>>)
    %mul3A_389 = arith.constant 100000 : i32
    %mul3A_390 = arith.muli %add3A, %mul3A_389 : i32
    %add3A_391 = arith.constant 60000 : i32
    %add3A_392 = arith.addi %mul3A_390, %add3A_391 : i32
    %dma_wait3A_393 = tpu.memref_slice %arg5[%add3A_392] : memref<3200000xf32, #tpu.memory_space<hbm>> -> memref<10000xf32, #tpu.memory_space<hbm>>
    %dma_wait3A_394 = tpu.memref_slice %arg5[%add3A_392] : memref<3200000xf32, #tpu.memory_space<hbm>> -> memref<10000xf32, #tpu.memory_space<hbm>>
    tpu.wait_dma2 semaphore(%arg24 : memref<!tpu.dma_semaphore, #tpu.memory_space<semaphore_mem>>) src(%arg13 : memref<10000xf32, #tpu.memory_space<vmem>>) dst(%dma_wait3A_394 : memref<10000xf32, #tpu.memory_space<hbm>>)
    %parallel_loop3A_395 = arith.constant 0 : i32
    %parallel_loop3A_396 = arith.constant 625 : i32
    %parallel_loop3A_397 = arith.constant 1 : i32
    %parallel_loop3A_398:2 = scf.for %parallel_loop3A_437 = %parallel_loop3A_395 to %parallel_loop3A_396 step %parallel_loop3A_397 iter_args(%parallel_loop3A_438 = %parallel_loop3A_370#0, %parallel_loop3A_439 = %parallel_loop3A_370#1) -> (vector<16xf32>, vector<16xi32>)  : i32 {
      %parallel_loop3A_440 = arith.constant 16 : i32
      %parallel_loop3A_441 = arith.muli %parallel_loop3A_437, %parallel_loop3A_440 : i32
      %parallel_loop3A_442 = arith.index_cast %parallel_loop3A_441 : i32 to index
      %parallel_loop3A_443 = tpu.vector_load %arg7[%parallel_loop3A_442] {strides = array<i32>} : memref<10000xf32, #tpu.memory_space<vmem>>, vector<16xf32>,
      %parallel_loop3A_444 = arith.index_cast %parallel_loop3A_441 : i32 to index
      %parallel_loop3A_445 = tpu.vector_load %arg10[%parallel_loop3A_444] {strides = array<i32>} : memref<10000xf32, #tpu.memory_space<vmem>>, vector<16xf32>,
      %parallel_loop3A_446 = arith.cmpf oge, %parallel_loop3A_443, %get3A_41 : vector<16xf32>
      %parallel_loop3A_447 = arith.subf %parallel_loop3A_443, %get3A_43 : vector<16xf32>
      %parallel_loop3A_448 = math.exp %parallel_loop3A_447 : vector<16xf32>
      %parallel_loop3A_449 = arith.mulf %parallel_loop3A_448, %div3A : vector<16xf32>
      %parallel_loop3A_450 = arith.constant 0.000000e+00 : f32
      %parallel_loop3A_451 = vector.broadcast %parallel_loop3A_450 : f32 to vector<16xf32>
      %parallel_loop3A_452 = arith.select %parallel_loop3A_446, %parallel_loop3A_449, %parallel_loop3A_451 : vector<16xi1>, vector<16xf32>
      %parallel_loop3A_453 = arith.index_cast %parallel_loop3A_441 : i32 to index
      %parallel_loop3A_454 = tpu.vector_load %arg13[%parallel_loop3A_453] {strides = array<i32>} : memref<10000xf32, #tpu.memory_space<vmem>>, vector<16xf32>,
      tpu.vector_store %arg13[%parallel_loop3A_453], %parallel_loop3A_452 {strides = array<i32>} : memref<10000xf32, #tpu.memory_space<vmem>>, vector<16xf32>,
      %parallel_loop3A_455 = arith.addf %parallel_loop3A_443, %parallel_loop3A_445 : vector<16xf32>
      %parallel_loop3A_456 = arith.constant 0xFF800000 : f32
      %parallel_loop3A_457 = vector.broadcast %parallel_loop3A_456 : f32 to vector<16xf32>
      %parallel_loop3A_458 = arith.select %parallel_loop3A_446, %parallel_loop3A_455, %parallel_loop3A_457 : vector<16xi1>, vector<16xf32>
      %parallel_loop3A_459 = arith.cmpf ogt, %parallel_loop3A_458, %parallel_loop3A_438 : vector<16xf32>
      %parallel_loop3A_460 = arith.select %parallel_loop3A_459, %parallel_loop3A_458, %parallel_loop3A_438 : vector<16xi1>, vector<16xf32>
      %parallel_loop3A_461 = arith.constant 90000 : i32
      %parallel_loop3A_462 = arith.addi %parallel_loop3A_461, %parallel_loop3A_441 : i32
      %parallel_loop3A_463 = vector.broadcast %parallel_loop3A_462 : i32 to vector<16xi32>
      %parallel_loop3A_464 = arith.addi %parallel_loop3A_463, %convert_element_type3A_10 : vector<16xi32>
      %parallel_loop3A_465 = arith.select %parallel_loop3A_459, %parallel_loop3A_464, %parallel_loop3A_439 : vector<16xi1>, vector<16xi32>
      scf.yield %parallel_loop3A_460, %parallel_loop3A_465 : vector<16xf32>, vector<16xi32>
    } {sc.loop_unroll_factor = 5 : i64, sc.parallel_access}
    %mul3A_399 = arith.constant 100000 : i32
    %mul3A_400 = arith.muli %add3A, %mul3A_399 : i32
    %add3A_401 = arith.constant 90000 : i32
    %add3A_402 = arith.addi %mul3A_400, %add3A_401 : i32
    %dma_start3A_403 = tpu.memref_slice %arg5[%add3A_402] : memref<3200000xf32, #tpu.memory_space<hbm>> -> memref<10000xf32, #tpu.memory_space<hbm>>
    %dma_start3A_404 = tpu.memref_slice %arg5[%add3A_402] : memref<3200000xf32, #tpu.memory_space<hbm>> -> memref<10000xf32, #tpu.memory_space<hbm>>
    tpu.enqueue_dma source(%arg13 : memref<10000xf32, #tpu.memory_space<vmem>>) target(%dma_start3A_404 : memref<10000xf32, #tpu.memory_space<hbm>>) target_semaphore(%arg24 : memref<!tpu.dma_semaphore, #tpu.memory_space<semaphore_mem>>)
    %mul3A_405 = arith.constant 100000 : i32
    %mul3A_406 = arith.muli %add3A, %mul3A_405 : i32
    %add3A_407 = arith.constant 70000 : i32
    %add3A_408 = arith.addi %mul3A_406, %add3A_407 : i32
    %dma_wait3A_409 = tpu.memref_slice %arg5[%add3A_408] : memref<3200000xf32, #tpu.memory_space<hbm>> -> memref<10000xf32, #tpu.memory_space<hbm>>
    %dma_wait3A_410 = tpu.memref_slice %arg5[%add3A_408] : memref<3200000xf32, #tpu.memory_space<hbm>> -> memref<10000xf32, #tpu.memory_space<hbm>>
    tpu.wait_dma2 semaphore(%arg25 : memref<!tpu.dma_semaphore, #tpu.memory_space<semaphore_mem>>) src(%arg14 : memref<10000xf32, #tpu.memory_space<vmem>>) dst(%dma_wait3A_410 : memref<10000xf32, #tpu.memory_space<hbm>>)
    %mul3A_411 = arith.constant 100000 : i32
    %mul3A_412 = arith.muli %add3A, %mul3A_411 : i32
    %add3A_413 = arith.constant 80000 : i32
    %add3A_414 = arith.addi %mul3A_412, %add3A_413 : i32
    %dma_wait3A_415 = tpu.memref_slice %arg5[%add3A_414] : memref<3200000xf32, #tpu.memory_space<hbm>> -> memref<10000xf32, #tpu.memory_space<hbm>>
    %dma_wait3A_416 = tpu.memref_slice %arg5[%add3A_414] : memref<3200000xf32, #tpu.memory_space<hbm>> -> memref<10000xf32, #tpu.memory_space<hbm>>
    tpu.wait_dma2 semaphore(%arg26 : memref<!tpu.dma_semaphore, #tpu.memory_space<semaphore_mem>>) src(%arg15 : memref<10000xf32, #tpu.memory_space<vmem>>) dst(%dma_wait3A_416 : memref<10000xf32, #tpu.memory_space<hbm>>)
    %mul3A_417 = arith.constant 100000 : i32
    %mul3A_418 = arith.muli %add3A, %mul3A_417 : i32
    %add3A_419 = arith.constant 90000 : i32
    %add3A_420 = arith.addi %mul3A_418, %add3A_419 : i32
    %dma_wait3A_421 = tpu.memref_slice %arg5[%add3A_420] : memref<3200000xf32, #tpu.memory_space<hbm>> -> memref<10000xf32, #tpu.memory_space<hbm>>
    %dma_wait3A_422 = tpu.memref_slice %arg5[%add3A_420] : memref<3200000xf32, #tpu.memory_space<hbm>> -> memref<10000xf32, #tpu.memory_space<hbm>>
    tpu.wait_dma2 semaphore(%arg24 : memref<!tpu.dma_semaphore, #tpu.memory_space<semaphore_mem>>) src(%arg13 : memref<10000xf32, #tpu.memory_space<vmem>>) dst(%dma_wait3A_422 : memref<10000xf32, #tpu.memory_space<hbm>>)
    %reduce_max3A = arith.constant true
    %reduce_max3A_423 = vector.broadcast %reduce_max3A : i1 to vector<16xi1>
    %reduce_max3A_424 = tpu.scan <max>, %parallel_loop3A_398#0 masked %reduce_max3A_423 : vector<16xf32>, vector<16xi1> -> vector<16xf32>
    %reduce_max3A_425 = vector.extract %reduce_max3A_424[15] : f32 from vector<16xf32>
    %eq3A = vector.broadcast %reduce_max3A_425 : f32 to vector<16xf32>
    %eq3A_426 = arith.cmpf oeq, %parallel_loop3A_398#0, %eq3A : vector<16xf32>
    %convert_element_type3A_427 = arith.sitofp %parallel_loop3A_398#1 : vector<16xi32> to vector<16xf32>
    %jit3A = arith.constant 3.000000e+07 : f32
    %broadcast_in_dim3A_428 = vector.broadcast %jit3A : f32 to vector<16xf32>
    %select_n3A = arith.select %eq3A_426, %convert_element_type3A_427, %broadcast_in_dim3A_428 : vector<16xi1>, vector<16xf32>
    %reduce_min3A = arith.constant true
    %reduce_min3A_429 = vector.broadcast %reduce_min3A : i1 to vector<16xi1>
    %reduce_min3A_430 = tpu.scan <min>, %select_n3A masked %reduce_min3A_429 : vector<16xf32>, vector<16xi1> -> vector<16xf32>
    %reduce_min3A_431 = vector.extract %reduce_min3A_430[15] : f32 from vector<16xf32>
    %convert_element_type3A_432 = arith.fptosi %reduce_min3A_431 : f32 to i32
    %broadcast_in_dim3A_433 = vector.broadcast %convert_element_type3A_432 : i32 to vector<16xi32>
    %swap3A = arith.constant 0 : index
    %swap3A_434 = tpu.vector_load %arg17[%swap3A] {strides = array<i32>} : memref<16xi32, #tpu.memory_space<vmem>>, vector<16xi32>,
    tpu.vector_store %arg17[%swap3A], %broadcast_in_dim3A_433 {strides = array<i32>} : memref<16xi32, #tpu.memory_space<vmem>>, vector<16xi32>,
    %mul3A_435 = arith.constant 16 : i32
    %mul3A_436 = arith.muli %add3A, %mul3A_435 : i32
    "tpu.region"() ({
      %run_scoped3A = tpu.sem_alloc : memref<!tpu.dma_semaphore, #tpu.memory_space<semaphore_mem>>
      %dma_start3A_437 = tpu.memref_slice %arg6[%mul3A_436] : memref<512xi32, #tpu.memory_space<hbm>> -> memref<16xi32, #tpu.memory_space<hbm>>
      %dma_start3A_438 = tpu.memref_slice %arg6[%mul3A_436] : memref<512xi32, #tpu.memory_space<hbm>> -> memref<16xi32, #tpu.memory_space<hbm>>
      tpu.enqueue_dma source(%arg17 : memref<16xi32, #tpu.memory_space<vmem>>) target(%dma_start3A_438 : memref<16xi32, #tpu.memory_space<hbm>>) target_semaphore(%run_scoped3A : memref<!tpu.dma_semaphore, #tpu.memory_space<semaphore_mem>>)
      %dma_wait3A_439 = tpu.memref_slice %arg6[%mul3A_436] : memref<512xi32, #tpu.memory_space<hbm>> -> memref<16xi32, #tpu.memory_space<hbm>>
      %dma_wait3A_440 = tpu.memref_slice %arg6[%mul3A_436] : memref<512xi32, #tpu.memory_space<hbm>> -> memref<16xi32, #tpu.memory_space<hbm>>
      tpu.wait_dma2 semaphore(%run_scoped3A : memref<!tpu.dma_semaphore, #tpu.memory_space<semaphore_mem>>) src(%arg17 : memref<16xi32, #tpu.memory_space<vmem>>) dst(%dma_wait3A_440 : memref<16xi32, #tpu.memory_space<hbm>>)
      tpu.yield
    }) : () -> ()
    return
  }
}

</mosaic_0001>

<sc_bundles>
// kernel: kernel.4.cloned.1.call-start
scs
__scs_entry_jumppad:
0x0: {  	(pc) =	sbr.rel $0x88, $3  }
0x1: {  	(tag) =	ssettag $0x0;
	lr =	simm.s32 $0x1  }
0x2: {  	[smem:$0x3FA0] =	sst lr;
	_ =	strace $0xD0000000  }
0x3: {  	_ = 	snop  }
0x4: {  	_ = 	snop  }
0x5: {  	_ = 	snop  }
0x6: {  	_ = 	snop  }
0x7: {  	_ = 	snop  }
__scs_overlays_trampoline_lowered:
0x8: {  	[smem:$0x3FAF] =	sst s0  }
0x9: {  	[smem:$0x3FB0] =	sst s1  }
0xa: {  	[smem:$0x3FB1] =	sst s2  }
0xb: {  	[smem:$0x3FB2] =	sst s3  }
0xc: {  	[smem:$0x3FB3] =	sst s4  }
0xd: {  	[smem:$0x3FB4] =	sst s5  }
0xe: {  	[smem:$0x3FB5] =	sst s6  }
0xf: {  	[smem:$0x3FB6] =	sst s7  }
0x10: {  	[smem:$0x3FB7] =	sst s8  }
0x11: {  	[smem:$0x3FB8] =	sst s9;
	s0 =	simm.s32 @!p0 $0x0  }
0x12: {  	s1 =	sld [smem:$0x3F9E];
	s0 =	simm.s32 @p0 $0x1  }
0x13: {  	[smem:$0x3FB9] =	sst s0;
	s0 =	simm.s32 @!p1 $0x0  }
0x14: {  	s2 =	sld [smem:$0x3F9D];
	s0 =	simm.s32 @p1 $0x1  }
0x15: {  	[smem:$0x3FBA] =	sst s0;
	s0 =	simm.s32 @!p2 $0x0  }
0x16: {  	s3 =	sld [smem:$0x3FDB];
	s0 =	simm.s32 @p2 $0x1  }
0x17: {  	s4 =	simm.s32 $0x1BF5;
	[smem:$0x3FBC] =	sst s0  }
0x18: {  	s0 =	sld [smem:$0x3F9F];
	_ =	swait.ge [sflag:s4], $0x0  }
0x19: {  	s7 =	sld [smem:$0x3FA0]  }
0x1a: {  	s8 =	sadd.s32 $0xFFFFE003, lr  }
0x1b: {  	s9 =	sadd.s32 $0xFFFFFEF7, lr;
	s5 =	simm.s32 $0xFFFFFFFF;
	p2 =	slt.u32 s8, $0xFFFFF086  }
0x1c: {  	p1 =	slt.u32 s9, $0xF7A;
	s5 =	simm.s32 @!p2 $0x0  }
0x1d: {  	s5 =	simm.s32 @p1 $0x1;
	p0 =	seq.s32 s7, s2  }
0x1e: {  	s7 =	smul.u32 @!p0 $0xF7A, s2;
	p2 =	seq.s32 @!p0 s5, $0x0  }
0x1f: {  	s9 =	smul.u32 $0xF7A, s1;
	s8 =	simm.s32 @!p0 $0x1BF5;
	p2 =	por !p2, p0  }
0x20: {  	[sflag:s8] =	ssyncset.s32 @!p0 $0xFFFFF086;
	s6 =	sadd.s32 @!p0 s3, s7;
	s7 =	simm.s32 @!p0 $0x108  }
0x21: {  	s3 =	sadd.s32 s3, s9;
	s6 =	sadd.s32 @!p0 $0x88, s6;
	s7 =	simm.s32 @p2 $0x1082  }
0x22: {  	[simem:s7], [sflag:s8] =	dma.local @!p0 [hbm:s6], $0xF7A  }
0x23: {  	s9 =	sor.u32 $0xD0000000, s2;
	s6 =	simm.s32 $0x108;
	_ =	swait.ge @!p0 [sflag:s8], $0x0  }
0x24: {  	s3 =	sadd.s32 $0x88, s3;
	s6 =	simm.s32 @!p1 $0x1082;
	[sflag:s4] =	ssyncset.s32 $0xFFFFF086  }
0x25: {  	[simem:s6], [sflag:s4] =	dma.local [hbm:s3], $0xF7A  }
0x26: {  	[smem:$0x3FA0] =	sst s1;
	(tag) =	ssettag s2;
	_ =	strace s9  }
0x27: {  	s1 =	sld [smem:$0x3FB0]  }
0x28: {  	s2 =	sld [smem:$0x3FB1]  }
0x29: {  	s4 =	sld [smem:$0x3FB3]  }
0x2a: {  	p0 =	seq.s32 s5, $0x0;
	s5 =	sld [smem:$0x3FB4]  }
0x2b: {  	s6 =	sld [smem:$0x3FB5]  }
0x2c: {  	s7 =	sld [smem:$0x3FB6]  }
0x2d: {  	s3 =	simm.s32 $0x108;
	s8 =	sld [smem:$0x3FB7]  }
0x2e: {  	s3 =	simm.s32 @!p0 $0x1082;
	s9 =	sld [smem:$0x3FB8]  }
0x2f: {  	lr =	sadd.s32 s0, s3;
	s0 =	sld [smem:$0x3FAF]  }
0x30: {  	s3 =	sld [smem:$0x3FB2]  }
0x31: {  	[smem:$0x3FBB] =	sst s10  }
0x32: {  	s10 =	sld [smem:$0x3FB9];
	_ =	sdelay $0x3  }
0x33: {  	p0 =	seq.s32 s10, $0x1;
	s10 =	sld [smem:$0x3FBB];
	_ =	sdelay $0x3  }
0x34: {  	[smem:$0x3FBB] =	sst s10  }
0x35: {  	s10 =	sld [smem:$0x3FBA];
	_ =	sdelay $0x3  }
0x36: {  	p1 =	seq.s32 s10, $0x1;
	s10 =	sld [smem:$0x3FBB];
	_ =	sdelay $0x3  }
0x37: {  	[smem:$0x3FBB] =	sst s10  }
0x38: {  	s10 =	sld [smem:$0x3FBC]  }
0x39: {  	_ = 	snop;
	(pc) =	sbr.ind lr, $3  }
0x3a: {  	_ = 	snop  }
0x3b: {  	_ = 	snop  }
0x3c: {  	p2 =	seq.s32 s10, $0x1;
	s10 =	sld [smem:$0x3FBB]  }
0x3d: {  	_ =	shalt  }
0x3e: {  	_ =	shalt  }
0x3f: {  	_ =	shalt  }
0x40: {  	_ =	shalt  }
0x41: {  	_ =	shalt  }
0x42: {  	_ =	shalt  }
0x43: {  	_ =	shalt  }
0x44: {  	_ =	shalt  }
0x45: {  	_ =	shalt  }
0x46: {  	_ =	shalt  }
0x47: {  	_ =	shalt  }
0x48: {  	_ =	shalt  }
0x49: {  	_ =	shalt  }
0x4a: {  	_ =	shalt  }
0x4b: {  	_ =	shalt  }
0x4c: {  	_ =	shalt  }
0x4d: {  	_ =	shalt  }
0x4e: {  	_ =	shalt  }
0x4f: {  	_ =	shalt  }
0x50: {  	_ =	shalt  }
0x51: {  	_ =	shalt  }
0x52: {  	_ =	shalt  }
0x53: {  	_ =	shalt  }
0x54: {  	_ =	shalt  }
0x55: {  	_ =	shalt  }
0x56: {  	_ =	shalt  }
0x57: {  	_ =	shalt  }
0x58: {  	_ =	shalt  }
0x59: {  	_ =	shalt  }
0x5a: {  	_ =	shalt  }
0x5b: {  	_ =	shalt  }
0x5c: {  	_ =	shalt  }
0x5d: {  	_ =	shalt  }
0x5e: {  	_ =	shalt  }
0x5f: {  	_ =	shalt  }
0x60: {  	_ =	shalt  }
0x61: {  	_ =	shalt  }
0x62: {  	_ =	shalt  }
0x63: {  	_ =	shalt  }
0x64: {  	_ =	shalt  }
0x65: {  	_ =	shalt  }
0x66: {  	_ =	shalt  }
0x67: {  	_ =	shalt  }
0x68: {  	_ =	shalt  }
0x69: {  	_ =	shalt  }
0x6a: {  	_ =	shalt  }
0x6b: {  	_ =	shalt  }
0x6c: {  	_ =	shalt  }
0x6d: {  	_ =	shalt  }
0x6e: {  	_ =	shalt  }
0x6f: {  	_ =	shalt  }
0x70: {  	_ =	shalt  }
0x71: {  	_ =	shalt  }
0x72: {  	_ =	shalt  }
0x73: {  	_ =	shalt  }
0x74: {  	_ =	shalt  }
0x75: {  	_ =	shalt  }
0x76: {  	_ =	shalt  }
0x77: {  	_ =	shalt  }
0x78: {  	_ =	shalt  }
0x79: {  	_ =	shalt  }
0x7a: {  	_ =	shalt  }
0x7b: {  	_ =	shalt  }
0x7c: {  	_ =	shalt  }
0x7d: {  	_ =	shalt  }
0x7e: {  	_ =	shalt  }
0x7f: {  	_ =	shalt  }
0x80: {  	_ =	shalt  }
0x81: {  	_ =	shalt  }
0x82: {  	_ =	shalt  }
0x83: {  	_ =	shalt  }
0x84: {  	_ =	shalt  }
0x85: {  	_ =	shalt  }
0x86: {  	_ =	shalt  }
0x87: {  	_ =	shalt  }
.Lfunc_end0:
.L_simem_size_0:
called_computation_lowered:
.L_overlay_start_0:
0x88: {  	s2 =	sld [smem:$0x3FD9]  }
0x89: {  	s3 =	sld [smem:$0x3FFE];
	_ =	sdelay $0x1  }
0x8a: {  	s1 =	srdreg.scid  }
0x8b: {  	s0 =	sand.u32 $0x1, s1  }
0x8c: {  	s14 =	sshll.u32 s0, $0xA;
	s2 =	sadd.s32 s3, s2  }
0x8d: {  	s2 =	sadd.s32 s2, s14  }
0x8e: {  	[smem:$0x3FC7] =	sst s2  }
0x8f: {  	_ = 	snop  }
0x90: {  	s2 =	sld [smem:$0x3FD0];
	_ =	sdelay $0x2  }
0x91: {  	s15 =	simm.s32 $0xA;
	s4 =	simm.s32 $0x10  }
0x92: {  	[smem:s4], [sflag:s15] =	dma.local [hbm:s2], $0x1  }
0x93: {  	_ =	swait.eq [sflag:s15], $0x1  }
0x94: {  	[sflag:s15] =	ssyncset.done $0x0  }
0x95: {  	[sflag:s15] =	ssyncadd.s32 $0xFFFFFFFF  }
0x96: {  	s16 =	sld [smem:$0x10];
	(tm) =	ssettm $0x1  }
0x97: {  	s17 =	sld [smem:$0x3FFB];
	_ =	sdelay $0x3  }
0x98: {  	_ =	strace s17  }
0x99: {  	s3 =	sld [smem:$0x3FFC];
	_ =	sdelay $0x3  }
0x9a: {  	_ =	strace s3  }
0x9b: {  	s3 =	sld [smem:$0x3FFD];
	_ =	sdelay $0x3  }
0x9c: {  	_ =	strace s3  }
0x9d: {  	_ =	strace $0x8FFFFFFF  }
0x9e: {  	s18 =	sld [smem:$0x3FDB];
	_ =	sdelay $0x1  }
0x9f: {  	s19 =	simm.s32 $_scs_section_size  }
0xa0: {  	s5 =	simm.s32 $_size__tile_overlayer_lowered;
	s6 =	simm.s32 $_tile_overlayer_lowered  }
0xa1: {  	s22 =	simm.s32 $0x1BFF;
	s21 =	sshll.u32 s6, $0x1;
	s3 =	sadd.s32 s19, s18  }
0xa2: {  	s7 =	simm.s32 $0x0;
	s20 =	sshll.u32 s5, $0x1;
	s5 =	sadd.s32 s21, s3  }
0xa3: {  	[timem:s7], [sflag:s22] =	dma.local [hbm:s5], s20  }
0xa4: {  	_ =	swait.ge [sflag:s22], s20  }
0xa5: {  	s4 =	ssub.s32 $0x0, s20;
	[sflag:s22] =	ssyncset.done $0x0  }
0xa6: {  	[sflag:s22] =	ssyncadd.s32 s4;
	_ =	sdelay $0x1  }
0xa7: {  	s23 =	simm.s32 $0x1B8B  }
0xa8: {  	_ =	swait.ge [sflag:s23], $0x1  }
0xa9: {  	[sflag:s23] =	ssyncset.done $0x0  }
0xaa: {  	s25 =	simm.s32 $0x1B8E;
	s24 =	sld [smem:$0x3FFE];
	[sflag:s23] =	ssyncadd.s32 $0xFFFFFFFF  }
0xab: {  	s26 =	simm.s32 $execute0_lowered;
	[smem:$0x3FD2] =	sst s25  }
0xac: {  	s5 =	sshll.u32 s26, $0x1;
	_ =	strace $0x80000046;
	[dreg:$0x1] =	wrdreg $0xFFFFFFFF  }
0xad: {  	s28 =	simm.s32 $_size_execute0_lowered;
	s3 =	sadd.s32 s3, s5;
	[dreg:$0x0] =	wrdreg $0x0  }
0xae: {  	s5 =	sshll.u32 s28, $0x1;
	[dreg:$0x2] =	wrdreg s3  }
0xaf: {  	[dreg:$0x3] =	wrdreg s5  }
0xb0: {  	[dreg:$0x4] =	wrdreg $0xC0  }
0xb1: {  	_ =	task [dreg:s7], $0x5FFFF  }
0xb2: {  	[dreg:$0x1] =	wrdreg $0xFFFFFFFF  }
0xb3: {  	[dreg:$0x0] =	wrdreg $0x60  }
0xb4: {  	[dreg:$0x2] =	wrdreg s16  }
0xb5: {  	[dreg:$0x3] =	wrdreg s24  }
0xb6: {  	[dreg:$0x4] =	wrdreg $0x9  }
0xb7: {  	_ =	task.clear_ibuf [dreg:s7], $0x5FFFF;
	_ =	strace $0x90000046  }
0xb8: {  	s29 =	simm.s32 $0x9;
	_ =	strace $0x80000048  }
0xb9: {  	_ =	swait.ge [sflag:s29], $0x1  }
0xba: {  	[sflag:s29] =	ssyncadd.s32 $0xFFFFFFFF  }
0xbb: {  	_ =	strace $0x90000048  }
0xbc: {  	_ =	sfence  }
0xbd: {  	s30 =	sld [smem:$0x0];
	_ =	sdelay $0x2  }
0xbe: {  	s31 =	sshll.u32 s1, $0xD;
	s1 =	sshrl.u32 s1, $0x2  }
0xbf: {  	s3 =	sand.u32 $0x4000, s31;
	s1 =	sadd.s32 s1, s30  }
0xc0: {  	s0 =	sor.u32 s3, s0;
	s1 =	sshll.u32 s1, $0x11  }
0xc1: {  	s0 =	sor.u32 s1, s0  }
0xc2: {  	s0 =	sadd.s32 $0x8F2B, s0  }
0xc3: {  	[sflag:s0] =	ssyncadd.remote.s32 $0x1  }
0xc4: {  	_ =	sfence.sel $0xFFFF  }
0xc5: {  	[dreg:$0x0] =	wrdreg $0xFFFFFFFF;
	(pc) =	sbr.abs _section_cstart, $3  }
0xc6: {  	[dreg:$0x1] =	wrdreg $0xFFFFFFFF  }
0xc7: {  	_ =	task.clear_ibuf [dreg:s7], $0x2FFFF;
	_ =	strace $0x9FFFFFFF  }
0xc8: {  	(tm) =	ssettm $0x7FFFFFFF  }
0xc9: {  	_ =	shalt  }
tec
execute0_lowered:
.L_overlay_start_1:
0x0: {  	(tag) =	ssettag $0x1  }
0x1: {  	s0 =	rddreg [dreg:$0x0];
	s1 =	simm.s32 $0x0  }
0x2: {  	[smem:$0x7FF] =	sst s1  }
0x3: {  	s2 =	rddreg [dreg:$0x1];
	v0 =	vimm.f32 $1.000000000e+00;
	_ =	strace $0x80000047  }
0x4: {  	(xrf2) =	vadd.scan.msk.f32 $0xffff, v0;
	_ =	sdelay $0x3  }
0x5: {  	s3 =	srdreg.scid;
	s4 =	stileid.u32  }
0x6: {  	s3 =	sand.u32 $0x1, s3;
	s4 =	sshll.u32 s4, $0x1  }
0x7: {  	s4 =	sor.u32 s3, s4  }
0x8: {  	s16 =	simm.s32 $0x1;
	s18 =	simm.s32 $0x18700;
	s5 =	smul.u32 $0x186A0, s4  }
0x9: {  	s19 =	simm.s32 $0x2;
	s6 =	ssub.s32 $0x2, s3;
	s4 =	smul.u32 $0x6, s4  }
0xa: {  	s29 =	simm.s32 $0x3;
	s30 =	simm.s32 $0x0;
	s28 =	sshrl.u32 s6, $0x1  }
0xb: {  	s31 =	ssub.s32 s6, s28;
	s26 =	sshrl.u32 s5, $0x3;
	s2 =	sadd.s32 s4, s2;
	v0, _, _ =	vpop (xrf2)  }
0xc: {  	s14 =	smax.u32 s31, $0x1;
	s3 =	sadd.s32 s0, s26;
	s13 =	sadd.s32 $0xE00, s2;
	v0 =	vadd.f32 $-1.000000000e+00, v0  }
0xd: {  	s4 =	sadd.s32 $0x4E2, s3;
	s5 =	sadd.s32 $0x9C4, s3;
	s6 =	sadd.s32 $0xEA6, s3  }
0xe: {  	v1 =	vimm.s32 $0x0;
	s7 =	sadd.s32 $0x1388, s3;
	s8 =	sadd.s32 $0x186A, s3;
	s9 =	sadd.s32 $0x1D4C, s3;
	v0 =	vtrunc.f32 v0  }
0xf: {  	v2 =	vimm.s32 $0x1;
	v3 =	vimm.s32 $0x80000000;
	s10 =	sadd.s32 $0x222E, s3;
	s11 =	sadd.s32 $0x2710, s3;
	s12 =	sadd.s32 $0x2BF2, s3;
	v0 =	vcvt.f32.s32 v0  }
.LBB2_1:
0x10: {  	[tilespmem:s1], [sflag:$0x1] =	stream.linear.gather [hbm4b:s3+s1], $0x2710, $0x38;
	[tilespmem:$0x19780] =	vst v63  }
0x11: {  	s0 =	simm.s32 $0x2710  }
0x12: {  	[tilespmem:s0], [sflag:$0x2] =	stream.linear.gather [hbm4b:s4+s1], $0x2710, $0x38;
	[tilespmem:$0x19780] =	vst v63  }
0x13: {  	s2 =	simm.s32 $0x0;
	s0 =	simm.s32 $0x40  }
.LBB2_2:
0x14: {  	p0 =	sne.s32 s0, $0x3FC0;
	[tilespmem:s2+$0x18700] =	vst v1;
	s2 =	smov.u32 s0;
	s0 =	sadd.s32 $0x40, s0  }
.Ltmp0:
0x15: {  	(pc) =	sbr.rel @p0 .LBB2_2-.Ltmp0, $2  }
0x16: {  	_ =	sdelay $0x2  }
0x17: {  	s2 =	sshra.s32 s2, $0x2  }
0x18: {  	[tilespmem:s2+$0x18700] =	vst v1  }
0x19: {  	_ =	swait.ge [sflag:s16], $0x2710  }
0x1a: {  	s0 =	simm.s32 $0x0;
	[sflag:s16] =	ssyncset.done $0x0  }
0x1b: {  	s28 =	simm.s32 $0x4E20;
	s2 =	simm.s32 $0x50;
	[sflag:s16] =	ssyncadd.s32 $0xFFFFD8F0  }
0x1c: {  	[tilespmem:s28], [sflag:$0x1] =	stream.linear.gather [hbm4b:s5+s0], $0x2710, $0x38;
	[tilespmem:$0x19780] =	vst v63  }
0x1d: {  	v5 =	vld [tilespmem:s2+$0xFFFFFFB0]  }
0x1e: {  	v6 =	vld [tilespmem:s2+$0xFFFFFFC0]  }
0x1f: {  	v7 =	vld [tilespmem:s2+$0xFFFFFFD0]  }
0x20: {  	v8 =	vld [tilespmem:s2+$0xFFFFFFE0]  }
0x21: {  	v9 =	vld [tilespmem:s2+$0xFFFFFFF0]  }
0x22: {  	v11 =	vld [tilespmem:s2+$0x0]  }
0x23: {  	v13 =	vld [tilespmem:s2+$0x10]  }
0x24: {  	s15 =	sand.u32 $0x3FE0, s0;
	v15 =	vld [tilespmem:s2+$0x20]  }
0x25: {  	v17 =	vld [tilespmem:s15+$0x80]  }
0x26: {  	v19 =	vld [tilespmem:s2+$0x40]  }
0x27: {  	v4 =	vimm.f32 $-Inf  }
0x28: {  	vm0 =	vlt.f32 v5, $0.0e+00;
	v10 =	vand.u32 $0x7FFFFFFF, v5;
	v4 =	vmax.f32 v4, v5  }
0x29: {  	v12 =	vand.u32 $0x7FFFFFFF, v6;
	v14 =	vand.u32 $0x7FFFFFFF, v7;
	v16 =	vand.u32 $0x7FFFFFFF, v8  }
0x2a: {  	v18 =	vand.u32 $0x7FFFFFFF, v9;
	v20 =	vand.u32 $0x7FFFFFFF, v11;
	v21 =	vand.u32 $0x7FFFFFFF, v13  }
0x2b: {  	v22 =	vand.u32 $0x7FFFFFFF, v15;
	v23 =	vand.u32 $0x7FFFFFFF, v17;
	v24 =	vand.u32 $0x7FFFFFFF, v19  }
0x2c: {  	vm1 =	vlt.f32 v17, $0.0e+00;
	v5 =	vxor.u32 $0xFFFFFFFF, v5;
	vm2 =	vlt.f32 v6, $0.0e+00  }
0x2d: {  	vm3 =	vlt.f32 v7, $0.0e+00;
	vm4 =	vlt.f32 v8, $0.0e+00;
	vm5 =	vlt.f32 v9, $0.0e+00  }
0x2e: {  	vm6 =	vlt.f32 v11, $0.0e+00;
	vm7 =	vlt.f32 v13, $0.0e+00;
	vm8 =	vlt.f32 v15, $0.0e+00  }
0x2f: {  	vm15 =	vlt.f32 v19, $0.0e+00;
	v10 =	vxor.u32 $0x80000000, v10;
	v4 =	vmax.f32 v4, v6  }
0x30: {  	v12 =	vxor.u32 $0x80000000, v12;
	v14 =	vxor.u32 $0x80000000, v14;
	v16 =	vxor.u32 $0x80000000, v16  }
0x31: {  	v18 =	vxor.u32 $0x80000000, v18;
	v20 =	vxor.u32 $0x80000000, v20;
	v21 =	vxor.u32 $0x80000000, v21  }
0x32: {  	v22 =	vxor.u32 $0x80000000, v22;
	v23 =	vxor.u32 $0x80000000, v23;
	v24 =	vxor.u32 $0x80000000, v24  }
0x33: {  	v6 =	vxor.u32 $0xFFFFFFFF, v6;
	v4 =	vmax.f32 v4, v7;
	v7 =	vxor.u32 $0xFFFFFFFF, v7  }
0x34: {  	v10 =	vsel vm0, v5, v10;
	v12 =	vsel vm2, v6, v12;
	v4 =	vmax.f32 v4, v8  }
0x35: {  	v8 =	vxor.u32 $0xFFFFFFFF, v8;
	v14 =	vsel vm3, v7, v14;
	[tilespmem:s2+$0xFFFFFFC0] =	vst v12;
	v12 =	vshrl.u32 v12, $0x14  }
0x36: {  	v4 =	vmax.f32 v4, v9;
	v9 =	vxor.u32 $0xFFFFFFFF, v9;
	v63 =	vsel vm4, v8, v16  }
0x37: {  	v16 =	vshrl.u32 v10, $0x14;
	[tilespmem:s2+$0xFFFFFFD0] =	vst v14;
	v14 =	vshrl.u32 v14, $0x14;
	v4 =	vmax.f32 v4, v11  }
0x38: {  	v11 =	vxor.u32 $0xFFFFFFFF, v11;
	v9 =	vsel vm5, v9, v18;
	v4 =	vmax.f32 v4, v13  }
0x39: {  	[tilespmem:s2+$0xFFFFFFB0] =	vst v10;
	v13 =	vxor.u32 $0xFFFFFFFF, v13;
	v8 =	vsel vm6, v11, v20;
	v10 =	vshrl.u32 v9, $0x14  }
0x3a: {  	v4 =	vmax.f32 v4, v15;
	v15 =	vxor.u32 $0xFFFFFFFF, v15;
	v7 =	vsel vm7, v13, v21  }
0x3b: {  	v13 =	vshrl.u32 v8, $0x14;
	v4 =	vmax.f32 v4, v17;
	v17 =	vxor.u32 $0xFFFFFFFF, v17  }
0x3c: {  	[tilespmem:s2+$0xFFFFFFE0] =	vst v63;
	v6 =	vsel vm8, v15, v22;
	v15 =	vshrl.u32 v63, $0x14;
	v11 =	vshrl.u32 v7, $0x14  }
0x3d: {  	[tilespmem:s2+$0xFFFFFFF0] =	vst v9;
	v4 =	vmax.f32 v4, v19;
	v17 =	vsel vm1, v17, v23;
	v19 =	vxor.u32 $0xFFFFFFFF, v19  }
0x3e: {  	s31 =	simm.s32 $0x0;
	s17 =	simm.s32 $0x0;
	v9 =	vshrl.u32 v6, $0x14;
	[tilespmem:s15+$0x80] =	vst v17;
	v5 =	vsel vm15, v19, v24;
	v17 =	vshrl.u32 v17, $0x14;
	s15 =	simm.s32 $0x50  }
.LBB2_4:
0x3f: {  	s31 =	sadd.s32 $0xA, s31;
	v16 =	vand.u32 $0xFF0, v16;
	[tilespmem:s2+$0x0] =	vst v8;
	v8 =	vand.u32 $0xFF0, v17;
	v17 =	vshrl.u32 v5, $0x14  }
0x40: {  	v12 =	vand.u32 $0xFF0, v12;
	v14 =	vand.u32 $0xFF0, v14;
	v15 =	vand.u32 $0xFF0, v15;
	s2 =	sadd.s32 $0xA0, s2;
	p0 =	slt.u32 s31, $0x262;
	[tilespmem:s15+$0x10] =	vst v7  }
0x41: {  	v10 =	vand.u32 $0xFF0, v10;
	v13 =	vand.u32 $0xFF0, v13;
	v11 =	vand.u32 $0xFF0, v11;
	v7 =	vld [tilespmem:s2+$0xFFFFFFB0];
	[tilespmem:s15+$0x20] =	vst v6  }
0x42: {  	v9 =	vand.u32 $0xFF0, v9;
	v8 =	vadd.s32 v0, v8;
	v6 =	vld [tilespmem:s2+$0xFFFFFFC0];
	[tilespmem:s15+$0x40] =	vst v5;
	v5 =	vand.u32 $0xFF0, v17;
	s15 =	smov.u32 s2  }
0x43: {  	v16 =	vadd.s32 v0, v16;
	v12 =	vadd.s32 v0, v12;
	v14 =	vadd.s32 v0, v14;
	v17 =	vld [tilespmem:s2+$0xFFFFFFD0]  }
0x44: {  	v15 =	vadd.s32 v0, v15;
	v10 =	vadd.s32 v0, v10;
	v13 =	vadd.s32 v0, v13;
	v18 =	vld [tilespmem:s2+$0xFFFFFFE0]  }
0x45: {  	v11 =	vadd.s32 v0, v11;
	v9 =	vadd.s32 v0, v9;
	v5 =	vadd.s32 v0, v5;
	v19 =	vld [tilespmem:s2+$0xFFFFFFF0]  }
0x46: {  	vm0 =	vlt.f32 v7, $0.0e+00;
	v20 =	vand.u32 $0x7FFFFFFF, v7;
	v4 =	vmax.f32 v4, v7;
	v21 =	vld [tilespmem:s2+$0x0]  }
0x47: {  	s17 =	sadd.s32 $0xA0, s17;
	v20 =	vxor.u32 $0x80000000, v20;
	v22 =	vand.u32 $0x7FFFFFFF, v6;
	v4 =	vmax.f32 v4, v6;
	v23 =	vld [tilespmem:s2+$0x10]  }
0x48: {  	s20 =	sand.u32 $0x3FE0, s17;
	v22 =	vxor.u32 $0x80000000, v22;
	v24 =	vand.u32 $0x7FFFFFFF, v17;
	v4 =	vmax.f32 v4, v17;
	v25 =	vld [tilespmem:s2+$0x20]  }
0x49: {  	v24 =	vxor.u32 $0x80000000, v24;
	v26 =	vand.u32 $0x7FFFFFFF, v18;
	v4 =	vmax.f32 v4, v18;
	v27 =	vld [tilespmem:s20+$0x80]  }
0x4a: {  	v26 =	vxor.u32 $0x80000000, v26;
	v28 =	vand.u32 $0x7FFFFFFF, v19;
	v4 =	vmax.f32 v4, v19;
	v29 =	vld [tilespmem:s2+$0x40]  }
0x4b: {  	v28 =	vxor.u32 $0x80000000, v28;
	v30 =	vand.u32 $0x7FFFFFFF, v21;
	v4 =	vmax.f32 v4, v21;
	[tilespmem:v8+s18+$0x0] =	vst.idx.add.s32.msk $0xffff, v2  }
0x4c: {  	v8 =	vxor.u32 $0x80000000, v30;
	v30 =	vand.u32 $0x7FFFFFFF, v23;
	v4 =	vmax.f32 v4, v23;
	[tilespmem:v16+s18+$0x0] =	vst.idx.add.s32.msk $0xffff, v2  }
0x4d: {  	v16 =	vxor.u32 $0x80000000, v30;
	v30 =	vand.u32 $0x7FFFFFFF, v25;
	v4 =	vmax.f32 v4, v25;
	[tilespmem:v12+s18+$0x0] =	vst.idx.add.s32.msk $0xffff, v2  }
0x4e: {  	v12 =	vxor.u32 $0x80000000, v30;
	v30 =	vand.u32 $0x7FFFFFFF, v27;
	v4 =	vmax.f32 v4, v27;
	[tilespmem:v14+s18+$0x0] =	vst.idx.add.s32.msk $0xffff, v2  }
0x4f: {  	v14 =	vxor.u32 $0x80000000, v30;
	v30 =	vand.u32 $0x7FFFFFFF, v29;
	v4 =	vmax.f32 v4, v29;
	[tilespmem:v15+s18+$0x0] =	vst.idx.add.s32.msk $0xffff, v2  }
0x50: {  	vm1 =	vlt.f32 v27, $0.0e+00;
	v15 =	vxor.u32 $0xFFFFFFFF, v27;
	v27 =	vxor.u32 $0x80000000, v30;
	[tilespmem:v10+s18+$0x0] =	vst.idx.add.s32.msk $0xffff, v2  }
0x51: {  	v7 =	vxor.u32 $0xFFFFFFFF, v7;
	vm2 =	vlt.f32 v6, $0.0e+00;
	v6 =	vxor.u32 $0xFFFFFFFF, v6;
	[tilespmem:v13+s18+$0x0] =	vst.idx.add.s32.msk $0xffff, v2  }
0x52: {  	vm3 =	vlt.f32 v17, $0.0e+00;
	vm4 =	vlt.f32 v18, $0.0e+00;
	v10 =	vxor.u32 $0xFFFFFFFF, v17;
	[tilespmem:v11+s18+$0x0] =	vst.idx.add.s32.msk $0xffff, v2  }
0x53: {  	vm5 =	vlt.f32 v19, $0.0e+00;
	v13 =	vxor.u32 $0xFFFFFFFF, v19;
	v11 =	vxor.u32 $0xFFFFFFFF, v18;
	[tilespmem:v9+s18+$0x0] =	vst.idx.add.s32.msk $0xffff, v2  }
0x54: {  	vm6 =	vlt.f32 v21, $0.0e+00;
	vm7 =	vlt.f32 v23, $0.0e+00;
	v9 =	vxor.u32 $0xFFFFFFFF, v21;
	[tilespmem:v5+s18+$0x0] =	vst.idx.add.s32.msk $0xffff, v2  }
0x55: {  	vm8 =	vlt.f32 v25, $0.0e+00;
	v17 =	vxor.u32 $0xFFFFFFFF, v25;
	v5 =	vxor.u32 $0xFFFFFFFF, v23  }
0x56: {  	v14 =	vsel vm1, v15, v14;
	vm1 =	vlt.f32 v29, $0.0e+00;
	v15 =	vxor.u32 $0xFFFFFFFF, v29  }
0x57: {  	v19 =	vsel vm2, v6, v22;
	v10 =	vsel vm3, v10, v24;
	v18 =	vsel vm0, v7, v20;
	[tilespmem:s20+$0x80] =	vst v14  }
.Ltmp1:
0x58: {  	v13 =	vsel vm5, v13, v28;
	v11 =	vsel vm4, v11, v26;
	v8 =	vsel vm6, v9, v8;
	[tilespmem:s2+$0xFFFFFFB0] =	vst v18;
	(pc) =	sbr.rel @p0 .LBB2_4-.Ltmp1, $4  }
0x59: {  	v6 =	vsel vm8, v17, v12;
	v7 =	vsel vm7, v5, v16;
	v5 =	vsel vm1, v15, v27;
	[tilespmem:s2+$0xFFFFFFC0] =	vst v19  }
0x5a: {  	v17 =	vshrl.u32 v14, $0x14;
	v12 =	vshrl.u32 v19, $0x14;
	v16 =	vshrl.u32 v18, $0x14;
	[tilespmem:s2+$0xFFFFFFD0] =	vst v10  }
0x5b: {  	v15 =	vshrl.u32 v11, $0x14;
	v14 =	vshrl.u32 v10, $0x14;
	v10 =	vshrl.u32 v13, $0x14;
	[tilespmem:s2+$0xFFFFFFE0] =	vst v11  }
0x5c: {  	v9 =	vshrl.u32 v6, $0x14;
	v11 =	vshrl.u32 v7, $0x14;
	[tilespmem:s2+$0xFFFFFFF0] =	vst v13;
	v13 =	vshrl.u32 v8, $0x14  }
0x5d: {  	v17 =	vand.u32 $0xFF0, v17  }
0x5e: {  	v16 =	vand.u32 $0xFF0, v16;
	v17 =	vadd.s32 v0, v17  }
0x5f: {  	[tilespmem:s2+$0x0] =	vst v8;
	v61 =	vand.u32 $0xFF0, v12;
	v62 =	vadd.s32 v0, v16  }
0x60: {  	v14 =	vand.u32 $0xFF0, v14;
	[tilespmem:s15+$0x10] =	vst v7;
	v7 =	vadd.s32 v0, v61  }
0x61: {  	v63 =	vand.u32 $0xFF0, v15;
	[tilespmem:s15+$0x20] =	vst v6;
	v6 =	vadd.s32 v0, v14  }
0x62: {  	v10 =	vand.u32 $0xFF0, v10;
	[tilespmem:s15+$0x40] =	vst v5;
	v8 =	vadd.s32 v0, v63  }
0x63: {  	v13 =	vand.u32 $0xFF0, v13;
	v10 =	vadd.s32 v0, v10;
	[tilespmem:v17+s18+$0x0] =	vst.idx.add.s32.msk $0xffff, v2  }
0x64: {  	v11 =	vand.u32 $0xFF0, v11;
	v5 =	vshrl.u32 v5, $0x14;
	v13 =	vadd.s32 v0, v13;
	[tilespmem:v62+s18+$0x0] =	vst.idx.add.s32.msk $0xffff, v2  }
0x65: {  	v11 =	vadd.s32 v0, v11;
	v5 =	vand.u32 $0xFF0, v5;
	[tilespmem:v7+s18+$0x0] =	vst.idx.add.s32.msk $0xffff, v2  }
0x66: {  	v9 =	vand.u32 $0xFF0, v9;
	v5 =	vadd.s32 v0, v5;
	[tilespmem:v6+s18+$0x0] =	vst.idx.add.s32.msk $0xffff, v2  }
0x67: {  	v7 =	vadd.s32 v0, v9;
	[tilespmem:v8+s18+$0x0] =	vst.idx.add.s32.msk $0xffff, v2  }
0x68: {  	[tilespmem:v10+s18+$0x0] =	vst.idx.add.s32.msk $0xffff, v2  }
0x69: {  	[tilespmem:v13+s18+$0x0] =	vst.idx.add.s32.msk $0xffff, v2  }
0x6a: {  	[tilespmem:v11+s18+$0x0] =	vst.idx.add.s32.msk $0xffff, v2  }
0x6b: {  	[tilespmem:v5+s18+$0x0] =	vst.idx.add.s32.msk $0xffff, v2  }
0x6c: {  	[tilespmem:v7+s18+$0x0] =	vst.idx.add.s32.msk $0xffff, v2  }
.LBB2_6:
0x6d: {  	s2 =	sshra.s32 s0, $0x2  }
0x6e: {  	v5 =	vld [tilespmem:s2+$0x26C0];
	_ =	sdelay $0x4  }
0x6f: {  	v6 =	vand.u32 $0x7FFFFFFF, v5  }
0x70: {  	vm0 =	vlt.f32 v5, $0.0e+00;
	v7 =	vxor.u32 $0xFFFFFFFF, v5;
	v6 =	vxor.u32 $0x80000000, v6  }
0x71: {  	v6 =	vsel vm0, v7, v6  }
0x72: {  	v7 =	vshrl.u32 v6, $0x14  }
0x73: {  	v7 =	vand.u32 $0xFF0, v7  }
0x74: {  	p0 =	sne.s32 s0, $0x100;
	v7 =	vadd.s32 v0, v7  }
.Ltmp2:
0x75: {  	_ = 	snop;
	(pc) =	sbr.rel @p0 .LBB2_6-.Ltmp2, $3  }
0x76: {  	_ =	sdelay $0x1  }
0x77: {  	[tilespmem:s2+$0x26C0] =	vst v6  }
0x78: {  	s0 =	sadd.s32 $0x40, s0;
	v4 =	vmax.f32 v4, v5;
	[tilespmem:v7+s18+$0x0] =	vst.idx.add.s32.msk $0xffff, v2  }
0x79: {  	_ =	swait.ge [sflag:s19], $0x2710  }
0x7a: {  	[sflag:s19] =	ssyncset.done $0x0  }
0x7b: {  	s0 =	simm.s32 $0x7530;
	[sflag:s19] =	ssyncadd.s32 $0xFFFFD8F0  }
0x7c: {  	[tilespmem:s0], [sflag:$0x2] =	stream.linear.gather [hbm4b:s6+s1], $0x2710, $0x38;
	[tilespmem:$0x19780] =	vst v63  }
0x7d: {  	s0 =	simm.s32 $0x2710  }
0x7e: {  	v5 =	vld [tilespmem:s0+$0x0]  }
0x7f: {  	v6 =	vld [tilespmem:s0+$0x10]  }
0x80: {  	v7 =	vld [tilespmem:s0+$0x20]  }
0x81: {  	v8 =	vld [tilespmem:s0+$0x30]  }
0x82: {  	v9 =	vld [tilespmem:s0+$0x40]  }
0x83: {  	v11 =	vld [tilespmem:s0+$0x50]  }
0x84: {  	v13 =	vld [tilespmem:s0+$0x60]  }
0x85: {  	v15 =	vld [tilespmem:s0+$0x70]  }
0x86: {  	v19 =	vld [tilespmem:s0+$0x90];
	_ =	sdelay $0x1  }
0x87: {  	vm0 =	vlt.f32 v5, $0.0e+00;
	v10 =	vand.u32 $0x7FFFFFFF, v5;
	v4 =	vmax.f32 v4, v5  }
0x88: {  	v12 =	vand.u32 $0x7FFFFFFF, v6;
	v14 =	vand.u32 $0x7FFFFFFF, v7;
	v16 =	vand.u32 $0x7FFFFFFF, v8  }
0x89: {  	v18 =	vand.u32 $0x7FFFFFFF, v9;
	v20 =	vand.u32 $0x7FFFFFFF, v11;
	v21 =	vand.u32 $0x7FFFFFFF, v13  }
0x8a: {  	s2 =	sand.u32 $0x7FF0, s0;
	v22 =	vand.u32 $0x7FFFFFFF, v15;
	v24 =	vand.u32 $0x7FFFFFFF, v19;
	v5 =	vxor.u32 $0xFFFFFFFF, v5  }
0x8b: {  	v17 =	vld [tilespmem:s2+$0x80];
	vm2 =	vlt.f32 v6, $0.0e+00;
	vm3 =	vlt.f32 v7, $0.0e+00;
	vm4 =	vlt.f32 v8, $0.0e+00  }
0x8c: {  	vm5 =	vlt.f32 v9, $0.0e+00;
	vm6 =	vlt.f32 v11, $0.0e+00;
	vm7 =	vlt.f32 v13, $0.0e+00  }
0x8d: {  	vm8 =	vlt.f32 v15, $0.0e+00;
	vm15 =	vlt.f32 v19, $0.0e+00;
	v10 =	vxor.u32 $0x80000000, v10  }
0x8e: {  	v4 =	vmax.f32 v4, v6;
	v12 =	vxor.u32 $0x80000000, v12;
	v14 =	vxor.u32 $0x80000000, v14  }
0x8f: {  	v16 =	vxor.u32 $0x80000000, v16;
	v18 =	vxor.u32 $0x80000000, v18;
	v20 =	vxor.u32 $0x80000000, v20  }
0x90: {  	v21 =	vxor.u32 $0x80000000, v21;
	v22 =	vxor.u32 $0x80000000, v22;
	v23 =	vand.u32 $0x7FFFFFFF, v17  }
0x91: {  	vm1 =	vlt.f32 v17, $0.0e+00;
	v24 =	vxor.u32 $0x80000000, v24;
	v6 =	vxor.u32 $0xFFFFFFFF, v6  }
0x92: {  	v4 =	vmax.f32 v4, v7;
	v23 =	vxor.u32 $0x80000000, v23;
	v7 =	vxor.u32 $0xFFFFFFFF, v7  }
0x93: {  	v10 =	vsel vm0, v5, v10;
	v12 =	vsel vm2, v6, v12;
	v4 =	vmax.f32 v4, v8  }
0x94: {  	v8 =	vxor.u32 $0xFFFFFFFF, v8;
	v14 =	vsel vm3, v7, v14;
	[tilespmem:s0+$0x10] =	vst v12;
	v12 =	vshrl.u32 v12, $0x14  }
0x95: {  	v4 =	vmax.f32 v4, v9;
	v9 =	vxor.u32 $0xFFFFFFFF, v9;
	v63 =	vsel vm4, v8, v16  }
0x96: {  	v16 =	vshrl.u32 v10, $0x14;
	[tilespmem:s0+$0x20] =	vst v14;
	v14 =	vshrl.u32 v14, $0x14;
	v4 =	vmax.f32 v4, v11  }
0x97: {  	v11 =	vxor.u32 $0xFFFFFFFF, v11;
	v9 =	vsel vm5, v9, v18;
	v4 =	vmax.f32 v4, v13  }
0x98: {  	[tilespmem:s0+$0x0] =	vst v10;
	v13 =	vxor.u32 $0xFFFFFFFF, v13;
	v8 =	vsel vm6, v11, v20;
	v10 =	vshrl.u32 v9, $0x14  }
0x99: {  	v4 =	vmax.f32 v4, v15;
	v15 =	vxor.u32 $0xFFFFFFFF, v15;
	v7 =	vsel vm7, v13, v21  }
0x9a: {  	v13 =	vshrl.u32 v8, $0x14;
	v4 =	vmax.f32 v4, v17;
	v17 =	vxor.u32 $0xFFFFFFFF, v17  }
0x9b: {  	[tilespmem:s0+$0x30] =	vst v63;
	v6 =	vsel vm8, v15, v22;
	v15 =	vshrl.u32 v63, $0x14;
	v11 =	vshrl.u32 v7, $0x14  }
0x9c: {  	[tilespmem:s0+$0x40] =	vst v9;
	v4 =	vmax.f32 v4, v19;
	v17 =	vsel vm1, v17, v23;
	v19 =	vxor.u32 $0xFFFFFFFF, v19  }
0x9d: {  	s15 =	simm.s32 $0x271;
	s17 =	simm.s32 $0x2710;
	v9 =	vshrl.u32 v6, $0x14;
	[tilespmem:s2+$0x80] =	vst v17;
	v5 =	vsel vm15, v19, v24;
	v17 =	vshrl.u32 v17, $0x14;
	s2 =	simm.s32 $0x2710  }
.LBB2_8:
0x9e: {  	s15 =	sadd.s32 $0xA, s15;
	v16 =	vand.u32 $0xFF0, v16;
	[tilespmem:s0+$0x50] =	vst v8;
	v8 =	vand.u32 $0xFF0, v17;
	v17 =	vshrl.u32 v5, $0x14  }
0x9f: {  	v12 =	vand.u32 $0xFF0, v12;
	v14 =	vand.u32 $0xFF0, v14;
	v15 =	vand.u32 $0xFF0, v15;
	s0 =	sadd.s32 $0xA0, s0;
	p0 =	slt.u32 s15, $0x4D3;
	[tilespmem:s2+$0x60] =	vst v7  }
0xa0: {  	v10 =	vand.u32 $0xFF0, v10;
	v13 =	vand.u32 $0xFF0, v13;
	v11 =	vand.u32 $0xFF0, v11;
	v7 =	vld [tilespmem:s0+$0x0];
	[tilespmem:s2+$0x70] =	vst v6  }
0xa1: {  	v9 =	vand.u32 $0xFF0, v9;
	v8 =	vadd.s32 v0, v8;
	v6 =	vld [tilespmem:s0+$0x10];
	[tilespmem:s2+$0x90] =	vst v5;
	v5 =	vand.u32 $0xFF0, v17;
	s2 =	smov.u32 s0  }
0xa2: {  	v16 =	vadd.s32 v0, v16;
	v12 =	vadd.s32 v0, v12;
	v14 =	vadd.s32 v0, v14;
	v17 =	vld [tilespmem:s0+$0x20]  }
0xa3: {  	v15 =	vadd.s32 v0, v15;
	v10 =	vadd.s32 v0, v10;
	v13 =	vadd.s32 v0, v13;
	v18 =	vld [tilespmem:s0+$0x30]  }
0xa4: {  	v11 =	vadd.s32 v0, v11;
	v9 =	vadd.s32 v0, v9;
	v5 =	vadd.s32 v0, v5;
	v19 =	vld [tilespmem:s0+$0x40]  }
0xa5: {  	vm0 =	vlt.f32 v7, $0.0e+00;
	v20 =	vand.u32 $0x7FFFFFFF, v7;
	v4 =	vmax.f32 v4, v7;
	v21 =	vld [tilespmem:s0+$0x50]  }
0xa6: {  	s17 =	sadd.s32 $0xA0, s17;
	v20 =	vxor.u32 $0x80000000, v20;
	v22 =	vand.u32 $0x7FFFFFFF, v6;
	v4 =	vmax.f32 v4, v6;
	v23 =	vld [tilespmem:s0+$0x60]  }
0xa7: {  	s20 =	sand.u32 $0x7FF0, s17;
	v22 =	vxor.u32 $0x80000000, v22;
	v24 =	vand.u32 $0x7FFFFFFF, v17;
	v4 =	vmax.f32 v4, v17;
	v25 =	vld [tilespmem:s0+$0x70]  }
0xa8: {  	v24 =	vxor.u32 $0x80000000, v24;
	v26 =	vand.u32 $0x7FFFFFFF, v18;
	v4 =	vmax.f32 v4, v18;
	v27 =	vld [tilespmem:s20+$0x80]  }
0xa9: {  	v26 =	vxor.u32 $0x80000000, v26;
	v28 =	vand.u32 $0x7FFFFFFF, v19;
	v4 =	vmax.f32 v4, v19;
	v29 =	vld [tilespmem:s0+$0x90]  }
0xaa: {  	v28 =	vxor.u32 $0x80000000, v28;
	v30 =	vand.u32 $0x7FFFFFFF, v21;
	v4 =	vmax.f32 v4, v21;
	[tilespmem:v8+s18+$0x0] =	vst.idx.add.s32.msk $0xffff, v2  }
0xab: {  	v8 =	vxor.u32 $0x80000000, v30;
	v30 =	vand.u32 $0x7FFFFFFF, v23;
	v4 =	vmax.f32 v4, v23;
	[tilespmem:v16+s18+$0x0] =	vst.idx.add.s32.msk $0xffff, v2  }
0xac: {  	v16 =	vxor.u32 $0x80000000, v30;
	v30 =	vand.u32 $0x7FFFFFFF, v25;
	v4 =	vmax.f32 v4, v25;
	[tilespmem:v12+s18+$0x0] =	vst.idx.add.s32.msk $0xffff, v2  }
0xad: {  	v12 =	vxor.u32 $0x80000000, v30;
	v30 =	vand.u32 $0x7FFFFFFF, v27;
	v4 =	vmax.f32 v4, v27;
	[tilespmem:v14+s18+$0x0] =	vst.idx.add.s32.msk $0xffff, v2  }
0xae: {  	s31 =	simm.s32 $0x0;
	v14 =	vxor.u32 $0x80000000, v30;
	v30 =	vand.u32 $0x7FFFFFFF, v29;
	v4 =	vmax.f32 v4, v29;
	[tilespmem:v15+s18+$0x0] =	vst.idx.add.s32.msk $0xffff, v2  }
0xaf: {  	vm1 =	vlt.f32 v27, $0.0e+00;
	v15 =	vxor.u32 $0xFFFFFFFF, v27;
	v27 =	vxor.u32 $0x80000000, v30;
	[tilespmem:v10+s18+$0x0] =	vst.idx.add.s32.msk $0xffff, v2  }
0xb0: {  	v7 =	vxor.u32 $0xFFFFFFFF, v7;
	vm2 =	vlt.f32 v6, $0.0e+00;
	v6 =	vxor.u32 $0xFFFFFFFF, v6;
	[tilespmem:v13+s18+$0x0] =	vst.idx.add.s32.msk $0xffff, v2  }
0xb1: {  	vm3 =	vlt.f32 v17, $0.0e+00;
	vm4 =	vlt.f32 v18, $0.0e+00;
	v10 =	vxor.u32 $0xFFFFFFFF, v17;
	[tilespmem:v11+s18+$0x0] =	vst.idx.add.s32.msk $0xffff, v2  }
0xb2: {  	vm5 =	vlt.f32 v19, $0.0e+00;
	v13 =	vxor.u32 $0xFFFFFFFF, v19;
	v11 =	vxor.u32 $0xFFFFFFFF, v18;
	[tilespmem:v9+s18+$0x0] =	vst.idx.add.s32.msk $0xffff, v2  }
0xb3: {  	vm6 =	vlt.f32 v21, $0.0e+00;
	vm7 =	vlt.f32 v23, $0.0e+00;
	v9 =	vxor.u32 $0xFFFFFFFF, v21;
	[tilespmem:v5+s18+$0x0] =	vst.idx.add.s32.msk $0xffff, v2  }
0xb4: {  	vm8 =	vlt.f32 v25, $0.0e+00;
	v17 =	vxor.u32 $0xFFFFFFFF, v25;
	v5 =	vxor.u32 $0xFFFFFFFF, v23  }
0xb5: {  	v14 =	vsel vm1, v15, v14;
	vm1 =	vlt.f32 v29, $0.0e+00;
	v15 =	vxor.u32 $0xFFFFFFFF, v29  }
0xb6: {  	v19 =	vsel vm2, v6, v22;
	v10 =	vsel vm3, v10, v24;
	v18 =	vsel vm0, v7, v20;
	[tilespmem:s20+$0x80] =	vst v14  }
.Ltmp3:
0xb7: {  	v13 =	vsel vm5, v13, v28;
	v11 =	vsel vm4, v11, v26;
	v8 =	vsel vm6, v9, v8;
	[tilespmem:s0+$0x0] =	vst v18;
	(pc) =	sbr.rel @p0 .LBB2_8-.Ltmp3, $4  }
0xb8: {  	v6 =	vsel vm8, v17, v12;
	v7 =	vsel vm7, v5, v16;
	v5 =	vsel vm1, v15, v27;
	[tilespmem:s0+$0x10] =	vst v19  }
0xb9: {  	v17 =	vshrl.u32 v14, $0x14;
	v12 =	vshrl.u32 v19, $0x14;
	v16 =	vshrl.u32 v18, $0x14;
	[tilespmem:s0+$0x20] =	vst v10  }
0xba: {  	v15 =	vshrl.u32 v11, $0x14;
	v14 =	vshrl.u32 v10, $0x14;
	v10 =	vshrl.u32 v13, $0x14;
	[tilespmem:s0+$0x30] =	vst v11  }
0xbb: {  	v9 =	vshrl.u32 v6, $0x14;
	v11 =	vshrl.u32 v7, $0x14;
	[tilespmem:s0+$0x40] =	vst v13;
	v13 =	vshrl.u32 v8, $0x14  }
0xbc: {  	v17 =	vand.u32 $0xFF0, v17  }
0xbd: {  	v16 =	vand.u32 $0xFF0, v16;
	v17 =	vadd.s32 v0, v17  }
0xbe: {  	[tilespmem:s0+$0x50] =	vst v8;
	v61 =	vand.u32 $0xFF0, v12;
	v62 =	vadd.s32 v0, v16  }
0xbf: {  	v14 =	vand.u32 $0xFF0, v14;
	[tilespmem:s2+$0x60] =	vst v7;
	v7 =	vadd.s32 v0, v61  }
0xc0: {  	v63 =	vand.u32 $0xFF0, v15;
	[tilespmem:s2+$0x70] =	vst v6;
	v6 =	vadd.s32 v0, v14  }
0xc1: {  	v10 =	vand.u32 $0xFF0, v10;
	[tilespmem:s2+$0x90] =	vst v5;
	v8 =	vadd.s32 v0, v63  }
0xc2: {  	v13 =	vand.u32 $0xFF0, v13;
	v10 =	vadd.s32 v0, v10;
	[tilespmem:v17+s18+$0x0] =	vst.idx.add.s32.msk $0xffff, v2  }
0xc3: {  	v11 =	vand.u32 $0xFF0, v11;
	v5 =	vshrl.u32 v5, $0x14;
	v13 =	vadd.s32 v0, v13;
	[tilespmem:v62+s18+$0x0] =	vst.idx.add.s32.msk $0xffff, v2  }
0xc4: {  	v11 =	vadd.s32 v0, v11;
	v5 =	vand.u32 $0xFF0, v5;
	[tilespmem:v7+s18+$0x0] =	vst.idx.add.s32.msk $0xffff, v2  }
0xc5: {  	v9 =	vand.u32 $0xFF0, v9;
	v5 =	vadd.s32 v0, v5;
	[tilespmem:v6+s18+$0x0] =	vst.idx.add.s32.msk $0xffff, v2  }
0xc6: {  	v7 =	vadd.s32 v0, v9;
	[tilespmem:v8+s18+$0x0] =	vst.idx.add.s32.msk $0xffff, v2  }
0xc7: {  	[tilespmem:v10+s18+$0x0] =	vst.idx.add.s32.msk $0xffff, v2  }
0xc8: {  	[tilespmem:v13+s18+$0x0] =	vst.idx.add.s32.msk $0xffff, v2  }
0xc9: {  	[tilespmem:v11+s18+$0x0] =	vst.idx.add.s32.msk $0xffff, v2  }
0xca: {  	[tilespmem:v5+s18+$0x0] =	vst.idx.add.s32.msk $0xffff, v2  }
0xcb: {  	[tilespmem:v7+s18+$0x0] =	vst.idx.add.s32.msk $0xffff, v2  }
.LBB2_10:
0xcc: {  	s0 =	sshra.s32 s31, $0x2  }
0xcd: {  	v5 =	vld [tilespmem:s0+$0x4DD0];
	_ =	sdelay $0x4  }
0xce: {  	v6 =	vand.u32 $0x7FFFFFFF, v5  }
0xcf: {  	vm0 =	vlt.f32 v5, $0.0e+00;
	v7 =	vxor.u32 $0xFFFFFFFF, v5;
	v6 =	vxor.u32 $0x80000000, v6  }
0xd0: {  	v6 =	vsel vm0, v7, v6  }
0xd1: {  	v7 =	vshrl.u32 v6, $0x14  }
0xd2: {  	v7 =	vand.u32 $0xFF0, v7  }
0xd3: {  	p0 =	sne.s32 s31, $0x100;
	v7 =	vadd.s32 v0, v7  }
.Ltmp4:
0xd4: {  	_ = 	snop;
	(pc) =	sbr.rel @p0 .LBB2_10-.Ltmp4, $3  }
0xd5: {  	_ =	sdelay $0x1  }
0xd6: {  	[tilespmem:s0+$0x4DD0] =	vst v6  }
0xd7: {  	s31 =	sadd.s32 $0x40, s31;
	v4 =	vmax.f32 v4, v5;
	[tilespmem:v7+s18+$0x0] =	vst.idx.add.s32.msk $0xffff, v2  }
0xd8: {  	_ =	swait.ge [sflag:s16], $0x2710  }
0xd9: {  	[sflag:s16] =	ssyncset.done $0x0  }
0xda: {  	s0 =	simm.s32 $0x9C40;
	[sflag:s16] =	ssyncadd.s32 $0xFFFFD8F0  }
0xdb: {  	[tilespmem:s0], [sflag:$0x1] =	stream.linear.gather [hbm4b:s7+s1], $0x2710, $0x38;
	[tilespmem:$0x19780] =	vst v63  }
0xdc: {  	s0 =	simm.s32 $0x4EB0  }
0xdd: {  	v5 =	vld [tilespmem:s0+$0xFFFFFF70]  }
0xde: {  	v6 =	vld [tilespmem:s0+$0xFFFFFF80]  }
0xdf: {  	v7 =	vld [tilespmem:s0+$0xFFFFFF90]  }
0xe0: {  	v8 =	vld [tilespmem:s0+$0xFFFFFFA0]  }
0xe1: {  	v9 =	vld [tilespmem:s0+$0xFFFFFFB0]  }
0xe2: {  	v11 =	vld [tilespmem:s0+$0xFFFFFFC0]  }
0xe3: {  	s2 =	simm.s32 $0x4E20;
	v13 =	vld [tilespmem:s0+$0xFFFFFFD0]  }
0xe4: {  	s15 =	sand.u32 $0x7FE0, s2;
	v15 =	vld [tilespmem:s0+$0xFFFFFFE0]  }
0xe5: {  	v17 =	vld [tilespmem:s15+$0x80]  }
0xe6: {  	v19 =	vld [tilespmem:s0+$0x0];
	_ =	sdelay $0x1  }
0xe7: {  	vm0 =	vlt.f32 v5, $0.0e+00;
	v10 =	vand.u32 $0x7FFFFFFF, v5;
	v4 =	vmax.f32 v4, v5  }
0xe8: {  	v12 =	vand.u32 $0x7FFFFFFF, v6;
	v14 =	vand.u32 $0x7FFFFFFF, v7;
	v16 =	vand.u32 $0x7FFFFFFF, v8  }
0xe9: {  	v18 =	vand.u32 $0x7FFFFFFF, v9;
	v20 =	vand.u32 $0x7FFFFFFF, v11;
	v21 =	vand.u32 $0x7FFFFFFF, v13  }
0xea: {  	v22 =	vand.u32 $0x7FFFFFFF, v15;
	v23 =	vand.u32 $0x7FFFFFFF, v17;
	v24 =	vand.u32 $0x7FFFFFFF, v19  }
0xeb: {  	vm1 =	vlt.f32 v17, $0.0e+00;
	v5 =	vxor.u32 $0xFFFFFFFF, v5;
	vm2 =	vlt.f32 v6, $0.0e+00  }
0xec: {  	vm3 =	vlt.f32 v7, $0.0e+00;
	vm4 =	vlt.f32 v8, $0.0e+00;
	vm5 =	vlt.f32 v9, $0.0e+00  }
0xed: {  	vm6 =	vlt.f32 v11, $0.0e+00;
	vm7 =	vlt.f32 v13, $0.0e+00;
	vm8 =	vlt.f32 v15, $0.0e+00  }
0xee: {  	vm15 =	vlt.f32 v19, $0.0e+00;
	v10 =	vxor.u32 $0x80000000, v10;
	v4 =	vmax.f32 v4, v6  }
0xef: {  	v12 =	vxor.u32 $0x80000000, v12;
	v14 =	vxor.u32 $0x80000000, v14;
	v16 =	vxor.u32 $0x80000000, v16  }
0xf0: {  	v18 =	vxor.u32 $0x80000000, v18;
	v20 =	vxor.u32 $0x80000000, v20;
	v21 =	vxor.u32 $0x80000000, v21  }
0xf1: {  	v22 =	vxor.u32 $0x80000000, v22;
	v23 =	vxor.u32 $0x80000000, v23;
	v24 =	vxor.u32 $0x80000000, v24  }
0xf2: {  	v6 =	vxor.u32 $0xFFFFFFFF, v6;
	v4 =	vmax.f32 v4, v7;
	v7 =	vxor.u32 $0xFFFFFFFF, v7  }
0xf3: {  	v10 =	vsel vm0, v5, v10;
	v12 =	vsel vm2, v6, v12;
	v4 =	vmax.f32 v4, v8  }
0xf4: {  	v8 =	vxor.u32 $0xFFFFFFFF, v8;
	v14 =	vsel vm3, v7, v14;
	[tilespmem:s0+$0xFFFFFF80] =	vst v12;
	v12 =	vshrl.u32 v12, $0x14  }
0xf5: {  	v4 =	vmax.f32 v4, v9;
	v9 =	vxor.u32 $0xFFFFFFFF, v9;
	v63 =	vsel vm4, v8, v16  }
0xf6: {  	v16 =	vshrl.u32 v10, $0x14;
	[tilespmem:s0+$0xFFFFFF90] =	vst v14;
	v14 =	vshrl.u32 v14, $0x14;
	v4 =	vmax.f32 v4, v11  }
0xf7: {  	v11 =	vxor.u32 $0xFFFFFFFF, v11;
	v9 =	vsel vm5, v9, v18;
	v4 =	vmax.f32 v4, v13  }
0xf8: {  	[tilespmem:s0+$0xFFFFFF70] =	vst v10;
	v13 =	vxor.u32 $0xFFFFFFFF, v13;
	v8 =	vsel vm6, v11, v20;
	v10 =	vshrl.u32 v9, $0x14  }
0xf9: {  	v4 =	vmax.f32 v4, v15;
	v15 =	vxor.u32 $0xFFFFFFFF, v15;
	v7 =	vsel vm7, v13, v21  }
0xfa: {  	v13 =	vshrl.u32 v8, $0x14;
	v4 =	vmax.f32 v4, v17;
	v17 =	vxor.u32 $0xFFFFFFFF, v17  }
0xfb: {  	[tilespmem:s0+$0xFFFFFFA0] =	vst v63;
	v6 =	vsel vm8, v15, v22;
	v15 =	vshrl.u32 v63, $0x14;
	v11 =	vshrl.u32 v7, $0x14  }
0xfc: {  	[tilespmem:s0+$0xFFFFFFB0] =	vst v9;
	v4 =	vmax.f32 v4, v19;
	v17 =	vsel vm1, v17, v23;
	v19 =	vxor.u32 $0xFFFFFFFF, v19  }
0xfd: {  	s31 =	simm.s32 $0x4E2;
	v9 =	vshrl.u32 v6, $0x14;
	[tilespmem:s15+$0x80] =	vst v17;
	v5 =	vsel vm15, v19, v24;
	v17 =	vshrl.u32 v17, $0x14;
	s15 =	simm.s32 $0x4EB0  }
.LBB2_12:
0xfe: {  	s31 =	sadd.s32 $0xA, s31;
	v16 =	vand.u32 $0xFF0, v16;
	[tilespmem:s0+$0xFFFFFFC0] =	vst v8;
	v8 =	vand.u32 $0xFF0, v17;
	v17 =	vshrl.u32 v5, $0x14  }
0xff: {  	v12 =	vand.u32 $0xFF0, v12;
	v14 =	vand.u32 $0xFF0, v14;
	v15 =	vand.u32 $0xFF0, v15;
	s0 =	sadd.s32 $0xA0, s0;
	p0 =	slt.u32 s31, $0x744;
	[tilespmem:s15+$0xFFFFFFD0] =	vst v7  }
0x100: {  	v10 =	vand.u32 $0xFF0, v10;
	v13 =	vand.u32 $0xFF0, v13;
	v11 =	vand.u32 $0xFF0, v11;
	v7 =	vld [tilespmem:s0+$0xFFFFFF70];
	[tilespmem:s15+$0xFFFFFFE0] =	vst v6  }
0x101: {  	v9 =	vand.u32 $0xFF0, v9;
	v8 =	vadd.s32 v0, v8;
	v6 =	vld [tilespmem:s0+$0xFFFFFF80];
	[tilespmem:s15+$0x0] =	vst v5;
	v5 =	vand.u32 $0xFF0, v17;
	s15 =	smov.u32 s0  }
0x102: {  	v16 =	vadd.s32 v0, v16;
	v12 =	vadd.s32 v0, v12;
	v14 =	vadd.s32 v0, v14;
	v17 =	vld [tilespmem:s0+$0xFFFFFF90]  }
0x103: {  	v15 =	vadd.s32 v0, v15;
	v10 =	vadd.s32 v0, v10;
	v13 =	vadd.s32 v0, v13;
	v18 =	vld [tilespmem:s0+$0xFFFFFFA0]  }
0x104: {  	v11 =	vadd.s32 v0, v11;
	v9 =	vadd.s32 v0, v9;
	v5 =	vadd.s32 v0, v5;
	v19 =	vld [tilespmem:s0+$0xFFFFFFB0]  }
0x105: {  	vm0 =	vlt.f32 v7, $0.0e+00;
	v20 =	vand.u32 $0x7FFFFFFF, v7;
	v4 =	vmax.f32 v4, v7;
	v21 =	vld [tilespmem:s0+$0xFFFFFFC0]  }
0x106: {  	s2 =	sadd.s32 $0xA0, s2;
	v20 =	vxor.u32 $0x80000000, v20;
	v22 =	vand.u32 $0x7FFFFFFF, v6;
	v4 =	vmax.f32 v4, v6;
	v23 =	vld [tilespmem:s0+$0xFFFFFFD0]  }
0x107: {  	s20 =	sand.u32 $0x7FE0, s2;
	v22 =	vxor.u32 $0x80000000, v22;
	v24 =	vand.u32 $0x7FFFFFFF, v17;
	v4 =	vmax.f32 v4, v17;
	v25 =	vld [tilespmem:s0+$0xFFFFFFE0]  }
0x108: {  	v24 =	vxor.u32 $0x80000000, v24;
	v26 =	vand.u32 $0x7FFFFFFF, v18;
	v4 =	vmax.f32 v4, v18;
	v27 =	vld [tilespmem:s20+$0x80]  }
0x109: {  	v26 =	vxor.u32 $0x80000000, v26;
	v28 =	vand.u32 $0x7FFFFFFF, v19;
	v4 =	vmax.f32 v4, v19;
	v29 =	vld [tilespmem:s0+$0x0]  }
0x10a: {  	v28 =	vxor.u32 $0x80000000, v28;
	v30 =	vand.u32 $0x7FFFFFFF, v21;
	v4 =	vmax.f32 v4, v21;
	[tilespmem:v8+s18+$0x0] =	vst.idx.add.s32.msk $0xffff, v2  }
0x10b: {  	v8 =	vxor.u32 $0x80000000, v30;
	v30 =	vand.u32 $0x7FFFFFFF, v23;
	v4 =	vmax.f32 v4, v23;
	[tilespmem:v16+s18+$0x0] =	vst.idx.add.s32.msk $0xffff, v2  }
0x10c: {  	v16 =	vxor.u32 $0x80000000, v30;
	v30 =	vand.u32 $0x7FFFFFFF, v25;
	v4 =	vmax.f32 v4, v25;
	[tilespmem:v12+s18+$0x0] =	vst.idx.add.s32.msk $0xffff, v2  }
0x10d: {  	v12 =	vxor.u32 $0x80000000, v30;
	v30 =	vand.u32 $0x7FFFFFFF, v27;
	v4 =	vmax.f32 v4, v27;
	[tilespmem:v14+s18+$0x0] =	vst.idx.add.s32.msk $0xffff, v2  }
0x10e: {  	s17 =	simm.s32 $0x0;
	v14 =	vxor.u32 $0x80000000, v30;
	v30 =	vand.u32 $0x7FFFFFFF, v29;
	v4 =	vmax.f32 v4, v29;
	[tilespmem:v15+s18+$0x0] =	vst.idx.add.s32.msk $0xffff, v2  }
0x10f: {  	vm1 =	vlt.f32 v27, $0.0e+00;
	v15 =	vxor.u32 $0xFFFFFFFF, v27;
	v27 =	vxor.u32 $0x80000000, v30;
	[tilespmem:v10+s18+$0x0] =	vst.idx.add.s32.msk $0xffff, v2  }
0x110: {  	v7 =	vxor.u32 $0xFFFFFFFF, v7;
	vm2 =	vlt.f32 v6, $0.0e+00;
	v6 =	vxor.u32 $0xFFFFFFFF, v6;
	[tilespmem:v13+s18+$0x0] =	vst.idx.add.s32.msk $0xffff, v2  }
0x111: {  	vm3 =	vlt.f32 v17, $0.0e+00;
	vm4 =	vlt.f32 v18, $0.0e+00;
	v10 =	vxor.u32 $0xFFFFFFFF, v17;
	[tilespmem:v11+s18+$0x0] =	vst.idx.add.s32.msk $0xffff, v2  }
0x112: {  	vm5 =	vlt.f32 v19, $0.0e+00;
	v13 =	vxor.u32 $0xFFFFFFFF, v19;
	v11 =	vxor.u32 $0xFFFFFFFF, v18;
	[tilespmem:v9+s18+$0x0] =	vst.idx.add.s32.msk $0xffff, v2  }
0x113: {  	vm6 =	vlt.f32 v21, $0.0e+00;
	vm7 =	vlt.f32 v23, $0.0e+00;
	v9 =	vxor.u32 $0xFFFFFFFF, v21;
	[tilespmem:v5+s18+$0x0] =	vst.idx.add.s32.msk $0xffff, v2  }
0x114: {  	vm8 =	vlt.f32 v25, $0.0e+00;
	v17 =	vxor.u32 $0xFFFFFFFF, v25;
	v5 =	vxor.u32 $0xFFFFFFFF, v23  }
0x115: {  	v14 =	vsel vm1, v15, v14;
	vm1 =	vlt.f32 v29, $0.0e+00;
	v15 =	vxor.u32 $0xFFFFFFFF, v29  }
0x116: {  	v19 =	vsel vm2, v6, v22;
	v10 =	vsel vm3, v10, v24;
	v18 =	vsel vm0, v7, v20;
	[tilespmem:s20+$0x80] =	vst v14  }
.Ltmp5:
0x117: {  	v13 =	vsel vm5, v13, v28;
	v11 =	vsel vm4, v11, v26;
	v8 =	vsel vm6, v9, v8;
	[tilespmem:s0+$0xFFFFFF70] =	vst v18;
	(pc) =	sbr.rel @p0 .LBB2_12-.Ltmp5, $4  }
0x118: {  	v6 =	vsel vm8, v17, v12;
	v7 =	vsel vm7, v5, v16;
	v5 =	vsel vm1, v15, v27;
	[tilespmem:s0+$0xFFFFFF80] =	vst v19  }
0x119: {  	v17 =	vshrl.u32 v14, $0x14;
	v12 =	vshrl.u32 v19, $0x14;
	v16 =	vshrl.u32 v18, $0x14;
	[tilespmem:s0+$0xFFFFFF90] =	vst v10  }
0x11a: {  	v15 =	vshrl.u32 v11, $0x14;
	v14 =	vshrl.u32 v10, $0x14;
	v10 =	vshrl.u32 v13, $0x14;
	[tilespmem:s0+$0xFFFFFFA0] =	vst v11  }
0x11b: {  	v9 =	vshrl.u32 v6, $0x14;
	v11 =	vshrl.u32 v7, $0x14;
	[tilespmem:s0+$0xFFFFFFB0] =	vst v13;
	v13 =	vshrl.u32 v8, $0x14  }
0x11c: {  	v17 =	vand.u32 $0xFF0, v17  }
0x11d: {  	v16 =	vand.u32 $0xFF0, v16;
	v17 =	vadd.s32 v0, v17  }
0x11e: {  	[tilespmem:s0+$0xFFFFFFC0] =	vst v8;
	v61 =	vand.u32 $0xFF0, v12;
	v62 =	vadd.s32 v0, v16  }
0x11f: {  	v14 =	vand.u32 $0xFF0, v14;
	[tilespmem:s15+$0xFFFFFFD0] =	vst v7;
	v7 =	vadd.s32 v0, v61  }
0x120: {  	v63 =	vand.u32 $0xFF0, v15;
	[tilespmem:s15+$0xFFFFFFE0] =	vst v6;
	v6 =	vadd.s32 v0, v14  }
0x121: {  	v10 =	vand.u32 $0xFF0, v10;
	[tilespmem:s15+$0x0] =	vst v5;
	v8 =	vadd.s32 v0, v63  }
0x122: {  	v13 =	vand.u32 $0xFF0, v13;
	v10 =	vadd.s32 v0, v10;
	[tilespmem:v17+s18+$0x0] =	vst.idx.add.s32.msk $0xffff, v2  }
0x123: {  	v11 =	vand.u32 $0xFF0, v11;
	v5 =	vshrl.u32 v5, $0x14;
	v13 =	vadd.s32 v0, v13;
	[tilespmem:v62+s18+$0x0] =	vst.idx.add.s32.msk $0xffff, v2  }
0x124: {  	v11 =	vadd.s32 v0, v11;
	v5 =	vand.u32 $0xFF0, v5;
	[tilespmem:v7+s18+$0x0] =	vst.idx.add.s32.msk $0xffff, v2  }
0x125: {  	v9 =	vand.u32 $0xFF0, v9;
	v5 =	vadd.s32 v0, v5;
	[tilespmem:v6+s18+$0x0] =	vst.idx.add.s32.msk $0xffff, v2  }
0x126: {  	v7 =	vadd.s32 v0, v9;
	[tilespmem:v8+s18+$0x0] =	vst.idx.add.s32.msk $0xffff, v2  }
0x127: {  	[tilespmem:v10+s18+$0x0] =	vst.idx.add.s32.msk $0xffff, v2  }
0x128: {  	[tilespmem:v13+s18+$0x0] =	vst.idx.add.s32.msk $0xffff, v2  }
0x129: {  	[tilespmem:v11+s18+$0x0] =	vst.idx.add.s32.msk $0xffff, v2  }
0x12a: {  	[tilespmem:v5+s18+$0x0] =	vst.idx.add.s32.msk $0xffff, v2  }
0x12b: {  	[tilespmem:v7+s18+$0x0] =	vst.idx.add.s32.msk $0xffff, v2  }
.LBB2_14:
0x12c: {  	s0 =	sshra.s32 s17, $0x2  }
0x12d: {  	v5 =	vld [tilespmem:s0+$0x74E0];
	_ =	sdelay $0x4  }
0x12e: {  	v6 =	vand.u32 $0x7FFFFFFF, v5  }
0x12f: {  	vm0 =	vlt.f32 v5, $0.0e+00;
	v7 =	vxor.u32 $0xFFFFFFFF, v5;
	v6 =	vxor.u32 $0x80000000, v6  }
0x130: {  	v6 =	vsel vm0, v7, v6  }
0x131: {  	v7 =	vshrl.u32 v6, $0x14  }
0x132: {  	v7 =	vand.u32 $0xFF0, v7  }
0x133: {  	p0 =	sne.s32 s17, $0x100;
	v7 =	vadd.s32 v0, v7  }
.Ltmp6:
0x134: {  	_ = 	snop;
	(pc) =	sbr.rel @p0 .LBB2_14-.Ltmp6, $3  }
0x135: {  	_ =	sdelay $0x1  }
0x136: {  	[tilespmem:s0+$0x74E0] =	vst v6  }
0x137: {  	s17 =	sadd.s32 $0x40, s17;
	v4 =	vmax.f32 v4, v5;
	[tilespmem:v7+s18+$0x0] =	vst.idx.add.s32.msk $0xffff, v2  }
0x138: {  	_ =	swait.ge [sflag:s19], $0x2710  }
0x139: {  	[sflag:s19] =	ssyncset.done $0x0  }
0x13a: {  	s0 =	simm.s32 $0xC350;
	[sflag:s19] =	ssyncadd.s32 $0xFFFFD8F0  }
0x13b: {  	[tilespmem:s0], [sflag:$0x2] =	stream.linear.gather [hbm4b:s8+s1], $0x2710, $0x38;
	[tilespmem:$0x19780] =	vst v63  }
0x13c: {  	s0 =	simm.s32 $0x75C0  }
0x13d: {  	v5 =	vld [tilespmem:s0+$0xFFFFFF70]  }
0x13e: {  	v6 =	vld [tilespmem:s0+$0xFFFFFF80]  }
0x13f: {  	v7 =	vld [tilespmem:s0+$0xFFFFFF90]  }
0x140: {  	v8 =	vld [tilespmem:s0+$0xFFFFFFA0]  }
0x141: {  	v9 =	vld [tilespmem:s0+$0xFFFFFFB0]  }
0x142: {  	v11 =	vld [tilespmem:s0+$0xFFFFFFC0]  }
0x143: {  	s2 =	simm.s32 $0x7530;
	v13 =	vld [tilespmem:s0+$0xFFFFFFD0]  }
0x144: {  	s15 =	sand.u32 $0xFFF0, s2;
	v15 =	vld [tilespmem:s0+$0xFFFFFFE0]  }
0x145: {  	v17 =	vld [tilespmem:s15+$0x80]  }
0x146: {  	v19 =	vld [tilespmem:s0+$0x0];
	_ =	sdelay $0x1  }
0x147: {  	vm0 =	vlt.f32 v5, $0.0e+00;
	v10 =	vand.u32 $0x7FFFFFFF, v5;
	v4 =	vmax.f32 v4, v5  }
0x148: {  	v12 =	vand.u32 $0x7FFFFFFF, v6;
	v14 =	vand.u32 $0x7FFFFFFF, v7;
	v16 =	vand.u32 $0x7FFFFFFF, v8  }
0x149: {  	v18 =	vand.u32 $0x7FFFFFFF, v9;
	v20 =	vand.u32 $0x7FFFFFFF, v11;
	v21 =	vand.u32 $0x7FFFFFFF, v13  }
0x14a: {  	v22 =	vand.u32 $0x7FFFFFFF, v15;
	v23 =	vand.u32 $0x7FFFFFFF, v17;
	v24 =	vand.u32 $0x7FFFFFFF, v19  }
0x14b: {  	vm1 =	vlt.f32 v17, $0.0e+00;
	v5 =	vxor.u32 $0xFFFFFFFF, v5;
	vm2 =	vlt.f32 v6, $0.0e+00  }
0x14c: {  	vm3 =	vlt.f32 v7, $0.0e+00;
	vm4 =	vlt.f32 v8, $0.0e+00;
	vm5 =	vlt.f32 v9, $0.0e+00  }
0x14d: {  	vm6 =	vlt.f32 v11, $0.0e+00;
	vm7 =	vlt.f32 v13, $0.0e+00;
	vm8 =	vlt.f32 v15, $0.0e+00  }
0x14e: {  	vm15 =	vlt.f32 v19, $0.0e+00;
	v10 =	vxor.u32 $0x80000000, v10;
	v4 =	vmax.f32 v4, v6  }
0x14f: {  	v12 =	vxor.u32 $0x80000000, v12;
	v14 =	vxor.u32 $0x80000000, v14;
	v16 =	vxor.u32 $0x80000000, v16  }
0x150: {  	v18 =	vxor.u32 $0x80000000, v18;
	v20 =	vxor.u32 $0x80000000, v20;
	v21 =	vxor.u32 $0x80000000, v21  }
0x151: {  	v22 =	vxor.u32 $0x80000000, v22;
	v23 =	vxor.u32 $0x80000000, v23;
	v24 =	vxor.u32 $0x80000000, v24  }
0x152: {  	v6 =	vxor.u32 $0xFFFFFFFF, v6;
	v4 =	vmax.f32 v4, v7;
	v7 =	vxor.u32 $0xFFFFFFFF, v7  }
0x153: {  	v10 =	vsel vm0, v5, v10;
	v12 =	vsel vm2, v6, v12;
	v4 =	vmax.f32 v4, v8  }
0x154: {  	v8 =	vxor.u32 $0xFFFFFFFF, v8;
	v14 =	vsel vm3, v7, v14;
	[tilespmem:s0+$0xFFFFFF80] =	vst v12;
	v12 =	vshrl.u32 v12, $0x14  }
0x155: {  	v4 =	vmax.f32 v4, v9;
	v9 =	vxor.u32 $0xFFFFFFFF, v9;
	v63 =	vsel vm4, v8, v16  }
0x156: {  	v16 =	vshrl.u32 v10, $0x14;
	[tilespmem:s0+$0xFFFFFF90] =	vst v14;
	v14 =	vshrl.u32 v14, $0x14;
	v4 =	vmax.f32 v4, v11  }
0x157: {  	v11 =	vxor.u32 $0xFFFFFFFF, v11;
	v9 =	vsel vm5, v9, v18;
	v4 =	vmax.f32 v4, v13  }
0x158: {  	[tilespmem:s0+$0xFFFFFF70] =	vst v10;
	v13 =	vxor.u32 $0xFFFFFFFF, v13;
	v8 =	vsel vm6, v11, v20;
	v10 =	vshrl.u32 v9, $0x14  }
0x159: {  	v4 =	vmax.f32 v4, v15;
	v15 =	vxor.u32 $0xFFFFFFFF, v15;
	v7 =	vsel vm7, v13, v21  }
0x15a: {  	v13 =	vshrl.u32 v8, $0x14;
	v4 =	vmax.f32 v4, v17;
	v17 =	vxor.u32 $0xFFFFFFFF, v17  }
0x15b: {  	[tilespmem:s0+$0xFFFFFFA0] =	vst v63;
	v6 =	vsel vm8, v15, v22;
	v15 =	vshrl.u32 v63, $0x14;
	v11 =	vshrl.u32 v7, $0x14  }
0x15c: {  	[tilespmem:s0+$0xFFFFFFB0] =	vst v9;
	v4 =	vmax.f32 v4, v19;
	v17 =	vsel vm1, v17, v23;
	v19 =	vxor.u32 $0xFFFFFFFF, v19  }
0x15d: {  	s31 =	simm.s32 $0x753;
	v9 =	vshrl.u32 v6, $0x14;
	[tilespmem:s15+$0x80] =	vst v17;
	v5 =	vsel vm15, v19, v24;
	v17 =	vshrl.u32 v17, $0x14;
	s15 =	simm.s32 $0x75C0  }
.LBB2_16:
0x15e: {  	s31 =	sadd.s32 $0xA, s31;
	v16 =	vand.u32 $0xFF0, v16;
	[tilespmem:s0+$0xFFFFFFC0] =	vst v8;
	v8 =	vand.u32 $0xFF0, v17;
	v17 =	vshrl.u32 v5, $0x14  }
0x15f: {  	v12 =	vand.u32 $0xFF0, v12;
	v14 =	vand.u32 $0xFF0, v14;
	v15 =	vand.u32 $0xFF0, v15;
	s0 =	sadd.s32 $0xA0, s0;
	p0 =	slt.u32 s31, $0x9B5;
	[tilespmem:s15+$0xFFFFFFD0] =	vst v7  }
0x160: {  	v10 =	vand.u32 $0xFF0, v10;
	v13 =	vand.u32 $0xFF0, v13;
	v11 =	vand.u32 $0xFF0, v11;
	v7 =	vld [tilespmem:s0+$0xFFFFFF70];
	[tilespmem:s15+$0xFFFFFFE0] =	vst v6  }
0x161: {  	v9 =	vand.u32 $0xFF0, v9;
	v8 =	vadd.s32 v0, v8;
	v6 =	vld [tilespmem:s0+$0xFFFFFF80];
	[tilespmem:s15+$0x0] =	vst v5;
	v5 =	vand.u32 $0xFF0, v17;
	s15 =	smov.u32 s0  }
0x162: {  	v16 =	vadd.s32 v0, v16;
	v12 =	vadd.s32 v0, v12;
	v14 =	vadd.s32 v0, v14;
	v17 =	vld [tilespmem:s0+$0xFFFFFF90]  }
0x163: {  	v15 =	vadd.s32 v0, v15;
	v10 =	vadd.s32 v0, v10;
	v13 =	vadd.s32 v0, v13;
	v18 =	vld [tilespmem:s0+$0xFFFFFFA0]  }
0x164: {  	v11 =	vadd.s32 v0, v11;
	v9 =	vadd.s32 v0, v9;
	v5 =	vadd.s32 v0, v5;
	v19 =	vld [tilespmem:s0+$0xFFFFFFB0]  }
0x165: {  	vm0 =	vlt.f32 v7, $0.0e+00;
	v20 =	vand.u32 $0x7FFFFFFF, v7;
	v4 =	vmax.f32 v4, v7;
	v21 =	vld [tilespmem:s0+$0xFFFFFFC0]  }
0x166: {  	s2 =	sadd.s32 $0xA0, s2;
	v20 =	vxor.u32 $0x80000000, v20;
	v22 =	vand.u32 $0x7FFFFFFF, v6;
	v4 =	vmax.f32 v4, v6;
	v23 =	vld [tilespmem:s0+$0xFFFFFFD0]  }
0x167: {  	s20 =	sand.u32 $0xFFF0, s2;
	v22 =	vxor.u32 $0x80000000, v22;
	v24 =	vand.u32 $0x7FFFFFFF, v17;
	v4 =	vmax.f32 v4, v17;
	v25 =	vld [tilespmem:s0+$0xFFFFFFE0]  }
0x168: {  	v24 =	vxor.u32 $0x80000000, v24;
	v26 =	vand.u32 $0x7FFFFFFF, v18;
	v4 =	vmax.f32 v4, v18;
	v27 =	vld [tilespmem:s20+$0x80]  }
0x169: {  	v26 =	vxor.u32 $0x80000000, v26;
	v28 =	vand.u32 $0x7FFFFFFF, v19;
	v4 =	vmax.f32 v4, v19;
	v29 =	vld [tilespmem:s0+$0x0]  }
0x16a: {  	v28 =	vxor.u32 $0x80000000, v28;
	v30 =	vand.u32 $0x7FFFFFFF, v21;
	v4 =	vmax.f32 v4, v21;
	[tilespmem:v8+s18+$0x0] =	vst.idx.add.s32.msk $0xffff, v2  }
0x16b: {  	v8 =	vxor.u32 $0x80000000, v30;
	v30 =	vand.u32 $0x7FFFFFFF, v23;
	v4 =	vmax.f32 v4, v23;
	[tilespmem:v16+s18+$0x0] =	vst.idx.add.s32.msk $0xffff, v2  }
0x16c: {  	v16 =	vxor.u32 $0x80000000, v30;
	v30 =	vand.u32 $0x7FFFFFFF, v25;
	v4 =	vmax.f32 v4, v25;
	[tilespmem:v12+s18+$0x0] =	vst.idx.add.s32.msk $0xffff, v2  }
0x16d: {  	v12 =	vxor.u32 $0x80000000, v30;
	v30 =	vand.u32 $0x7FFFFFFF, v27;
	v4 =	vmax.f32 v4, v27;
	[tilespmem:v14+s18+$0x0] =	vst.idx.add.s32.msk $0xffff, v2  }
0x16e: {  	s17 =	simm.s32 $0x0;
	v14 =	vxor.u32 $0x80000000, v30;
	v30 =	vand.u32 $0x7FFFFFFF, v29;
	v4 =	vmax.f32 v4, v29;
	[tilespmem:v15+s18+$0x0] =	vst.idx.add.s32.msk $0xffff, v2  }
0x16f: {  	vm1 =	vlt.f32 v27, $0.0e+00;
	v15 =	vxor.u32 $0xFFFFFFFF, v27;
	v27 =	vxor.u32 $0x80000000, v30;
	[tilespmem:v10+s18+$0x0] =	vst.idx.add.s32.msk $0xffff, v2  }
0x170: {  	v7 =	vxor.u32 $0xFFFFFFFF, v7;
	vm2 =	vlt.f32 v6, $0.0e+00;
	v6 =	vxor.u32 $0xFFFFFFFF, v6;
	[tilespmem:v13+s18+$0x0] =	vst.idx.add.s32.msk $0xffff, v2  }
0x171: {  	vm3 =	vlt.f32 v17, $0.0e+00;
	vm4 =	vlt.f32 v18, $0.0e+00;
	v10 =	vxor.u32 $0xFFFFFFFF, v17;
	[tilespmem:v11+s18+$0x0] =	vst.idx.add.s32.msk $0xffff, v2  }
0x172: {  	vm5 =	vlt.f32 v19, $0.0e+00;
	v13 =	vxor.u32 $0xFFFFFFFF, v19;
	v11 =	vxor.u32 $0xFFFFFFFF, v18;
	[tilespmem:v9+s18+$0x0] =	vst.idx.add.s32.msk $0xffff, v2  }
0x173: {  	vm6 =	vlt.f32 v21, $0.0e+00;
	vm7 =	vlt.f32 v23, $0.0e+00;
	v9 =	vxor.u32 $0xFFFFFFFF, v21;
	[tilespmem:v5+s18+$0x0] =	vst.idx.add.s32.msk $0xffff, v2  }
0x174: {  	vm8 =	vlt.f32 v25, $0.0e+00;
	v17 =	vxor.u32 $0xFFFFFFFF, v25;
	v5 =	vxor.u32 $0xFFFFFFFF, v23  }
0x175: {  	v14 =	vsel vm1, v15, v14;
	vm1 =	vlt.f32 v29, $0.0e+00;
	v15 =	vxor.u32 $0xFFFFFFFF, v29  }
0x176: {  	v19 =	vsel vm2, v6, v22;
	v10 =	vsel vm3, v10, v24;
	v18 =	vsel vm0, v7, v20;
	[tilespmem:s20+$0x80] =	vst v14  }
.Ltmp7:
0x177: {  	v13 =	vsel vm5, v13, v28;
	v11 =	vsel vm4, v11, v26;
	v8 =	vsel vm6, v9, v8;
	[tilespmem:s0+$0xFFFFFF70] =	vst v18;
	(pc) =	sbr.rel @p0 .LBB2_16-.Ltmp7, $4  }
0x178: {  	v6 =	vsel vm8, v17, v12;
	v7 =	vsel vm7, v5, v16;
	v5 =	vsel vm1, v15, v27;
	[tilespmem:s0+$0xFFFFFF80] =	vst v19  }
0x179: {  	v17 =	vshrl.u32 v14, $0x14;
	v12 =	vshrl.u32 v19, $0x14;
	v16 =	vshrl.u32 v18, $0x14;
	[tilespmem:s0+$0xFFFFFF90] =	vst v10  }
0x17a: {  	v15 =	vshrl.u32 v11, $0x14;
	v14 =	vshrl.u32 v10, $0x14;
	v10 =	vshrl.u32 v13, $0x14;
	[tilespmem:s0+$0xFFFFFFA0] =	vst v11  }
0x17b: {  	v9 =	vshrl.u32 v6, $0x14;
	v11 =	vshrl.u32 v7, $0x14;
	[tilespmem:s0+$0xFFFFFFB0] =	vst v13;
	v13 =	vshrl.u32 v8, $0x14  }
0x17c: {  	v17 =	vand.u32 $0xFF0, v17  }
0x17d: {  	v16 =	vand.u32 $0xFF0, v16;
	v17 =	vadd.s32 v0, v17  }
0x17e: {  	[tilespmem:s0+$0xFFFFFFC0] =	vst v8;
	v61 =	vand.u32 $0xFF0, v12;
	v62 =	vadd.s32 v0, v16  }
0x17f: {  	v14 =	vand.u32 $0xFF0, v14;
	[tilespmem:s15+$0xFFFFFFD0] =	vst v7;
	v7 =	vadd.s32 v0, v61  }
0x180: {  	v63 =	vand.u32 $0xFF0, v15;
	[tilespmem:s15+$0xFFFFFFE0] =	vst v6;
	v6 =	vadd.s32 v0, v14  }
0x181: {  	v10 =	vand.u32 $0xFF0, v10;
	[tilespmem:s15+$0x0] =	vst v5;
	v8 =	vadd.s32 v0, v63  }
0x182: {  	v13 =	vand.u32 $0xFF0, v13;
	v10 =	vadd.s32 v0, v10;
	[tilespmem:v17+s18+$0x0] =	vst.idx.add.s32.msk $0xffff, v2  }
0x183: {  	v11 =	vand.u32 $0xFF0, v11;
	v5 =	vshrl.u32 v5, $0x14;
	v13 =	vadd.s32 v0, v13;
	[tilespmem:v62+s18+$0x0] =	vst.idx.add.s32.msk $0xffff, v2  }
0x184: {  	v11 =	vadd.s32 v0, v11;
	v5 =	vand.u32 $0xFF0, v5;
	[tilespmem:v7+s18+$0x0] =	vst.idx.add.s32.msk $0xffff, v2  }
0x185: {  	v9 =	vand.u32 $0xFF0, v9;
	v5 =	vadd.s32 v0, v5;
	[tilespmem:v6+s18+$0x0] =	vst.idx.add.s32.msk $0xffff, v2  }
0x186: {  	v7 =	vadd.s32 v0, v9;
	[tilespmem:v8+s18+$0x0] =	vst.idx.add.s32.msk $0xffff, v2  }
0x187: {  	[tilespmem:v10+s18+$0x0] =	vst.idx.add.s32.msk $0xffff, v2  }
0x188: {  	[tilespmem:v13+s18+$0x0] =	vst.idx.add.s32.msk $0xffff, v2  }
0x189: {  	[tilespmem:v11+s18+$0x0] =	vst.idx.add.s32.msk $0xffff, v2  }
0x18a: {  	[tilespmem:v5+s18+$0x0] =	vst.idx.add.s32.msk $0xffff, v2  }
0x18b: {  	[tilespmem:v7+s18+$0x0] =	vst.idx.add.s32.msk $0xffff, v2  }
.LBB2_18:
0x18c: {  	s0 =	sshra.s32 s17, $0x2  }
0x18d: {  	v5 =	vld [tilespmem:s0+$0x9BF0];
	_ =	sdelay $0x4  }
0x18e: {  	v6 =	vand.u32 $0x7FFFFFFF, v5  }
0x18f: {  	vm0 =	vlt.f32 v5, $0.0e+00;
	v7 =	vxor.u32 $0xFFFFFFFF, v5;
	v6 =	vxor.u32 $0x80000000, v6  }
0x190: {  	v6 =	vsel vm0, v7, v6  }
0x191: {  	v7 =	vshrl.u32 v6, $0x14  }
0x192: {  	v7 =	vand.u32 $0xFF0, v7  }
0x193: {  	p0 =	sne.s32 s17, $0x100;
	v7 =	vadd.s32 v0, v7  }
.Ltmp8:
0x194: {  	_ = 	snop;
	(pc) =	sbr.rel @p0 .LBB2_18-.Ltmp8, $3  }
0x195: {  	_ =	sdelay $0x1  }
0x196: {  	[tilespmem:s0+$0x9BF0] =	vst v6  }
0x197: {  	s17 =	sadd.s32 $0x40, s17;
	v4 =	vmax.f32 v4, v5;
	[tilespmem:v7+s18+$0x0] =	vst.idx.add.s32.msk $0xffff, v2  }
0x198: {  	_ =	swait.ge [sflag:s16], $0x2710  }
0x199: {  	[sflag:s16] =	ssyncset.done $0x0  }
0x19a: {  	s0 =	simm.s32 $0xEA60;
	[sflag:s16] =	ssyncadd.s32 $0xFFFFD8F0  }
0x19b: {  	[tilespmem:s0], [sflag:$0x1] =	stream.linear.gather [hbm4b:s9+s1], $0x2710, $0x38;
	[tilespmem:$0x19780] =	vst v63  }
0x19c: {  	s0 =	simm.s32 $0x9CD0  }
0x19d: {  	v5 =	vld [tilespmem:s0+$0xFFFFFF70]  }
0x19e: {  	v6 =	vld [tilespmem:s0+$0xFFFFFF80]  }
0x19f: {  	v7 =	vld [tilespmem:s0+$0xFFFFFF90]  }
0x1a0: {  	v8 =	vld [tilespmem:s0+$0xFFFFFFA0]  }
0x1a1: {  	v9 =	vld [tilespmem:s0+$0xFFFFFFB0]  }
0x1a2: {  	v11 =	vld [tilespmem:s0+$0xFFFFFFC0]  }
0x1a3: {  	s2 =	simm.s32 $0x9C40;
	v13 =	vld [tilespmem:s0+$0xFFFFFFD0]  }
0x1a4: {  	s15 =	sand.u32 $0xFFE0, s2;
	v15 =	vld [tilespmem:s0+$0xFFFFFFE0]  }
0x1a5: {  	v17 =	vld [tilespmem:s15+$0x80]  }
0x1a6: {  	v19 =	vld [tilespmem:s0+$0x0];
	_ =	sdelay $0x1  }
0x1a7: {  	vm0 =	vlt.f32 v5, $0.0e+00;
	v10 =	vand.u32 $0x7FFFFFFF, v5;
	v4 =	vmax.f32 v4, v5  }
0x1a8: {  	v12 =	vand.u32 $0x7FFFFFFF, v6;
	v14 =	vand.u32 $0x7FFFFFFF, v7;
	v16 =	vand.u32 $0x7FFFFFFF, v8  }
0x1a9: {  	v18 =	vand.u32 $0x7FFFFFFF, v9;
	v20 =	vand.u32 $0x7FFFFFFF, v11;
	v21 =	vand.u32 $0x7FFFFFFF, v13  }
0x1aa: {  	v22 =	vand.u32 $0x7FFFFFFF, v15;
	v23 =	vand.u32 $0x7FFFFFFF, v17;
	v24 =	vand.u32 $0x7FFFFFFF, v19  }
0x1ab: {  	vm1 =	vlt.f32 v17, $0.0e+00;
	v5 =	vxor.u32 $0xFFFFFFFF, v5;
	vm2 =	vlt.f32 v6, $0.0e+00  }
0x1ac: {  	vm3 =	vlt.f32 v7, $0.0e+00;
	vm4 =	vlt.f32 v8, $0.0e+00;
	vm5 =	vlt.f32 v9, $0.0e+00  }
0x1ad: {  	vm6 =	vlt.f32 v11, $0.0e+00;
	vm7 =	vlt.f32 v13, $0.0e+00;
	vm8 =	vlt.f32 v15, $0.0e+00  }
0x1ae: {  	vm15 =	vlt.f32 v19, $0.0e+00;
	v10 =	vxor.u32 $0x80000000, v10;
	v4 =	vmax.f32 v4, v6  }
0x1af: {  	v12 =	vxor.u32 $0x80000000, v12;
	v14 =	vxor.u32 $0x80000000, v14;
	v16 =	vxor.u32 $0x80000000, v16  }
0x1b0: {  	v18 =	vxor.u32 $0x80000000, v18;
	v20 =	vxor.u32 $0x80000000, v20;
	v21 =	vxor.u32 $0x80000000, v21  }
0x1b1: {  	v22 =	vxor.u32 $0x80000000, v22;
	v23 =	vxor.u32 $0x80000000, v23;
	v24 =	vxor.u32 $0x80000000, v24  }
0x1b2: {  	v6 =	vxor.u32 $0xFFFFFFFF, v6;
	v4 =	vmax.f32 v4, v7;
	v7 =	vxor.u32 $0xFFFFFFFF, v7  }
0x1b3: {  	v10 =	vsel vm0, v5, v10;
	v12 =	vsel vm2, v6, v12;
	v4 =	vmax.f32 v4, v8  }
0x1b4: {  	v8 =	vxor.u32 $0xFFFFFFFF, v8;
	v14 =	vsel vm3, v7, v14;
	[tilespmem:s0+$0xFFFFFF80] =	vst v12;
	v12 =	vshrl.u32 v12, $0x14  }
0x1b5: {  	v4 =	vmax.f32 v4, v9;
	v9 =	vxor.u32 $0xFFFFFFFF, v9;
	v63 =	vsel vm4, v8, v16  }
0x1b6: {  	v16 =	vshrl.u32 v10, $0x14;
	[tilespmem:s0+$0xFFFFFF90] =	vst v14;
	v14 =	vshrl.u32 v14, $0x14;
	v4 =	vmax.f32 v4, v11  }
0x1b7: {  	v11 =	vxor.u32 $0xFFFFFFFF, v11;
	v9 =	vsel vm5, v9, v18;
	v4 =	vmax.f32 v4, v13  }
0x1b8: {  	[tilespmem:s0+$0xFFFFFF70] =	vst v10;
	v13 =	vxor.u32 $0xFFFFFFFF, v13;
	v8 =	vsel vm6, v11, v20;
	v10 =	vshrl.u32 v9, $0x14  }
0x1b9: {  	v4 =	vmax.f32 v4, v15;
	v15 =	vxor.u32 $0xFFFFFFFF, v15;
	v7 =	vsel vm7, v13, v21  }
0x1ba: {  	v13 =	vshrl.u32 v8, $0x14;
	v4 =	vmax.f32 v4, v17;
	v17 =	vxor.u32 $0xFFFFFFFF, v17  }
0x1bb: {  	[tilespmem:s0+$0xFFFFFFA0] =	vst v63;
	v6 =	vsel vm8, v15, v22;
	v15 =	vshrl.u32 v63, $0x14;
	v11 =	vshrl.u32 v7, $0x14  }
0x1bc: {  	[tilespmem:s0+$0xFFFFFFB0] =	vst v9;
	v4 =	vmax.f32 v4, v19;
	v17 =	vsel vm1, v17, v23;
	v19 =	vxor.u32 $0xFFFFFFFF, v19  }
0x1bd: {  	s31 =	simm.s32 $0x9C4;
	v9 =	vshrl.u32 v6, $0x14;
	[tilespmem:s15+$0x80] =	vst v17;
	v5 =	vsel vm15, v19, v24;
	v17 =	vshrl.u32 v17, $0x14;
	s15 =	simm.s32 $0x9CD0  }
.LBB2_20:
0x1be: {  	s31 =	sadd.s32 $0xA, s31;
	v16 =	vand.u32 $0xFF0, v16;
	[tilespmem:s0+$0xFFFFFFC0] =	vst v8;
	v8 =	vand.u32 $0xFF0, v17;
	v17 =	vshrl.u32 v5, $0x14  }
0x1bf: {  	v12 =	vand.u32 $0xFF0, v12;
	v14 =	vand.u32 $0xFF0, v14;
	v15 =	vand.u32 $0xFF0, v15;
	s0 =	sadd.s32 $0xA0, s0;
	p0 =	slt.u32 s31, $0xC26;
	[tilespmem:s15+$0xFFFFFFD0] =	vst v7  }
0x1c0: {  	v10 =	vand.u32 $0xFF0, v10;
	v13 =	vand.u32 $0xFF0, v13;
	v11 =	vand.u32 $0xFF0, v11;
	v7 =	vld [tilespmem:s0+$0xFFFFFF70];
	[tilespmem:s15+$0xFFFFFFE0] =	vst v6  }
0x1c1: {  	v9 =	vand.u32 $0xFF0, v9;
	v8 =	vadd.s32 v0, v8;
	v6 =	vld [tilespmem:s0+$0xFFFFFF80];
	[tilespmem:s15+$0x0] =	vst v5;
	v5 =	vand.u32 $0xFF0, v17;
	s15 =	smov.u32 s0  }
0x1c2: {  	v16 =	vadd.s32 v0, v16;
	v12 =	vadd.s32 v0, v12;
	v14 =	vadd.s32 v0, v14;
	v17 =	vld [tilespmem:s0+$0xFFFFFF90]  }
0x1c3: {  	v15 =	vadd.s32 v0, v15;
	v10 =	vadd.s32 v0, v10;
	v13 =	vadd.s32 v0, v13;
	v18 =	vld [tilespmem:s0+$0xFFFFFFA0]  }
0x1c4: {  	v11 =	vadd.s32 v0, v11;
	v9 =	vadd.s32 v0, v9;
	v5 =	vadd.s32 v0, v5;
	v19 =	vld [tilespmem:s0+$0xFFFFFFB0]  }
0x1c5: {  	vm0 =	vlt.f32 v7, $0.0e+00;
	v20 =	vand.u32 $0x7FFFFFFF, v7;
	v4 =	vmax.f32 v4, v7;
	v21 =	vld [tilespmem:s0+$0xFFFFFFC0]  }
0x1c6: {  	s2 =	sadd.s32 $0xA0, s2;
	v20 =	vxor.u32 $0x80000000, v20;
	v22 =	vand.u32 $0x7FFFFFFF, v6;
	v4 =	vmax.f32 v4, v6;
	v23 =	vld [tilespmem:s0+$0xFFFFFFD0]  }
0x1c7: {  	s20 =	sand.u32 $0xFFE0, s2;
	v22 =	vxor.u32 $0x80000000, v22;
	v24 =	vand.u32 $0x7FFFFFFF, v17;
	v4 =	vmax.f32 v4, v17;
	v25 =	vld [tilespmem:s0+$0xFFFFFFE0]  }
0x1c8: {  	v24 =	vxor.u32 $0x80000000, v24;
	v26 =	vand.u32 $0x7FFFFFFF, v18;
	v4 =	vmax.f32 v4, v18;
	v27 =	vld [tilespmem:s20+$0x80]  }
0x1c9: {  	v26 =	vxor.u32 $0x80000000, v26;
	v28 =	vand.u32 $0x7FFFFFFF, v19;
	v4 =	vmax.f32 v4, v19;
	v29 =	vld [tilespmem:s0+$0x0]  }
0x1ca: {  	v28 =	vxor.u32 $0x80000000, v28;
	v30 =	vand.u32 $0x7FFFFFFF, v21;
	v4 =	vmax.f32 v4, v21;
	[tilespmem:v8+s18+$0x0] =	vst.idx.add.s32.msk $0xffff, v2  }
0x1cb: {  	v8 =	vxor.u32 $0x80000000, v30;
	v30 =	vand.u32 $0x7FFFFFFF, v23;
	v4 =	vmax.f32 v4, v23;
	[tilespmem:v16+s18+$0x0] =	vst.idx.add.s32.msk $0xffff, v2  }
0x1cc: {  	v16 =	vxor.u32 $0x80000000, v30;
	v30 =	vand.u32 $0x7FFFFFFF, v25;
	v4 =	vmax.f32 v4, v25;
	[tilespmem:v12+s18+$0x0] =	vst.idx.add.s32.msk $0xffff, v2  }
0x1cd: {  	v12 =	vxor.u32 $0x80000000, v30;
	v30 =	vand.u32 $0x7FFFFFFF, v27;
	v4 =	vmax.f32 v4, v27;
	[tilespmem:v14+s18+$0x0] =	vst.idx.add.s32.msk $0xffff, v2  }
0x1ce: {  	s17 =	simm.s32 $0x0;
	v14 =	vxor.u32 $0x80000000, v30;
	v30 =	vand.u32 $0x7FFFFFFF, v29;
	v4 =	vmax.f32 v4, v29;
	[tilespmem:v15+s18+$0x0] =	vst.idx.add.s32.msk $0xffff, v2  }
0x1cf: {  	vm1 =	vlt.f32 v27, $0.0e+00;
	v15 =	vxor.u32 $0xFFFFFFFF, v27;
	v27 =	vxor.u32 $0x80000000, v30;
	[tilespmem:v10+s18+$0x0] =	vst.idx.add.s32.msk $0xffff, v2  }
0x1d0: {  	v7 =	vxor.u32 $0xFFFFFFFF, v7;
	vm2 =	vlt.f32 v6, $0.0e+00;
	v6 =	vxor.u32 $0xFFFFFFFF, v6;
	[tilespmem:v13+s18+$0x0] =	vst.idx.add.s32.msk $0xffff, v2  }
0x1d1: {  	vm3 =	vlt.f32 v17, $0.0e+00;
	vm4 =	vlt.f32 v18, $0.0e+00;
	v10 =	vxor.u32 $0xFFFFFFFF, v17;
	[tilespmem:v11+s18+$0x0] =	vst.idx.add.s32.msk $0xffff, v2  }
0x1d2: {  	vm5 =	vlt.f32 v19, $0.0e+00;
	v13 =	vxor.u32 $0xFFFFFFFF, v19;
	v11 =	vxor.u32 $0xFFFFFFFF, v18;
	[tilespmem:v9+s18+$0x0] =	vst.idx.add.s32.msk $0xffff, v2  }
0x1d3: {  	vm6 =	vlt.f32 v21, $0.0e+00;
	vm7 =	vlt.f32 v23, $0.0e+00;
	v9 =	vxor.u32 $0xFFFFFFFF, v21;
	[tilespmem:v5+s18+$0x0] =	vst.idx.add.s32.msk $0xffff, v2  }
0x1d4: {  	vm8 =	vlt.f32 v25, $0.0e+00;
	v17 =	vxor.u32 $0xFFFFFFFF, v25;
	v5 =	vxor.u32 $0xFFFFFFFF, v23  }
0x1d5: {  	v14 =	vsel vm1, v15, v14;
	vm1 =	vlt.f32 v29, $0.0e+00;
	v15 =	vxor.u32 $0xFFFFFFFF, v29  }
0x1d6: {  	v19 =	vsel vm2, v6, v22;
	v10 =	vsel vm3, v10, v24;
	v18 =	vsel vm0, v7, v20;
	[tilespmem:s20+$0x80] =	vst v14  }
.Ltmp9:
0x1d7: {  	v13 =	vsel vm5, v13, v28;
	v11 =	vsel vm4, v11, v26;
	v8 =	vsel vm6, v9, v8;
	[tilespmem:s0+$0xFFFFFF70] =	vst v18;
	(pc) =	sbr.rel @p0 .LBB2_20-.Ltmp9, $4  }
0x1d8: {  	v6 =	vsel vm8, v17, v12;
	v7 =	vsel vm7, v5, v16;
	v5 =	vsel vm1, v15, v27;
	[tilespmem:s0+$0xFFFFFF80] =	vst v19  }
0x1d9: {  	v17 =	vshrl.u32 v14, $0x14;
	v12 =	vshrl.u32 v19, $0x14;
	v16 =	vshrl.u32 v18, $0x14;
	[tilespmem:s0+$0xFFFFFF90] =	vst v10  }
0x1da: {  	v15 =	vshrl.u32 v11, $0x14;
	v14 =	vshrl.u32 v10, $0x14;
	v10 =	vshrl.u32 v13, $0x14;
	[tilespmem:s0+$0xFFFFFFA0] =	vst v11  }
0x1db: {  	v9 =	vshrl.u32 v6, $0x14;
	v11 =	vshrl.u32 v7, $0x14;
	[tilespmem:s0+$0xFFFFFFB0] =	vst v13;
	v13 =	vshrl.u32 v8, $0x14  }
0x1dc: {  	v17 =	vand.u32 $0xFF0, v17  }
0x1dd: {  	v16 =	vand.u32 $0xFF0, v16;
	v17 =	vadd.s32 v0, v17  }
0x1de: {  	[tilespmem:s0+$0xFFFFFFC0] =	vst v8;
	v61 =	vand.u32 $0xFF0, v12;
	v62 =	vadd.s32 v0, v16  }
0x1df: {  	v14 =	vand.u32 $0xFF0, v14;
	[tilespmem:s15+$0xFFFFFFD0] =	vst v7;
	v7 =	vadd.s32 v0, v61  }
0x1e0: {  	v63 =	vand.u32 $0xFF0, v15;
	[tilespmem:s15+$0xFFFFFFE0] =	vst v6;
	v6 =	vadd.s32 v0, v14  }
0x1e1: {  	v10 =	vand.u32 $0xFF0, v10;
	[tilespmem:s15+$0x0] =	vst v5;
	v8 =	vadd.s32 v0, v63  }
0x1e2: {  	v13 =	vand.u32 $0xFF0, v13;
	v10 =	vadd.s32 v0, v10;
	[tilespmem:v17+s18+$0x0] =	vst.idx.add.s32.msk $0xffff, v2  }
0x1e3: {  	v11 =	vand.u32 $0xFF0, v11;
	v5 =	vshrl.u32 v5, $0x14;
	v13 =	vadd.s32 v0, v13;
	[tilespmem:v62+s18+$0x0] =	vst.idx.add.s32.msk $0xffff, v2  }
0x1e4: {  	v11 =	vadd.s32 v0, v11;
	v5 =	vand.u32 $0xFF0, v5;
	[tilespmem:v7+s18+$0x0] =	vst.idx.add.s32.msk $0xffff, v2  }
0x1e5: {  	v9 =	vand.u32 $0xFF0, v9;
	v5 =	vadd.s32 v0, v5;
	[tilespmem:v6+s18+$0x0] =	vst.idx.add.s32.msk $0xffff, v2  }
0x1e6: {  	v7 =	vadd.s32 v0, v9;
	[tilespmem:v8+s18+$0x0] =	vst.idx.add.s32.msk $0xffff, v2  }
0x1e7: {  	[tilespmem:v10+s18+$0x0] =	vst.idx.add.s32.msk $0xffff, v2  }
0x1e8: {  	[tilespmem:v13+s18+$0x0] =	vst.idx.add.s32.msk $0xffff, v2  }
0x1e9: {  	[tilespmem:v11+s18+$0x0] =	vst.idx.add.s32.msk $0xffff, v2  }
0x1ea: {  	[tilespmem:v5+s18+$0x0] =	vst.idx.add.s32.msk $0xffff, v2  }
0x1eb: {  	[tilespmem:v7+s18+$0x0] =	vst.idx.add.s32.msk $0xffff, v2  }
.LBB2_22:
0x1ec: {  	s0 =	sshra.s32 s17, $0x2  }
0x1ed: {  	v5 =	vld [tilespmem:s0+$0xC300];
	_ =	sdelay $0x4  }
0x1ee: {  	v6 =	vand.u32 $0x7FFFFFFF, v5  }
0x1ef: {  	vm0 =	vlt.f32 v5, $0.0e+00;
	v7 =	vxor.u32 $0xFFFFFFFF, v5;
	v6 =	vxor.u32 $0x80000000, v6  }
0x1f0: {  	v6 =	vsel vm0, v7, v6  }
0x1f1: {  	v7 =	vshrl.u32 v6, $0x14  }
0x1f2: {  	v7 =	vand.u32 $0xFF0, v7  }
0x1f3: {  	p0 =	sne.s32 s17, $0x100;
	v7 =	vadd.s32 v0, v7  }
.Ltmp10:
0x1f4: {  	_ = 	snop;
	(pc) =	sbr.rel @p0 .LBB2_22-.Ltmp10, $3  }
0x1f5: {  	_ =	sdelay $0x1  }
0x1f6: {  	[tilespmem:s0+$0xC300] =	vst v6  }
0x1f7: {  	s17 =	sadd.s32 $0x40, s17;
	v4 =	vmax.f32 v4, v5;
	[tilespmem:v7+s18+$0x0] =	vst.idx.add.s32.msk $0xffff, v2  }
0x1f8: {  	_ =	swait.ge [sflag:s19], $0x2710  }
0x1f9: {  	[sflag:s19] =	ssyncset.done $0x0  }
0x1fa: {  	s0 =	simm.s32 $0x11170;
	[sflag:s19] =	ssyncadd.s32 $0xFFFFD8F0  }
0x1fb: {  	[tilespmem:s0], [sflag:$0x2] =	stream.linear.gather [hbm4b:s10+s1], $0x2710, $0x38;
	[tilespmem:$0x19780] =	vst v63  }
0x1fc: {  	s0 =	simm.s32 $0xC3E0  }
0x1fd: {  	v5 =	vld [tilespmem:s0+$0xFFFFFF70]  }
0x1fe: {  	v6 =	vld [tilespmem:s0+$0xFFFFFF80]  }
0x1ff: {  	v7 =	vld [tilespmem:s0+$0xFFFFFF90]  }
0x200: {  	v8 =	vld [tilespmem:s0+$0xFFFFFFA0]  }
0x201: {  	v9 =	vld [tilespmem:s0+$0xFFFFFFB0]  }
0x202: {  	v11 =	vld [tilespmem:s0+$0xFFFFFFC0]  }
0x203: {  	s2 =	simm.s32 $0xC350;
	v13 =	vld [tilespmem:s0+$0xFFFFFFD0]  }
0x204: {  	s15 =	sand.u32 $0xFFF0, s2;
	v15 =	vld [tilespmem:s0+$0xFFFFFFE0]  }
0x205: {  	v17 =	vld [tilespmem:s15+$0x80]  }
0x206: {  	v19 =	vld [tilespmem:s0+$0x0];
	_ =	sdelay $0x1  }
0x207: {  	vm0 =	vlt.f32 v5, $0.0e+00;
	v10 =	vand.u32 $0x7FFFFFFF, v5;
	v4 =	vmax.f32 v4, v5  }
0x208: {  	v12 =	vand.u32 $0x7FFFFFFF, v6;
	v14 =	vand.u32 $0x7FFFFFFF, v7;
	v16 =	vand.u32 $0x7FFFFFFF, v8  }
0x209: {  	v18 =	vand.u32 $0x7FFFFFFF, v9;
	v20 =	vand.u32 $0x7FFFFFFF, v11;
	v21 =	vand.u32 $0x7FFFFFFF, v13  }
0x20a: {  	v22 =	vand.u32 $0x7FFFFFFF, v15;
	v23 =	vand.u32 $0x7FFFFFFF, v17;
	v24 =	vand.u32 $0x7FFFFFFF, v19  }
0x20b: {  	vm1 =	vlt.f32 v17, $0.0e+00;
	v5 =	vxor.u32 $0xFFFFFFFF, v5;
	vm2 =	vlt.f32 v6, $0.0e+00  }
0x20c: {  	vm3 =	vlt.f32 v7, $0.0e+00;
	vm4 =	vlt.f32 v8, $0.0e+00;
	vm5 =	vlt.f32 v9, $0.0e+00  }
0x20d: {  	vm6 =	vlt.f32 v11, $0.0e+00;
	vm7 =	vlt.f32 v13, $0.0e+00;
	vm8 =	vlt.f32 v15, $0.0e+00  }
0x20e: {  	vm15 =	vlt.f32 v19, $0.0e+00;
	v10 =	vxor.u32 $0x80000000, v10;
	v4 =	vmax.f32 v4, v6  }
0x20f: {  	v12 =	vxor.u32 $0x80000000, v12;
	v14 =	vxor.u32 $0x80000000, v14;
	v16 =	vxor.u32 $0x80000000, v16  }
0x210: {  	v18 =	vxor.u32 $0x80000000, v18;
	v20 =	vxor.u32 $0x80000000, v20;
	v21 =	vxor.u32 $0x80000000, v21  }
0x211: {  	v22 =	vxor.u32 $0x80000000, v22;
	v23 =	vxor.u32 $0x80000000, v23;
	v24 =	vxor.u32 $0x80000000, v24  }
0x212: {  	v6 =	vxor.u32 $0xFFFFFFFF, v6;
	v4 =	vmax.f32 v4, v7;
	v7 =	vxor.u32 $0xFFFFFFFF, v7  }
0x213: {  	v10 =	vsel vm0, v5, v10;
	v12 =	vsel vm2, v6, v12;
	v4 =	vmax.f32 v4, v8  }
0x214: {  	v8 =	vxor.u32 $0xFFFFFFFF, v8;
	v14 =	vsel vm3, v7, v14;
	[tilespmem:s0+$0xFFFFFF80] =	vst v12;
	v12 =	vshrl.u32 v12, $0x14  }
0x215: {  	v4 =	vmax.f32 v4, v9;
	v9 =	vxor.u32 $0xFFFFFFFF, v9;
	v63 =	vsel vm4, v8, v16  }
0x216: {  	v16 =	vshrl.u32 v10, $0x14;
	[tilespmem:s0+$0xFFFFFF90] =	vst v14;
	v14 =	vshrl.u32 v14, $0x14;
	v4 =	vmax.f32 v4, v11  }
0x217: {  	v11 =	vxor.u32 $0xFFFFFFFF, v11;
	v9 =	vsel vm5, v9, v18;
	v4 =	vmax.f32 v4, v13  }
0x218: {  	[tilespmem:s0+$0xFFFFFF70] =	vst v10;
	v13 =	vxor.u32 $0xFFFFFFFF, v13;
	v8 =	vsel vm6, v11, v20;
	v10 =	vshrl.u32 v9, $0x14  }
0x219: {  	v4 =	vmax.f32 v4, v15;
	v15 =	vxor.u32 $0xFFFFFFFF, v15;
	v7 =	vsel vm7, v13, v21  }
0x21a: {  	v13 =	vshrl.u32 v8, $0x14;
	v4 =	vmax.f32 v4, v17;
	v17 =	vxor.u32 $0xFFFFFFFF, v17  }
0x21b: {  	[tilespmem:s0+$0xFFFFFFA0] =	vst v63;
	v6 =	vsel vm8, v15, v22;
	v15 =	vshrl.u32 v63, $0x14;
	v11 =	vshrl.u32 v7, $0x14  }
0x21c: {  	[tilespmem:s0+$0xFFFFFFB0] =	vst v9;
	v4 =	vmax.f32 v4, v19;
	v17 =	vsel vm1, v17, v23;
	v19 =	vxor.u32 $0xFFFFFFFF, v19  }
0x21d: {  	s31 =	simm.s32 $0xC35;
	v9 =	vshrl.u32 v6, $0x14;
	[tilespmem:s15+$0x80] =	vst v17;
	v5 =	vsel vm15, v19, v24;
	v17 =	vshrl.u32 v17, $0x14;
	s15 =	simm.s32 $0xC3E0  }
.LBB2_24:
0x21e: {  	s31 =	sadd.s32 $0xA, s31;
	v16 =	vand.u32 $0xFF0, v16;
	[tilespmem:s0+$0xFFFFFFC0] =	vst v8;
	v8 =	vand.u32 $0xFF0, v17;
	v17 =	vshrl.u32 v5, $0x14  }
0x21f: {  	v12 =	vand.u32 $0xFF0, v12;
	v14 =	vand.u32 $0xFF0, v14;
	v15 =	vand.u32 $0xFF0, v15;
	s0 =	sadd.s32 $0xA0, s0;
	p0 =	slt.u32 s31, $0xE97;
	[tilespmem:s15+$0xFFFFFFD0] =	vst v7  }
0x220: {  	v10 =	vand.u32 $0xFF0, v10;
	v13 =	vand.u32 $0xFF0, v13;
	v11 =	vand.u32 $0xFF0, v11;
	v7 =	vld [tilespmem:s0+$0xFFFFFF70];
	[tilespmem:s15+$0xFFFFFFE0] =	vst v6  }
0x221: {  	v9 =	vand.u32 $0xFF0, v9;
	v8 =	vadd.s32 v0, v8;
	v6 =	vld [tilespmem:s0+$0xFFFFFF80];
	[tilespmem:s15+$0x0] =	vst v5;
	v5 =	vand.u32 $0xFF0, v17;
	s15 =	smov.u32 s0  }
0x222: {  	v16 =	vadd.s32 v0, v16;
	v12 =	vadd.s32 v0, v12;
	v14 =	vadd.s32 v0, v14;
	v17 =	vld [tilespmem:s0+$0xFFFFFF90]  }
0x223: {  	v15 =	vadd.s32 v0, v15;
	v10 =	vadd.s32 v0, v10;
	v13 =	vadd.s32 v0, v13;
	v18 =	vld [tilespmem:s0+$0xFFFFFFA0]  }
0x224: {  	v11 =	vadd.s32 v0, v11;
	v9 =	vadd.s32 v0, v9;
	v5 =	vadd.s32 v0, v5;
	v19 =	vld [tilespmem:s0+$0xFFFFFFB0]  }
0x225: {  	vm0 =	vlt.f32 v7, $0.0e+00;
	v20 =	vand.u32 $0x7FFFFFFF, v7;
	v4 =	vmax.f32 v4, v7;
	v21 =	vld [tilespmem:s0+$0xFFFFFFC0]  }
0x226: {  	s2 =	sadd.s32 $0xA0, s2;
	v20 =	vxor.u32 $0x80000000, v20;
	v22 =	vand.u32 $0x7FFFFFFF, v6;
	v4 =	vmax.f32 v4, v6;
	v23 =	vld [tilespmem:s0+$0xFFFFFFD0]  }
0x227: {  	s20 =	sand.u32 $0xFFF0, s2;
	v22 =	vxor.u32 $0x80000000, v22;
	v24 =	vand.u32 $0x7FFFFFFF, v17;
	v4 =	vmax.f32 v4, v17;
	v25 =	vld [tilespmem:s0+$0xFFFFFFE0]  }
0x228: {  	v24 =	vxor.u32 $0x80000000, v24;
	v26 =	vand.u32 $0x7FFFFFFF, v18;
	v4 =	vmax.f32 v4, v18;
	v27 =	vld [tilespmem:s20+$0x80]  }
0x229: {  	v26 =	vxor.u32 $0x80000000, v26;
	v28 =	vand.u32 $0x7FFFFFFF, v19;
	v4 =	vmax.f32 v4, v19;
	v29 =	vld [tilespmem:s0+$0x0]  }
0x22a: {  	v28 =	vxor.u32 $0x80000000, v28;
	v30 =	vand.u32 $0x7FFFFFFF, v21;
	v4 =	vmax.f32 v4, v21;
	[tilespmem:v8+s18+$0x0] =	vst.idx.add.s32.msk $0xffff, v2  }
0x22b: {  	v8 =	vxor.u32 $0x80000000, v30;
	v30 =	vand.u32 $0x7FFFFFFF, v23;
	v4 =	vmax.f32 v4, v23;
	[tilespmem:v16+s18+$0x0] =	vst.idx.add.s32.msk $0xffff, v2  }
0x22c: {  	v16 =	vxor.u32 $0x80000000, v30;
	v30 =	vand.u32 $0x7FFFFFFF, v25;
	v4 =	vmax.f32 v4, v25;
	[tilespmem:v12+s18+$0x0] =	vst.idx.add.s32.msk $0xffff, v2  }
0x22d: {  	v12 =	vxor.u32 $0x80000000, v30;
	v30 =	vand.u32 $0x7FFFFFFF, v27;
	v4 =	vmax.f32 v4, v27;
	[tilespmem:v14+s18+$0x0] =	vst.idx.add.s32.msk $0xffff, v2  }
0x22e: {  	s17 =	simm.s32 $0x0;
	v14 =	vxor.u32 $0x80000000, v30;
	v30 =	vand.u32 $0x7FFFFFFF, v29;
	v4 =	vmax.f32 v4, v29;
	[tilespmem:v15+s18+$0x0] =	vst.idx.add.s32.msk $0xffff, v2  }
0x22f: {  	vm1 =	vlt.f32 v27, $0.0e+00;
	v15 =	vxor.u32 $0xFFFFFFFF, v27;
	v27 =	vxor.u32 $0x80000000, v30;
	[tilespmem:v10+s18+$0x0] =	vst.idx.add.s32.msk $0xffff, v2  }
0x230: {  	v7 =	vxor.u32 $0xFFFFFFFF, v7;
	vm2 =	vlt.f32 v6, $0.0e+00;
	v6 =	vxor.u32 $0xFFFFFFFF, v6;
	[tilespmem:v13+s18+$0x0] =	vst.idx.add.s32.msk $0xffff, v2  }
0x231: {  	vm3 =	vlt.f32 v17, $0.0e+00;
	vm4 =	vlt.f32 v18, $0.0e+00;
	v10 =	vxor.u32 $0xFFFFFFFF, v17;
	[tilespmem:v11+s18+$0x0] =	vst.idx.add.s32.msk $0xffff, v2  }
0x232: {  	vm5 =	vlt.f32 v19, $0.0e+00;
	v13 =	vxor.u32 $0xFFFFFFFF, v19;
	v11 =	vxor.u32 $0xFFFFFFFF, v18;
	[tilespmem:v9+s18+$0x0] =	vst.idx.add.s32.msk $0xffff, v2  }
0x233: {  	vm6 =	vlt.f32 v21, $0.0e+00;
	vm7 =	vlt.f32 v23, $0.0e+00;
	v9 =	vxor.u32 $0xFFFFFFFF, v21;
	[tilespmem:v5+s18+$0x0] =	vst.idx.add.s32.msk $0xffff, v2  }
0x234: {  	vm8 =	vlt.f32 v25, $0.0e+00;
	v17 =	vxor.u32 $0xFFFFFFFF, v25;
	v5 =	vxor.u32 $0xFFFFFFFF, v23  }
0x235: {  	v14 =	vsel vm1, v15, v14;
	vm1 =	vlt.f32 v29, $0.0e+00;
	v15 =	vxor.u32 $0xFFFFFFFF, v29  }
0x236: {  	v19 =	vsel vm2, v6, v22;
	v10 =	vsel vm3, v10, v24;
	v18 =	vsel vm0, v7, v20;
	[tilespmem:s20+$0x80] =	vst v14  }
.Ltmp11:
0x237: {  	v13 =	vsel vm5, v13, v28;
	v11 =	vsel vm4, v11, v26;
	v8 =	vsel vm6, v9, v8;
	[tilespmem:s0+$0xFFFFFF70] =	vst v18;
	(pc) =	sbr.rel @p0 .LBB2_24-.Ltmp11, $4  }
0x238: {  	v6 =	vsel vm8, v17, v12;
	v7 =	vsel vm7, v5, v16;
	v5 =	vsel vm1, v15, v27;
	[tilespmem:s0+$0xFFFFFF80] =	vst v19  }
0x239: {  	v17 =	vshrl.u32 v14, $0x14;
	v12 =	vshrl.u32 v19, $0x14;
	v16 =	vshrl.u32 v18, $0x14;
	[tilespmem:s0+$0xFFFFFF90] =	vst v10  }
0x23a: {  	v15 =	vshrl.u32 v11, $0x14;
	v14 =	vshrl.u32 v10, $0x14;
	v10 =	vshrl.u32 v13, $0x14;
	[tilespmem:s0+$0xFFFFFFA0] =	vst v11  }
0x23b: {  	v9 =	vshrl.u32 v6, $0x14;
	v11 =	vshrl.u32 v7, $0x14;
	[tilespmem:s0+$0xFFFFFFB0] =	vst v13;
	v13 =	vshrl.u32 v8, $0x14  }
0x23c: {  	v17 =	vand.u32 $0xFF0, v17  }
0x23d: {  	v16 =	vand.u32 $0xFF0, v16;
	v17 =	vadd.s32 v0, v17  }
0x23e: {  	[tilespmem:s0+$0xFFFFFFC0] =	vst v8;
	v61 =	vand.u32 $0xFF0, v12;
	v62 =	vadd.s32 v0, v16  }
0x23f: {  	v14 =	vand.u32 $0xFF0, v14;
	[tilespmem:s15+$0xFFFFFFD0] =	vst v7;
	v7 =	vadd.s32 v0, v61  }
0x240: {  	v63 =	vand.u32 $0xFF0, v15;
	[tilespmem:s15+$0xFFFFFFE0] =	vst v6;
	v6 =	vadd.s32 v0, v14  }
0x241: {  	v10 =	vand.u32 $0xFF0, v10;
	[tilespmem:s15+$0x0] =	vst v5;
	v8 =	vadd.s32 v0, v63  }
0x242: {  	v13 =	vand.u32 $0xFF0, v13;
	v10 =	vadd.s32 v0, v10;
	[tilespmem:v17+s18+$0x0] =	vst.idx.add.s32.msk $0xffff, v2  }
0x243: {  	v11 =	vand.u32 $0xFF0, v11;
	v5 =	vshrl.u32 v5, $0x14;
	v13 =	vadd.s32 v0, v13;
	[tilespmem:v62+s18+$0x0] =	vst.idx.add.s32.msk $0xffff, v2  }
0x244: {  	v11 =	vadd.s32 v0, v11;
	v5 =	vand.u32 $0xFF0, v5;
	[tilespmem:v7+s18+$0x0] =	vst.idx.add.s32.msk $0xffff, v2  }
0x245: {  	v9 =	vand.u32 $0xFF0, v9;
	v5 =	vadd.s32 v0, v5;
	[tilespmem:v6+s18+$0x0] =	vst.idx.add.s32.msk $0xffff, v2  }
0x246: {  	v7 =	vadd.s32 v0, v9;
	[tilespmem:v8+s18+$0x0] =	vst.idx.add.s32.msk $0xffff, v2  }
0x247: {  	[tilespmem:v10+s18+$0x0] =	vst.idx.add.s32.msk $0xffff, v2  }
0x248: {  	[tilespmem:v13+s18+$0x0] =	vst.idx.add.s32.msk $0xffff, v2  }
0x249: {  	[tilespmem:v11+s18+$0x0] =	vst.idx.add.s32.msk $0xffff, v2  }
0x24a: {  	[tilespmem:v5+s18+$0x0] =	vst.idx.add.s32.msk $0xffff, v2  }
0x24b: {  	[tilespmem:v7+s18+$0x0] =	vst.idx.add.s32.msk $0xffff, v2  }
.LBB2_26:
0x24c: {  	s0 =	sshra.s32 s17, $0x2  }
0x24d: {  	v5 =	vld [tilespmem:s0+$0xEA10];
	_ =	sdelay $0x4  }
0x24e: {  	v6 =	vand.u32 $0x7FFFFFFF, v5  }
0x24f: {  	vm0 =	vlt.f32 v5, $0.0e+00;
	v7 =	vxor.u32 $0xFFFFFFFF, v5;
	v6 =	vxor.u32 $0x80000000, v6  }
0x250: {  	v6 =	vsel vm0, v7, v6  }
0x251: {  	v7 =	vshrl.u32 v6, $0x14  }
0x252: {  	v7 =	vand.u32 $0xFF0, v7  }
0x253: {  	p0 =	sne.s32 s17, $0x100;
	v7 =	vadd.s32 v0, v7  }
.Ltmp12:
0x254: {  	_ = 	snop;
	(pc) =	sbr.rel @p0 .LBB2_26-.Ltmp12, $3  }
0x255: {  	_ =	sdelay $0x1  }
0x256: {  	[tilespmem:s0+$0xEA10] =	vst v6  }
0x257: {  	s17 =	sadd.s32 $0x40, s17;
	v4 =	vmax.f32 v4, v5;
	[tilespmem:v7+s18+$0x0] =	vst.idx.add.s32.msk $0xffff, v2  }
0x258: {  	_ =	swait.ge [sflag:s16], $0x2710  }
0x259: {  	[sflag:s16] =	ssyncset.done $0x0  }
0x25a: {  	s0 =	simm.s32 $0x13880;
	[sflag:s16] =	ssyncadd.s32 $0xFFFFD8F0  }
0x25b: {  	[tilespmem:s0], [sflag:$0x1] =	stream.linear.gather [hbm4b:s11+s1], $0x2710, $0x38;
	[tilespmem:$0x19780] =	vst v63  }
0x25c: {  	s0 =	simm.s32 $0xEAF0  }
0x25d: {  	v5 =	vld [tilespmem:s0+$0xFFFFFF70]  }
0x25e: {  	v6 =	vld [tilespmem:s0+$0xFFFFFF80]  }
0x25f: {  	v7 =	vld [tilespmem:s0+$0xFFFFFF90]  }
0x260: {  	v8 =	vld [tilespmem:s0+$0xFFFFFFA0]  }
0x261: {  	v9 =	vld [tilespmem:s0+$0xFFFFFFB0]  }
0x262: {  	v11 =	vld [tilespmem:s0+$0xFFFFFFC0]  }
0x263: {  	s2 =	simm.s32 $0xEA60;
	v13 =	vld [tilespmem:s0+$0xFFFFFFD0]  }
0x264: {  	s15 =	sand.u32 $0x1FFE0, s2;
	v15 =	vld [tilespmem:s0+$0xFFFFFFE0]  }
0x265: {  	v17 =	vld [tilespmem:s15+$0x80]  }
0x266: {  	v19 =	vld [tilespmem:s0+$0x0];
	_ =	sdelay $0x1  }
0x267: {  	vm0 =	vlt.f32 v5, $0.0e+00;
	v10 =	vand.u32 $0x7FFFFFFF, v5;
	v4 =	vmax.f32 v4, v5  }
0x268: {  	v12 =	vand.u32 $0x7FFFFFFF, v6;
	v14 =	vand.u32 $0x7FFFFFFF, v7;
	v16 =	vand.u32 $0x7FFFFFFF, v8  }
0x269: {  	v18 =	vand.u32 $0x7FFFFFFF, v9;
	v20 =	vand.u32 $0x7FFFFFFF, v11;
	v21 =	vand.u32 $0x7FFFFFFF, v13  }
0x26a: {  	v22 =	vand.u32 $0x7FFFFFFF, v15;
	v23 =	vand.u32 $0x7FFFFFFF, v17;
	v24 =	vand.u32 $0x7FFFFFFF, v19  }
0x26b: {  	vm1 =	vlt.f32 v17, $0.0e+00;
	v5 =	vxor.u32 $0xFFFFFFFF, v5;
	vm2 =	vlt.f32 v6, $0.0e+00  }
0x26c: {  	vm3 =	vlt.f32 v7, $0.0e+00;
	vm4 =	vlt.f32 v8, $0.0e+00;
	vm5 =	vlt.f32 v9, $0.0e+00  }
0x26d: {  	vm6 =	vlt.f32 v11, $0.0e+00;
	vm7 =	vlt.f32 v13, $0.0e+00;
	vm8 =	vlt.f32 v15, $0.0e+00  }
0x26e: {  	vm15 =	vlt.f32 v19, $0.0e+00;
	v10 =	vxor.u32 $0x80000000, v10;
	v4 =	vmax.f32 v4, v6  }
0x26f: {  	v12 =	vxor.u32 $0x80000000, v12;
	v14 =	vxor.u32 $0x80000000, v14;
	v16 =	vxor.u32 $0x80000000, v16  }
0x270: {  	v18 =	vxor.u32 $0x80000000, v18;
	v20 =	vxor.u32 $0x80000000, v20;
	v21 =	vxor.u32 $0x80000000, v21  }
0x271: {  	v22 =	vxor.u32 $0x80000000, v22;
	v23 =	vxor.u32 $0x80000000, v23;
	v24 =	vxor.u32 $0x80000000, v24  }
0x272: {  	v6 =	vxor.u32 $0xFFFFFFFF, v6;
	v4 =	vmax.f32 v4, v7;
	v7 =	vxor.u32 $0xFFFFFFFF, v7  }
0x273: {  	v10 =	vsel vm0, v5, v10;
	v12 =	vsel vm2, v6, v12;
	v4 =	vmax.f32 v4, v8  }
0x274: {  	v8 =	vxor.u32 $0xFFFFFFFF, v8;
	v14 =	vsel vm3, v7, v14;
	[tilespmem:s0+$0xFFFFFF80] =	vst v12;
	v12 =	vshrl.u32 v12, $0x14  }
0x275: {  	v4 =	vmax.f32 v4, v9;
	v9 =	vxor.u32 $0xFFFFFFFF, v9;
	v63 =	vsel vm4, v8, v16  }
0x276: {  	v16 =	vshrl.u32 v10, $0x14;
	[tilespmem:s0+$0xFFFFFF90] =	vst v14;
	v14 =	vshrl.u32 v14, $0x14;
	v4 =	vmax.f32 v4, v11  }
0x277: {  	v11 =	vxor.u32 $0xFFFFFFFF, v11;
	v9 =	vsel vm5, v9, v18;
	v4 =	vmax.f32 v4, v13  }
0x278: {  	[tilespmem:s0+$0xFFFFFF70] =	vst v10;
	v13 =	vxor.u32 $0xFFFFFFFF, v13;
	v8 =	vsel vm6, v11, v20;
	v10 =	vshrl.u32 v9, $0x14  }
0x279: {  	v4 =	vmax.f32 v4, v15;
	v15 =	vxor.u32 $0xFFFFFFFF, v15;
	v7 =	vsel vm7, v13, v21  }
0x27a: {  	v13 =	vshrl.u32 v8, $0x14;
	v4 =	vmax.f32 v4, v17;
	v17 =	vxor.u32 $0xFFFFFFFF, v17  }
0x27b: {  	[tilespmem:s0+$0xFFFFFFA0] =	vst v63;
	v6 =	vsel vm8, v15, v22;
	v15 =	vshrl.u32 v63, $0x14;
	v11 =	vshrl.u32 v7, $0x14  }
0x27c: {  	[tilespmem:s0+$0xFFFFFFB0] =	vst v9;
	v4 =	vmax.f32 v4, v19;
	v17 =	vsel vm1, v17, v23;
	v19 =	vxor.u32 $0xFFFFFFFF, v19  }
0x27d: {  	s31 =	simm.s32 $0xEA6;
	v9 =	vshrl.u32 v6, $0x14;
	[tilespmem:s15+$0x80] =	vst v17;
	v5 =	vsel vm15, v19, v24;
	v17 =	vshrl.u32 v17, $0x14;
	s15 =	simm.s32 $0xEAF0  }
.LBB2_28:
0x27e: {  	s31 =	sadd.s32 $0xA, s31;
	v16 =	vand.u32 $0xFF0, v16;
	[tilespmem:s0+$0xFFFFFFC0] =	vst v8;
	v8 =	vand.u32 $0xFF0, v17;
	v17 =	vshrl.u32 v5, $0x14  }
0x27f: {  	v12 =	vand.u32 $0xFF0, v12;
	v14 =	vand.u32 $0xFF0, v14;
	v15 =	vand.u32 $0xFF0, v15;
	s0 =	sadd.s32 $0xA0, s0;
	p0 =	slt.u32 s31, $0x1108;
	[tilespmem:s15+$0xFFFFFFD0] =	vst v7  }
0x280: {  	v10 =	vand.u32 $0xFF0, v10;
	v13 =	vand.u32 $0xFF0, v13;
	v11 =	vand.u32 $0xFF0, v11;
	v7 =	vld [tilespmem:s0+$0xFFFFFF70];
	[tilespmem:s15+$0xFFFFFFE0] =	vst v6  }
0x281: {  	v9 =	vand.u32 $0xFF0, v9;
	v8 =	vadd.s32 v0, v8;
	v6 =	vld [tilespmem:s0+$0xFFFFFF80];
	[tilespmem:s15+$0x0] =	vst v5;
	v5 =	vand.u32 $0xFF0, v17;
	s15 =	smov.u32 s0  }
0x282: {  	v16 =	vadd.s32 v0, v16;
	v12 =	vadd.s32 v0, v12;
	v14 =	vadd.s32 v0, v14;
	v17 =	vld [tilespmem:s0+$0xFFFFFF90]  }
0x283: {  	v15 =	vadd.s32 v0, v15;
	v10 =	vadd.s32 v0, v10;
	v13 =	vadd.s32 v0, v13;
	v18 =	vld [tilespmem:s0+$0xFFFFFFA0]  }
0x284: {  	v11 =	vadd.s32 v0, v11;
	v9 =	vadd.s32 v0, v9;
	v5 =	vadd.s32 v0, v5;
	v19 =	vld [tilespmem:s0+$0xFFFFFFB0]  }
0x285: {  	vm0 =	vlt.f32 v7, $0.0e+00;
	v20 =	vand.u32 $0x7FFFFFFF, v7;
	v4 =	vmax.f32 v4, v7;
	v21 =	vld [tilespmem:s0+$0xFFFFFFC0]  }
0x286: {  	s2 =	sadd.s32 $0xA0, s2;
	v20 =	vxor.u32 $0x80000000, v20;
	v22 =	vand.u32 $0x7FFFFFFF, v6;
	v4 =	vmax.f32 v4, v6;
	v23 =	vld [tilespmem:s0+$0xFFFFFFD0]  }
0x287: {  	s20 =	sand.u32 $0x1FFE0, s2;
	v22 =	vxor.u32 $0x80000000, v22;
	v24 =	vand.u32 $0x7FFFFFFF, v17;
	v4 =	vmax.f32 v4, v17;
	v25 =	vld [tilespmem:s0+$0xFFFFFFE0]  }
0x288: {  	v24 =	vxor.u32 $0x80000000, v24;
	v26 =	vand.u32 $0x7FFFFFFF, v18;
	v4 =	vmax.f32 v4, v18;
	v27 =	vld [tilespmem:s20+$0x80]  }
0x289: {  	v26 =	vxor.u32 $0x80000000, v26;
	v28 =	vand.u32 $0x7FFFFFFF, v19;
	v4 =	vmax.f32 v4, v19;
	v29 =	vld [tilespmem:s0+$0x0]  }
0x28a: {  	v28 =	vxor.u32 $0x80000000, v28;
	v30 =	vand.u32 $0x7FFFFFFF, v21;
	v4 =	vmax.f32 v4, v21;
	[tilespmem:v8+s18+$0x0] =	vst.idx.add.s32.msk $0xffff, v2  }
0x28b: {  	v8 =	vxor.u32 $0x80000000, v30;
	v30 =	vand.u32 $0x7FFFFFFF, v23;
	v4 =	vmax.f32 v4, v23;
	[tilespmem:v16+s18+$0x0] =	vst.idx.add.s32.msk $0xffff, v2  }
0x28c: {  	v16 =	vxor.u32 $0x80000000, v30;
	v30 =	vand.u32 $0x7FFFFFFF, v25;
	v4 =	vmax.f32 v4, v25;
	[tilespmem:v12+s18+$0x0] =	vst.idx.add.s32.msk $0xffff, v2  }
0x28d: {  	v12 =	vxor.u32 $0x80000000, v30;
	v30 =	vand.u32 $0x7FFFFFFF, v27;
	v4 =	vmax.f32 v4, v27;
	[tilespmem:v14+s18+$0x0] =	vst.idx.add.s32.msk $0xffff, v2  }
0x28e: {  	s17 =	simm.s32 $0x0;
	v14 =	vxor.u32 $0x80000000, v30;
	v30 =	vand.u32 $0x7FFFFFFF, v29;
	v4 =	vmax.f32 v4, v29;
	[tilespmem:v15+s18+$0x0] =	vst.idx.add.s32.msk $0xffff, v2  }
0x28f: {  	vm1 =	vlt.f32 v27, $0.0e+00;
	v15 =	vxor.u32 $0xFFFFFFFF, v27;
	v27 =	vxor.u32 $0x80000000, v30;
	[tilespmem:v10+s18+$0x0] =	vst.idx.add.s32.msk $0xffff, v2  }
0x290: {  	v7 =	vxor.u32 $0xFFFFFFFF, v7;
	vm2 =	vlt.f32 v6, $0.0e+00;
	v6 =	vxor.u32 $0xFFFFFFFF, v6;
	[tilespmem:v13+s18+$0x0] =	vst.idx.add.s32.msk $0xffff, v2  }
0x291: {  	vm3 =	vlt.f32 v17, $0.0e+00;
	vm4 =	vlt.f32 v18, $0.0e+00;
	v10 =	vxor.u32 $0xFFFFFFFF, v17;
	[tilespmem:v11+s18+$0x0] =	vst.idx.add.s32.msk $0xffff, v2  }
0x292: {  	vm5 =	vlt.f32 v19, $0.0e+00;
	v13 =	vxor.u32 $0xFFFFFFFF, v19;
	v11 =	vxor.u32 $0xFFFFFFFF, v18;
	[tilespmem:v9+s18+$0x0] =	vst.idx.add.s32.msk $0xffff, v2  }
0x293: {  	vm6 =	vlt.f32 v21, $0.0e+00;
	vm7 =	vlt.f32 v23, $0.0e+00;
	v9 =	vxor.u32 $0xFFFFFFFF, v21;
	[tilespmem:v5+s18+$0x0] =	vst.idx.add.s32.msk $0xffff, v2  }
0x294: {  	vm8 =	vlt.f32 v25, $0.0e+00;
	v17 =	vxor.u32 $0xFFFFFFFF, v25;
	v5 =	vxor.u32 $0xFFFFFFFF, v23  }
0x295: {  	v14 =	vsel vm1, v15, v14;
	vm1 =	vlt.f32 v29, $0.0e+00;
	v15 =	vxor.u32 $0xFFFFFFFF, v29  }
0x296: {  	v19 =	vsel vm2, v6, v22;
	v10 =	vsel vm3, v10, v24;
	v18 =	vsel vm0, v7, v20;
	[tilespmem:s20+$0x80] =	vst v14  }
.Ltmp13:
0x297: {  	v13 =	vsel vm5, v13, v28;
	v11 =	vsel vm4, v11, v26;
	v8 =	vsel vm6, v9, v8;
	[tilespmem:s0+$0xFFFFFF70] =	vst v18;
	(pc) =	sbr.rel @p0 .LBB2_28-.Ltmp13, $4  }
0x298: {  	v6 =	vsel vm8, v17, v12;
	v7 =	vsel vm7, v5, v16;
	v5 =	vsel vm1, v15, v27;
	[tilespmem:s0+$0xFFFFFF80] =	vst v19  }
0x299: {  	v17 =	vshrl.u32 v14, $0x14;
	v12 =	vshrl.u32 v19, $0x14;
	v16 =	vshrl.u32 v18, $0x14;
	[tilespmem:s0+$0xFFFFFF90] =	vst v10  }
0x29a: {  	v15 =	vshrl.u32 v11, $0x14;
	v14 =	vshrl.u32 v10, $0x14;
	v10 =	vshrl.u32 v13, $0x14;
	[tilespmem:s0+$0xFFFFFFA0] =	vst v11  }
0x29b: {  	v9 =	vshrl.u32 v6, $0x14;
	v11 =	vshrl.u32 v7, $0x14;
	[tilespmem:s0+$0xFFFFFFB0] =	vst v13;
	v13 =	vshrl.u32 v8, $0x14  }
0x29c: {  	v17 =	vand.u32 $0xFF0, v17  }
0x29d: {  	v16 =	vand.u32 $0xFF0, v16;
	v17 =	vadd.s32 v0, v17  }
0x29e: {  	[tilespmem:s0+$0xFFFFFFC0] =	vst v8;
	v61 =	vand.u32 $0xFF0, v12;
	v62 =	vadd.s32 v0, v16  }
0x29f: {  	v14 =	vand.u32 $0xFF0, v14;
	[tilespmem:s15+$0xFFFFFFD0] =	vst v7;
	v7 =	vadd.s32 v0, v61  }
0x2a0: {  	v63 =	vand.u32 $0xFF0, v15;
	[tilespmem:s15+$0xFFFFFFE0] =	vst v6;
	v6 =	vadd.s32 v0, v14  }
0x2a1: {  	v10 =	vand.u32 $0xFF0, v10;
	[tilespmem:s15+$0x0] =	vst v5;
	v8 =	vadd.s32 v0, v63  }
0x2a2: {  	v13 =	vand.u32 $0xFF0, v13;
	v10 =	vadd.s32 v0, v10;
	[tilespmem:v17+s18+$0x0] =	vst.idx.add.s32.msk $0xffff, v2  }
0x2a3: {  	v11 =	vand.u32 $0xFF0, v11;
	v5 =	vshrl.u32 v5, $0x14;
	v13 =	vadd.s32 v0, v13;
	[tilespmem:v62+s18+$0x0] =	vst.idx.add.s32.msk $0xffff, v2  }
0x2a4: {  	v11 =	vadd.s32 v0, v11;
	v5 =	vand.u32 $0xFF0, v5;
	[tilespmem:v7+s18+$0x0] =	vst.idx.add.s32.msk $0xffff, v2  }
0x2a5: {  	v9 =	vand.u32 $0xFF0, v9;
	v5 =	vadd.s32 v0, v5;
	[tilespmem:v6+s18+$0x0] =	vst.idx.add.s32.msk $0xffff, v2  }
0x2a6: {  	v7 =	vadd.s32 v0, v9;
	[tilespmem:v8+s18+$0x0] =	vst.idx.add.s32.msk $0xffff, v2  }
0x2a7: {  	[tilespmem:v10+s18+$0x0] =	vst.idx.add.s32.msk $0xffff, v2  }
0x2a8: {  	[tilespmem:v13+s18+$0x0] =	vst.idx.add.s32.msk $0xffff, v2  }
0x2a9: {  	[tilespmem:v11+s18+$0x0] =	vst.idx.add.s32.msk $0xffff, v2  }
0x2aa: {  	[tilespmem:v5+s18+$0x0] =	vst.idx.add.s32.msk $0xffff, v2  }
0x2ab: {  	[tilespmem:v7+s18+$0x0] =	vst.idx.add.s32.msk $0xffff, v2  }
.LBB2_30:
0x2ac: {  	s0 =	sshra.s32 s17, $0x2  }
0x2ad: {  	v5 =	vld [tilespmem:s0+$0x11120];
	_ =	sdelay $0x4  }
0x2ae: {  	v6 =	vand.u32 $0x7FFFFFFF, v5  }
0x2af: {  	vm0 =	vlt.f32 v5, $0.0e+00;
	v7 =	vxor.u32 $0xFFFFFFFF, v5;
	v6 =	vxor.u32 $0x80000000, v6  }
0x2b0: {  	v6 =	vsel vm0, v7, v6  }
0x2b1: {  	v7 =	vshrl.u32 v6, $0x14  }
0x2b2: {  	v7 =	vand.u32 $0xFF0, v7  }
0x2b3: {  	p0 =	sne.s32 s17, $0x100;
	v7 =	vadd.s32 v0, v7  }
.Ltmp14:
0x2b4: {  	_ = 	snop;
	(pc) =	sbr.rel @p0 .LBB2_30-.Ltmp14, $3  }
0x2b5: {  	_ =	sdelay $0x1  }
0x2b6: {  	[tilespmem:s0+$0x11120] =	vst v6  }
0x2b7: {  	s17 =	sadd.s32 $0x40, s17;
	v4 =	vmax.f32 v4, v5;
	[tilespmem:v7+s18+$0x0] =	vst.idx.add.s32.msk $0xffff, v2  }
0x2b8: {  	_ =	swait.ge [sflag:s19], $0x2710  }
0x2b9: {  	[sflag:s19] =	ssyncset.done $0x0  }
0x2ba: {  	s0 =	simm.s32 $0x15F90;
	[sflag:s19] =	ssyncadd.s32 $0xFFFFD8F0  }
0x2bb: {  	[tilespmem:s0], [sflag:$0x2] =	stream.linear.gather [hbm4b:s12+s1], $0x2710, $0x38;
	[tilespmem:$0x19780] =	vst v63  }
0x2bc: {  	s0 =	simm.s32 $0x11200  }
0x2bd: {  	v5 =	vld [tilespmem:s0+$0xFFFFFF70]  }
0x2be: {  	v6 =	vld [tilespmem:s0+$0xFFFFFF80]  }
0x2bf: {  	v7 =	vld [tilespmem:s0+$0xFFFFFF90]  }
0x2c0: {  	v8 =	vld [tilespmem:s0+$0xFFFFFFA0]  }
0x2c1: {  	v9 =	vld [tilespmem:s0+$0xFFFFFFB0]  }
0x2c2: {  	v11 =	vld [tilespmem:s0+$0xFFFFFFC0]  }
0x2c3: {  	s2 =	simm.s32 $0x11170;
	v13 =	vld [tilespmem:s0+$0xFFFFFFD0]  }
0x2c4: {  	s15 =	sand.u32 $0x1FFF0, s2;
	v15 =	vld [tilespmem:s0+$0xFFFFFFE0]  }
0x2c5: {  	v17 =	vld [tilespmem:s15+$0x80]  }
0x2c6: {  	v19 =	vld [tilespmem:s0+$0x0];
	_ =	sdelay $0x1  }
0x2c7: {  	vm0 =	vlt.f32 v5, $0.0e+00;
	v10 =	vand.u32 $0x7FFFFFFF, v5;
	v4 =	vmax.f32 v4, v5  }
0x2c8: {  	v12 =	vand.u32 $0x7FFFFFFF, v6;
	v14 =	vand.u32 $0x7FFFFFFF, v7;
	v16 =	vand.u32 $0x7FFFFFFF, v8  }
0x2c9: {  	v18 =	vand.u32 $0x7FFFFFFF, v9;
	v20 =	vand.u32 $0x7FFFFFFF, v11;
	v21 =	vand.u32 $0x7FFFFFFF, v13  }
0x2ca: {  	v22 =	vand.u32 $0x7FFFFFFF, v15;
	v23 =	vand.u32 $0x7FFFFFFF, v17;
	v24 =	vand.u32 $0x7FFFFFFF, v19  }
0x2cb: {  	vm1 =	vlt.f32 v17, $0.0e+00;
	v5 =	vxor.u32 $0xFFFFFFFF, v5;
	vm2 =	vlt.f32 v6, $0.0e+00  }
0x2cc: {  	vm3 =	vlt.f32 v7, $0.0e+00;
	vm4 =	vlt.f32 v8, $0.0e+00;
	vm5 =	vlt.f32 v9, $0.0e+00  }
0x2cd: {  	vm6 =	vlt.f32 v11, $0.0e+00;
	vm7 =	vlt.f32 v13, $0.0e+00;
	vm8 =	vlt.f32 v15, $0.0e+00  }
0x2ce: {  	vm15 =	vlt.f32 v19, $0.0e+00;
	v10 =	vxor.u32 $0x80000000, v10;
	v4 =	vmax.f32 v4, v6  }
0x2cf: {  	v12 =	vxor.u32 $0x80000000, v12;
	v14 =	vxor.u32 $0x80000000, v14;
	v16 =	vxor.u32 $0x80000000, v16  }
0x2d0: {  	v18 =	vxor.u32 $0x80000000, v18;
	v20 =	vxor.u32 $0x80000000, v20;
	v21 =	vxor.u32 $0x80000000, v21  }
0x2d1: {  	v22 =	vxor.u32 $0x80000000, v22;
	v23 =	vxor.u32 $0x80000000, v23;
	v24 =	vxor.u32 $0x80000000, v24  }
0x2d2: {  	v6 =	vxor.u32 $0xFFFFFFFF, v6;
	v4 =	vmax.f32 v4, v7;
	v7 =	vxor.u32 $0xFFFFFFFF, v7  }
0x2d3: {  	v10 =	vsel vm0, v5, v10;
	v12 =	vsel vm2, v6, v12;
	v4 =	vmax.f32 v4, v8  }
0x2d4: {  	v8 =	vxor.u32 $0xFFFFFFFF, v8;
	v14 =	vsel vm3, v7, v14;
	[tilespmem:s0+$0xFFFFFF80] =	vst v12;
	v12 =	vshrl.u32 v12, $0x14  }
0x2d5: {  	v4 =	vmax.f32 v4, v9;
	v9 =	vxor.u32 $0xFFFFFFFF, v9;
	v63 =	vsel vm4, v8, v16  }
0x2d6: {  	v16 =	vshrl.u32 v10, $0x14;
	[tilespmem:s0+$0xFFFFFF90] =	vst v14;
	v14 =	vshrl.u32 v14, $0x14;
	v4 =	vmax.f32 v4, v11  }
0x2d7: {  	v11 =	vxor.u32 $0xFFFFFFFF, v11;
	v9 =	vsel vm5, v9, v18;
	v4 =	vmax.f32 v4, v13  }
0x2d8: {  	[tilespmem:s0+$0xFFFFFF70] =	vst v10;
	v13 =	vxor.u32 $0xFFFFFFFF, v13;
	v8 =	vsel vm6, v11, v20;
	v10 =	vshrl.u32 v9, $0x14  }
0x2d9: {  	v4 =	vmax.f32 v4, v15;
	v15 =	vxor.u32 $0xFFFFFFFF, v15;
	v7 =	vsel vm7, v13, v21  }
0x2da: {  	v13 =	vshrl.u32 v8, $0x14;
	v4 =	vmax.f32 v4, v17;
	v17 =	vxor.u32 $0xFFFFFFFF, v17  }
0x2db: {  	[tilespmem:s0+$0xFFFFFFA0] =	vst v63;
	v6 =	vsel vm8, v15, v22;
	v15 =	vshrl.u32 v63, $0x14;
	v11 =	vshrl.u32 v7, $0x14  }
0x2dc: {  	[tilespmem:s0+$0xFFFFFFB0] =	vst v9;
	v4 =	vmax.f32 v4, v19;
	v17 =	vsel vm1, v17, v23;
	v19 =	vxor.u32 $0xFFFFFFFF, v19  }
0x2dd: {  	s31 =	simm.s32 $0x1117;
	v9 =	vshrl.u32 v6, $0x14;
	[tilespmem:s15+$0x80] =	vst v17;
	v5 =	vsel vm15, v19, v24;
	v17 =	vshrl.u32 v17, $0x14;
	s15 =	simm.s32 $0x11200  }
.LBB2_32:
0x2de: {  	s31 =	sadd.s32 $0xA, s31;
	v16 =	vand.u32 $0xFF0, v16;
	[tilespmem:s0+$0xFFFFFFC0] =	vst v8;
	v8 =	vand.u32 $0xFF0, v17;
	v17 =	vshrl.u32 v5, $0x14  }
0x2df: {  	v12 =	vand.u32 $0xFF0, v12;
	v14 =	vand.u32 $0xFF0, v14;
	v15 =	vand.u32 $0xFF0, v15;
	s0 =	sadd.s32 $0xA0, s0;
	p0 =	slt.u32 s31, $0x1379;
	[tilespmem:s15+$0xFFFFFFD0] =	vst v7  }
0x2e0: {  	v10 =	vand.u32 $0xFF0, v10;
	v13 =	vand.u32 $0xFF0, v13;
	v11 =	vand.u32 $0xFF0, v11;
	v7 =	vld [tilespmem:s0+$0xFFFFFF70];
	[tilespmem:s15+$0xFFFFFFE0] =	vst v6  }
0x2e1: {  	v9 =	vand.u32 $0xFF0, v9;
	v8 =	vadd.s32 v0, v8;
	v6 =	vld [tilespmem:s0+$0xFFFFFF80];
	[tilespmem:s15+$0x0] =	vst v5;
	v5 =	vand.u32 $0xFF0, v17;
	s15 =	smov.u32 s0  }
0x2e2: {  	v16 =	vadd.s32 v0, v16;
	v12 =	vadd.s32 v0, v12;
	v14 =	vadd.s32 v0, v14;
	v17 =	vld [tilespmem:s0+$0xFFFFFF90]  }
0x2e3: {  	v15 =	vadd.s32 v0, v15;
	v10 =	vadd.s32 v0, v10;
	v13 =	vadd.s32 v0, v13;
	v18 =	vld [tilespmem:s0+$0xFFFFFFA0]  }
0x2e4: {  	v11 =	vadd.s32 v0, v11;
	v9 =	vadd.s32 v0, v9;
	v5 =	vadd.s32 v0, v5;
	v19 =	vld [tilespmem:s0+$0xFFFFFFB0]  }
0x2e5: {  	vm0 =	vlt.f32 v7, $0.0e+00;
	v20 =	vand.u32 $0x7FFFFFFF, v7;
	v4 =	vmax.f32 v4, v7;
	v21 =	vld [tilespmem:s0+$0xFFFFFFC0]  }
0x2e6: {  	s2 =	sadd.s32 $0xA0, s2;
	v20 =	vxor.u32 $0x80000000, v20;
	v22 =	vand.u32 $0x7FFFFFFF, v6;
	v4 =	vmax.f32 v4, v6;
	v23 =	vld [tilespmem:s0+$0xFFFFFFD0]  }
0x2e7: {  	s20 =	sand.u32 $0x1FFF0, s2;
	v22 =	vxor.u32 $0x80000000, v22;
	v24 =	vand.u32 $0x7FFFFFFF, v17;
	v4 =	vmax.f32 v4, v17;
	v25 =	vld [tilespmem:s0+$0xFFFFFFE0]  }
0x2e8: {  	v24 =	vxor.u32 $0x80000000, v24;
	v26 =	vand.u32 $0x7FFFFFFF, v18;
	v4 =	vmax.f32 v4, v18;
	v27 =	vld [tilespmem:s20+$0x80]  }
0x2e9: {  	v26 =	vxor.u32 $0x80000000, v26;
	v28 =	vand.u32 $0x7FFFFFFF, v19;
	v4 =	vmax.f32 v4, v19;
	v29 =	vld [tilespmem:s0+$0x0]  }
0x2ea: {  	v28 =	vxor.u32 $0x80000000, v28;
	v30 =	vand.u32 $0x7FFFFFFF, v21;
	v4 =	vmax.f32 v4, v21;
	[tilespmem:v8+s18+$0x0] =	vst.idx.add.s32.msk $0xffff, v2  }
0x2eb: {  	v8 =	vxor.u32 $0x80000000, v30;
	v30 =	vand.u32 $0x7FFFFFFF, v23;
	v4 =	vmax.f32 v4, v23;
	[tilespmem:v16+s18+$0x0] =	vst.idx.add.s32.msk $0xffff, v2  }
0x2ec: {  	v16 =	vxor.u32 $0x80000000, v30;
	v30 =	vand.u32 $0x7FFFFFFF, v25;
	v4 =	vmax.f32 v4, v25;
	[tilespmem:v12+s18+$0x0] =	vst.idx.add.s32.msk $0xffff, v2  }
0x2ed: {  	v12 =	vxor.u32 $0x80000000, v30;
	v30 =	vand.u32 $0x7FFFFFFF, v27;
	v4 =	vmax.f32 v4, v27;
	[tilespmem:v14+s18+$0x0] =	vst.idx.add.s32.msk $0xffff, v2  }
0x2ee: {  	s17 =	simm.s32 $0x0;
	v14 =	vxor.u32 $0x80000000, v30;
	v30 =	vand.u32 $0x7FFFFFFF, v29;
	v4 =	vmax.f32 v4, v29;
	[tilespmem:v15+s18+$0x0] =	vst.idx.add.s32.msk $0xffff, v2  }
0x2ef: {  	vm1 =	vlt.f32 v27, $0.0e+00;
	v15 =	vxor.u32 $0xFFFFFFFF, v27;
	v27 =	vxor.u32 $0x80000000, v30;
	[tilespmem:v10+s18+$0x0] =	vst.idx.add.s32.msk $0xffff, v2  }
0x2f0: {  	v7 =	vxor.u32 $0xFFFFFFFF, v7;
	vm2 =	vlt.f32 v6, $0.0e+00;
	v6 =	vxor.u32 $0xFFFFFFFF, v6;
	[tilespmem:v13+s18+$0x0] =	vst.idx.add.s32.msk $0xffff, v2  }
0x2f1: {  	vm3 =	vlt.f32 v17, $0.0e+00;
	vm4 =	vlt.f32 v18, $0.0e+00;
	v10 =	vxor.u32 $0xFFFFFFFF, v17;
	[tilespmem:v11+s18+$0x0] =	vst.idx.add.s32.msk $0xffff, v2  }
0x2f2: {  	vm5 =	vlt.f32 v19, $0.0e+00;
	v13 =	vxor.u32 $0xFFFFFFFF, v19;
	v11 =	vxor.u32 $0xFFFFFFFF, v18;
	[tilespmem:v9+s18+$0x0] =	vst.idx.add.s32.msk $0xffff, v2  }
0x2f3: {  	vm6 =	vlt.f32 v21, $0.0e+00;
	vm7 =	vlt.f32 v23, $0.0e+00;
	v9 =	vxor.u32 $0xFFFFFFFF, v21;
	[tilespmem:v5+s18+$0x0] =	vst.idx.add.s32.msk $0xffff, v2  }
0x2f4: {  	vm8 =	vlt.f32 v25, $0.0e+00;
	v17 =	vxor.u32 $0xFFFFFFFF, v25;
	v5 =	vxor.u32 $0xFFFFFFFF, v23  }
0x2f5: {  	v14 =	vsel vm1, v15, v14;
	vm1 =	vlt.f32 v29, $0.0e+00;
	v15 =	vxor.u32 $0xFFFFFFFF, v29  }
0x2f6: {  	v19 =	vsel vm2, v6, v22;
	v10 =	vsel vm3, v10, v24;
	v18 =	vsel vm0, v7, v20;
	[tilespmem:s20+$0x80] =	vst v14  }
.Ltmp15:
0x2f7: {  	v13 =	vsel vm5, v13, v28;
	v11 =	vsel vm4, v11, v26;
	v8 =	vsel vm6, v9, v8;
	[tilespmem:s0+$0xFFFFFF70] =	vst v18;
	(pc) =	sbr.rel @p0 .LBB2_32-.Ltmp15, $4  }
0x2f8: {  	v6 =	vsel vm8, v17, v12;
	v7 =	vsel vm7, v5, v16;
	v5 =	vsel vm1, v15, v27;
	[tilespmem:s0+$0xFFFFFF80] =	vst v19  }
0x2f9: {  	v17 =	vshrl.u32 v14, $0x14;
	v12 =	vshrl.u32 v19, $0x14;
	v16 =	vshrl.u32 v18, $0x14;
	[tilespmem:s0+$0xFFFFFF90] =	vst v10  }
0x2fa: {  	v15 =	vshrl.u32 v11, $0x14;
	v14 =	vshrl.u32 v10, $0x14;
	v10 =	vshrl.u32 v13, $0x14;
	[tilespmem:s0+$0xFFFFFFA0] =	vst v11  }
0x2fb: {  	v9 =	vshrl.u32 v6, $0x14;
	v11 =	vshrl.u32 v7, $0x14;
	[tilespmem:s0+$0xFFFFFFB0] =	vst v13;
	v13 =	vshrl.u32 v8, $0x14  }
0x2fc: {  	v17 =	vand.u32 $0xFF0, v17  }
0x2fd: {  	v16 =	vand.u32 $0xFF0, v16;
	v17 =	vadd.s32 v0, v17  }
0x2fe: {  	[tilespmem:s0+$0xFFFFFFC0] =	vst v8;
	v61 =	vand.u32 $0xFF0, v12;
	v62 =	vadd.s32 v0, v16  }
0x2ff: {  	v14 =	vand.u32 $0xFF0, v14;
	[tilespmem:s15+$0xFFFFFFD0] =	vst v7;
	v7 =	vadd.s32 v0, v61  }
0x300: {  	v63 =	vand.u32 $0xFF0, v15;
	[tilespmem:s15+$0xFFFFFFE0] =	vst v6;
	v6 =	vadd.s32 v0, v14  }
0x301: {  	v10 =	vand.u32 $0xFF0, v10;
	[tilespmem:s15+$0x0] =	vst v5;
	v8 =	vadd.s32 v0, v63  }
0x302: {  	v13 =	vand.u32 $0xFF0, v13;
	v10 =	vadd.s32 v0, v10;
	[tilespmem:v17+s18+$0x0] =	vst.idx.add.s32.msk $0xffff, v2  }
0x303: {  	v11 =	vand.u32 $0xFF0, v11;
	v5 =	vshrl.u32 v5, $0x14;
	v13 =	vadd.s32 v0, v13;
	[tilespmem:v62+s18+$0x0] =	vst.idx.add.s32.msk $0xffff, v2  }
0x304: {  	v11 =	vadd.s32 v0, v11;
	v5 =	vand.u32 $0xFF0, v5;
	[tilespmem:v7+s18+$0x0] =	vst.idx.add.s32.msk $0xffff, v2  }
0x305: {  	v9 =	vand.u32 $0xFF0, v9;
	v5 =	vadd.s32 v0, v5;
	[tilespmem:v6+s18+$0x0] =	vst.idx.add.s32.msk $0xffff, v2  }
0x306: {  	v7 =	vadd.s32 v0, v9;
	[tilespmem:v8+s18+$0x0] =	vst.idx.add.s32.msk $0xffff, v2  }
0x307: {  	[tilespmem:v10+s18+$0x0] =	vst.idx.add.s32.msk $0xffff, v2  }
0x308: {  	[tilespmem:v13+s18+$0x0] =	vst.idx.add.s32.msk $0xffff, v2  }
0x309: {  	[tilespmem:v11+s18+$0x0] =	vst.idx.add.s32.msk $0xffff, v2  }
0x30a: {  	[tilespmem:v5+s18+$0x0] =	vst.idx.add.s32.msk $0xffff, v2  }
0x30b: {  	[tilespmem:v7+s18+$0x0] =	vst.idx.add.s32.msk $0xffff, v2  }
.LBB2_34:
0x30c: {  	s0 =	sshra.s32 s17, $0x2  }
0x30d: {  	v5 =	vld [tilespmem:s0+$0x13830];
	_ =	sdelay $0x4  }
0x30e: {  	v6 =	vand.u32 $0x7FFFFFFF, v5  }
0x30f: {  	vm0 =	vlt.f32 v5, $0.0e+00;
	v7 =	vxor.u32 $0xFFFFFFFF, v5;
	v6 =	vxor.u32 $0x80000000, v6  }
0x310: {  	v6 =	vsel vm0, v7, v6  }
0x311: {  	v7 =	vshrl.u32 v6, $0x14  }
0x312: {  	v7 =	vand.u32 $0xFF0, v7  }
0x313: {  	p0 =	sne.s32 s17, $0x100;
	v7 =	vadd.s32 v0, v7  }
.Ltmp16:
0x314: {  	_ = 	snop;
	(pc) =	sbr.rel @p0 .LBB2_34-.Ltmp16, $3  }
0x315: {  	_ =	sdelay $0x1  }
0x316: {  	[tilespmem:s0+$0x13830] =	vst v6  }
0x317: {  	s17 =	sadd.s32 $0x40, s17;
	v4 =	vmax.f32 v4, v5;
	[tilespmem:v7+s18+$0x0] =	vst.idx.add.s32.msk $0xffff, v2  }
0x318: {  	_ =	swait.ge [sflag:s16], $0x2710  }
0x319: {  	[sflag:s16] =	ssyncset.done $0x0  }
0x31a: {  	s0 =	simm.s32 $0x13910;
	[sflag:s16] =	ssyncadd.s32 $0xFFFFD8F0  }
0x31b: {  	v5 =	vld [tilespmem:s0+$0xFFFFFF70]  }
0x31c: {  	v6 =	vld [tilespmem:s0+$0xFFFFFF80]  }
0x31d: {  	v7 =	vld [tilespmem:s0+$0xFFFFFF90]  }
0x31e: {  	v8 =	vld [tilespmem:s0+$0xFFFFFFA0]  }
0x31f: {  	v9 =	vld [tilespmem:s0+$0xFFFFFFB0]  }
0x320: {  	v11 =	vld [tilespmem:s0+$0xFFFFFFC0]  }
0x321: {  	s2 =	simm.s32 $0x13880;
	v13 =	vld [tilespmem:s0+$0xFFFFFFD0]  }
0x322: {  	s15 =	sand.u32 $0x1FFE0, s2;
	v15 =	vld [tilespmem:s0+$0xFFFFFFE0]  }
0x323: {  	v17 =	vld [tilespmem:s15+$0x80]  }
0x324: {  	v19 =	vld [tilespmem:s0+$0x0];
	_ =	sdelay $0x1  }
0x325: {  	vm0 =	vlt.f32 v5, $0.0e+00;
	v10 =	vand.u32 $0x7FFFFFFF, v5;
	v4 =	vmax.f32 v4, v5  }
0x326: {  	v12 =	vand.u32 $0x7FFFFFFF, v6;
	v14 =	vand.u32 $0x7FFFFFFF, v7;
	v16 =	vand.u32 $0x7FFFFFFF, v8  }
0x327: {  	v18 =	vand.u32 $0x7FFFFFFF, v9;
	v20 =	vand.u32 $0x7FFFFFFF, v11;
	v21 =	vand.u32 $0x7FFFFFFF, v13  }
0x328: {  	v22 =	vand.u32 $0x7FFFFFFF, v15;
	v23 =	vand.u32 $0x7FFFFFFF, v17;
	v24 =	vand.u32 $0x7FFFFFFF, v19  }
0x329: {  	vm1 =	vlt.f32 v17, $0.0e+00;
	v5 =	vxor.u32 $0xFFFFFFFF, v5;
	vm2 =	vlt.f32 v6, $0.0e+00  }
0x32a: {  	vm3 =	vlt.f32 v7, $0.0e+00;
	vm4 =	vlt.f32 v8, $0.0e+00;
	vm5 =	vlt.f32 v9, $0.0e+00  }
0x32b: {  	vm6 =	vlt.f32 v11, $0.0e+00;
	vm7 =	vlt.f32 v13, $0.0e+00;
	vm8 =	vlt.f32 v15, $0.0e+00  }
0x32c: {  	vm15 =	vlt.f32 v19, $0.0e+00;
	v10 =	vxor.u32 $0x80000000, v10;
	v4 =	vmax.f32 v4, v6  }
0x32d: {  	v12 =	vxor.u32 $0x80000000, v12;
	v14 =	vxor.u32 $0x80000000, v14;
	v16 =	vxor.u32 $0x80000000, v16  }
0x32e: {  	v18 =	vxor.u32 $0x80000000, v18;
	v20 =	vxor.u32 $0x80000000, v20;
	v21 =	vxor.u32 $0x80000000, v21  }
0x32f: {  	v22 =	vxor.u32 $0x80000000, v22;
	v23 =	vxor.u32 $0x80000000, v23;
	v24 =	vxor.u32 $0x80000000, v24  }
0x330: {  	v6 =	vxor.u32 $0xFFFFFFFF, v6;
	v4 =	vmax.f32 v4, v7;
	v7 =	vxor.u32 $0xFFFFFFFF, v7  }
0x331: {  	v10 =	vsel vm0, v5, v10;
	v12 =	vsel vm2, v6, v12;
	v4 =	vmax.f32 v4, v8  }
0x332: {  	v8 =	vxor.u32 $0xFFFFFFFF, v8;
	v14 =	vsel vm3, v7, v14;
	[tilespmem:s0+$0xFFFFFF80] =	vst v12;
	v12 =	vshrl.u32 v12, $0x14  }
0x333: {  	v4 =	vmax.f32 v4, v9;
	v9 =	vxor.u32 $0xFFFFFFFF, v9;
	v63 =	vsel vm4, v8, v16  }
0x334: {  	v16 =	vshrl.u32 v10, $0x14;
	[tilespmem:s0+$0xFFFFFF90] =	vst v14;
	v14 =	vshrl.u32 v14, $0x14;
	v4 =	vmax.f32 v4, v11  }
0x335: {  	v11 =	vxor.u32 $0xFFFFFFFF, v11;
	v9 =	vsel vm5, v9, v18;
	v4 =	vmax.f32 v4, v13  }
0x336: {  	[tilespmem:s0+$0xFFFFFF70] =	vst v10;
	v13 =	vxor.u32 $0xFFFFFFFF, v13;
	v8 =	vsel vm6, v11, v20;
	v10 =	vshrl.u32 v9, $0x14  }
0x337: {  	v4 =	vmax.f32 v4, v15;
	v15 =	vxor.u32 $0xFFFFFFFF, v15;
	v7 =	vsel vm7, v13, v21  }
0x338: {  	v13 =	vshrl.u32 v8, $0x14;
	v4 =	vmax.f32 v4, v17;
	v17 =	vxor.u32 $0xFFFFFFFF, v17  }
0x339: {  	[tilespmem:s0+$0xFFFFFFA0] =	vst v63;
	v6 =	vsel vm8, v15, v22;
	v15 =	vshrl.u32 v63, $0x14;
	v11 =	vshrl.u32 v7, $0x14  }
0x33a: {  	[tilespmem:s0+$0xFFFFFFB0] =	vst v9;
	v4 =	vmax.f32 v4, v19;
	v17 =	vsel vm1, v17, v23;
	v19 =	vxor.u32 $0xFFFFFFFF, v19  }
0x33b: {  	s31 =	simm.s32 $0x1388;
	v9 =	vshrl.u32 v6, $0x14;
	[tilespmem:s15+$0x80] =	vst v17;
	v5 =	vsel vm15, v19, v24;
	v17 =	vshrl.u32 v17, $0x14;
	s15 =	simm.s32 $0x13910  }
.LBB2_36:
0x33c: {  	s31 =	sadd.s32 $0xA, s31;
	v16 =	vand.u32 $0xFF0, v16;
	[tilespmem:s0+$0xFFFFFFC0] =	vst v8;
	v8 =	vand.u32 $0xFF0, v17;
	v17 =	vshrl.u32 v5, $0x14  }
0x33d: {  	v12 =	vand.u32 $0xFF0, v12;
	v14 =	vand.u32 $0xFF0, v14;
	v15 =	vand.u32 $0xFF0, v15;
	s0 =	sadd.s32 $0xA0, s0;
	p0 =	slt.u32 s31, $0x15EA;
	[tilespmem:s15+$0xFFFFFFD0] =	vst v7  }
0x33e: {  	v10 =	vand.u32 $0xFF0, v10;
	v13 =	vand.u32 $0xFF0, v13;
	v11 =	vand.u32 $0xFF0, v11;
	v7 =	vld [tilespmem:s0+$0xFFFFFF70];
	[tilespmem:s15+$0xFFFFFFE0] =	vst v6  }
0x33f: {  	v9 =	vand.u32 $0xFF0, v9;
	v8 =	vadd.s32 v0, v8;
	v6 =	vld [tilespmem:s0+$0xFFFFFF80];
	[tilespmem:s15+$0x0] =	vst v5;
	v5 =	vand.u32 $0xFF0, v17;
	s15 =	smov.u32 s0  }
0x340: {  	v16 =	vadd.s32 v0, v16;
	v12 =	vadd.s32 v0, v12;
	v14 =	vadd.s32 v0, v14;
	v17 =	vld [tilespmem:s0+$0xFFFFFF90]  }
0x341: {  	v15 =	vadd.s32 v0, v15;
	v10 =	vadd.s32 v0, v10;
	v13 =	vadd.s32 v0, v13;
	v18 =	vld [tilespmem:s0+$0xFFFFFFA0]  }
0x342: {  	v11 =	vadd.s32 v0, v11;
	v9 =	vadd.s32 v0, v9;
	v5 =	vadd.s32 v0, v5;
	v19 =	vld [tilespmem:s0+$0xFFFFFFB0]  }
0x343: {  	vm0 =	vlt.f32 v7, $0.0e+00;
	v20 =	vand.u32 $0x7FFFFFFF, v7;
	v4 =	vmax.f32 v4, v7;
	v21 =	vld [tilespmem:s0+$0xFFFFFFC0]  }
0x344: {  	s2 =	sadd.s32 $0xA0, s2;
	v20 =	vxor.u32 $0x80000000, v20;
	v22 =	vand.u32 $0x7FFFFFFF, v6;
	v4 =	vmax.f32 v4, v6;
	v23 =	vld [tilespmem:s0+$0xFFFFFFD0]  }
0x345: {  	s20 =	sand.u32 $0x1FFE0, s2;
	v22 =	vxor.u32 $0x80000000, v22;
	v24 =	vand.u32 $0x7FFFFFFF, v17;
	v4 =	vmax.f32 v4, v17;
	v25 =	vld [tilespmem:s0+$0xFFFFFFE0]  }
0x346: {  	v24 =	vxor.u32 $0x80000000, v24;
	v26 =	vand.u32 $0x7FFFFFFF, v18;
	v4 =	vmax.f32 v4, v18;
	v27 =	vld [tilespmem:s20+$0x80]  }
0x347: {  	v26 =	vxor.u32 $0x80000000, v26;
	v28 =	vand.u32 $0x7FFFFFFF, v19;
	v4 =	vmax.f32 v4, v19;
	v29 =	vld [tilespmem:s0+$0x0]  }
0x348: {  	v28 =	vxor.u32 $0x80000000, v28;
	v30 =	vand.u32 $0x7FFFFFFF, v21;
	v4 =	vmax.f32 v4, v21;
	[tilespmem:v8+s18+$0x0] =	vst.idx.add.s32.msk $0xffff, v2  }
0x349: {  	v8 =	vxor.u32 $0x80000000, v30;
	v30 =	vand.u32 $0x7FFFFFFF, v23;
	v4 =	vmax.f32 v4, v23;
	[tilespmem:v16+s18+$0x0] =	vst.idx.add.s32.msk $0xffff, v2  }
0x34a: {  	v16 =	vxor.u32 $0x80000000, v30;
	v30 =	vand.u32 $0x7FFFFFFF, v25;
	v4 =	vmax.f32 v4, v25;
	[tilespmem:v12+s18+$0x0] =	vst.idx.add.s32.msk $0xffff, v2  }
0x34b: {  	v12 =	vxor.u32 $0x80000000, v30;
	v30 =	vand.u32 $0x7FFFFFFF, v27;
	v4 =	vmax.f32 v4, v27;
	[tilespmem:v14+s18+$0x0] =	vst.idx.add.s32.msk $0xffff, v2  }
0x34c: {  	s17 =	simm.s32 $0x0;
	v14 =	vxor.u32 $0x80000000, v30;
	v30 =	vand.u32 $0x7FFFFFFF, v29;
	v4 =	vmax.f32 v4, v29;
	[tilespmem:v15+s18+$0x0] =	vst.idx.add.s32.msk $0xffff, v2  }
0x34d: {  	vm1 =	vlt.f32 v27, $0.0e+00;
	v15 =	vxor.u32 $0xFFFFFFFF, v27;
	v27 =	vxor.u32 $0x80000000, v30;
	[tilespmem:v10+s18+$0x0] =	vst.idx.add.s32.msk $0xffff, v2  }
0x34e: {  	v7 =	vxor.u32 $0xFFFFFFFF, v7;
	vm2 =	vlt.f32 v6, $0.0e+00;
	v6 =	vxor.u32 $0xFFFFFFFF, v6;
	[tilespmem:v13+s18+$0x0] =	vst.idx.add.s32.msk $0xffff, v2  }
0x34f: {  	vm3 =	vlt.f32 v17, $0.0e+00;
	vm4 =	vlt.f32 v18, $0.0e+00;
	v10 =	vxor.u32 $0xFFFFFFFF, v17;
	[tilespmem:v11+s18+$0x0] =	vst.idx.add.s32.msk $0xffff, v2  }
0x350: {  	vm5 =	vlt.f32 v19, $0.0e+00;
	v13 =	vxor.u32 $0xFFFFFFFF, v19;
	v11 =	vxor.u32 $0xFFFFFFFF, v18;
	[tilespmem:v9+s18+$0x0] =	vst.idx.add.s32.msk $0xffff, v2  }
0x351: {  	vm6 =	vlt.f32 v21, $0.0e+00;
	vm7 =	vlt.f32 v23, $0.0e+00;
	v9 =	vxor.u32 $0xFFFFFFFF, v21;
	[tilespmem:v5+s18+$0x0] =	vst.idx.add.s32.msk $0xffff, v2  }
0x352: {  	vm8 =	vlt.f32 v25, $0.0e+00;
	v17 =	vxor.u32 $0xFFFFFFFF, v25;
	v5 =	vxor.u32 $0xFFFFFFFF, v23  }
0x353: {  	v14 =	vsel vm1, v15, v14;
	vm1 =	vlt.f32 v29, $0.0e+00;
	v15 =	vxor.u32 $0xFFFFFFFF, v29  }
0x354: {  	v19 =	vsel vm2, v6, v22;
	v10 =	vsel vm3, v10, v24;
	v18 =	vsel vm0, v7, v20;
	[tilespmem:s20+$0x80] =	vst v14  }
.Ltmp17:
0x355: {  	v13 =	vsel vm5, v13, v28;
	v11 =	vsel vm4, v11, v26;
	v8 =	vsel vm6, v9, v8;
	[tilespmem:s0+$0xFFFFFF70] =	vst v18;
	(pc) =	sbr.rel @p0 .LBB2_36-.Ltmp17, $4  }
0x356: {  	v6 =	vsel vm8, v17, v12;
	v7 =	vsel vm7, v5, v16;
	v5 =	vsel vm1, v15, v27;
	[tilespmem:s0+$0xFFFFFF80] =	vst v19  }
0x357: {  	v17 =	vshrl.u32 v14, $0x14;
	v12 =	vshrl.u32 v19, $0x14;
	v16 =	vshrl.u32 v18, $0x14;
	[tilespmem:s0+$0xFFFFFF90] =	vst v10  }
0x358: {  	v15 =	vshrl.u32 v11, $0x14;
	v14 =	vshrl.u32 v10, $0x14;
	v10 =	vshrl.u32 v13, $0x14;
	[tilespmem:s0+$0xFFFFFFA0] =	vst v11  }
0x359: {  	v9 =	vshrl.u32 v6, $0x14;
	v11 =	vshrl.u32 v7, $0x14;
	[tilespmem:s0+$0xFFFFFFB0] =	vst v13;
	v13 =	vshrl.u32 v8, $0x14  }
0x35a: {  	v17 =	vand.u32 $0xFF0, v17  }
0x35b: {  	v16 =	vand.u32 $0xFF0, v16;
	v17 =	vadd.s32 v0, v17  }
0x35c: {  	[tilespmem:s0+$0xFFFFFFC0] =	vst v8;
	v61 =	vand.u32 $0xFF0, v12;
	v62 =	vadd.s32 v0, v16  }
0x35d: {  	v14 =	vand.u32 $0xFF0, v14;
	[tilespmem:s15+$0xFFFFFFD0] =	vst v7;
	v7 =	vadd.s32 v0, v61  }
0x35e: {  	v63 =	vand.u32 $0xFF0, v15;
	[tilespmem:s15+$0xFFFFFFE0] =	vst v6;
	v6 =	vadd.s32 v0, v14  }
0x35f: {  	v10 =	vand.u32 $0xFF0, v10;
	[tilespmem:s15+$0x0] =	vst v5;
	v8 =	vadd.s32 v0, v63  }
0x360: {  	v13 =	vand.u32 $0xFF0, v13;
	v10 =	vadd.s32 v0, v10;
	[tilespmem:v17+s18+$0x0] =	vst.idx.add.s32.msk $0xffff, v2  }
0x361: {  	v11 =	vand.u32 $0xFF0, v11;
	v5 =	vshrl.u32 v5, $0x14;
	v13 =	vadd.s32 v0, v13;
	[tilespmem:v62+s18+$0x0] =	vst.idx.add.s32.msk $0xffff, v2  }
0x362: {  	v11 =	vadd.s32 v0, v11;
	v5 =	vand.u32 $0xFF0, v5;
	[tilespmem:v7+s18+$0x0] =	vst.idx.add.s32.msk $0xffff, v2  }
0x363: {  	v9 =	vand.u32 $0xFF0, v9;
	v5 =	vadd.s32 v0, v5;
	[tilespmem:v6+s18+$0x0] =	vst.idx.add.s32.msk $0xffff, v2  }
0x364: {  	v7 =	vadd.s32 v0, v9;
	[tilespmem:v8+s18+$0x0] =	vst.idx.add.s32.msk $0xffff, v2  }
0x365: {  	[tilespmem:v10+s18+$0x0] =	vst.idx.add.s32.msk $0xffff, v2  }
0x366: {  	[tilespmem:v13+s18+$0x0] =	vst.idx.add.s32.msk $0xffff, v2  }
0x367: {  	[tilespmem:v11+s18+$0x0] =	vst.idx.add.s32.msk $0xffff, v2  }
0x368: {  	[tilespmem:v5+s18+$0x0] =	vst.idx.add.s32.msk $0xffff, v2  }
0x369: {  	[tilespmem:v7+s18+$0x0] =	vst.idx.add.s32.msk $0xffff, v2  }
.LBB2_38:
0x36a: {  	s0 =	sshra.s32 s17, $0x2  }
0x36b: {  	v5 =	vld [tilespmem:s0+$0x15F40];
	_ =	sdelay $0x4  }
0x36c: {  	v6 =	vand.u32 $0x7FFFFFFF, v5  }
0x36d: {  	vm0 =	vlt.f32 v5, $0.0e+00;
	v7 =	vxor.u32 $0xFFFFFFFF, v5;
	v6 =	vxor.u32 $0x80000000, v6  }
0x36e: {  	v6 =	vsel vm0, v7, v6  }
0x36f: {  	v7 =	vshrl.u32 v6, $0x14  }
0x370: {  	v7 =	vand.u32 $0xFF0, v7  }
0x371: {  	p0 =	sne.s32 s17, $0x100;
	v7 =	vadd.s32 v0, v7  }
.Ltmp18:
0x372: {  	_ = 	snop;
	(pc) =	sbr.rel @p0 .LBB2_38-.Ltmp18, $3  }
0x373: {  	_ =	sdelay $0x1  }
0x374: {  	[tilespmem:s0+$0x15F40] =	vst v6  }
0x375: {  	s17 =	sadd.s32 $0x40, s17;
	v4 =	vmax.f32 v4, v5;
	[tilespmem:v7+s18+$0x0] =	vst.idx.add.s32.msk $0xffff, v2  }
0x376: {  	_ =	swait.ge [sflag:s19], $0x2710  }
0x377: {  	[sflag:s19] =	ssyncset.done $0x0  }
0x378: {  	s2 =	simm.s32 $0x16020;
	[sflag:s19] =	ssyncadd.s32 $0xFFFFD8F0  }
0x379: {  	v5 =	vld [tilespmem:s2+$0xFFFFFF70]  }
0x37a: {  	v6 =	vld [tilespmem:s2+$0xFFFFFF80]  }
0x37b: {  	v7 =	vld [tilespmem:s2+$0xFFFFFF90]  }
0x37c: {  	v8 =	vld [tilespmem:s2+$0xFFFFFFA0]  }
0x37d: {  	v9 =	vld [tilespmem:s2+$0xFFFFFFB0]  }
0x37e: {  	v11 =	vld [tilespmem:s2+$0xFFFFFFC0]  }
0x37f: {  	s15 =	simm.s32 $0x15F90;
	v13 =	vld [tilespmem:s2+$0xFFFFFFD0]  }
0x380: {  	s0 =	sand.u32 $0x1FFF0, s15;
	v15 =	vld [tilespmem:s2+$0xFFFFFFE0]  }
0x381: {  	v17 =	vld [tilespmem:s0+$0x80]  }
0x382: {  	v19 =	vld [tilespmem:s2+$0x0];
	_ =	sdelay $0x1  }
0x383: {  	vm0 =	vlt.f32 v5, $0.0e+00;
	v10 =	vand.u32 $0x7FFFFFFF, v5;
	v4 =	vmax.f32 v4, v5  }
0x384: {  	v12 =	vand.u32 $0x7FFFFFFF, v6;
	v14 =	vand.u32 $0x7FFFFFFF, v7;
	v16 =	vand.u32 $0x7FFFFFFF, v8  }
0x385: {  	v18 =	vand.u32 $0x7FFFFFFF, v9;
	v20 =	vand.u32 $0x7FFFFFFF, v11;
	v21 =	vand.u32 $0x7FFFFFFF, v13  }
0x386: {  	v22 =	vand.u32 $0x7FFFFFFF, v15;
	v23 =	vand.u32 $0x7FFFFFFF, v17;
	v24 =	vand.u32 $0x7FFFFFFF, v19  }
0x387: {  	vm1 =	vlt.f32 v17, $0.0e+00;
	v5 =	vxor.u32 $0xFFFFFFFF, v5;
	vm2 =	vlt.f32 v6, $0.0e+00  }
0x388: {  	vm3 =	vlt.f32 v7, $0.0e+00;
	vm4 =	vlt.f32 v8, $0.0e+00;
	vm5 =	vlt.f32 v9, $0.0e+00  }
0x389: {  	vm6 =	vlt.f32 v11, $0.0e+00;
	vm7 =	vlt.f32 v13, $0.0e+00;
	vm8 =	vlt.f32 v15, $0.0e+00  }
0x38a: {  	vm15 =	vlt.f32 v19, $0.0e+00;
	v10 =	vxor.u32 $0x80000000, v10;
	v4 =	vmax.f32 v4, v6  }
0x38b: {  	v12 =	vxor.u32 $0x80000000, v12;
	v14 =	vxor.u32 $0x80000000, v14;
	v16 =	vxor.u32 $0x80000000, v16  }
0x38c: {  	v18 =	vxor.u32 $0x80000000, v18;
	v20 =	vxor.u32 $0x80000000, v20;
	v21 =	vxor.u32 $0x80000000, v21  }
0x38d: {  	v22 =	vxor.u32 $0x80000000, v22;
	v23 =	vxor.u32 $0x80000000, v23;
	v24 =	vxor.u32 $0x80000000, v24  }
0x38e: {  	v6 =	vxor.u32 $0xFFFFFFFF, v6;
	v4 =	vmax.f32 v4, v7;
	v7 =	vxor.u32 $0xFFFFFFFF, v7  }
0x38f: {  	v10 =	vsel vm0, v5, v10;
	v12 =	vsel vm2, v6, v12;
	v4 =	vmax.f32 v4, v8  }
0x390: {  	v8 =	vxor.u32 $0xFFFFFFFF, v8;
	v14 =	vsel vm3, v7, v14;
	[tilespmem:s2+$0xFFFFFF80] =	vst v12;
	v12 =	vshrl.u32 v12, $0x14  }
0x391: {  	v4 =	vmax.f32 v4, v9;
	v9 =	vxor.u32 $0xFFFFFFFF, v9;
	v63 =	vsel vm4, v8, v16  }
0x392: {  	v16 =	vshrl.u32 v10, $0x14;
	[tilespmem:s2+$0xFFFFFF90] =	vst v14;
	v14 =	vshrl.u32 v14, $0x14;
	v4 =	vmax.f32 v4, v11  }
0x393: {  	v11 =	vxor.u32 $0xFFFFFFFF, v11;
	v9 =	vsel vm5, v9, v18;
	v4 =	vmax.f32 v4, v13  }
0x394: {  	[tilespmem:s2+$0xFFFFFF70] =	vst v10;
	v13 =	vxor.u32 $0xFFFFFFFF, v13;
	v8 =	vsel vm6, v11, v20;
	v10 =	vshrl.u32 v9, $0x14  }
0x395: {  	v4 =	vmax.f32 v4, v15;
	v15 =	vxor.u32 $0xFFFFFFFF, v15;
	v7 =	vsel vm7, v13, v21  }
0x396: {  	v13 =	vshrl.u32 v8, $0x14;
	v4 =	vmax.f32 v4, v17;
	v17 =	vxor.u32 $0xFFFFFFFF, v17  }
0x397: {  	[tilespmem:s2+$0xFFFFFFA0] =	vst v63;
	v6 =	vsel vm8, v15, v22;
	v15 =	vshrl.u32 v63, $0x14;
	v11 =	vshrl.u32 v7, $0x14  }
0x398: {  	[tilespmem:s2+$0xFFFFFFB0] =	vst v9;
	v4 =	vmax.f32 v4, v19;
	v17 =	vsel vm1, v17, v23;
	v19 =	vxor.u32 $0xFFFFFFFF, v19  }
0x399: {  	s17 =	simm.s32 $0x15F9;
	s31 =	simm.s32 $0x16020;
	v9 =	vshrl.u32 v6, $0x14;
	[tilespmem:s0+$0x80] =	vst v17;
	v5 =	vsel vm15, v19, v24;
	v17 =	vshrl.u32 v17, $0x14  }
.LBB2_40:
0x39a: {  	s17 =	sadd.s32 $0xA, s17;
	v16 =	vand.u32 $0xFF0, v16;
	[tilespmem:s2+$0xFFFFFFC0] =	vst v8;
	v8 =	vand.u32 $0xFF0, v17;
	v17 =	vshrl.u32 v5, $0x14  }
0x39b: {  	v12 =	vand.u32 $0xFF0, v12;
	v14 =	vand.u32 $0xFF0, v14;
	v15 =	vand.u32 $0xFF0, v15;
	s2 =	sadd.s32 $0xA0, s2;
	p0 =	slt.u32 s17, $0x185B;
	[tilespmem:s31+$0xFFFFFFD0] =	vst v7  }
0x39c: {  	v10 =	vand.u32 $0xFF0, v10;
	v13 =	vand.u32 $0xFF0, v13;
	v11 =	vand.u32 $0xFF0, v11;
	v7 =	vld [tilespmem:s2+$0xFFFFFF70];
	[tilespmem:s31+$0xFFFFFFE0] =	vst v6  }
0x39d: {  	v9 =	vand.u32 $0xFF0, v9;
	v8 =	vadd.s32 v0, v8;
	v6 =	vld [tilespmem:s2+$0xFFFFFF80];
	[tilespmem:s31+$0x0] =	vst v5;
	v5 =	vand.u32 $0xFF0, v17;
	s31 =	smov.u32 s2  }
0x39e: {  	v16 =	vadd.s32 v0, v16;
	v12 =	vadd.s32 v0, v12;
	v14 =	vadd.s32 v0, v14;
	v17 =	vld [tilespmem:s2+$0xFFFFFF90]  }
0x39f: {  	v15 =	vadd.s32 v0, v15;
	v10 =	vadd.s32 v0, v10;
	v13 =	vadd.s32 v0, v13;
	v18 =	vld [tilespmem:s2+$0xFFFFFFA0]  }
0x3a0: {  	v11 =	vadd.s32 v0, v11;
	v9 =	vadd.s32 v0, v9;
	v5 =	vadd.s32 v0, v5;
	v19 =	vld [tilespmem:s2+$0xFFFFFFB0]  }
0x3a1: {  	vm0 =	vlt.f32 v7, $0.0e+00;
	v20 =	vand.u32 $0x7FFFFFFF, v7;
	v4 =	vmax.f32 v4, v7;
	v21 =	vld [tilespmem:s2+$0xFFFFFFC0]  }
0x3a2: {  	s15 =	sadd.s32 $0xA0, s15;
	v20 =	vxor.u32 $0x80000000, v20;
	v22 =	vand.u32 $0x7FFFFFFF, v6;
	v4 =	vmax.f32 v4, v6;
	v23 =	vld [tilespmem:s2+$0xFFFFFFD0]  }
0x3a3: {  	s20 =	sand.u32 $0x1FFF0, s15;
	v22 =	vxor.u32 $0x80000000, v22;
	v24 =	vand.u32 $0x7FFFFFFF, v17;
	v4 =	vmax.f32 v4, v17;
	v25 =	vld [tilespmem:s2+$0xFFFFFFE0]  }
0x3a4: {  	v24 =	vxor.u32 $0x80000000, v24;
	v26 =	vand.u32 $0x7FFFFFFF, v18;
	v4 =	vmax.f32 v4, v18;
	v27 =	vld [tilespmem:s20+$0x80]  }
0x3a5: {  	v26 =	vxor.u32 $0x80000000, v26;
	v28 =	vand.u32 $0x7FFFFFFF, v19;
	v4 =	vmax.f32 v4, v19;
	v29 =	vld [tilespmem:s2+$0x0]  }
0x3a6: {  	v28 =	vxor.u32 $0x80000000, v28;
	v30 =	vand.u32 $0x7FFFFFFF, v21;
	v4 =	vmax.f32 v4, v21;
	[tilespmem:v8+s18+$0x0] =	vst.idx.add.s32.msk $0xffff, v2  }
0x3a7: {  	v8 =	vxor.u32 $0x80000000, v30;
	v30 =	vand.u32 $0x7FFFFFFF, v23;
	v4 =	vmax.f32 v4, v23;
	[tilespmem:v16+s18+$0x0] =	vst.idx.add.s32.msk $0xffff, v2  }
0x3a8: {  	v16 =	vxor.u32 $0x80000000, v30;
	v30 =	vand.u32 $0x7FFFFFFF, v25;
	v4 =	vmax.f32 v4, v25;
	[tilespmem:v12+s18+$0x0] =	vst.idx.add.s32.msk $0xffff, v2  }
0x3a9: {  	v12 =	vxor.u32 $0x80000000, v30;
	v30 =	vand.u32 $0x7FFFFFFF, v27;
	v4 =	vmax.f32 v4, v27;
	[tilespmem:v14+s18+$0x0] =	vst.idx.add.s32.msk $0xffff, v2  }
0x3aa: {  	s0 =	simm.s32 $0x0;
	v14 =	vxor.u32 $0x80000000, v30;
	v30 =	vand.u32 $0x7FFFFFFF, v29;
	v4 =	vmax.f32 v4, v29;
	[tilespmem:v15+s18+$0x0] =	vst.idx.add.s32.msk $0xffff, v2  }
0x3ab: {  	vm1 =	vlt.f32 v27, $0.0e+00;
	v15 =	vxor.u32 $0xFFFFFFFF, v27;
	v27 =	vxor.u32 $0x80000000, v30;
	[tilespmem:v10+s18+$0x0] =	vst.idx.add.s32.msk $0xffff, v2  }
0x3ac: {  	v7 =	vxor.u32 $0xFFFFFFFF, v7;
	vm2 =	vlt.f32 v6, $0.0e+00;
	v6 =	vxor.u32 $0xFFFFFFFF, v6;
	[tilespmem:v13+s18+$0x0] =	vst.idx.add.s32.msk $0xffff, v2  }
0x3ad: {  	vm3 =	vlt.f32 v17, $0.0e+00;
	vm4 =	vlt.f32 v18, $0.0e+00;
	v10 =	vxor.u32 $0xFFFFFFFF, v17;
	[tilespmem:v11+s18+$0x0] =	vst.idx.add.s32.msk $0xffff, v2  }
0x3ae: {  	vm5 =	vlt.f32 v19, $0.0e+00;
	v13 =	vxor.u32 $0xFFFFFFFF, v19;
	v11 =	vxor.u32 $0xFFFFFFFF, v18;
	[tilespmem:v9+s18+$0x0] =	vst.idx.add.s32.msk $0xffff, v2  }
0x3af: {  	vm6 =	vlt.f32 v21, $0.0e+00;
	vm7 =	vlt.f32 v23, $0.0e+00;
	v9 =	vxor.u32 $0xFFFFFFFF, v21;
	[tilespmem:v5+s18+$0x0] =	vst.idx.add.s32.msk $0xffff, v2  }
0x3b0: {  	vm8 =	vlt.f32 v25, $0.0e+00;
	v17 =	vxor.u32 $0xFFFFFFFF, v25;
	v5 =	vxor.u32 $0xFFFFFFFF, v23  }
0x3b1: {  	v14 =	vsel vm1, v15, v14;
	vm1 =	vlt.f32 v29, $0.0e+00;
	v15 =	vxor.u32 $0xFFFFFFFF, v29  }
0x3b2: {  	v19 =	vsel vm2, v6, v22;
	v10 =	vsel vm3, v10, v24;
	v18 =	vsel vm0, v7, v20;
	[tilespmem:s20+$0x80] =	vst v14  }
.Ltmp19:
0x3b3: {  	v13 =	vsel vm5, v13, v28;
	v11 =	vsel vm4, v11, v26;
	v8 =	vsel vm6, v9, v8;
	[tilespmem:s2+$0xFFFFFF70] =	vst v18;
	(pc) =	sbr.rel @p0 .LBB2_40-.Ltmp19, $4  }
0x3b4: {  	v6 =	vsel vm8, v17, v12;
	v7 =	vsel vm7, v5, v16;
	v5 =	vsel vm1, v15, v27;
	[tilespmem:s2+$0xFFFFFF80] =	vst v19  }
0x3b5: {  	v17 =	vshrl.u32 v14, $0x14;
	v12 =	vshrl.u32 v19, $0x14;
	v16 =	vshrl.u32 v18, $0x14;
	[tilespmem:s2+$0xFFFFFF90] =	vst v10  }
0x3b6: {  	v15 =	vshrl.u32 v11, $0x14;
	v14 =	vshrl.u32 v10, $0x14;
	v10 =	vshrl.u32 v13, $0x14;
	[tilespmem:s2+$0xFFFFFFA0] =	vst v11  }
0x3b7: {  	v9 =	vshrl.u32 v6, $0x14;
	v11 =	vshrl.u32 v7, $0x14;
	[tilespmem:s2+$0xFFFFFFB0] =	vst v13;
	v13 =	vshrl.u32 v8, $0x14  }
0x3b8: {  	v17 =	vand.u32 $0xFF0, v17  }
0x3b9: {  	v16 =	vand.u32 $0xFF0, v16;
	v17 =	vadd.s32 v0, v17  }
0x3ba: {  	[tilespmem:s2+$0xFFFFFFC0] =	vst v8;
	v61 =	vand.u32 $0xFF0, v12;
	v62 =	vadd.s32 v0, v16  }
0x3bb: {  	v14 =	vand.u32 $0xFF0, v14;
	[tilespmem:s31+$0xFFFFFFD0] =	vst v7;
	v7 =	vadd.s32 v0, v61  }
0x3bc: {  	v63 =	vand.u32 $0xFF0, v15;
	[tilespmem:s31+$0xFFFFFFE0] =	vst v6;
	v6 =	vadd.s32 v0, v14  }
0x3bd: {  	v10 =	vand.u32 $0xFF0, v10;
	[tilespmem:s31+$0x0] =	vst v5;
	v8 =	vadd.s32 v0, v63  }
0x3be: {  	v13 =	vand.u32 $0xFF0, v13;
	v10 =	vadd.s32 v0, v10;
	[tilespmem:v17+s18+$0x0] =	vst.idx.add.s32.msk $0xffff, v2  }
0x3bf: {  	v11 =	vand.u32 $0xFF0, v11;
	v5 =	vshrl.u32 v5, $0x14;
	v13 =	vadd.s32 v0, v13;
	[tilespmem:v62+s18+$0x0] =	vst.idx.add.s32.msk $0xffff, v2  }
0x3c0: {  	v11 =	vadd.s32 v0, v11;
	v5 =	vand.u32 $0xFF0, v5;
	[tilespmem:v7+s18+$0x0] =	vst.idx.add.s32.msk $0xffff, v2  }
0x3c1: {  	v9 =	vand.u32 $0xFF0, v9;
	v5 =	vadd.s32 v0, v5;
	[tilespmem:v6+s18+$0x0] =	vst.idx.add.s32.msk $0xffff, v2  }
0x3c2: {  	v7 =	vadd.s32 v0, v9;
	[tilespmem:v8+s18+$0x0] =	vst.idx.add.s32.msk $0xffff, v2  }
0x3c3: {  	[tilespmem:v10+s18+$0x0] =	vst.idx.add.s32.msk $0xffff, v2  }
0x3c4: {  	[tilespmem:v13+s18+$0x0] =	vst.idx.add.s32.msk $0xffff, v2  }
0x3c5: {  	[tilespmem:v11+s18+$0x0] =	vst.idx.add.s32.msk $0xffff, v2  }
0x3c6: {  	[tilespmem:v5+s18+$0x0] =	vst.idx.add.s32.msk $0xffff, v2  }
0x3c7: {  	s2 =	simm.s32 $0x0;
	[tilespmem:v7+s18+$0x0] =	vst.idx.add.s32.msk $0xffff, v2  }
.LBB2_42:
0x3c8: {  	s15 =	sshra.s32 s2, $0x2  }
0x3c9: {  	v5 =	vld [tilespmem:s15+$0x18650];
	_ =	sdelay $0x4  }
0x3ca: {  	v6 =	vand.u32 $0x7FFFFFFF, v5  }
0x3cb: {  	vm0 =	vlt.f32 v5, $0.0e+00;
	v7 =	vxor.u32 $0xFFFFFFFF, v5;
	v6 =	vxor.u32 $0x80000000, v6  }
0x3cc: {  	v6 =	vsel vm0, v7, v6  }
0x3cd: {  	v7 =	vshrl.u32 v6, $0x14  }
0x3ce: {  	v7 =	vand.u32 $0xFF0, v7  }
0x3cf: {  	p0 =	seq.s32 s2, $0x100;
	v7 =	vadd.s32 v0, v7  }
.Ltmp20:
0x3d0: {  	_ = 	snop;
	(pc) =	sbr.rel @!p0 .LBB2_42-.Ltmp20, $3  }
0x3d1: {  	_ =	sdelay $0x1  }
0x3d2: {  	[tilespmem:s15+$0x18650] =	vst v6  }
0x3d3: {  	s2 =	sadd.s32 $0x40, s2;
	v4 =	vmax.f32 v4, v5;
	[tilespmem:v7+s18+$0x0] =	vst.idx.add.s32.msk $0xffff, v2  }
0x3d4: {  	s2 =	simm.s32 $0x196F0  }
0x3d5: {  	v5 =	vld [tilespmem:s2+$0x0];
	_ =	sdelay $0x4  }
0x3d6: {  	v5 =	vcvt.s32.f32 v5;
	_ =	sdelay $0x1  }
0x3d7: {  	(xrf2) =	vadd.scan.msk.f32 $0xffff, v5;
	_ =	sdelay $0x9  }
0x3d8: {  	s25 =	simm.s32 $0x196E0;
	[tilespmem:s2+$0x0] =	vst v1;
	v5, _, _ =	vpop (xrf2)  }
0x3d9: {  	(v2sf) =	vpush v5, $0xF;
	v5 =	vld [tilespmem:s25+$0x0];
	_ =	sdelay $0x4  }
0x3da: {  	v5 =	vcvt.s32.f32 v5;
	_ =	sdelay $0x1  }
0x3db: {  	(xrf2) =	vadd.scan.msk.f32 $0xffff, v5  }
0x3dc: {  	s26 =	simm.s32 $0x196D0;
	[tilespmem:s25+$0x0] =	vst v1  }
0x3dd: {  	v6 =	vld [tilespmem:s26+$0x0];
	_ =	sdelay $0x4  }
0x3de: {  	v6 =	vcvt.s32.f32 v6;
	_ =	sdelay $0x1  }
0x3df: {  	(xrf2) =	vadd.scan.msk.f32 $0xffff, v6  }
0x3e0: {  	v7, _, _ =	vpop (xrf2)  }
0x3e1: {  	s28 =	simm.s32 $0x196C0;
	[tilespmem:s26+$0x0] =	vst v1;
	s15 =	spop (v2sf);
	(v2sf) =	vpush v7, $0xF  }
0x3e2: {  	v5 =	vld [tilespmem:s28+$0x0];
	_ =	sdelay $0x4  }
0x3e3: {  	v5 =	vcvt.s32.f32 v5;
	s15 =	scvt.f32.s32 s15  }
0x3e4: {  	s21 =	simm.s32 $0x196B0;
	[tilespmem:s28+$0x0] =	vst v1  }
0x3e5: {  	s31 =	simm.s32 $0xFFFFFFFF;
	s22 =	simm.s32 $0xFF;
	v6 =	vld [tilespmem:s21+$0x0];
	(xrf2) =	vadd.scan.msk.f32 $0xffff, v5;
	s23 =	sadd.s32 $0x0, s15;
	v7, _, _ =	vpop (xrf2)  }
0x3e6: {  	s20 =	simm.s32 $0xFE;
	p0 =	por $0x1, $0x1;
	p1 =	sge.s32 s23, $0x2710;
	(v2sf) =	vpush v7, $0xF  }
0x3e7: {  	s17 =	simm.s32 $0xFD;
	s24 =	simm.s32 $0xFA;
	p1 =	por !p0, !p1  }
0x3e8: {  	s2 =	simm.s32 $0xFB;
	s25 =	simm.s32 $0x0;
	p2 =	por !p1, !p1  }
0x3e9: {  	s15 =	simm.s32 $0xFC;
	s25 =	simm.s32 @!p2 $0x0;
	p1 =	por !p2, !p2  }
0x3ea: {  	[tilespmem:s21+$0x0] =	vst v1;
	v5 =	vcvt.s32.f32 v6;
	s31 =	smov.u32 @p2 s22;
	s22 =	ssub.s32 $0x2710, s25;
	p1 =	por @!p0 p2, p2  }
.LBB2_44:
0x3eb: {  	p0 =	seq.s32 s24, $0x0  }
0x3ec: {  	s25 =	spop (v2sf);
	s0 =	smov.u32 @p1 s23;
	s26 =	smov.u32 s17  }
0x3ed: {  	s17 =	smov.u32 s15;
	s15 =	smov.u32 s2;
	s23 =	scvt.f32.s32 s25  }
0x3ee: {  	s2 =	smov.u32 s24;
	s24 =	sadd.s32 $0xFFFFFFFF, s24;
	(xrf2) =	vadd.scan.msk.f32 $0xffff, v5  }
0x3ef: {  	s21 =	sadd.s32 $0xFFFFFFF0, s21;
	v5, _, _ =	vpop (xrf2);
	s23 =	sadd.s32 s23, s0  }
0x3f0: {  	p2 =	slt.s32 s31, $0x0;
	v6 =	vld [tilespmem:s21+$0x0];
	(v2sf) =	vpush v5, $0xF;
	p1 =	sge.s32 s23, s22  }
.Ltmp21:
0x3f1: {  	[tilespmem:s21+$0x0] =	vst v1;
	p1 =	por !p2, !p1;
	(pc) =	sbr.rel @!p0 .LBB2_44-.Ltmp21, $4  }
0x3f2: {  	p3 =	por !p1, !p1  }
0x3f3: {  	s31 =	smov.u32 @p3 s20;
	s20 =	smov.u32 s0  }
0x3f4: {  	p1 =	por !p3, !p3;
	s20 =	simm.s32 @!p3 $0x0  }
0x3f5: {  	v5 =	vcvt.s32.f32 v6;
	p1 =	por @!p2 p3, p3;
	s22 =	ssub.s32 s22, s20;
	s20 =	smov.u32 s26  }
0x3f6: {  	_ = 	snop  }
0x3f7: {  	(xrf2) =	vadd.scan.msk.f32 $0xffff, v5;
	_ =	sdelay $0x2  }
0x3f8: {  	v5, _, _ =	vpop (xrf2)  }
0x3f9: {  	(v2sf) =	vpush v5, $0xF  }
0x3fa: {  	s21 =	spop (v2sf)  }
0x3fb: {  	s21 =	scvt.f32.s32 s21  }
0x3fc: {  	s0 =	smov.u32 @p1 s23  }
0x3fd: {  	s21 =	sadd.s32 s21, s0  }
0x3fe: {  	p0 =	slt.s32 s31, $0x0;
	p2 =	sge.s32 s21, s22  }
0x3ff: {  	p1 =	por !p0, !p2;
	v5, _, _ =	vpop (xrf2)  }
0x400: {  	p1 =	por !p1, !p1;
	(v2sf) =	vpush v5, $0xF  }
0x401: {  	p2 =	por !p1, !p1;
	s28 =	spop (v2sf)  }
0x402: {  	s24 =	smov.u32 s0;
	p2 =	por @!p0 p1, p1;
	s23 =	scvt.f32.s32 s28  }
0x403: {  	s24 =	simm.s32 @!p1 $0x0;
	s0 =	smov.u32 @p2 s21  }
0x404: {  	s31 =	smov.u32 @p1 s20;
	s25 =	ssub.s32 s22, s24;
	s21 =	sadd.s32 s23, s0  }
0x405: {  	p0 =	slt.s32 s31, $0x0;
	p3 =	sge.s32 s21, s25  }
0x406: {  	p1 =	por !p0, !p3  }
0x407: {  	p1 =	por !p1, !p1  }
0x408: {  	p2 =	por !p1, !p1;
	s26 =	spop (v2sf)  }
0x409: {  	s23 =	smov.u32 s0;
	p2 =	por @!p0 p1, p1;
	s22 =	scvt.f32.s32 s26  }
0x40a: {  	s23 =	simm.s32 @!p1 $0x0;
	s0 =	smov.u32 @p2 s21  }
0x40b: {  	s31 =	smov.u32 @p1 s17;
	s28 =	ssub.s32 s25, s23;
	s20 =	sadd.s32 s22, s0  }
0x40c: {  	p0 =	slt.s32 s31, $0x0;
	p4 =	sge.s32 s20, s28  }
0x40d: {  	p1 =	por !p0, !p4  }
0x40e: {  	p1 =	por !p1, !p1  }
0x40f: {  	s26 =	simm.s32 $0x50;
	p2 =	por !p1, !p1;
	s23 =	spop (v2sf)  }
0x410: {  	s22 =	smov.u32 s0;
	p2 =	por @!p0 p1, p1;
	s21 =	scvt.f32.s32 s23  }
0x411: {  	v6 =	vld [tilespmem:s26+$0x10];
	s22 =	simm.s32 @!p1 $0x0;
	s0 =	smov.u32 @p2 s20  }
0x412: {  	v8 =	vld [tilespmem:s26+$0xFFFFFFC0];
	s31 =	smov.u32 @p1 s15;
	s24 =	ssub.s32 s28, s22;
	s25 =	sadd.s32 s21, s0  }
0x413: {  	v10 =	vld [tilespmem:s26+$0xFFFFFFB0];
	p5 =	slt.s32 s31, $0x0;
	p6 =	sge.s32 s25, s24  }
0x414: {  	v13 =	vld [tilespmem:s26+$0x0];
	p0 =	por !p5, !p6  }
0x415: {  	v16 =	vld [tilespmem:s26+$0xFFFFFFF0];
	p0 =	por !p0, !p0  }
0x416: {  	v12 =	vld [tilespmem:s26+$0x20];
	s0 =	simm.s32 @!p0 $0x0  }
0x417: {  	v7 =	vld [tilespmem:s26+$0x40];
	v9 =	vshrl.u32 v6, $0xC;
	s31 =	smov.u32 @p0 s2;
	s2 =	ssub.s32 s24, s0;
	s0 =	simm.s32 $0x0  }
0x418: {  	v6 =	vshrl.u32 v6, $0x18;
	v11 =	vshrl.u32 v10, $0xC;
	v5 =	vmov s31;
	s28 =	sand.u32 $0x1FFE0, s0  }
0x419: {  	v14 =	vshrl.u32 v13, $0x18;
	v9 =	vand.u32 $0xFF0, v9;
	vm2 =	veq.s32 v6, v5;
	v17 =	vld [tilespmem:s28+$0x80]  }
0x41a: {  	v15 =	vshrl.u32 v16, $0xC;
	v21 =	vshrl.u32 v16, $0x18;
	v18 =	vadd.s32 v0, v9  }
0x41b: {  	v9 =	vshrl.u32 v12, $0x18;
	v6 =	vshrl.u32 v8, $0x18;
	vm1 =	veq.s32 v14, v5  }
0x41c: {  	v14 =	vshrl.u32 v7, $0x18;
	vm0 =	veq.s32 v6, v5;
	v6 =	vshrl.u32 v8, $0xC  }
0x41d: {  	v8 =	vshrl.u32 v13, $0xC;
	v13 =	vshrl.u32 v12, $0xC;
	v6 =	vand.u32 $0xFF0, v6  }
0x41e: {  	v20 =	vand.u32 $0xFF0, v8;
	v8 =	vld [tilespmem:s26+$0xFFFFFFE0];
	v6 =	vadd.s32 v0, v6;
	v19 =	vshrl.u32 v17, $0xC  }
0x41f: {  	v12 =	vadd.s32 v0, v20;
	[tilespmem:v18+s18+$0x0] =	vst.idx.add.s32.msk vm2, v2;
	v16 =	vshrl.u32 v17, $0x18;
	v19 =	vand.u32 $0xFF0, v19  }
0x420: {  	s17 =	simm.s32 $0xA0;
	s15 =	simm.s32 $0x0;
	s20 =	simm.s32 $0xF0;
	v18 =	vshrl.u32 v10, $0x18;
	v17 =	vld [tilespmem:s26+$0xFFFFFFD0];
	vm2 =	veq.s32 v21, v5;
	v10 =	vadd.s32 v0, v19  }
.LBB2_46:
0x421: {  	v19 =	vld [tilespmem:s20+$0x10];
	s21 =	sand.u32 $0x1FFE0, s17;
	s15 =	sadd.s32 $0xA, s15;
	vm4 =	veq.s32 v18, v5;
	v11 =	vand.u32 $0xFF0, v11;
	v15 =	vand.u32 $0xFF0, v15  }
0x422: {  	v7 =	vshrl.u32 v7, $0xC;
	v18 =	vld [tilespmem:s20+$0xFFFFFFC0];
	p0 =	slt.u32 s15, $0x1860;
	v11 =	vadd.s32 v0, v11;
	v15 =	vadd.s32 v0, v15  }
0x423: {  	vm3 =	veq.s32 v9, v5;
	vm5 =	veq.s32 v14, v5;
	v7 =	vand.u32 $0xFF0, v7;
	v20 =	vld [tilespmem:s20+$0xFFFFFFB0]  }
0x424: {  	v9 =	vshrl.u32 v8, $0x18;
	v13 =	vand.u32 $0xFF0, v13;
	v14 =	vadd.s32 v0, v7;
	v21 =	vld [tilespmem:s20+$0x20]  }
0x425: {  	v8 =	vshrl.u32 v8, $0xC;
	v22 =	vshrl.u32 v17, $0x18;
	v7 =	vshrl.u32 v17, $0xC;
	[tilespmem:v12+s18+$0x0] =	vst.idx.add.s32.msk vm1, v2  }
0x426: {  	v8 =	vand.u32 $0xFF0, v8;
	vm1 =	veq.s32 v16, v5;
	v12 =	vld [tilespmem:s20+$0x0];
	v17 =	vand.u32 $0xFF0, v7  }
0x427: {  	[tilespmem:v15+s18+$0x0] =	vst.idx.add.s32.msk vm2, v2;
	vm2 =	vmmov vm0  }
0x428: {  	vm0 =	veq.s32 v9, v5;
	v15 =	vadd.s32 v0, v8;
	v7 =	vld [tilespmem:s20+$0x40]  }
0x429: {  	v13 =	vadd.s32 v0, v13;
	v16 =	vshrl.u32 v19, $0xC;
	v9 =	vshrl.u32 v19, $0x18;
	v8 =	vld [tilespmem:s20+$0xFFFFFFE0]  }
0x42a: {  	vm7 =	veq.s32 v22, v5;
	vm6 =	veq.s32 v9, v5;
	v9 =	vand.u32 $0xFF0, v16;
	v19 =	vld [tilespmem:s20+$0xFFFFFFF0]  }
0x42b: {  	v17 =	vadd.s32 v0, v17;
	v16 =	vld [tilespmem:s21+$0x80]  }
0x42c: {  	v22 =	vadd.s32 v0, v9;
	[tilespmem:v10+s18+$0x0] =	vst.idx.add.s32.msk vm1, v2  }
0x42d: {  	v9 =	vshrl.u32 v21, $0x18;
	[tilespmem:v11+s18+$0x0] =	vst.idx.add.s32.msk vm4, v2  }
0x42e: {  	v23 =	vshrl.u32 v12, $0x18;
	v10 =	vshrl.u32 v18, $0x18;
	v11 =	vshrl.u32 v20, $0xC;
	[tilespmem:v15+s18+$0x0] =	vst.idx.add.s32.msk vm0, v2  }
0x42f: {  	vm0 =	veq.s32 v10, v5;
	v10 =	vshrl.u32 v18, $0xC;
	v15 =	vshrl.u32 v19, $0xC;
	[tilespmem:v14+s18+$0x0] =	vst.idx.add.s32.msk vm5, v2  }
.Ltmp22:
0x430: {  	v12 =	vshrl.u32 v12, $0xC;
	vm1 =	veq.s32 v23, v5;
	v18 =	vshrl.u32 v16, $0xC;
	[tilespmem:v13+s18+$0x0] =	vst.idx.add.s32.msk vm3, v2;
	(pc) =	sbr.rel @p0 .LBB2_46-.Ltmp22, $4  }
0x431: {  	v12 =	vand.u32 $0xFF0, v12;
	v10 =	vand.u32 $0xFF0, v10;
	v14 =	vshrl.u32 v7, $0x18;
	[tilespmem:v17+s18+$0x0] =	vst.idx.add.s32.msk vm7, v2  }
0x432: {  	v19 =	vshrl.u32 v19, $0x18;
	v13 =	vshrl.u32 v21, $0xC;
	[tilespmem:v6+s18+$0x0] =	vst.idx.add.s32.msk vm2, v2;
	v6 =	vadd.s32 v0, v10  }
0x433: {  	s21 =	simm.s32 $0x196F0;
	v12 =	vadd.s32 v0, v12;
	v16 =	vshrl.u32 v16, $0x18;
	v10 =	vand.u32 $0xFF0, v18;
	[tilespmem:v22+s18+$0x0] =	vst.idx.add.s32.msk vm6, v2  }
0x434: {  	s17 =	sadd.s32 $0xA0, s17;
	s23 =	simm.s32 $0xFF;
	v18 =	vshrl.u32 v20, $0x18;
	vm2 =	veq.s32 v19, v5;
	v10 =	vadd.s32 v0, v10;
	v17 =	vld [tilespmem:s20+$0xFFFFFFD0];
	s20 =	sadd.s32 $0xA0, s20  }
0x435: {  	v11 =	vand.u32 $0xFF0, v11;
	v15 =	vand.u32 $0xFF0, v15  }
0x436: {  	vm3 =	veq.s32 v18, v5;
	vm4 =	veq.s32 v16, v5;
	v15 =	vadd.s32 v0, v15  }
0x437: {  	v7 =	vshrl.u32 v7, $0xC;
	vm5 =	veq.s32 v9, v5;
	v59 =	vshrl.u32 v8, $0x18  }
0x438: {  	v60 =	vshrl.u32 v8, $0xC;
	v61 =	vand.u32 $0xFF0, v13;
	v11 =	vadd.s32 v0, v11  }
0x439: {  	vm6 =	veq.s32 v14, v5;
	vm0 =	vmmov vm0;
	v9 =	vadd.s32 v0, v61  }
0x43a: {  	[tilespmem:v12+s18+$0x0] =	vst.idx.add.s32.msk vm1, v2;
	v8 =	vand.u32 $0xFF0, v60;
	vm7 =	veq.s32 v59, v5;
	v7 =	vand.u32 $0xFF0, v7  }
0x43b: {  	v8 =	vadd.s32 v0, v8;
	v62 =	vshrl.u32 v17, $0x18;
	v63 =	vshrl.u32 v17, $0xC;
	[tilespmem:v15+s18+$0x0] =	vst.idx.add.s32.msk vm2, v2  }
0x43c: {  	v7 =	vadd.s32 v0, v7;
	v13 =	vand.u32 $0xFF0, v63;
	vm15 =	veq.s32 v62, v5;
	[tilespmem:v10+s18+$0x0] =	vst.idx.add.s32.msk vm4, v2  }
0x43d: {  	v5 =	vadd.s32 v0, v13;
	[tilespmem:v11+s18+$0x0] =	vst.idx.add.s32.msk vm3, v2  }
0x43e: {  	[tilespmem:v9+s18+$0x0] =	vst.idx.add.s32.msk vm5, v2  }
0x43f: {  	[tilespmem:v6+s18+$0x0] =	vst.idx.add.s32.msk vm0, v2  }
0x440: {  	[tilespmem:v8+s18+$0x0] =	vst.idx.add.s32.msk vm7, v2  }
0x441: {  	[tilespmem:v7+s18+$0x0] =	vst.idx.add.s32.msk vm6, v2  }
0x442: {  	[tilespmem:v5+s18+$0x0] =	vst.idx.add.s32.msk vm15, v2  }
0x443: {  	v5 =	vld [tilespmem:s21+$0x0];
	_ =	sdelay $0x4  }
0x444: {  	v5 =	vcvt.s32.f32 v5;
	_ =	sdelay $0x1  }
0x445: {  	(xrf2) =	vadd.scan.msk.f32 $0xffff, v5;
	_ =	sdelay $0x9  }
0x446: {  	s15 =	simm.s32 $0x196E0;
	[tilespmem:s21+$0x0] =	vst v1;
	v5, _, _ =	vpop (xrf2)  }
0x447: {  	(v2sf) =	vpush v5, $0xF;
	v5 =	vld [tilespmem:s15+$0x0];
	_ =	sdelay $0x4  }
0x448: {  	v5 =	vcvt.s32.f32 v5;
	_ =	sdelay $0x1  }
0x449: {  	(xrf2) =	vadd.scan.msk.f32 $0xffff, v5  }
0x44a: {  	s26 =	simm.s32 $0x196D0;
	[tilespmem:s15+$0x0] =	vst v1  }
0x44b: {  	v6 =	vld [tilespmem:s26+$0x0];
	_ =	sdelay $0x4  }
0x44c: {  	v6 =	vcvt.s32.f32 v6;
	_ =	sdelay $0x1  }
0x44d: {  	(xrf2) =	vadd.scan.msk.f32 $0xffff, v6  }
0x44e: {  	v7, _, _ =	vpop (xrf2)  }
0x44f: {  	s28 =	simm.s32 $0x196C0;
	[tilespmem:s26+$0x0] =	vst v1;
	s17 =	spop (v2sf);
	(v2sf) =	vpush v7, $0xF  }
0x450: {  	v5 =	vld [tilespmem:s28+$0x0];
	_ =	sdelay $0x4  }
0x451: {  	v5 =	vcvt.s32.f32 v5;
	s17 =	scvt.f32.s32 s17  }
0x452: {  	s24 =	simm.s32 $0x196B0;
	[tilespmem:s28+$0x0] =	vst v1  }
0x453: {  	s22 =	simm.s32 $0xFE;
	v6 =	vld [tilespmem:s24+$0x0];
	(xrf2) =	vadd.scan.msk.f32 $0xffff, v5;
	s25 =	sadd.s32 $0x0, s17;
	v7, _, _ =	vpop (xrf2)  }
0x454: {  	p0 =	por $0x1, $0x1;
	s20 =	simm.s32 $0xFC;
	p1 =	sge.s32 s25, s2;
	(v2sf) =	vpush v7, $0xF  }
0x455: {  	s21 =	simm.s32 $0xFD;
	s15 =	simm.s32 $0xFFFFFFFF;
	p1 =	por !p0, !p1  }
0x456: {  	s26 =	simm.s32 $0x0;
	s17 =	simm.s32 $0xFB;
	p2 =	por !p1, !p1  }
0x457: {  	s15 =	smov.u32 @p2 s23;
	s26 =	simm.s32 @!p2 $0x0;
	p1 =	por !p2, !p2  }
0x458: {  	[tilespmem:s24+$0x0] =	vst v1;
	v5 =	vcvt.s32.f32 v6;
	s23 =	simm.s32 $0xFA;
	s2 =	ssub.s32 s2, s26;
	p1 =	por @!p0 p2, p2  }
.LBB2_48:
0x459: {  	p0 =	sne.s32 s23, $0x0  }
0x45a: {  	s26 =	spop (v2sf);
	s0 =	smov.u32 @p1 s25;
	s28 =	smov.u32 s21  }
0x45b: {  	s21 =	smov.u32 s20;
	s20 =	smov.u32 s17;
	s25 =	scvt.f32.s32 s26  }
0x45c: {  	s17 =	smov.u32 s23;
	s23 =	sadd.s32 $0xFFFFFFFF, s23;
	(xrf2) =	vadd.scan.msk.f32 $0xffff, v5  }
0x45d: {  	s24 =	sadd.s32 $0xFFFFFFF0, s24;
	v5, _, _ =	vpop (xrf2);
	s25 =	sadd.s32 s25, s0  }
0x45e: {  	p2 =	slt.s32 s15, $0x0;
	v6 =	vld [tilespmem:s24+$0x0];
	(v2sf) =	vpush v5, $0xF;
	p1 =	sge.s32 s25, s2  }
.Ltmp23:
0x45f: {  	[tilespmem:s24+$0x0] =	vst v1;
	p1 =	por !p2, !p1;
	(pc) =	sbr.rel @p0 .LBB2_48-.Ltmp23, $4  }
0x460: {  	p3 =	por !p1, !p1  }
0x461: {  	s15 =	smov.u32 @p3 s22;
	s22 =	smov.u32 s0  }
0x462: {  	p1 =	por !p3, !p3;
	s22 =	simm.s32 @!p3 $0x0  }
0x463: {  	v5 =	vcvt.s32.f32 v6;
	p1 =	por @!p2 p3, p3;
	s2 =	ssub.s32 s2, s22;
	s22 =	smov.u32 s28  }
0x464: {  	_ = 	snop  }
0x465: {  	(xrf2) =	vadd.scan.msk.f32 $0xffff, v5;
	_ =	sdelay $0x2  }
0x466: {  	v5, _, _ =	vpop (xrf2)  }
0x467: {  	(v2sf) =	vpush v5, $0xF  }
0x468: {  	s23 =	spop (v2sf)  }
0x469: {  	s23 =	scvt.f32.s32 s23  }
0x46a: {  	s0 =	smov.u32 @p1 s25  }
0x46b: {  	s23 =	sadd.s32 s23, s0  }
0x46c: {  	p0 =	slt.s32 s15, $0x0;
	p2 =	sge.s32 s23, s2  }
0x46d: {  	p1 =	por !p0, !p2;
	v5, _, _ =	vpop (xrf2)  }
0x46e: {  	p1 =	por !p1, !p1;
	(v2sf) =	vpush v5, $0xF  }
0x46f: {  	p2 =	por !p1, !p1;
	s24 =	spop (v2sf)  }
0x470: {  	s25 =	smov.u32 s0;
	p2 =	por @!p0 p1, p1;
	s24 =	scvt.f32.s32 s24  }
0x471: {  	s25 =	simm.s32 @!p1 $0x0;
	s0 =	smov.u32 @p2 s23  }
0x472: {  	s15 =	smov.u32 @p1 s22;
	s25 =	ssub.s32 s2, s25;
	s22 =	sadd.s32 s24, s0  }
0x473: {  	p0 =	slt.s32 s15, $0x0;
	p3 =	sge.s32 s22, s25  }
0x474: {  	p1 =	por !p0, !p3  }
0x475: {  	p1 =	por !p1, !p1  }
0x476: {  	p2 =	por !p1, !p1;
	s26 =	spop (v2sf)  }
0x477: {  	s24 =	smov.u32 s0;
	p2 =	por @!p0 p1, p1;
	s23 =	scvt.f32.s32 s26  }
0x478: {  	s24 =	simm.s32 @!p1 $0x0;
	s0 =	smov.u32 @p2 s22  }
0x479: {  	s15 =	smov.u32 @p1 s21;
	s2 =	ssub.s32 s25, s24;
	s21 =	sadd.s32 s23, s0  }
0x47a: {  	p0 =	slt.s32 s15, $0x0;
	p4 =	sge.s32 s21, s2  }
0x47b: {  	p1 =	por !p0, !p4  }
0x47c: {  	p1 =	por !p1, !p1  }
0x47d: {  	s24 =	simm.s32 $0x50;
	p2 =	por !p1, !p1;
	s28 =	spop (v2sf)  }
0x47e: {  	s23 =	smov.u32 s0;
	p2 =	por @!p0 p1, p1;
	s22 =	scvt.f32.s32 s28  }
0x47f: {  	v6 =	vld [tilespmem:s24+$0x10];
	s23 =	simm.s32 @!p1 $0x0;
	s0 =	smov.u32 @p2 s21  }
0x480: {  	v8 =	vld [tilespmem:s24+$0xFFFFFFC0];
	s15 =	smov.u32 @p1 s20;
	s23 =	ssub.s32 s2, s23;
	s25 =	sadd.s32 s22, s0  }
0x481: {  	v10 =	vld [tilespmem:s24+$0xFFFFFFB0];
	p5 =	slt.s32 s15, $0x0;
	p6 =	sge.s32 s25, s23  }
0x482: {  	v13 =	vld [tilespmem:s24+$0x0];
	p0 =	por !p5, !p6  }
0x483: {  	v14 =	vld [tilespmem:s24+$0xFFFFFFF0];
	s2 =	simm.s32 $0x0;
	p0 =	por !p0, !p0  }
0x484: {  	v12 =	vld [tilespmem:s24+$0x20];
	s26 =	sshll.u32 s31, $0x8;
	s28 =	sand.u32 $0x1FFE0, s2;
	s15 =	smov.u32 @p0 s17  }
0x485: {  	v9 =	vshrl.u32 v6, $0x4;
	v16 =	vld [tilespmem:s28+$0x80];
	s31 =	sor.u32 s26, s15  }
0x486: {  	v6 =	vshrl.u32 v6, $0x10;
	v11 =	vshrl.u32 v10, $0x4;
	v5 =	vmov s31  }
0x487: {  	v7 =	vld [tilespmem:s24+$0x40];
	v18 =	vshrl.u32 v13, $0x10;
	v9 =	vand.u32 $0xFF0, v9;
	vm2 =	veq.s32 v6, v5  }
0x488: {  	v15 =	vshrl.u32 v14, $0x4;
	v20 =	vshrl.u32 v14, $0x10;
	v17 =	vadd.s32 v0, v9  }
0x489: {  	v14 =	vshrl.u32 v12, $0x4;
	v9 =	vshrl.u32 v12, $0x10;
	v6 =	vshrl.u32 v8, $0x10  }
0x48a: {  	vm1 =	veq.s32 v18, v5;
	v18 =	vshrl.u32 v16, $0x4;
	v16 =	vshrl.u32 v16, $0x10  }
0x48b: {  	vm0 =	veq.s32 v6, v5;
	v6 =	vshrl.u32 v8, $0x4;
	v8 =	vshrl.u32 v13, $0x4  }
0x48c: {  	v13 =	vshrl.u32 v7, $0x10;
	v6 =	vand.u32 $0xFF0, v6;
	v19 =	vand.u32 $0xFF0, v8;
	v8 =	vld [tilespmem:s24+$0xFFFFFFE0]  }
0x48d: {  	s20 =	simm.s32 $0xF0;
	s0 =	simm.s32 @!p0 $0x0;
	v6 =	vadd.s32 v0, v6;
	v12 =	vadd.s32 v0, v19;
	v19 =	vand.u32 $0xFF0, v18;
	[tilespmem:v17+s18+$0x0] =	vst.idx.add.s32.msk vm2, v2  }
0x48e: {  	s17 =	simm.s32 $0xA0;
	s0 =	ssub.s32 s23, s0;
	s15 =	simm.s32 $0x0;
	v18 =	vshrl.u32 v10, $0x10;
	v10 =	vadd.s32 v0, v19;
	v17 =	vld [tilespmem:s24+$0xFFFFFFD0];
	vm2 =	veq.s32 v20, v5  }
.LBB2_50:
0x48f: {  	v19 =	vld [tilespmem:s20+$0x10];
	s21 =	sand.u32 $0x1FFE0, s17;
	s15 =	sadd.s32 $0xA, s15;
	vm4 =	veq.s32 v18, v5;
	v11 =	vand.u32 $0xFF0, v11;
	v15 =	vand.u32 $0xFF0, v15  }
0x490: {  	v7 =	vshrl.u32 v7, $0x4;
	v18 =	vld [tilespmem:s20+$0xFFFFFFC0];
	p0 =	slt.u32 s15, $0x1860;
	v11 =	vadd.s32 v0, v11;
	v15 =	vadd.s32 v0, v15  }
0x491: {  	vm3 =	veq.s32 v9, v5;
	vm5 =	veq.s32 v13, v5;
	v7 =	vand.u32 $0xFF0, v7;
	v20 =	vld [tilespmem:s20+$0xFFFFFFB0]  }
0x492: {  	v9 =	vshrl.u32 v8, $0x10;
	v13 =	vand.u32 $0xFF0, v14;
	v14 =	vadd.s32 v0, v7;
	v21 =	vld [tilespmem:s20+$0x20]  }
0x493: {  	v8 =	vshrl.u32 v8, $0x4;
	v22 =	vshrl.u32 v17, $0x10;
	v7 =	vshrl.u32 v17, $0x4;
	[tilespmem:v12+s18+$0x0] =	vst.idx.add.s32.msk vm1, v2  }
0x494: {  	v8 =	vand.u32 $0xFF0, v8;
	vm1 =	veq.s32 v16, v5;
	v12 =	vld [tilespmem:s20+$0x0];
	v17 =	vand.u32 $0xFF0, v7  }
0x495: {  	[tilespmem:v15+s18+$0x0] =	vst.idx.add.s32.msk vm2, v2;
	vm2 =	vmmov vm0  }
0x496: {  	vm0 =	veq.s32 v9, v5;
	v15 =	vadd.s32 v0, v8;
	v7 =	vld [tilespmem:s20+$0x40]  }
0x497: {  	v13 =	vadd.s32 v0, v13;
	v16 =	vshrl.u32 v19, $0x4;
	v9 =	vshrl.u32 v19, $0x10;
	v8 =	vld [tilespmem:s20+$0xFFFFFFE0]  }
0x498: {  	vm7 =	veq.s32 v22, v5;
	vm6 =	veq.s32 v9, v5;
	v9 =	vand.u32 $0xFF0, v16;
	v19 =	vld [tilespmem:s20+$0xFFFFFFF0]  }
0x499: {  	v17 =	vadd.s32 v0, v17;
	v16 =	vld [tilespmem:s21+$0x80]  }
0x49a: {  	v22 =	vadd.s32 v0, v9;
	[tilespmem:v10+s18+$0x0] =	vst.idx.add.s32.msk vm1, v2  }
0x49b: {  	v9 =	vshrl.u32 v21, $0x10;
	[tilespmem:v11+s18+$0x0] =	vst.idx.add.s32.msk vm4, v2  }
0x49c: {  	v23 =	vshrl.u32 v12, $0x10;
	v10 =	vshrl.u32 v18, $0x10;
	v11 =	vshrl.u32 v20, $0x4;
	[tilespmem:v15+s18+$0x0] =	vst.idx.add.s32.msk vm0, v2  }
0x49d: {  	vm0 =	veq.s32 v10, v5;
	v10 =	vshrl.u32 v18, $0x4;
	v15 =	vshrl.u32 v19, $0x4;
	[tilespmem:v14+s18+$0x0] =	vst.idx.add.s32.msk vm5, v2  }
.Ltmp24:
0x49e: {  	v12 =	vshrl.u32 v12, $0x4;
	vm1 =	veq.s32 v23, v5;
	v18 =	vshrl.u32 v16, $0x4;
	[tilespmem:v13+s18+$0x0] =	vst.idx.add.s32.msk vm3, v2;
	(pc) =	sbr.rel @p0 .LBB2_50-.Ltmp24, $4  }
0x49f: {  	v12 =	vand.u32 $0xFF0, v12;
	v10 =	vand.u32 $0xFF0, v10;
	v13 =	vshrl.u32 v7, $0x10;
	[tilespmem:v17+s18+$0x0] =	vst.idx.add.s32.msk vm7, v2  }
0x4a0: {  	v19 =	vshrl.u32 v19, $0x10;
	v14 =	vshrl.u32 v21, $0x4;
	[tilespmem:v6+s18+$0x0] =	vst.idx.add.s32.msk vm2, v2;
	v6 =	vadd.s32 v0, v10  }
0x4a1: {  	s21 =	simm.s32 $0x196F0;
	v12 =	vadd.s32 v0, v12;
	v16 =	vshrl.u32 v16, $0x10;
	v10 =	vand.u32 $0xFF0, v18;
	[tilespmem:v22+s18+$0x0] =	vst.idx.add.s32.msk vm6, v2  }
0x4a2: {  	s17 =	sadd.s32 $0xA0, s17;
	s23 =	simm.s32 $0xFF;
	v18 =	vshrl.u32 v20, $0x10;
	vm2 =	veq.s32 v19, v5;
	v10 =	vadd.s32 v0, v10;
	v17 =	vld [tilespmem:s20+$0xFFFFFFD0];
	s20 =	sadd.s32 $0xA0, s20  }
0x4a3: {  	v11 =	vand.u32 $0xFF0, v11;
	v15 =	vand.u32 $0xFF0, v15  }
0x4a4: {  	vm3 =	veq.s32 v18, v5;
	vm4 =	veq.s32 v16, v5;
	v15 =	vadd.s32 v0, v15  }
0x4a5: {  	v7 =	vshrl.u32 v7, $0x4;
	vm5 =	veq.s32 v9, v5;
	v59 =	vshrl.u32 v8, $0x10  }
0x4a6: {  	v60 =	vshrl.u32 v8, $0x4;
	v61 =	vand.u32 $0xFF0, v14;
	v11 =	vadd.s32 v0, v11  }
0x4a7: {  	vm6 =	veq.s32 v13, v5;
	vm0 =	vmmov vm0;
	v9 =	vadd.s32 v0, v61  }
0x4a8: {  	[tilespmem:v12+s18+$0x0] =	vst.idx.add.s32.msk vm1, v2;
	v8 =	vand.u32 $0xFF0, v60;
	vm7 =	veq.s32 v59, v5;
	v7 =	vand.u32 $0xFF0, v7  }
0x4a9: {  	v8 =	vadd.s32 v0, v8;
	v62 =	vshrl.u32 v17, $0x10;
	v63 =	vshrl.u32 v17, $0x4;
	[tilespmem:v15+s18+$0x0] =	vst.idx.add.s32.msk vm2, v2  }
0x4aa: {  	v7 =	vadd.s32 v0, v7;
	v13 =	vand.u32 $0xFF0, v63;
	vm15 =	veq.s32 v62, v5;
	[tilespmem:v10+s18+$0x0] =	vst.idx.add.s32.msk vm4, v2  }
0x4ab: {  	v5 =	vadd.s32 v0, v13;
	[tilespmem:v11+s18+$0x0] =	vst.idx.add.s32.msk vm3, v2  }
0x4ac: {  	[tilespmem:v9+s18+$0x0] =	vst.idx.add.s32.msk vm5, v2  }
0x4ad: {  	[tilespmem:v6+s18+$0x0] =	vst.idx.add.s32.msk vm0, v2  }
0x4ae: {  	[tilespmem:v8+s18+$0x0] =	vst.idx.add.s32.msk vm7, v2  }
0x4af: {  	[tilespmem:v7+s18+$0x0] =	vst.idx.add.s32.msk vm6, v2  }
0x4b0: {  	[tilespmem:v5+s18+$0x0] =	vst.idx.add.s32.msk vm15, v2  }
0x4b1: {  	v5 =	vld [tilespmem:s21+$0x0];
	_ =	sdelay $0x4  }
0x4b2: {  	v5 =	vcvt.s32.f32 v5;
	_ =	sdelay $0x1  }
0x4b3: {  	(xrf2) =	vadd.scan.msk.f32 $0xffff, v5;
	_ =	sdelay $0x9  }
0x4b4: {  	s15 =	simm.s32 $0x196E0;
	[tilespmem:s21+$0x0] =	vst v1;
	v5, _, _ =	vpop (xrf2)  }
0x4b5: {  	(v2sf) =	vpush v5, $0xF;
	v5 =	vld [tilespmem:s15+$0x0];
	_ =	sdelay $0x4  }
0x4b6: {  	v5 =	vcvt.s32.f32 v5;
	_ =	sdelay $0x1  }
0x4b7: {  	(xrf2) =	vadd.scan.msk.f32 $0xffff, v5  }
0x4b8: {  	s26 =	simm.s32 $0x196D0;
	[tilespmem:s15+$0x0] =	vst v1  }
0x4b9: {  	v6 =	vld [tilespmem:s26+$0x0];
	_ =	sdelay $0x4  }
0x4ba: {  	v6 =	vcvt.s32.f32 v6;
	_ =	sdelay $0x1  }
0x4bb: {  	(xrf2) =	vadd.scan.msk.f32 $0xffff, v6  }
0x4bc: {  	v7, _, _ =	vpop (xrf2)  }
0x4bd: {  	s28 =	simm.s32 $0x196C0;
	[tilespmem:s26+$0x0] =	vst v1;
	s17 =	spop (v2sf);
	(v2sf) =	vpush v7, $0xF  }
0x4be: {  	v5 =	vld [tilespmem:s28+$0x0];
	_ =	sdelay $0x4  }
0x4bf: {  	v5 =	vcvt.s32.f32 v5;
	s20 =	scvt.f32.s32 s17  }
0x4c0: {  	s24 =	simm.s32 $0x196B0;
	[tilespmem:s28+$0x0] =	vst v1  }
0x4c1: {  	s22 =	simm.s32 $0xFE;
	v6 =	vld [tilespmem:s24+$0x0];
	(xrf2) =	vadd.scan.msk.f32 $0xffff, v5;
	s25 =	sadd.s32 $0x0, s20;
	v7, _, _ =	vpop (xrf2)  }
0x4c2: {  	p0 =	por $0x1, $0x1;
	s21 =	simm.s32 $0xFD;
	p1 =	sge.s32 s25, s0;
	(v2sf) =	vpush v7, $0xF  }
0x4c3: {  	s15 =	simm.s32 $0xFC;
	s26 =	simm.s32 $0x0;
	p1 =	por !p0, !p1  }
0x4c4: {  	s17 =	simm.s32 $0xFFFFFFFF;
	s20 =	simm.s32 $0xFB;
	p2 =	por !p1, !p1  }
0x4c5: {  	s17 =	smov.u32 @p2 s23;
	s26 =	simm.s32 @!p2 $0x0;
	p1 =	por !p2, !p2  }
0x4c6: {  	[tilespmem:s24+$0x0] =	vst v1;
	v5 =	vcvt.s32.f32 v6;
	s23 =	simm.s32 $0xFA;
	s0 =	ssub.s32 s0, s26;
	p1 =	por @!p0 p2, p2  }
.LBB2_52:
0x4c7: {  	p0 =	sne.s32 s23, $0x0  }
0x4c8: {  	s26 =	spop (v2sf);
	s2 =	smov.u32 @p1 s25;
	s28 =	smov.u32 s21  }
0x4c9: {  	s21 =	smov.u32 s15;
	s15 =	smov.u32 s20;
	s25 =	scvt.f32.s32 s26  }
0x4ca: {  	s20 =	smov.u32 s23;
	s23 =	sadd.s32 $0xFFFFFFFF, s23;
	(xrf2) =	vadd.scan.msk.f32 $0xffff, v5  }
0x4cb: {  	s24 =	sadd.s32 $0xFFFFFFF0, s24;
	v5, _, _ =	vpop (xrf2);
	s25 =	sadd.s32 s25, s2  }
0x4cc: {  	p2 =	slt.s32 s17, $0x0;
	v6 =	vld [tilespmem:s24+$0x0];
	(v2sf) =	vpush v5, $0xF;
	p1 =	sge.s32 s25, s0  }
.Ltmp25:
0x4cd: {  	[tilespmem:s24+$0x0] =	vst v1;
	p1 =	por !p2, !p1;
	(pc) =	sbr.rel @p0 .LBB2_52-.Ltmp25, $4  }
0x4ce: {  	p3 =	por !p1, !p1  }
0x4cf: {  	s17 =	smov.u32 @p3 s22;
	s22 =	smov.u32 s2  }
0x4d0: {  	p1 =	por !p3, !p3;
	s22 =	simm.s32 @!p3 $0x0  }
0x4d1: {  	v5 =	vcvt.s32.f32 v6;
	p1 =	por @!p2 p3, p3;
	s0 =	ssub.s32 s0, s22;
	s22 =	smov.u32 s28  }
0x4d2: {  	_ = 	snop  }
0x4d3: {  	(xrf2) =	vadd.scan.msk.f32 $0xffff, v5;
	_ =	sdelay $0x2  }
0x4d4: {  	v5, _, _ =	vpop (xrf2)  }
0x4d5: {  	(v2sf) =	vpush v5, $0xF  }
0x4d6: {  	s23 =	spop (v2sf)  }
0x4d7: {  	s23 =	scvt.f32.s32 s23  }
0x4d8: {  	s2 =	smov.u32 @p1 s25  }
0x4d9: {  	s23 =	sadd.s32 s23, s2  }
0x4da: {  	p0 =	slt.s32 s17, $0x0;
	p2 =	sge.s32 s23, s0  }
0x4db: {  	p1 =	por !p0, !p2;
	v5, _, _ =	vpop (xrf2)  }
0x4dc: {  	p1 =	por !p1, !p1;
	(v2sf) =	vpush v5, $0xF  }
0x4dd: {  	p2 =	por !p1, !p1;
	s24 =	spop (v2sf)  }
0x4de: {  	s25 =	smov.u32 s2;
	p2 =	por @!p0 p1, p1;
	s24 =	scvt.f32.s32 s24  }
0x4df: {  	s25 =	simm.s32 @!p1 $0x0;
	s2 =	smov.u32 @p2 s23  }
0x4e0: {  	s17 =	smov.u32 @p1 s22;
	s25 =	ssub.s32 s0, s25;
	s22 =	sadd.s32 s24, s2  }
0x4e1: {  	p0 =	slt.s32 s17, $0x0;
	p3 =	sge.s32 s22, s25  }
0x4e2: {  	p1 =	por !p0, !p3  }
0x4e3: {  	p1 =	por !p1, !p1  }
0x4e4: {  	p2 =	por !p1, !p1;
	s26 =	spop (v2sf)  }
0x4e5: {  	s24 =	smov.u32 s2;
	p2 =	por @!p0 p1, p1;
	s23 =	scvt.f32.s32 s26  }
0x4e6: {  	s24 =	simm.s32 @!p1 $0x0;
	s2 =	smov.u32 @p2 s22  }
0x4e7: {  	s17 =	smov.u32 @p1 s21;
	s0 =	ssub.s32 s25, s24;
	s21 =	sadd.s32 s23, s2  }
0x4e8: {  	p0 =	slt.s32 s17, $0x0;
	p4 =	sge.s32 s21, s0  }
0x4e9: {  	p1 =	por !p0, !p4  }
0x4ea: {  	p1 =	por !p1, !p1  }
0x4eb: {  	s24 =	simm.s32 $0x50;
	p2 =	por !p1, !p1;
	s28 =	spop (v2sf)  }
0x4ec: {  	s23 =	smov.u32 s2;
	p2 =	por @!p0 p1, p1;
	s22 =	scvt.f32.s32 s28  }
0x4ed: {  	v6 =	vld [tilespmem:s24+$0x10];
	s23 =	simm.s32 @!p1 $0x0;
	s2 =	smov.u32 @p2 s21  }
0x4ee: {  	v8 =	vld [tilespmem:s24+$0xFFFFFFC0];
	s17 =	smov.u32 @p1 s15;
	s23 =	ssub.s32 s0, s23;
	s25 =	sadd.s32 s22, s2  }
0x4ef: {  	v10 =	vld [tilespmem:s24+$0xFFFFFFB0];
	p5 =	slt.s32 s17, $0x0;
	p6 =	sge.s32 s25, s23  }
0x4f0: {  	v13 =	vld [tilespmem:s24+$0x0];
	p0 =	por !p5, !p6  }
0x4f1: {  	v14 =	vld [tilespmem:s24+$0xFFFFFFF0];
	s15 =	simm.s32 $0x0;
	p0 =	por !p0, !p0  }
0x4f2: {  	v12 =	vld [tilespmem:s24+$0x20];
	s26 =	sshll.u32 s31, $0x8;
	s28 =	sand.u32 $0x1FFE0, s15;
	s17 =	smov.u32 @p0 s20  }
0x4f3: {  	v9 =	vshll.u32 v6, $0x4;
	v16 =	vld [tilespmem:s28+$0x80];
	s0 =	sor.u32 s26, s17  }
0x4f4: {  	v6 =	vshrl.u32 v6, $0x8;
	v11 =	vshll.u32 v10, $0x4;
	v5 =	vmov s0  }
0x4f5: {  	v7 =	vld [tilespmem:s24+$0x40];
	v18 =	vshrl.u32 v13, $0x8;
	v9 =	vand.u32 $0xFF0, v9;
	vm2 =	veq.s32 v6, v5  }
0x4f6: {  	v15 =	vshll.u32 v14, $0x4;
	v20 =	vshrl.u32 v14, $0x8;
	v17 =	vadd.s32 v0, v9  }
0x4f7: {  	v14 =	vshll.u32 v12, $0x4;
	v9 =	vshrl.u32 v12, $0x8;
	v6 =	vshrl.u32 v8, $0x8  }
0x4f8: {  	vm1 =	veq.s32 v18, v5;
	v18 =	vshll.u32 v16, $0x4;
	v16 =	vshrl.u32 v16, $0x8  }
0x4f9: {  	vm0 =	veq.s32 v6, v5;
	v6 =	vshll.u32 v8, $0x4;
	v8 =	vshll.u32 v13, $0x4  }
0x4fa: {  	v13 =	vshrl.u32 v7, $0x8;
	v6 =	vand.u32 $0xFF0, v6;
	v19 =	vand.u32 $0xFF0, v8;
	v8 =	vld [tilespmem:s24+$0xFFFFFFE0]  }
0x4fb: {  	s31 =	simm.s32 $0xF0;
	s2 =	simm.s32 @!p0 $0x0;
	v6 =	vadd.s32 v0, v6;
	v12 =	vadd.s32 v0, v19;
	v19 =	vand.u32 $0xFF0, v18;
	[tilespmem:v17+s18+$0x0] =	vst.idx.add.s32.msk vm2, v2  }
0x4fc: {  	s20 =	simm.s32 $0xA0;
	s2 =	ssub.s32 s23, s2;
	s17 =	simm.s32 $0x0;
	v18 =	vshrl.u32 v10, $0x8;
	v10 =	vadd.s32 v0, v19;
	v17 =	vld [tilespmem:s24+$0xFFFFFFD0];
	vm2 =	veq.s32 v20, v5  }
.LBB2_54:
0x4fd: {  	v19 =	vld [tilespmem:s31+$0x10];
	s21 =	sand.u32 $0x1FFE0, s20;
	s17 =	sadd.s32 $0xA, s17;
	vm4 =	veq.s32 v18, v5;
	v11 =	vand.u32 $0xFF0, v11;
	v15 =	vand.u32 $0xFF0, v15  }
0x4fe: {  	v7 =	vshll.u32 v7, $0x4;
	v18 =	vld [tilespmem:s31+$0xFFFFFFC0];
	p0 =	slt.u32 s17, $0x1860;
	v11 =	vadd.s32 v0, v11;
	v15 =	vadd.s32 v0, v15  }
0x4ff: {  	vm3 =	veq.s32 v9, v5;
	vm5 =	veq.s32 v13, v5;
	v7 =	vand.u32 $0xFF0, v7;
	v20 =	vld [tilespmem:s31+$0xFFFFFFB0]  }
0x500: {  	v9 =	vshrl.u32 v8, $0x8;
	v13 =	vand.u32 $0xFF0, v14;
	v14 =	vadd.s32 v0, v7;
	v21 =	vld [tilespmem:s31+$0x20]  }
0x501: {  	v8 =	vshll.u32 v8, $0x4;
	v22 =	vshrl.u32 v17, $0x8;
	v7 =	vshll.u32 v17, $0x4;
	[tilespmem:v12+s18+$0x0] =	vst.idx.add.s32.msk vm1, v2  }
0x502: {  	v8 =	vand.u32 $0xFF0, v8;
	vm1 =	veq.s32 v16, v5;
	v12 =	vld [tilespmem:s31+$0x0];
	v17 =	vand.u32 $0xFF0, v7  }
0x503: {  	[tilespmem:v15+s18+$0x0] =	vst.idx.add.s32.msk vm2, v2;
	vm2 =	vmmov vm0  }
0x504: {  	vm0 =	veq.s32 v9, v5;
	v15 =	vadd.s32 v0, v8;
	v7 =	vld [tilespmem:s31+$0x40]  }
0x505: {  	v13 =	vadd.s32 v0, v13;
	v16 =	vshll.u32 v19, $0x4;
	v9 =	vshrl.u32 v19, $0x8;
	v8 =	vld [tilespmem:s31+$0xFFFFFFE0]  }
0x506: {  	vm7 =	veq.s32 v22, v5;
	vm6 =	veq.s32 v9, v5;
	v9 =	vand.u32 $0xFF0, v16;
	v19 =	vld [tilespmem:s31+$0xFFFFFFF0]  }
0x507: {  	v17 =	vadd.s32 v0, v17;
	v16 =	vld [tilespmem:s21+$0x80]  }
0x508: {  	v22 =	vadd.s32 v0, v9;
	[tilespmem:v10+s18+$0x0] =	vst.idx.add.s32.msk vm1, v2  }
0x509: {  	v9 =	vshrl.u32 v21, $0x8;
	[tilespmem:v11+s18+$0x0] =	vst.idx.add.s32.msk vm4, v2  }
0x50a: {  	v23 =	vshrl.u32 v12, $0x8;
	v10 =	vshrl.u32 v18, $0x8;
	v11 =	vshll.u32 v20, $0x4;
	[tilespmem:v15+s18+$0x0] =	vst.idx.add.s32.msk vm0, v2  }
0x50b: {  	vm0 =	veq.s32 v10, v5;
	v10 =	vshll.u32 v18, $0x4;
	v15 =	vshll.u32 v19, $0x4;
	[tilespmem:v14+s18+$0x0] =	vst.idx.add.s32.msk vm5, v2  }
.Ltmp26:
0x50c: {  	v12 =	vshll.u32 v12, $0x4;
	vm1 =	veq.s32 v23, v5;
	v18 =	vshll.u32 v16, $0x4;
	[tilespmem:v13+s18+$0x0] =	vst.idx.add.s32.msk vm3, v2;
	(pc) =	sbr.rel @p0 .LBB2_54-.Ltmp26, $4  }
0x50d: {  	v12 =	vand.u32 $0xFF0, v12;
	v10 =	vand.u32 $0xFF0, v10;
	v13 =	vshrl.u32 v7, $0x8;
	[tilespmem:v17+s18+$0x0] =	vst.idx.add.s32.msk vm7, v2  }
0x50e: {  	v19 =	vshrl.u32 v19, $0x8;
	v14 =	vshll.u32 v21, $0x4;
	[tilespmem:v6+s18+$0x0] =	vst.idx.add.s32.msk vm2, v2;
	v6 =	vadd.s32 v0, v10  }
0x50f: {  	s21 =	simm.s32 $0x196F0;
	v12 =	vadd.s32 v0, v12;
	v16 =	vshrl.u32 v16, $0x8;
	v10 =	vand.u32 $0xFF0, v18;
	[tilespmem:v22+s18+$0x0] =	vst.idx.add.s32.msk vm6, v2  }
0x510: {  	s20 =	sadd.s32 $0xA0, s20;
	s23 =	simm.s32 $0xFF;
	v18 =	vshrl.u32 v20, $0x8;
	vm2 =	veq.s32 v19, v5;
	v10 =	vadd.s32 v0, v10;
	v17 =	vld [tilespmem:s31+$0xFFFFFFD0];
	s31 =	sadd.s32 $0xA0, s31  }
0x511: {  	v11 =	vand.u32 $0xFF0, v11;
	v15 =	vand.u32 $0xFF0, v15  }
0x512: {  	vm3 =	veq.s32 v18, v5;
	vm4 =	veq.s32 v16, v5;
	v15 =	vadd.s32 v0, v15  }
0x513: {  	v7 =	vshll.u32 v7, $0x4;
	vm5 =	veq.s32 v9, v5;
	v59 =	vshrl.u32 v8, $0x8  }
0x514: {  	v60 =	vshll.u32 v8, $0x4;
	v61 =	vand.u32 $0xFF0, v14;
	v11 =	vadd.s32 v0, v11  }
0x515: {  	vm6 =	veq.s32 v13, v5;
	vm0 =	vmmov vm0;
	v9 =	vadd.s32 v0, v61  }
0x516: {  	[tilespmem:v12+s18+$0x0] =	vst.idx.add.s32.msk vm1, v2;
	v8 =	vand.u32 $0xFF0, v60;
	vm7 =	veq.s32 v59, v5;
	v7 =	vand.u32 $0xFF0, v7  }
0x517: {  	v8 =	vadd.s32 v0, v8;
	v62 =	vshrl.u32 v17, $0x8;
	v63 =	vshll.u32 v17, $0x4;
	[tilespmem:v15+s18+$0x0] =	vst.idx.add.s32.msk vm2, v2  }
0x518: {  	v7 =	vadd.s32 v0, v7;
	v13 =	vand.u32 $0xFF0, v63;
	vm15 =	veq.s32 v62, v5;
	[tilespmem:v10+s18+$0x0] =	vst.idx.add.s32.msk vm4, v2  }
0x519: {  	v5 =	vadd.s32 v0, v13;
	[tilespmem:v11+s18+$0x0] =	vst.idx.add.s32.msk vm3, v2  }
0x51a: {  	[tilespmem:v9+s18+$0x0] =	vst.idx.add.s32.msk vm5, v2  }
0x51b: {  	[tilespmem:v6+s18+$0x0] =	vst.idx.add.s32.msk vm0, v2  }
0x51c: {  	[tilespmem:v8+s18+$0x0] =	vst.idx.add.s32.msk vm7, v2  }
0x51d: {  	[tilespmem:v7+s18+$0x0] =	vst.idx.add.s32.msk vm6, v2  }
0x51e: {  	[tilespmem:v5+s18+$0x0] =	vst.idx.add.s32.msk vm15, v2  }
0x51f: {  	v5 =	vld [tilespmem:s21+$0x0];
	_ =	sdelay $0x4  }
0x520: {  	v5 =	vcvt.s32.f32 v5;
	_ =	sdelay $0x1  }
0x521: {  	(xrf2) =	vadd.scan.msk.f32 $0xffff, v5;
	_ =	sdelay $0x9  }
0x522: {  	s17 =	simm.s32 $0x196E0;
	[tilespmem:s21+$0x0] =	vst v1;
	v5, _, _ =	vpop (xrf2)  }
0x523: {  	(v2sf) =	vpush v5, $0xF;
	v5 =	vld [tilespmem:s17+$0x0];
	_ =	sdelay $0x4  }
0x524: {  	v5 =	vcvt.s32.f32 v5;
	_ =	sdelay $0x1  }
0x525: {  	(xrf2) =	vadd.scan.msk.f32 $0xffff, v5  }
0x526: {  	s26 =	simm.s32 $0x196D0;
	[tilespmem:s17+$0x0] =	vst v1  }
0x527: {  	v6 =	vld [tilespmem:s26+$0x0];
	_ =	sdelay $0x4  }
0x528: {  	v6 =	vcvt.s32.f32 v6;
	_ =	sdelay $0x1  }
0x529: {  	(xrf2) =	vadd.scan.msk.f32 $0xffff, v6  }
0x52a: {  	v7, _, _ =	vpop (xrf2)  }
0x52b: {  	s28 =	simm.s32 $0x196C0;
	[tilespmem:s26+$0x0] =	vst v1;
	s20 =	spop (v2sf);
	(v2sf) =	vpush v7, $0xF  }
0x52c: {  	v5 =	vld [tilespmem:s28+$0x0];
	_ =	sdelay $0x4  }
0x52d: {  	v5 =	vcvt.s32.f32 v5;
	s20 =	scvt.f32.s32 s20  }
0x52e: {  	s24 =	simm.s32 $0x196B0;
	[tilespmem:s28+$0x0] =	vst v1  }
0x52f: {  	s22 =	simm.s32 $0xFE;
	v6 =	vld [tilespmem:s24+$0x0];
	(xrf2) =	vadd.scan.msk.f32 $0xffff, v5;
	s25 =	sadd.s32 $0x0, s20;
	v7, _, _ =	vpop (xrf2)  }
0x530: {  	p0 =	por $0x1, $0x1;
	s31 =	simm.s32 $0xFC;
	p1 =	sge.s32 s25, s2;
	(v2sf) =	vpush v7, $0xF  }
0x531: {  	s21 =	simm.s32 $0xFD;
	s17 =	simm.s32 $0xFFFFFFFF;
	p1 =	por !p0, !p1  }
0x532: {  	s26 =	simm.s32 $0x0;
	s20 =	simm.s32 $0xFB;
	p2 =	por !p1, !p1  }
0x533: {  	s17 =	smov.u32 @p2 s23;
	s26 =	simm.s32 @!p2 $0x0;
	p1 =	por !p2, !p2  }
0x534: {  	[tilespmem:s24+$0x0] =	vst v1;
	v5 =	vcvt.s32.f32 v6;
	s23 =	simm.s32 $0xFA;
	s2 =	ssub.s32 s2, s26;
	p1 =	por @!p0 p2, p2  }
.LBB2_56:
0x535: {  	p0 =	sne.s32 s23, $0x0  }
0x536: {  	s26 =	spop (v2sf);
	s15 =	smov.u32 @p1 s25;
	s28 =	smov.u32 s21  }
0x537: {  	s21 =	smov.u32 s31;
	s31 =	smov.u32 s20;
	s25 =	scvt.f32.s32 s26  }
0x538: {  	s20 =	smov.u32 s23;
	s23 =	sadd.s32 $0xFFFFFFFF, s23;
	(xrf2) =	vadd.scan.msk.f32 $0xffff, v5  }
0x539: {  	s24 =	sadd.s32 $0xFFFFFFF0, s24;
	v5, _, _ =	vpop (xrf2);
	s25 =	sadd.s32 s25, s15  }
0x53a: {  	p2 =	slt.s32 s17, $0x0;
	v6 =	vld [tilespmem:s24+$0x0];
	(v2sf) =	vpush v5, $0xF;
	p1 =	sge.s32 s25, s2  }
.Ltmp27:
0x53b: {  	[tilespmem:s24+$0x0] =	vst v1;
	p1 =	por !p2, !p1;
	(pc) =	sbr.rel @p0 .LBB2_56-.Ltmp27, $4  }
0x53c: {  	p3 =	por !p1, !p1  }
0x53d: {  	s17 =	smov.u32 @p3 s22;
	s22 =	smov.u32 s15  }
0x53e: {  	p1 =	por !p3, !p3;
	s22 =	simm.s32 @!p3 $0x0  }
0x53f: {  	v5 =	vcvt.s32.f32 v6;
	p1 =	por @!p2 p3, p3;
	s2 =	ssub.s32 s2, s22;
	s22 =	smov.u32 s28  }
0x540: {  	_ = 	snop  }
0x541: {  	(xrf2) =	vadd.scan.msk.f32 $0xffff, v5;
	_ =	sdelay $0x2  }
0x542: {  	v5, _, _ =	vpop (xrf2)  }
0x543: {  	(v2sf) =	vpush v5, $0xF  }
0x544: {  	s23 =	spop (v2sf)  }
0x545: {  	s23 =	scvt.f32.s32 s23  }
0x546: {  	s15 =	smov.u32 @p1 s25  }
0x547: {  	s23 =	sadd.s32 s23, s15  }
0x548: {  	p0 =	slt.s32 s17, $0x0;
	p2 =	sge.s32 s23, s2  }
0x549: {  	p1 =	por !p0, !p2;
	v5, _, _ =	vpop (xrf2)  }
0x54a: {  	p1 =	por !p1, !p1;
	(v2sf) =	vpush v5, $0xF  }
0x54b: {  	p2 =	por !p1, !p1;
	s24 =	spop (v2sf)  }
0x54c: {  	s25 =	smov.u32 s15;
	p2 =	por @!p0 p1, p1;
	s24 =	scvt.f32.s32 s24  }
0x54d: {  	s25 =	simm.s32 @!p1 $0x0;
	s15 =	smov.u32 @p2 s23  }
0x54e: {  	s17 =	smov.u32 @p1 s22;
	s28 =	ssub.s32 s2, s25;
	s22 =	sadd.s32 s24, s15  }
0x54f: {  	p0 =	slt.s32 s17, $0x0;
	p3 =	sge.s32 s22, s28  }
0x550: {  	p1 =	por !p0, !p3  }
0x551: {  	p1 =	por !p1, !p1  }
0x552: {  	p2 =	por !p1, !p1;
	s25 =	spop (v2sf)  }
0x553: {  	s24 =	smov.u32 s15;
	p2 =	por @!p0 p1, p1;
	s23 =	scvt.f32.s32 s25  }
0x554: {  	s24 =	simm.s32 @!p1 $0x0;
	s15 =	smov.u32 @p2 s22  }
0x555: {  	s17 =	smov.u32 @p1 s21;
	s2 =	ssub.s32 s28, s24;
	s21 =	sadd.s32 s23, s15  }
0x556: {  	p0 =	slt.s32 s17, $0x0;
	p4 =	sge.s32 s21, s2  }
0x557: {  	s28 =	simm.s32 $0x50;
	p1 =	por !p0, !p4  }
0x558: {  	v10 =	vld [tilespmem:s28+$0xFFFFFFC0];
	p1 =	por !p1, !p1  }
0x559: {  	(xrf0) =	vmax.scan.msk.f32 $0xffff, v4;
	v13 =	vld [tilespmem:s28+$0xFFFFFFB0];
	p2 =	por !p1, !p1;
	s26 =	spop (v2sf)  }
0x55a: {  	v7 =	vld [tilespmem:s28+$0x20];
	s23 =	smov.u32 s15;
	p2 =	por @!p0 p1, p1;
	s22 =	scvt.f32.s32 s26  }
0x55b: {  	v9 =	vld [tilespmem:s28+$0xFFFFFFE0];
	s23 =	simm.s32 @!p1 $0x0;
	s15 =	smov.u32 @p2 s21  }
0x55c: {  	v12 =	vld [tilespmem:s28+$0xFFFFFFD0];
	s17 =	smov.u32 @p1 s31;
	s2 =	ssub.s32 s2, s23;
	s15 =	sadd.s32 s22, s15  }
0x55d: {  	p5 =	slt.s32 s17, $0x0;
	p6 =	sge.s32 s15, s2  }
0x55e: {  	p0 =	por !p5, !p6  }
0x55f: {  	v4, _, _ =	vpop (xrf0);
	p0 =	por !p0, !p0  }
0x560: {  	s0 =	sshll.u32 s0, $0x8;
	v4 =	vbroadcast v4, $0xF;
	v11 =	vld [tilespmem:s28+$0xFFFFFFF0];
	vm3 =	vgt.s32 v13, $0xFFFFFFFF;
	vm4 =	vgt.s32 v10, $0xFFFFFFFF;
	s17 =	smov.u32 @p0 s20  }
0x561: {  	v8 =	vld [tilespmem:s28+$0x10];
	vm5 =	vgt.s32 v7, $0xFFFFFFFF;
	vm12 =	vgt.s32 v9, $0xFFFFFFFF;
	vm6 =	vgt.s32 v12, $0xFFFFFFFF;
	s0 =	sor.u32 s0, s17  }
0x562: {  	v15 =	vsel vm3, $0xFFFFFFFF, v3;
	v16 =	vsel vm4, $0xFFFFFFFF, v3;
	v6 =	vmov s0  }
0x563: {  	s2 =	simm.s32 $0x0;
	vm0 =	vlt.u32 v10, v6;
	vm1 =	vlt.u32 v13, v6;
	v13 =	vxor.u32 v13, v15  }
0x564: {  	s31 =	sand.u32 $0x1FFE0, s2;
	v10 =	vxor.u32 v10, v16;
	v16 =	vsel vm6, $0xFFFFFFFF, v3;
	v15 =	vsub.f32 v13, v4;
	v13 =	vld [tilespmem:s28+$0x0]  }
0x565: {  	vm13 =	vgt.s32 v11, $0xFFFFFFFF;
	v17 =	vsub.f32 v10, v4;
	v10 =	vld [tilespmem:s31+$0x80];
	v16 =	vxor.u32 v12, v16  }
0x566: {  	vm3 =	vgt.s32 v8, $0xFFFFFFFF;
	v16 =	vsub.f32 v16, v4;
	v15 =	vmul.f32 $1.442695020e+00, v15  }
0x567: {  	v18 =	vsel vm12, $0xFFFFFFFF, v3;
	v19 =	vsel vm5, $0xFFFFFFFF, v3;
	v17 =	vmul.f32 $1.442695020e+00, v17  }
0x568: {  	v16 =	vmul.f32 $1.442695020e+00, v16;
	(erf) = vpow2.f32 v15;
	v15 =	vxor.u32 v9, v18  }
0x569: {  	v18 =	vsel vm13, $0xFFFFFFFF, v3;
	vm14 =	vgt.s32 v13, $0xFFFFFFFF;
	v15 =	vsub.f32 v15, v4  }
0x56a: {  	v5 =	vld [tilespmem:s28+$0x40];
	(erf) = vpow2.f32 v17;
	v17 =	vxor.u32 v11, v18;
	vm15 =	vgt.s32 v10, $0xFFFFFFFF  }
0x56b: {  	v18 =	vsel vm14, $0xFFFFFFFF, v3;
	v17 =	vsub.f32 v17, v4;
	v15 =	vmul.f32 $1.442695020e+00, v15  }
0x56c: {  	(erf) = vpow2.f32 v16;
	v16 =	vxor.u32 v13, v18;
	v18 =	vsel vm3, $0xFFFFFFFF, v3  }
0x56d: {  	v17 =	vmul.f32 $1.442695020e+00, v17;
	v16 =	vsub.f32 v16, v4;
	(erf) = vpow2.f32 v15  }
0x56e: {  	v15 =	vxor.u32 v8, v18;
	v18 =	vxor.u32 v7, v19;
	v19 =	vsel vm15, $0xFFFFFFFF, v3  }
0x56f: {  	v14 =	vimm.f32 $0.0e+00;
	vm2 =	vgt.s32 v5, $0xFFFFFFFF  }
0x570: {  	v20 =	vmul.f32 $1.442695020e+00, v16;
	v16 =	vsub.f32 v15, v4;
	(erf) = vpow2.f32 v17  }
0x571: {  	v15 =	vsub.f32 v18, v4;
	v17 =	vxor.u32 v10, v19;
	v18 =	vsel vm2, $0xFFFFFFFF, v3;
	v19 =	vpop (erf)  }
0x572: {  	s15 =	simm.s32 $0x0;
	s17 =	simm.s32 $0xF0;
	v16 =	vmul.f32 $1.442695020e+00, v16;
	(erf) = vpow2.f32 v20;
	v19 =	vsel vm1, $0x0, v19  }
.LBB2_58:
0x573: {  	v20 =	vld [tilespmem:s17+$0x40];
	v14 =	vadd.f32 v19, v14;
	v17 =	vsub.f32 v17, v4;
	v22 =	vxor.u32 v5, v18;
	v19 =	vpop (erf)  }
0x574: {  	v15 =	vmul.f32 $1.442695020e+00, v15;
	v21 =	vld [tilespmem:s17+$0x20];
	v19 =	vsel vm0, $0x0, v19;
	(erf) = vpow2.f32 v16  }
0x575: {  	vm0 =	vlt.u32 v12, v6;
	v12 =	vsub.f32 v22, v4;
	v16 =	vld [tilespmem:s17+$0x10];
	v14 =	vadd.f32 v19, v14;
	v18 =	vpop (erf)  }
0x576: {  	v17 =	vmul.f32 $1.442695020e+00, v17;
	v19 =	vld [tilespmem:s17+$0xFFFFFFC0];
	v18 =	vsel vm0, $0x0, v18;
	(erf) = vpow2.f32 v15  }
0x577: {  	vm3 =	vlt.u32 v5, v6;
	vm0 =	vlt.u32 v9, v6;
	v15 =	vld [tilespmem:s17+$0xFFFFFFB0];
	v14 =	vadd.f32 v18, v14;
	v5 =	vpop (erf)  }
0x578: {  	v23 =	vmul.f32 $1.442695020e+00, v12;
	v18 =	vld [tilespmem:s17+$0xFFFFFFF0];
	v22 =	vsel vm0, $0x0, v5;
	(erf) = vpow2.f32 v17;
	v5 =	vmovc v20  }
0x579: {  	vm7 =	vlt.u32 v7, v6;
	vm0 =	vlt.u32 v11, v6;
	v9 =	vld [tilespmem:s17+$0xFFFFFFE0];
	v14 =	vadd.f32 v22, v14;
	v7 =	vpop (erf)  }
0x57a: {  	s15 =	sadd.s32 $0xA, s15;
	vm9 =	vlt.u32 v8, v6;
	v12 =	vld [tilespmem:s17+$0xFFFFFFD0];
	v11 =	vsel vm0, $0x0, v7;
	(erf) = vpow2.f32 v23;
	v7 =	vmovc v21;
	v8 =	vmovc v16  }
0x57b: {  	vm4 =	vlt.u32 v13, v6;
	p0 =	slt.u32 s15, $0x1860;
	vm0 =	vlt.u32 v19, v6;
	v14 =	vadd.f32 v11, v14;
	v13 =	vpop (erf)  }
0x57c: {  	vm2 =	vgt.s32 v5, $0xFFFFFFFF;
	vm1 =	vlt.u32 v15, v6;
	v13 =	vsel vm4, $0x0, v13  }
0x57d: {  	vm5 =	vgt.s32 v7, $0xFFFFFFFF;
	vm4 =	vgt.s32 v8, $0xFFFFFFFF;
	v13 =	vadd.f32 v13, v14;
	v11 =	vpop (erf)  }
0x57e: {  	vm6 =	vgt.s32 v18, $0xFFFFFFFF;
	vm8 =	vgt.s32 v9, $0xFFFFFFFF;
	v16 =	vsel vm9, $0x0, v11;
	v11 =	vmovc v18  }
0x57f: {  	vm9 =	vgt.s32 v15, $0xFFFFFFFF;
	vm10 =	vgt.s32 v12, $0xFFFFFFFF;
	v13 =	vadd.f32 v16, v13;
	v14 =	vpop (erf)  }
0x580: {  	v16 =	vsel vm9, $0xFFFFFFFF, v3;
	vm9 =	vgt.s32 v19, $0xFFFFFFFF;
	v14 =	vsel vm7, $0x0, v14  }
0x581: {  	v15 =	vxor.u32 v15, v16;
	vm7 =	vlt.u32 v10, v6;
	v14 =	vadd.f32 v14, v13;
	v10 =	vpop (erf)  }
0x582: {  	s2 =	sadd.s32 $0xA0, s2;
	v16 =	vsel vm9, $0xFFFFFFFF, v3;
	v15 =	vsub.f32 v15, v4;
	v13 =	vld [tilespmem:s17+$0x0];
	v10 =	vsel vm7, $0x0, v10  }
0x583: {  	s20 =	sand.u32 $0x1FFE0, s2;
	v17 =	vsel vm10, $0xFFFFFFFF, v3;
	v16 =	vxor.u32 v19, v16;
	v14 =	vadd.f32 v10, v14;
	v18 =	vpop (erf)  }
0x584: {  	v16 =	vsub.f32 v16, v4;
	v15 =	vmul.f32 $1.442695020e+00, v15;
	v10 =	vld [tilespmem:s20+$0x80];
	v18 =	vsel vm3, $0x0, v18  }
0x585: {  	v17 =	vxor.u32 v12, v17;
	v19 =	vsel vm8, $0xFFFFFFFF, v3;
	v14 =	vadd.f32 v18, v14  }
0x586: {  	v17 =	vsub.f32 v17, v4;
	v16 =	vmul.f32 $1.442695020e+00, v16;
	(erf) = vpow2.f32 v15  }
0x587: {  	v18 =	vsel vm6, $0xFFFFFFFF, v3;
	v15 =	vxor.u32 v9, v19;
	vm3 =	vgt.s32 v13, $0xFFFFFFFF  }
0x588: {  	v17 =	vmul.f32 $1.442695020e+00, v17;
	v15 =	vsub.f32 v15, v4;
	(erf) = vpow2.f32 v16  }
0x589: {  	v16 =	vxor.u32 v11, v18;
	v18 =	vsel vm3, $0xFFFFFFFF, v3;
	vm3 =	vgt.s32 v10, $0xFFFFFFFF  }
0x58a: {  	v15 =	vmul.f32 $1.442695020e+00, v15;
	v16 =	vsub.f32 v16, v4;
	(erf) = vpow2.f32 v17  }
0x58b: {  	v19 =	vsel vm5, $0xFFFFFFFF, v3;
	v17 =	vxor.u32 v13, v18;
	v18 =	vsel vm4, $0xFFFFFFFF, v3  }
.Ltmp28:
0x58c: {  	v22 =	vmul.f32 $1.442695020e+00, v16;
	v17 =	vsub.f32 v17, v4;
	(erf) = vpow2.f32 v15;
	(pc) =	sbr.rel @p0 .LBB2_58-.Ltmp28, $4  }
0x58d: {  	v15 =	vxor.u32 v8, v18;
	v18 =	vxor.u32 v7, v19;
	v19 =	vsel vm3, $0xFFFFFFFF, v3  }
0x58e: {  	v20 =	vmul.f32 $1.442695020e+00, v17;
	v21 =	vsub.f32 v15, v4;
	(erf) = vpow2.f32 v22  }
0x58f: {  	v15 =	vsub.f32 v18, v4;
	v17 =	vxor.u32 v10, v19;
	v18 =	vsel vm2, $0xFFFFFFFF, v3;
	v16 =	vpop (erf)  }
0x590: {  	s17 =	sadd.s32 $0xA0, s17;
	v19 =	vsel vm1, $0x0, v16;
	v16 =	vmul.f32 $1.442695020e+00, v21;
	(erf) = vpow2.f32 v20  }
0x591: {  	v14 =	vadd.f32 v19, v14;
	v17 =	vsub.f32 v17, v4;
	v18 =	vxor.u32 v5, v18;
	v51 =	vpop (erf)  }
0x592: {  	v15 =	vmul.f32 $1.442695020e+00, v15;
	v19 =	vsel vm0, $0x0, v51;
	(erf) = vpow2.f32 v16  }
0x593: {  	vm8 =	vlt.u32 v12, v6;
	v52 =	vsub.f32 v18, v4;
	v14 =	vadd.f32 v19, v14;
	v53 =	vpop (erf)  }
0x594: {  	v17 =	vmul.f32 $1.442695020e+00, v17;
	(erf) = vpow2.f32 v15;
	v16 =	vsel vm8, $0x0, v53  }
0x595: {  	vm9 =	vlt.u32 v9, v6;
	v14 =	vadd.f32 v16, v14;
	v54 =	vpop (erf)  }
0x596: {  	v12 =	vmul.f32 $1.442695020e+00, v52;
	(erf) = vpow2.f32 v17;
	v9 =	vsel vm9, $0x0, v54  }
0x597: {  	vm10 =	vlt.u32 v11, v6;
	v9 =	vadd.f32 v9, v14;
	v55 =	vpop (erf)  }
0x598: {  	(erf) = vpow2.f32 v12;
	v11 =	vsel vm10, $0x0, v55  }
0x599: {  	vm11 =	vlt.u32 v13, v6;
	v9 =	vadd.f32 v11, v9;
	v56 =	vpop (erf)  }
0x59a: {  	v11 =	vsel vm11, $0x0, v56  }
0x59b: {  	vm12 =	vlt.u32 v8, v6;
	v57 =	vadd.f32 v11, v9;
	v58 =	vpop (erf)  }
0x59c: {  	v9 =	vsel vm12, $0x0, v58  }
0x59d: {  	vm13 =	vlt.u32 v7, v6;
	v60 =	vpop (erf);
	v59 =	vadd.f32 v9, v57  }
0x59e: {  	v8 =	vsel vm13, $0x0, v60  }
0x59f: {  	vm14 =	vlt.u32 v10, v6;
	v61 =	vpop (erf);
	v7 =	vadd.f32 v8, v59  }
0x5a0: {  	v8 =	vsel vm14, $0x0, v61  }
0x5a1: {  	vm15 =	vlt.u32 v5, v6;
	v62 =	vpop (erf);
	v5 =	vadd.f32 v8, v7  }
0x5a2: {  	v6 =	vsel vm15, $0x0, v62  }
0x5a3: {  	v5 =	vadd.f32 v6, v5;
	_ =	sdelay $0x1  }
0x5a4: {  	(xrf2) =	vadd.scan.msk.f32 $0xffff, v5;
	_ =	sdelay $0x5  }
0x5a5: {  	p0 =	sgt.s32 s0, $0xFFFFFFFF;
	s2 =	simm.s32 $0xFFFFFFFF  }
0x5a6: {  	s2 =	simm.s32 @!p0 $0x80000000  }
0x5a7: {  	s28 =	sxor.u32 s0, s2  }
0x5a8: {  	v5 =	vmov s28  }
0x5a9: {  	v5 =	vbroadcast v5, $0x0;
	v63, _, _ =	vpop (xrf2)  }
0x5aa: {  	[tilespmem:$0x19710] =	vst v4;
	s30 =	sadd.s32 $0x1, s30;
	v6 =	vbroadcast v63, $0xF  }
0x5ab: {  	p0 =	sne.s32 s30, s14;
	[tilespmem:$0x19700] =	vst v5  }
.Ltmp29:
0x5ac: {  	s31 =	simm.s32 $0x19700;
	[tilespmem:$0x19720] =	vst v6;
	(pc) =	sbr.rel @p0 .LBB2_1-.Ltmp29, $4  }
0x5ad: {  	[hbm4b:s13+s1] =	stream.linear.scatter [tilespmem:s31], [sflag:$0x3], $0x30, $0x38;
	[tilespmem:$0x19780] =	vst v63  }
0x5ae: {  	_ =	swait.ge [sflag:s29], $0x30  }
0x5af: {  	[sflag:s29] =	ssyncset.done $0x0  }
0x5b0: {  	[sflag:s29] =	ssyncadd.s32 $0xFFFFFFD0  }
0x5b1: {  	_ =	sfence.sel $0x180000  }
0x5b2: {  	[bflag:$0x0] =	sbarrier.arrive $0xFFFF  }
0x5b3: {  	_ =	strace $0x90000047  }
0x5b4: {  	s0 =	stileid.u32;
	[bflag:$0x2] =	sbarrier.arrive $0xFFFF  }
0x5b5: {  	p0 =	sne.s32 s0, $0x0;
	s0 =	rddreg [dreg:$0x2]  }
0x5b6: {  	s0 =	sadd.s32 @!p0 $0x100000, s0  }
0x5b7: {  	[sflag:s0] =	ssyncadd.tile.s32 @!p0 $0x1;
	_ =	shalt  }
.Lfunc_end2:
_tile_overlayer_lowered:
.L_overlay_start_2:
0x5b8: {  	(tag) =	ssettag $0x2  }
0x5b9: {  	s0 =	rddreg [dreg:$0x0];
	s2 =	stileid.u32  }
0x5ba: {  	s1 =	rddreg [dreg:$0x1];
	p0 =	sne.s32 s2, $0x0  }
0x5bb: {  	s3 =	rddreg [dreg:$0x2];
	[bflag:$0x3] =	sbarrier.arrive $0xFFFF;
	s2 =	simm.s32 @!p0 $0x1C03  }
0x5bc: {  	[timem:s3], [sflag:s2] =	dma.local @!p0 [hbm:s0], s1  }
0x5bd: {  	s0 =	simm.s32 @!p0 $0x3  }
0x5be: {  	_ =	swait.ge @!p0 [sflag:s0], s1  }
0x5bf: {  	s1 =	ssub.s32 @!p0 $0x0, s1;
	[sflag:s0] =	ssyncset.done @!p0 $0x0  }
0x5c0: {  	[sflag:s0] =	ssyncadd.s32 @!p0 s1  }
0x5c1: {  	[bflag:$0x3] =	sbarrier.arrive $0xFFFF  }
0x5c2: {  	_ =	shalt  }

// kernel: kernel.7.cloned.1.call-start
scs
__scs_entry_jumppad:
0x0: {  	(pc) =	sbr.rel $0x88, $3  }
0x1: {  	(tag) =	ssettag $0x0;
	lr =	simm.s32 $0x1  }
0x2: {  	[smem:$0x3FA0] =	sst lr;
	_ =	strace $0xD0000000  }
0x3: {  	_ = 	snop  }
0x4: {  	_ = 	snop  }
0x5: {  	_ = 	snop  }
0x6: {  	_ = 	snop  }
0x7: {  	_ = 	snop  }
__scs_overlays_trampoline_lowered:
0x8: {  	[smem:$0x3FAF] =	sst s0  }
0x9: {  	[smem:$0x3FB0] =	sst s1  }
0xa: {  	[smem:$0x3FB1] =	sst s2  }
0xb: {  	[smem:$0x3FB2] =	sst s3  }
0xc: {  	[smem:$0x3FB3] =	sst s4  }
0xd: {  	[smem:$0x3FB4] =	sst s5  }
0xe: {  	[smem:$0x3FB5] =	sst s6  }
0xf: {  	[smem:$0x3FB6] =	sst s7  }
0x10: {  	[smem:$0x3FB7] =	sst s8  }
0x11: {  	[smem:$0x3FB8] =	sst s9;
	s0 =	simm.s32 @!p0 $0x0  }
0x12: {  	s1 =	sld [smem:$0x3F9E];
	s0 =	simm.s32 @p0 $0x1  }
0x13: {  	[smem:$0x3FB9] =	sst s0;
	s0 =	simm.s32 @!p1 $0x0  }
0x14: {  	s2 =	sld [smem:$0x3F9D];
	s0 =	simm.s32 @p1 $0x1  }
0x15: {  	[smem:$0x3FBA] =	sst s0;
	s0 =	simm.s32 @!p2 $0x0  }
0x16: {  	s3 =	sld [smem:$0x3FDB];
	s0 =	simm.s32 @p2 $0x1  }
0x17: {  	s4 =	simm.s32 $0x1BF5;
	[smem:$0x3FBC] =	sst s0  }
0x18: {  	s0 =	sld [smem:$0x3F9F];
	_ =	swait.ge [sflag:s4], $0x0  }
0x19: {  	s7 =	sld [smem:$0x3FA0]  }
0x1a: {  	s8 =	sadd.s32 $0xFFFFE003, lr  }
0x1b: {  	s9 =	sadd.s32 $0xFFFFFEF7, lr;
	s5 =	simm.s32 $0xFFFFFFFF;
	p2 =	slt.u32 s8, $0xFFFFF086  }
0x1c: {  	p1 =	slt.u32 s9, $0xF7A;
	s5 =	simm.s32 @!p2 $0x0  }
0x1d: {  	s5 =	simm.s32 @p1 $0x1;
	p0 =	seq.s32 s7, s2  }
0x1e: {  	s7 =	smul.u32 @!p0 $0xF7A, s2;
	p2 =	seq.s32 @!p0 s5, $0x0  }
0x1f: {  	s9 =	smul.u32 $0xF7A, s1;
	s8 =	simm.s32 @!p0 $0x1BF5;
	p2 =	por !p2, p0  }
0x20: {  	[sflag:s8] =	ssyncset.s32 @!p0 $0xFFFFF086;
	s6 =	sadd.s32 @!p0 s3, s7;
	s7 =	simm.s32 @!p0 $0x108  }
0x21: {  	s3 =	sadd.s32 s3, s9;
	s6 =	sadd.s32 @!p0 $0x88, s6;
	s7 =	simm.s32 @p2 $0x1082  }
0x22: {  	[simem:s7], [sflag:s8] =	dma.local @!p0 [hbm:s6], $0xF7A  }
0x23: {  	s9 =	sor.u32 $0xD0000000, s2;
	s6 =	simm.s32 $0x108;
	_ =	swait.ge @!p0 [sflag:s8], $0x0  }
0x24: {  	s3 =	sadd.s32 $0x88, s3;
	s6 =	simm.s32 @!p1 $0x1082;
	[sflag:s4] =	ssyncset.s32 $0xFFFFF086  }
0x25: {  	[simem:s6], [sflag:s4] =	dma.local [hbm:s3], $0xF7A  }
0x26: {  	[smem:$0x3FA0] =	sst s1;
	(tag) =	ssettag s2;
	_ =	strace s9  }
0x27: {  	s1 =	sld [smem:$0x3FB0]  }
0x28: {  	s2 =	sld [smem:$0x3FB1]  }
0x29: {  	s4 =	sld [smem:$0x3FB3]  }
0x2a: {  	p0 =	seq.s32 s5, $0x0;
	s5 =	sld [smem:$0x3FB4]  }
0x2b: {  	s6 =	sld [smem:$0x3FB5]  }
0x2c: {  	s7 =	sld [smem:$0x3FB6]  }
0x2d: {  	s3 =	simm.s32 $0x108;
	s8 =	sld [smem:$0x3FB7]  }
0x2e: {  	s3 =	simm.s32 @!p0 $0x1082;
	s9 =	sld [smem:$0x3FB8]  }
0x2f: {  	lr =	sadd.s32 s0, s3;
	s0 =	sld [smem:$0x3FAF]  }
0x30: {  	s3 =	sld [smem:$0x3FB2]  }
0x31: {  	[smem:$0x3FBB] =	sst s10  }
0x32: {  	s10 =	sld [smem:$0x3FB9];
	_ =	sdelay $0x3  }
0x33: {  	p0 =	seq.s32 s10, $0x1;
	s10 =	sld [smem:$0x3FBB];
	_ =	sdelay $0x3  }
0x34: {  	[smem:$0x3FBB] =	sst s10  }
0x35: {  	s10 =	sld [smem:$0x3FBA];
	_ =	sdelay $0x3  }
0x36: {  	p1 =	seq.s32 s10, $0x1;
	s10 =	sld [smem:$0x3FBB];
	_ =	sdelay $0x3  }
0x37: {  	[smem:$0x3FBB] =	sst s10  }
0x38: {  	s10 =	sld [smem:$0x3FBC]  }
0x39: {  	_ = 	snop;
	(pc) =	sbr.ind lr, $3  }
0x3a: {  	_ = 	snop  }
0x3b: {  	_ = 	snop  }
0x3c: {  	p2 =	seq.s32 s10, $0x1;
	s10 =	sld [smem:$0x3FBB]  }
0x3d: {  	_ =	shalt  }
0x3e: {  	_ =	shalt  }
0x3f: {  	_ =	shalt  }
0x40: {  	_ =	shalt  }
0x41: {  	_ =	shalt  }
0x42: {  	_ =	shalt  }
0x43: {  	_ =	shalt  }
0x44: {  	_ =	shalt  }
0x45: {  	_ =	shalt  }
0x46: {  	_ =	shalt  }
0x47: {  	_ =	shalt  }
0x48: {  	_ =	shalt  }
0x49: {  	_ =	shalt  }
0x4a: {  	_ =	shalt  }
0x4b: {  	_ =	shalt  }
0x4c: {  	_ =	shalt  }
0x4d: {  	_ =	shalt  }
0x4e: {  	_ =	shalt  }
0x4f: {  	_ =	shalt  }
0x50: {  	_ =	shalt  }
0x51: {  	_ =	shalt  }
0x52: {  	_ =	shalt  }
0x53: {  	_ =	shalt  }
0x54: {  	_ =	shalt  }
0x55: {  	_ =	shalt  }
0x56: {  	_ =	shalt  }
0x57: {  	_ =	shalt  }
0x58: {  	_ =	shalt  }
0x59: {  	_ =	shalt  }
0x5a: {  	_ =	shalt  }
0x5b: {  	_ =	shalt  }
0x5c: {  	_ =	shalt  }
0x5d: {  	_ =	shalt  }
0x5e: {  	_ =	shalt  }
0x5f: {  	_ =	shalt  }
0x60: {  	_ =	shalt  }
0x61: {  	_ =	shalt  }
0x62: {  	_ =	shalt  }
0x63: {  	_ =	shalt  }
0x64: {  	_ =	shalt  }
0x65: {  	_ =	shalt  }
0x66: {  	_ =	shalt  }
0x67: {  	_ =	shalt  }
0x68: {  	_ =	shalt  }
0x69: {  	_ =	shalt  }
0x6a: {  	_ =	shalt  }
0x6b: {  	_ =	shalt  }
0x6c: {  	_ =	shalt  }
0x6d: {  	_ =	shalt  }
0x6e: {  	_ =	shalt  }
0x6f: {  	_ =	shalt  }
0x70: {  	_ =	shalt  }
0x71: {  	_ =	shalt  }
0x72: {  	_ =	shalt  }
0x73: {  	_ =	shalt  }
0x74: {  	_ =	shalt  }
0x75: {  	_ =	shalt  }
0x76: {  	_ =	shalt  }
0x77: {  	_ =	shalt  }
0x78: {  	_ =	shalt  }
0x79: {  	_ =	shalt  }
0x7a: {  	_ =	shalt  }
0x7b: {  	_ =	shalt  }
0x7c: {  	_ =	shalt  }
0x7d: {  	_ =	shalt  }
0x7e: {  	_ =	shalt  }
0x7f: {  	_ =	shalt  }
0x80: {  	_ =	shalt  }
0x81: {  	_ =	shalt  }
0x82: {  	_ =	shalt  }
0x83: {  	_ =	shalt  }
0x84: {  	_ =	shalt  }
0x85: {  	_ =	shalt  }
0x86: {  	_ =	shalt  }
0x87: {  	_ =	shalt  }
.Lfunc_end0:
.L_simem_size_0:
called_computation.1_lowered:
.L_overlay_start_0:
0x88: {  	s2 =	sld [smem:$0x3FD9]  }
0x89: {  	s3 =	sld [smem:$0x3FFE];
	_ =	sdelay $0x1  }
0x8a: {  	s1 =	srdreg.scid  }
0x8b: {  	s0 =	sand.u32 $0x1, s1  }
0x8c: {  	s14 =	sshll.u32 s0, $0xA;
	s2 =	sadd.s32 s3, s2  }
0x8d: {  	s2 =	sadd.s32 s2, s14  }
0x8e: {  	[smem:$0x3FC7] =	sst s2  }
0x8f: {  	_ = 	snop  }
0x90: {  	s2 =	sld [smem:$0x3FD0];
	_ =	sdelay $0x2  }
0x91: {  	s15 =	simm.s32 $0xA;
	s4 =	simm.s32 $0x10  }
0x92: {  	[smem:s4], [sflag:s15] =	dma.local [hbm:s2], $0x1  }
0x93: {  	_ =	swait.eq [sflag:s15], $0x1  }
0x94: {  	[sflag:s15] =	ssyncset.done $0x0  }
0x95: {  	[sflag:s15] =	ssyncadd.s32 $0xFFFFFFFF  }
0x96: {  	s16 =	sld [smem:$0x10];
	(tm) =	ssettm $0x1  }
0x97: {  	s17 =	sld [smem:$0x3FFB];
	_ =	sdelay $0x3  }
0x98: {  	_ =	strace s17  }
0x99: {  	s3 =	sld [smem:$0x3FFC];
	_ =	sdelay $0x3  }
0x9a: {  	_ =	strace s3  }
0x9b: {  	s3 =	sld [smem:$0x3FFD];
	_ =	sdelay $0x3  }
0x9c: {  	_ =	strace s3  }
0x9d: {  	_ =	strace $0x8FFFFFFF  }
0x9e: {  	s18 =	sld [smem:$0x3FDB];
	_ =	sdelay $0x1  }
0x9f: {  	s19 =	simm.s32 $_scs_section_size  }
0xa0: {  	s5 =	simm.s32 $_size__tile_overlayer_lowered;
	s6 =	simm.s32 $_tile_overlayer_lowered  }
0xa1: {  	s22 =	simm.s32 $0x1BFF;
	s21 =	sshll.u32 s6, $0x1;
	s3 =	sadd.s32 s19, s18  }
0xa2: {  	s7 =	simm.s32 $0x0;
	s20 =	sshll.u32 s5, $0x1;
	s5 =	sadd.s32 s21, s3  }
0xa3: {  	[timem:s7], [sflag:s22] =	dma.local [hbm:s5], s20  }
0xa4: {  	_ =	swait.ge [sflag:s22], s20  }
0xa5: {  	s4 =	ssub.s32 $0x0, s20;
	[sflag:s22] =	ssyncset.done $0x0  }
0xa6: {  	[sflag:s22] =	ssyncadd.s32 s4;
	_ =	sdelay $0x1  }
0xa7: {  	s23 =	simm.s32 $0x1B8B  }
0xa8: {  	_ =	swait.ge [sflag:s23], $0x1  }
0xa9: {  	[sflag:s23] =	ssyncset.done $0x0  }
0xaa: {  	s25 =	simm.s32 $0x1B8E;
	s24 =	sld [smem:$0x3FFE];
	[sflag:s23] =	ssyncadd.s32 $0xFFFFFFFF  }
0xab: {  	s26 =	simm.s32 $execute0_lowered;
	[smem:$0x3FD2] =	sst s25  }
0xac: {  	s5 =	sshll.u32 s26, $0x1;
	_ =	strace $0x80000049;
	[dreg:$0x1] =	wrdreg $0xFFFFFFFF  }
0xad: {  	s28 =	simm.s32 $_size_execute0_lowered;
	s3 =	sadd.s32 s3, s5;
	[dreg:$0x0] =	wrdreg $0x0  }
0xae: {  	s5 =	sshll.u32 s28, $0x1;
	[dreg:$0x2] =	wrdreg s3  }
0xaf: {  	[dreg:$0x3] =	wrdreg s5  }
0xb0: {  	[dreg:$0x4] =	wrdreg $0xC0  }
0xb1: {  	_ =	task [dreg:s7], $0x5FFFF  }
0xb2: {  	[dreg:$0x1] =	wrdreg $0xFFFFFFFF  }
0xb3: {  	[dreg:$0x0] =	wrdreg $0x60  }
0xb4: {  	[dreg:$0x2] =	wrdreg s16  }
0xb5: {  	[dreg:$0x3] =	wrdreg s24  }
0xb6: {  	[dreg:$0x4] =	wrdreg $0x9  }
0xb7: {  	_ =	task.clear_ibuf [dreg:s7], $0x5FFFF;
	_ =	strace $0x90000049  }
0xb8: {  	s29 =	simm.s32 $0x9;
	_ =	strace $0x8000004B  }
0xb9: {  	_ =	swait.ge [sflag:s29], $0x1  }
0xba: {  	[sflag:s29] =	ssyncadd.s32 $0xFFFFFFFF  }
0xbb: {  	_ =	strace $0x9000004B  }
0xbc: {  	_ =	sfence  }
0xbd: {  	s30 =	sld [smem:$0x0];
	_ =	sdelay $0x2  }
0xbe: {  	s31 =	sshll.u32 s1, $0xD;
	s1 =	sshrl.u32 s1, $0x2  }
0xbf: {  	s3 =	sand.u32 $0x4000, s31;
	s1 =	sadd.s32 s1, s30  }
0xc0: {  	s0 =	sor.u32 s3, s0;
	s1 =	sshll.u32 s1, $0x11  }
0xc1: {  	s0 =	sor.u32 s1, s0  }
0xc2: {  	s0 =	sadd.s32 $0x8F2B, s0  }
0xc3: {  	[sflag:s0] =	ssyncadd.remote.s32 $0x1  }
0xc4: {  	_ =	sfence.sel $0xFFFF  }
0xc5: {  	[dreg:$0x0] =	wrdreg $0xFFFFFFFF;
	(pc) =	sbr.abs _section_cstart, $3  }
0xc6: {  	[dreg:$0x1] =	wrdreg $0xFFFFFFFF  }
0xc7: {  	_ =	task.clear_ibuf [dreg:s7], $0x2FFFF;
	_ =	strace $0x9FFFFFFF  }
0xc8: {  	(tm) =	ssettm $0x7FFFFFFF  }
0xc9: {  	_ =	shalt  }
tec
execute0_lowered:
.L_overlay_start_1:
0x0: {  	(tag) =	ssettag $0x1  }
0x1: {  	s1 =	srdreg.scid;
	s2 =	stileid.u32  }
0x2: {  	s1 =	sand.u32 $0x1, s1;
	s4 =	sshll.u32 s2, $0x1  }
0x3: {  	s0 =	rddreg [dreg:$0x0];
	s4 =	sor.u32 s1, s4  }
0x4: {  	s3 =	rddreg [dreg:$0x1];
	s6 =	smul.u32 $0x186A0, s4  }
0x5: {  	s2 =	simm.s32 $0x0;
	s7 =	sadd.s32 $0x1000, s3;
	s1 =	ssub.s32 $0x2, s1  }
0x6: {  	[smem:$0x7FF] =	sst s2;
	s17 =	sshrl.u32 s1, $0x1;
	s6 =	sshrl.u32 s6, $0x3  }
0x7: {  	_ =	strace $0x8000004A;
	s1 =	ssub.s32 s1, s17;
	s16 =	sadd.s32 s0, s6  }
0x8: {  	s9 =	sadd.s32 $0x4E2, s6;
	s17 =	sadd.s32 s7, s6;
	[dreg:$0x15] =	wrdreg s16  }
0x9: {  	s18 =	sadd.s32 s0, s9;
	[dreg:$0x16] =	wrdreg s17  }
0xa: {  	s19 =	sadd.s32 $0x9C4, s6;
	s10 =	sadd.s32 s7, s9;
	[dreg:$0x3] =	wrdreg s18  }
0xb: {  	s8 =	sadd.s32 $0x62C00, s3;
	s20 =	sadd.s32 s0, s19;
	[dreg:$0x4] =	wrdreg s10  }
0xc: {  	s21 =	sadd.s32 $0xEA6, s6;
	s11 =	sadd.s32 s7, s19;
	[dreg:$0x5] =	wrdreg s20  }
0xd: {  	s5 =	smul.u32 $0x6, s4;
	s22 =	sadd.s32 s0, s21;
	[dreg:$0x6] =	wrdreg s11  }
0xe: {  	s4 =	sshll.u32 s4, $0x1;
	s12 =	sadd.s32 s7, s21;
	[dreg:$0x7] =	wrdreg s22  }
0xf: {  	s23 =	sadd.s32 $0x1388, s6;
	s9 =	sadd.s32 s8, s9;
	[dreg:$0x8] =	wrdreg s12  }
0x10: {  	s4 =	sadd.s32 s4, s3;
	s24 =	sadd.s32 s0, s23;
	[dreg:$0x9] =	wrdreg s9  }
0x11: {  	s5 =	sadd.s32 s5, s3;
	s25 =	sadd.s32 s7, s23;
	[dreg:$0xa] =	wrdreg s24  }
0x12: {  	s26 =	sadd.s32 $0x186A, s6;
	s3 =	sadd.s32 s8, s19;
	[dreg:$0xb] =	wrdreg s25  }
0x13: {  	s28 =	sadd.s32 s0, s26;
	[dreg:$0xc] =	wrdreg s3  }
0x14: {  	s31 =	sadd.s32 $0x1D4C, s6;
	s29 =	sadd.s32 s7, s26;
	[dreg:$0xd] =	wrdreg s28  }
0x15: {  	s30 =	sadd.s32 s8, s21;
	s13 =	sadd.s32 s0, s31;
	[dreg:$0xe] =	wrdreg s29  }
0x16: {  	s14 =	sadd.s32 s7, s31;
	s15 =	sadd.s32 s8, s31;
	[dreg:$0xf] =	wrdreg s30  }
0x17: {  	s19 =	sadd.s32 $0x222E, s6;
	s31 =	sadd.s32 $0xC4800, s4;
	[dreg:$0x12] =	wrdreg s13  }
0x18: {  	v0 =	vimm.f32 $1.000000000e+00;
	s16 =	simm.s32 $0x5;
	s17 =	simm.s32 $0x11480;
	[dreg:$0x13] =	wrdreg s14  }
0x19: {  	(xrf2) =	vadd.scan.msk.f32 $0xffff, v0;
	s12 =	sadd.s32 s8, s23;
	s3 =	sadd.s32 s8, s26;
	[dreg:$0x14] =	wrdreg s15  }
0x1a: {  	s18 =	sadd.s32 s8, s6;
	s20 =	sadd.s32 $0x2710, s6;
	s6 =	sadd.s32 $0x2BF2, s6  }
0x1b: {  	s21 =	sadd.s32 s0, s19;
	s23 =	sadd.s32 s7, s19;
	[smem:$0x7FD] =	sst s31  }
0x1c: {  	s26 =	sadd.s32 s8, s19;
	s30 =	sadd.s32 $0xE00, s5;
	[dreg:$0x10] =	wrdreg s12  }
0x1d: {  	s5 =	smax.u32 s1, $0x1;
	s9 =	simm.s32 $0xA;
	[dreg:$0x11] =	wrdreg s3  }
0x1e: {  	s10 =	simm.s32 $0x4F00;
	s11 =	simm.s32 $0xC580;
	[dreg:$0x17] =	wrdreg s18  }
0x1f: {  	s13 =	simm.s32 $0x4;
	s14 =	simm.s32 $0xED00;
	[dreg:$0x18] =	wrdreg s21  }
0x20: {  	s15 =	simm.s32 $0x2;
	s19 =	simm.s32 $0x6;
	[dreg:$0x1b] =	wrdreg s23  }
0x21: {  	s22 =	sadd.s32 s0, s20;
	s0 =	sadd.s32 s0, s6;
	[dreg:$0x1e] =	wrdreg s26  }
0x22: {  	s24 =	sadd.s32 s7, s20;
	s25 =	sadd.s32 s7, s6;
	[smem:$0x7FC] =	sst s30  }
0x23: {  	s28 =	sadd.s32 s8, s20;
	s29 =	sadd.s32 s8, s6;
	[dreg:$0x19] =	wrdreg s22;
	v0, _, _ =	vpop (xrf2)  }
0x24: {  	s6 =	simm.s32 $0x7680;
	s7 =	simm.s32 $0x2780;
	[dreg:$0x1a] =	wrdreg s0;
	v0 =	vadd.f32 $-1.000000000e+00, v0  }
0x25: {  	s8 =	simm.s32 $0x9E00;
	s12 =	simm.s32 $0x1;
	[dreg:$0x1c] =	wrdreg s24  }
0x26: {  	s18 =	simm.s32 $0x3;
	s20 =	simm.s32 $0x13C00;
	[dreg:$0x1d] =	wrdreg s25;
	v0 =	vtrunc.f32 v0  }
0x27: {  	s21 =	simm.s32 $0x7;
	s23 =	simm.s32 $0x9;
	[dreg:$0x1f] =	wrdreg s28;
	v0 =	vcvt.f32.s32 v0  }
0x28: {  	[smem:$0x7FB] =	sst s29;
	s22 =	simm.s32 $0x8;
	s24 =	simm.s32 $0x0  }
.LBB2_1:
0x29: {  	s0 =	rddreg [dreg:$0x15]  }
0x2a: {  	s3 =	rddreg [dreg:$0x16]  }
0x2b: {  	[tilespmem:s2], [sflag:$0x1] =	stream.linear.gather [hbm4b:s0+s2], $0x2710, $0x38;
	[tilespmem:$0x16480] =	vst v63  }
0x2c: {  	s4 =	rddreg [dreg:$0x3]  }
0x2d: {  	[tilespmem:s6], [sflag:$0x4] =	stream.linear.gather [hbm4b:s3+s2], $0x2710, $0x38;
	[tilespmem:$0x16480] =	vst v63  }
0x2e: {  	s25 =	rddreg [dreg:$0x4]  }
0x2f: {  	[tilespmem:s7], [sflag:$0x2] =	stream.linear.gather [hbm4b:s4+s2], $0x2710, $0x38;
	[tilespmem:$0x16480] =	vst v63  }
0x30: {  	s26 =	sld [smem:$0x7FC]  }
0x31: {  	[tilespmem:s8], [sflag:$0x5] =	stream.linear.gather [hbm4b:s25+s2], $0x2710, $0x38;
	[tilespmem:$0x16480] =	vst v63  }
0x32: {  	s1 =	simm.s32 $0x16380  }
0x33: {  	[tilespmem:s1], [sflag:$0xA] =	stream.linear.gather [hbm4b:s26+s2], $0x30, $0x38;
	[tilespmem:$0x16480] =	vst v63  }
0x34: {  	_ =	swait.ge [sflag:s9], $0x30  }
0x35: {  	[sflag:s9] =	ssyncset.done $0x0  }
0x36: {  	[sflag:s9] =	ssyncadd.s32 $0xFFFFFFD0  }
0x37: {  	v1 =	vld [tilespmem:$0x163A0];
	_ =	sdelay $0x4  }
0x38: {  	(erf) = vrcp.f32 v1;
	_ =	sdelay $0x5  }
0x39: {  	s1 =	rddreg [dreg:$0x5];
	v3 =	vld [tilespmem:$0x16390]  }
0x3a: {  	v1 =	vld [tilespmem:$0x16380];
	[tilespmem:s10], [sflag:$0x3] =	stream.linear.gather [hbm4b:s1+s2], $0x2710, $0x38  }
0x3b: {  	s3 =	rddreg [dreg:$0x6]  }
0x3c: {  	[tilespmem:s11], [sflag:$0x6] =	stream.linear.gather [hbm4b:s3+s2], $0x2710, $0x38;
	v2 =	vpop (erf);
	[tilespmem:$0x16480] =	vst v63  }
0x3d: {  	_ =	swait.ge [sflag:s12], $0x2710  }
0x3e: {  	[sflag:s12] =	ssyncset.done $0x0  }
0x3f: {  	[sflag:s12] =	ssyncadd.s32 $0xFFFFD8F0  }
0x40: {  	_ =	swait.ge [sflag:s13], $0x2710  }
0x41: {  	[sflag:s13] =	ssyncset.done $0x0  }
0x42: {  	s4 =	simm.s32 $0x20;
	[sflag:s13] =	ssyncadd.s32 $0xFFFFD8F0  }
0x43: {  	v4 =	vld [tilespmem:s4+$0xFFFFFFE0];
	_ =	sdelay $0x4  }
0x44: {  	v7 =	vld [tilespmem:s4+$0xFFFFFFF0];
	v5 =	vsub.f32 v4, v3  }
0x45: {  	s25 =	simm.s32 $0x76A0;
	v10 =	vld [tilespmem:s4+$0x0]  }
0x46: {  	v6 =	vld [tilespmem:s25+$0x10];
	v5 =	vmul.f32 $1.442695020e+00, v5  }
0x47: {  	v8 =	vld [tilespmem:s4+$0x10]  }
0x48: {  	v9 =	vld [tilespmem:s25+$0xFFFFFFE0];
	(erf) = vpow2.f32 v5  }
0x49: {  	v11 =	vld [tilespmem:s4+$0x20];
	v5 =	vsub.f32 v7, v3  }
0x4a: {  	v12 =	vld [tilespmem:s25+$0x20];
	v13 =	vsub.f32 v10, v3  }
0x4b: {  	v17 =	vld [tilespmem:s25+$0xFFFFFFF0];
	v15 =	vmul.f32 $1.442695020e+00, v5  }
0x4c: {  	s0 =	simm.s32 $0x76F0;
	v18 =	vld [tilespmem:s25+$0x0];
	v13 =	vmul.f32 $1.442695020e+00, v13  }
0x4d: {  	s1 =	simm.s32 $0x70;
	v21 =	vld [tilespmem:s0+$0x10];
	vm1 =	vge.f32 v4, v1;
	v4 =	vadd.f32 v9, v4;
	(erf) = vpow2.f32 v15  }
0x4e: {  	v14 =	vimm.f32 $-Inf;
	v22 =	vld [tilespmem:s1+$0x10];
	s4 =	simm.s32 $0x20;
	v15 =	vsub.f32 v8, v3;
	(erf) = vpow2.f32 v13  }
0x4f: {  	v16 =	vimm.s32 $0x0;
	v24 =	vadd.s32 s4, v0;
	v13 =	vnsel vm1, $0xFF800000, v4  }
0x50: {  	v4 =	vadd.f32 v6, v8;
	v6 =	vmul.f32 $1.442695020e+00, v15;
	v15 =	vadd.f32 v17, v7;
	v17 =	vld [tilespmem:s1+$0xFFFFFFE0]  }
0x51: {  	v9 =	vsub.f32 v11, v3;
	v12 =	vadd.f32 v12, v11;
	vm0 =	vge.f32 v8, v1;
	v8 =	vpop (erf)  }
0x52: {  	v18 =	vadd.f32 v18, v10;
	vm4 =	vge.f32 v7, v1;
	v8 =	vmul.f32 v8, v2  }
0x53: {  	v21 =	vadd.f32 v21, v22;
	v9 =	vmul.f32 $1.442695020e+00, v9;
	(erf) = vpow2.f32 v6  }
0x54: {  	v26 =	vld [tilespmem:s0+$0xFFFFFFE0];
	v20 =	vnsel vm1, $0x0, v8;
	v8 =	vadd.s32 s2, v0;
	vm1 =	vge.f32 v11, v1  }
0x55: {  	s26 =	simm.s32 $0x40;
	(erf) = vpow2.f32 v9;
	v9 =	vld [tilespmem:s1+$0x20];
	v25 =	vnsel vm1, $0xFF800000, v12;
	v12 =	vsub.f32 v17, v3  }
0x56: {  	vm5 =	vge.f32 v22, v1;
	v5 =	vadd.s32 s26, v0;
	vm3 =	vgt.f32 v13, v14;
	v11 =	vld [tilespmem:s0+$0x20];
	v7 =	vpop (erf)  }
0x57: {  	v13 =	vsel vm3, v13, v14;
	v16 =	vsel vm3, v8, v16;
	v8 =	vpop (erf);
	v27 =	vmul.f32 $1.442695020e+00, v12;
	v12 =	vld [tilespmem:s1+$0xFFFFFFF0]  }
0x58: {  	s26 =	simm.s32 $0x10;
	vm3 =	vge.f32 v10, v1;
	v7 =	vmul.f32 v7, v2;
	v14 =	vmul.f32 v8, v2;
	v8 =	vld [tilespmem:s1+$0x0]  }
0x59: {  	v23 =	vadd.s32 s26, v0;
	vm2 =	vge.f32 v17, v1;
	v18 =	vnsel vm3, $0xFF800000, v18  }
0x5a: {  	v28 =	vnsel vm4, $0x0, v7;
	v7 =	vnsel vm4, $0xFF800000, v15;
	v15 =	vadd.f32 v26, v17  }
0x5b: {  	(erf) = vpow2.f32 v27;
	vm4 =	vgt.f32 v7, v13;
	v10 =	vadd.f32 v11, v9  }
0x5c: {  	v7 =	vsel vm4, v7, v13;
	v11 =	vnsel vm2, $0xFF800000, v15;
	v15 =	vsub.f32 v12, v3  }
0x5d: {  	v13 =	vsel vm4, v23, v16;
	v16 =	vsub.f32 v9, v3;
	v23 =	vsub.f32 v8, v3  }
0x5e: {  	v14 =	vnsel vm3, $0x0, v14;
	vm3 =	vgt.f32 v18, v7;
	v62 =	vmul.f32 $1.442695020e+00, v15  }
0x5f: {  	v17 =	vmul.f32 $1.442695020e+00, v16;
	v16 =	vld [tilespmem:s0+$0xFFFFFFF0];
	v15 =	vsel vm3, v24, v13;
	v13 =	vmul.f32 $1.442695020e+00, v23  }
0x60: {  	v22 =	vsub.f32 v22, v3;
	v19 =	vnsel vm0, $0xFF800000, v4;
	(erf) = vpow2.f32 v62  }
0x61: {  	s3 =	simm.s32 $0x30;
	s25 =	simm.s32 $0x90;
	vm0 =	vmmov vm0;
	v18 =	vsel vm3, v18, v7;
	v23 =	vpop (erf);
	(erf) = vpow2.f32 v13;
	v13 =	vld [tilespmem:s0+$0x0]  }
0x62: {  	s28 =	simm.s32 $0xED20;
	v4 =	vadd.s32 s25, v0;
	v6 =	vadd.s32 s3, v0;
	vm4 =	vgt.f32 v19, v18  }
0x63: {  	s30 =	simm.s32 $0x5;
	[tilespmem:s28+$0xFFFFFFE0] =	vst v20;
	v20 =	vmul.f32 $1.442695020e+00, v22;
	v7 =	vnsel vm5, $0xFF800000, v21;
	v22 =	vsel vm4, v19, v18;
	v21 =	vpop (erf)  }
0x64: {  	s29 =	simm.s32 $0xED70;
	s31 =	simm.s32 $0xA0;
	s26 =	simm.s32 $0x60;
	[tilespmem:s28+$0x0] =	vst v14;
	vm3 =	vgt.f32 v25, v22;
	v14 =	vadd.f32 v16, v12;
	v19 =	vmul.f32 v23, v2;
	v63 =	vpop (erf)  }
0x65: {  	s25 =	simm.s32 $0x50;
	s1 =	simm.s32 $0x7740;
	[tilespmem:s28+$0xFFFFFFF0] =	vst v28;
	s0 =	simm.s32 $0xC0;
	v16 =	vsel vm3, v25, v22;
	v18 =	vmul.f32 v21, v2;
	v21 =	vmul.f32 v63, v2  }
.LBB2_2:
0x66: {  	v23 =	vadd.f32 v13, v8;
	(erf) = vpow2.f32 v20  }
0x67: {  	v22 =	vld [tilespmem:s0+$0xFFFFFFE0];
	s3 =	sadd.s32 $0x10, s31;
	s4 =	sadd.s32 $0x40, s31;
	s30 =	sadd.s32 $0x5, s30;
	v15 =	vsel vm4, v6, v15;
	vm4 =	vmmov vm0;
	vm0 =	vmmov vm5  }
0x68: {  	v13 =	vld [tilespmem:s1+$0x0];
	v20 =	vadd.s32 s4, v0;
	p0 =	slt.u32 s30, $0x26C;
	v6 =	vnsel vm2, $0x0, v21;
	s4 =	sadd.s32 $0x30, s25;
	v19 =	vnsel vm4, $0x0, v19  }
0x69: {  	v24 =	vadd.s32 s25, v0;
	v15 =	vsel vm3, v5, v15;
	v5 =	vmovc v4;
	v21 =	vld [tilespmem:s1+$0x10];
	[tilespmem:s29+$0xFFFFFFE0] =	vst v6;
	v6 =	vadd.s32 s4, v0;
	v4 =	vmovc v20  }
0x6a: {  	s4 =	sadd.s32 $0x20, s25;
	s25 =	smov.u32 s31;
	v20 =	vld [tilespmem:s0+$0x10];
	(erf) = vpow2.f32 v17;
	[tilespmem:s28+$0x10] =	vst v19;
	v17 =	vnsel vm1, $0x0, v18;
	vm1 =	vge.f32 v9, v1  }
0x6b: {  	v19 =	vadd.s32 s26, v0;
	v25 =	vadd.s32 s4, v0;
	s26 =	smov.u32 s3;
	v18 =	vld [tilespmem:s1+$0x20];
	v26 =	vnsel vm1, $0xFF800000, v10;
	[tilespmem:s28+$0x20] =	vst v17;
	s28 =	smov.u32 s29  }
0x6c: {  	vm3 =	vgt.f32 v11, v16;
	vm4 =	vge.f32 v12, v1;
	v10 =	vld [tilespmem:s1+$0xFFFFFFE0];
	v17 =	vsub.f32 v22, v3;
	v12 =	vpop (erf)  }
0x6d: {  	v15 =	vsel vm3, v24, v15;
	vm2 =	vge.f32 v22, v1;
	v9 =	vld [tilespmem:s0+$0x20];
	v28 =	vmul.f32 v12, v2;
	v27 =	vpop (erf)  }
0x6e: {  	v11 =	vsel vm3, v11, v16;
	v17 =	vmul.f32 $1.442695020e+00, v17;
	v12 =	vld [tilespmem:s0+$0xFFFFFFF0];
	v16 =	vmul.f32 v27, v2  }
0x6f: {  	v14 =	vnsel vm4, $0xFF800000, v14;
	vm3 =	vge.f32 v8, v1;
	v27 =	vnsel vm4, $0x0, v28;
	v8 =	vld [tilespmem:s0+$0x0]  }
0x70: {  	vm4 =	vgt.f32 v14, v11;
	(erf) = vpow2.f32 v17;
	[tilespmem:s29+$0xFFFFFFF0] =	vst v27;
	v16 =	vnsel vm3, $0x0, v16;
	v24 =	vpop (erf)  }
0x71: {  	v14 =	vsel vm4, v14, v11;
	v15 =	vsel vm4, v19, v15;
	v17 =	vadd.f32 v10, v22;
	[tilespmem:s29+$0x0] =	vst v16  }
0x72: {  	v16 =	vsub.f32 v9, v3;
	v10 =	vadd.f32 v18, v9;
	v18 =	vnsel vm3, $0xFF800000, v23  }
0x73: {  	v11 =	vnsel vm2, $0xFF800000, v17;
	v19 =	vsub.f32 v12, v3;
	vm3 =	vgt.f32 v18, v14;
	v22 =	vpop (erf)  }
0x74: {  	v21 =	vadd.f32 v21, v20;
	v23 =	vsub.f32 v8, v3;
	v17 =	vmul.f32 $1.442695020e+00, v16  }
0x75: {  	v14 =	vsel vm3, v18, v14;
	v15 =	vsel vm3, v25, v15;
	v16 =	vld [tilespmem:s1+$0xFFFFFFF0];
	v19 =	vmul.f32 $1.442695020e+00, v19  }
.Ltmp0:
0x76: {  	vm5 =	vge.f32 v20, v1;
	v20 =	vsub.f32 v20, v3;
	v18 =	vmul.f32 $1.442695020e+00, v23;
	(pc) =	sbr.rel @p0 .LBB2_2-.Ltmp0, $4  }
0x77: {  	v21 =	vnsel vm5, $0xFF800000, v21;
	vm4 =	vgt.f32 v7, v14;
	(erf) = vpow2.f32 v19  }
0x78: {  	v20 =	vmul.f32 $1.442695020e+00, v20;
	v23 =	vsel vm4, v7, v14;
	v7 =	vmovc v21;
	(erf) = vpow2.f32 v18  }
0x79: {  	s29 =	sadd.s32 $0x50, s29;
	v19 =	vmul.f32 v24, v2;
	vm3 =	vgt.f32 v26, v23;
	v18 =	vmul.f32 v22, v2;
	v14 =	vpop (erf)  }
0x7a: {  	s31 =	sadd.s32 $0x50, s31;
	s0 =	sadd.s32 $0x50, s0;
	s1 =	sadd.s32 $0x50, s1;
	v21 =	vmul.f32 v14, v2;
	v14 =	vadd.f32 v16, v12;
	v16 =	vsel vm3, v26, v23  }
0x7b: {  	(erf) = vpow2.f32 v20  }
0x7c: {  	(erf) = vpow2.f32 v17;
	_ =	sdelay $0x5  }
0x7d: {  	vm0 =	vmmov vm0;
	v17 =	vnsel vm2, $0x0, v21;
	v48 =	vpop (erf)  }
0x7e: {  	vm5 =	vmmov vm5;
	v18 =	vnsel vm1, $0x0, v18;
	[tilespmem:s29+$0xFFFFFFE0] =	vst v17;
	v17 =	vmul.f32 v48, v2;
	v49 =	vpop (erf)  }
0x7f: {  	v19 =	vnsel vm0, $0x0, v19;
	vm2 =	vge.f32 v12, v1;
	[tilespmem:s28+$0x20] =	vst v18;
	v12 =	vmul.f32 v49, v2;
	v50 =	vpop (erf)  }
0x80: {  	vm0 =	vge.f32 v8, v1;
	[tilespmem:s28+$0x10] =	vst v19;
	v17 =	vnsel vm2, $0x0, v17;
	v51 =	vpop (erf);
	v19 =	vmul.f32 v50, v2  }
0x81: {  	vm5 =	vmmov vm5;
	[tilespmem:s29+$0xFFFFFFF0] =	vst v17;
	v12 =	vnsel vm0, $0x0, v12;
	v17 =	vmul.f32 v51, v2  }
0x82: {  	vm1 =	vge.f32 v9, v1;
	[tilespmem:s29+$0x0] =	vst v12;
	v9 =	vnsel vm5, $0x0, v19  }
0x83: {  	[tilespmem:s29+$0x10] =	vst v9;
	v9 =	vnsel vm1, $0x0, v17  }
0x84: {  	[tilespmem:s29+$0x20] =	vst v9  }
0x85: {  	s0 =	rddreg [dreg:$0x17]  }
0x86: {  	[hbm4b:s0+s2] =	stream.linear.scatter [tilespmem:s14], [sflag:$0x7], $0x2710, $0x38;
	[tilespmem:$0x16480] =	vst v63  }
0x87: {  	s1 =	rddreg [dreg:$0x7]  }
0x88: {  	[tilespmem:s2], [sflag:$0x1] =	stream.linear.gather [hbm4b:s1+s2], $0x2710, $0x38;
	[tilespmem:$0x16480] =	vst v63  }
0x89: {  	s3 =	rddreg [dreg:$0x8]  }
0x8a: {  	[tilespmem:s6], [sflag:$0x4] =	stream.linear.gather [hbm4b:s3+s2], $0x2710, $0x38;
	[tilespmem:$0x16480] =	vst v63  }
0x8b: {  	_ =	swait.ge [sflag:s15], $0x2710  }
0x8c: {  	[sflag:s15] =	ssyncset.done $0x0  }
0x8d: {  	[sflag:s15] =	ssyncadd.s32 $0xFFFFD8F0  }
0x8e: {  	_ =	swait.ge [sflag:s16], $0x2710  }
0x8f: {  	vm12 =	vgt.f32 v11, v16;
	v6 =	vsel vm4, v6, v15;
	[sflag:s16] =	ssyncset.done $0x0  }
0x90: {  	s4 =	simm.s32 $0x27A0;
	v8 =	vadd.f32 v13, v8;
	v9 =	vsel vm12, v11, v16;
	v11 =	vnsel vm2, $0xFF800000, v14;
	[sflag:s16] =	ssyncadd.s32 $0xFFFFD8F0  }
0x91: {  	v13 =	vadd.s32 s25, v0;
	v5 =	vsel vm3, v5, v6;
	vm2 =	vgt.f32 v11, v9;
	v12 =	vld [tilespmem:s4+$0xFFFFFFE0]  }
0x92: {  	v10 =	vnsel vm1, $0xFF800000, v10;
	v8 =	vnsel vm0, $0xFF800000, v8;
	v6 =	vsel vm2, v11, v9;
	v15 =	vld [tilespmem:s4+$0xFFFFFFF0]  }
0x93: {  	s31 =	sadd.s32 $0x20, s25;
	v5 =	vsel vm12, v13, v5;
	v11 =	vadd.s32 s26, v0;
	vm0 =	vgt.f32 v8, v6;
	v9 =	vld [tilespmem:s4+$0x20]  }
0x94: {  	v16 =	vadd.s32 s31, v0;
	s26 =	simm.s32 $0x2730;
	v5 =	vsel vm2, v11, v5;
	v6 =	vsel vm0, v8, v6;
	v17 =	vld [tilespmem:s4+$0x10]  }
0x95: {  	v56 =	vadd.s32 s26, v0;
	s1 =	sadd.s32 $0x30, s25;
	v5 =	vsel vm0, v16, v5;
	vm1 =	vgt.f32 v7, v6;
	s3 =	simm.s32 $0x9E20;
	v8 =	vld [tilespmem:s4+$0x0]  }
0x96: {  	s25 =	simm.s32 $0x2740;
	v14 =	vadd.s32 s1, v0;
	v6 =	vsel vm1, v7, v6;
	v7 =	vld [tilespmem:s3+$0xFFFFFFF0];
	v11 =	vsub.f32 v12, v3  }
0x97: {  	v5 =	vsel vm1, v14, v5;
	v14 =	vadd.s32 s25, v0;
	v13 =	vsub.f32 v15, v3  }
0x98: {  	vm0 =	vgt.f32 v10, v6;
	v16 =	vld [tilespmem:s3+$0xFFFFFFE0];
	v52 =	vsub.f32 v9, v3;
	v11 =	vmul.f32 $1.442695020e+00, v11  }
0x99: {  	v6 =	vsel vm0, v10, v6;
	v5 =	vsel vm0, v4, v5;
	v10 =	vmul.f32 $1.442695020e+00, v13  }
0x9a: {  	v54 =	vsub.f32 v8, v3;
	v18 =	vmul.f32 $1.442695020e+00, v52;
	(erf) = vpow2.f32 v11  }
0x9b: {  	v53 =	vld [tilespmem:s3+$0x10];
	v7 =	vadd.f32 v7, v15;
	v13 =	vsub.f32 v17, v3;
	(erf) = vpow2.f32 v10  }
0x9c: {  	vm1 =	vge.f32 v12, v1;
	vm0 =	vge.f32 v15, v1;
	v11 =	vld [tilespmem:s3+$0x0];
	(erf) = vpow2.f32 v18  }
0x9d: {  	s0 =	simm.s32 $0x27F0;
	vm13 =	vge.f32 v9, v1;
	v13 =	vmul.f32 $1.442695020e+00, v13;
	v10 =	vadd.f32 v16, v12;
	v12 =	vld [tilespmem:s3+$0x20]  }
0x9e: {  	s4 =	simm.s32 $0x2710;
	vm14 =	vge.f32 v17, v1;
	v4 =	vmul.f32 $1.442695020e+00, v54;
	v7 =	vnsel vm0, $0xFF800000, v7;
	s3 =	simm.s32 $0x2750;
	v16 =	vld [tilespmem:s0+$0xFFFFFFF0]  }
0x9f: {  	v15 =	vadd.s32 s3, v0;
	(erf) = vpow2.f32 v13;
	v13 =	vadd.s32 s4, v0;
	s4 =	simm.s32 $0x2720  }
0xa0: {  	(erf) = vpow2.f32 v4;
	v4 =	vnsel vm1, $0xFF800000, v10;
	v55 =	vadd.s32 s4, v0  }
0xa1: {  	s31 =	simm.s32 $0x2760;
	v57 =	vld [tilespmem:s0+$0xFFFFFFE0];
	s3 =	simm.s32 $0x9E70;
	vm2 =	vgt.f32 v4, v6;
	v10 =	vadd.f32 v11, v8;
	v11 =	vadd.f32 v53, v17  }
0xa2: {  	v58 =	vld [tilespmem:s3+$0xFFFFFFF0];
	v6 =	vsel vm2, v4, v6;
	v4 =	vadd.s32 s31, v0;
	v13 =	vsel vm2, v13, v5  }
0xa3: {  	v5 =	vadd.f32 v12, v9;
	vm2 =	vge.f32 v8, v1;
	v24 =	vsub.f32 v16, v3;
	v12 =	vpop (erf)  }
0xa4: {  	v23 =	vld [tilespmem:s3+$0xFFFFFFE0];
	vm3 =	vgt.f32 v7, v6;
	v10 =	vnsel vm2, $0xFF800000, v10;
	v11 =	vnsel vm14, $0xFF800000, v11;
	v8 =	vpop (erf)  }
0xa5: {  	v17 =	vnsel vm13, $0xFF800000, v5;
	v13 =	vsel vm3, v55, v13;
	v8 =	vmul.f32 v8, v2;
	v9 =	vpop (erf)  }
0xa6: {  	v5 =	vld [tilespmem:s0+$0x20];
	v7 =	vsel vm3, v7, v6;
	v6 =	vsub.f32 v57, v3;
	v9 =	vmul.f32 v9, v2  }
0xa7: {  	v59 =	vmul.f32 $1.442695020e+00, v24;
	v21 =	vadd.f32 v58, v16;
	v25 =	vnsel vm0, $0x0, v8;
	v8 =	vld [tilespmem:s0+$0x10]  }
0xa8: {  	vm3 =	vgt.f32 v10, v7;
	v12 =	vmul.f32 v12, v2;
	v27 =	vnsel vm13, $0x0, v9;
	v9 =	vld [tilespmem:s0+$0x0]  }
0xa9: {  	v20 =	vadd.f32 v23, v57;
	v60 =	vmul.f32 $1.442695020e+00, v6;
	v7 =	vsel vm3, v10, v7  }
0xaa: {  	vm15 =	vgt.f32 v11, v7;
	v12 =	vnsel vm1, $0x0, v12;
	vm1 =	vge.f32 v16, v1  }
0xab: {  	v22 =	vpop (erf);
	(erf) = vpow2.f32 v60;
	v7 =	vsel vm15, v11, v7;
	v61 =	vsub.f32 v5, v3  }
0xac: {  	v22 =	vmul.f32 v22, v2;
	vm0 =	vge.f32 v57, v1;
	v16 =	vsub.f32 v8, v3  }
0xad: {  	s25 =	simm.s32 $0x114A0;
	v26 =	vpop (erf);
	(erf) = vpow2.f32 v59;
	v23 =	vmul.f32 $1.442695020e+00, v61;
	v63 =	vsub.f32 v9, v3  }
0xae: {  	v62 =	vld [tilespmem:s3+$0x10];
	[tilespmem:s25+$0xFFFFFFE0] =	vst v12;
	v12 =	vsel vm3, v56, v13;
	v26 =	vmul.f32 v26, v2;
	v16 =	vmul.f32 $1.442695020e+00, v16  }
0xaf: {  	v10 =	vld [tilespmem:s3+$0x0];
	vm3 =	vgt.f32 v17, v7;
	(erf) = vpow2.f32 v23;
	v18 =	vmul.f32 $1.442695020e+00, v63  }
0xb0: {  	v20 =	vnsel vm0, $0xFF800000, v20;
	v11 =	vsel vm15, v14, v12;
	(erf) = vpow2.f32 v16  }
0xb1: {  	[tilespmem:s25+$0xFFFFFFF0] =	vst v25;
	v7 =	vsel vm3, v17, v7;
	v14 =	vsel vm3, v15, v11;
	v15 =	vld [tilespmem:s3+$0x20];
	(erf) = vpow2.f32 v18  }
0xb2: {  	s30 =	simm.s32 $0x2770;
	s31 =	simm.s32 $0x27A0;
	v6 =	vnsel vm1, $0xFF800000, v21;
	[tilespmem:s25+$0x20] =	vst v27;
	v12 =	vnsel vm2, $0x0, v26;
	vm2 =	vgt.f32 v20, v7  }
0xb3: {  	s28 =	simm.s32 $0x2840;
	s29 =	simm.s32 $0x2780;
	s4 =	simm.s32 $0x2790;
	v22 =	vnsel vm14, $0x0, v22;
	[tilespmem:s25+$0x0] =	vst v12;
	v12 =	vsel vm2, v20, v7;
	v7 =	vadd.s32 s31, v0  }
0xb4: {  	s26 =	simm.s32 $0x5;
	s1 =	simm.s32 $0x27B0;
	s0 =	simm.s32 $0x9EC0;
	[tilespmem:s25+$0x10] =	vst v22;
	v11 =	vadd.f32 v62, v8;
	v13 =	vadd.f32 v10, v9;
	v10 =	vadd.s32 s4, v0  }
.LBB2_4:
0xb5: {  	v16 =	vadd.s32 s1, v0;
	v17 =	vld [tilespmem:s28+$0xFFFFFFF0];
	s26 =	sadd.s32 $0x5, s26;
	v18 =	vadd.s32 s30, v0;
	v19 =	vadd.s32 s29, v0;
	s25 =	sadd.s32 $0x50, s25  }
0xb6: {  	v14 =	vsel vm2, v4, v14;
	vm3 =	vgt.f32 v6, v12;
	v20 =	vld [tilespmem:s0+$0xFFFFFFF0];
	p0 =	slt.u32 s26, $0x26C;
	v25 =	vadd.f32 v15, v5;
	v15 =	vpop (erf)  }
0xb7: {  	vm2 =	vge.f32 v9, v1;
	vm4 =	vge.f32 v5, v1;
	v21 =	vld [tilespmem:s0+$0x10];
	v15 =	vmul.f32 v15, v2;
	v5 =	vpop (erf)  }
0xb8: {  	vm5 =	vge.f32 v8, v1;
	v13 =	vnsel vm2, $0xFF800000, v13;
	v22 =	vld [tilespmem:s28+$0xFFFFFFE0];
	v9 =	vmul.f32 v5, v2;
	v8 =	vpop (erf)  }
0xb9: {  	v24 =	vnsel vm4, $0xFF800000, v25;
	v5 =	vld [tilespmem:s28+$0x20];
	v15 =	vnsel vm0, $0x0, v15;
	v23 =	vmul.f32 v8, v2;
	v4 =	vpop (erf)  }
0xba: {  	v25 =	vld [tilespmem:s0+$0xFFFFFFE0];
	v26 =	vsub.f32 v17, v3;
	[tilespmem:s25+$0xFFFFFFE0] =	vst v15;
	v9 =	vnsel vm1, $0x0, v9;
	v15 =	vmul.f32 v4, v2;
	v4 =	vpop (erf)  }
0xbb: {  	v11 =	vnsel vm5, $0xFF800000, v11;
	v8 =	vld [tilespmem:s28+$0x10];
	[tilespmem:s25+$0xFFFFFFF0] =	vst v9;
	v27 =	vmul.f32 v4, v2;
	v23 =	vnsel vm4, $0x0, v23;
	v4 =	vmovc v16  }
0xbc: {  	v14 =	vsel vm3, v18, v14;
	v16 =	vmul.f32 $1.442695020e+00, v26;
	v9 =	vld [tilespmem:s28+$0x0];
	v15 =	vnsel vm5, $0x0, v15;
	[tilespmem:s25+$0x20] =	vst v23  }
0xbd: {  	v12 =	vsel vm3, v6, v12;
	vm0 =	vge.f32 v22, v1;
	v18 =	vsub.f32 v22, v3;
	[tilespmem:s25+$0x10] =	vst v15  }
0xbe: {  	vm3 =	vgt.f32 v13, v12;
	v6 =	vadd.f32 v20, v17;
	v15 =	vsub.f32 v5, v3  }
0xbf: {  	vm1 =	vge.f32 v17, v1;
	v18 =	vmul.f32 $1.442695020e+00, v18;
	v20 =	vadd.f32 v25, v22  }
0xc0: {  	v6 =	vnsel vm1, $0xFF800000, v6;
	v17 =	vsub.f32 v8, v3;
	v15 =	vmul.f32 $1.442695020e+00, v15  }
0xc1: {  	v20 =	vnsel vm0, $0xFF800000, v20;
	v22 =	vsub.f32 v9, v3;
	(erf) = vpow2.f32 v18  }
0xc2: {  	v12 =	vsel vm3, v13, v12;
	v18 =	vld [tilespmem:s0+$0x0];
	v17 =	vmul.f32 $1.442695020e+00, v17;
	(erf) = vpow2.f32 v16  }
0xc3: {  	vm4 =	vgt.f32 v11, v12;
	v13 =	vmul.f32 $1.442695020e+00, v22;
	(erf) = vpow2.f32 v15  }
.Ltmp1:
0xc4: {  	v14 =	vsel vm3, v19, v14;
	v11 =	vsel vm4, v11, v12;
	(erf) = vpow2.f32 v17;
	(pc) =	sbr.rel @p0 .LBB2_4-.Ltmp1, $4  }
0xc5: {  	v10 =	vsel vm4, v10, v14;
	vm3 =	vgt.f32 v24, v11;
	v15 =	vld [tilespmem:s0+$0x20];
	(erf) = vpow2.f32 v13  }
0xc6: {  	s28 =	sadd.s32 $0x50, s28;
	v12 =	vnsel vm2, $0x0, v27;
	v14 =	vsel vm3, v7, v10;
	v16 =	vsel vm3, v24, v11  }
0xc7: {  	s3 =	sadd.s32 $0x30, s1;
	s4 =	sadd.s32 $0x40, s1;
	v11 =	vadd.f32 v21, v8;
	vm2 =	vgt.f32 v20, v16;
	s0 =	sadd.s32 $0x50, s0;
	v13 =	vadd.f32 v18, v9;
	[tilespmem:s25+$0x0] =	vst v12  }
0xc8: {  	s30 =	sadd.s32 $0x10, s1;
	s29 =	sadd.s32 $0x20, s1;
	s1 =	sadd.s32 $0x50, s1;
	v10 =	vadd.s32 s3, v0;
	v7 =	vadd.s32 s4, v0;
	v12 =	vsel vm2, v20, v16  }
0xc9: {  	_ = 	snop  }
0xca: {  	v16 =	vpop (erf)  }
0xcb: {  	v16 =	vmul.f32 v16, v2;
	v17 =	vpop (erf)  }
0xcc: {  	v17 =	vmul.f32 v17, v2;
	v18 =	vpop (erf)  }
0xcd: {  	s0 =	sadd.s32 $0x50, s25;
	v16 =	vnsel vm0, $0x0, v16;
	v18 =	vmul.f32 v18, v2;
	v19 =	vpop (erf)  }
0xce: {  	vm0 =	vge.f32 v5, v1;
	[tilespmem:s0+$0xFFFFFFE0] =	vst v16;
	v16 =	vnsel vm1, $0x0, v17;
	v17 =	vmul.f32 v19, v2;
	v53 =	vpop (erf)  }
0xcf: {  	vm1 =	vge.f32 v8, v1;
	[tilespmem:s0+$0xFFFFFFF0] =	vst v16;
	v8 =	vmul.f32 v53, v2;
	v16 =	vnsel vm0, $0x0, v18  }
0xd0: {  	vm3 =	vge.f32 v9, v1;
	v9 =	vnsel vm1, $0x0, v17;
	[tilespmem:s0+$0x20] =	vst v16  }
0xd1: {  	[tilespmem:s0+$0x10] =	vst v9;
	v8 =	vnsel vm3, $0x0, v8  }
0xd2: {  	[tilespmem:s0+$0x0] =	vst v8  }
0xd3: {  	s0 =	rddreg [dreg:$0x9]  }
0xd4: {  	[hbm4b:s0+s2] =	stream.linear.scatter [tilespmem:s17], [sflag:$0x8], $0x2710, $0x38;
	[tilespmem:$0x16480] =	vst v63  }
0xd5: {  	s31 =	rddreg [dreg:$0xa]  }
0xd6: {  	[tilespmem:s7], [sflag:$0x2] =	stream.linear.gather [hbm4b:s31+s2], $0x2710, $0x38;
	[tilespmem:$0x16480] =	vst v63  }
0xd7: {  	s1 =	rddreg [dreg:$0xb]  }
0xd8: {  	[tilespmem:s8], [sflag:$0x5] =	stream.linear.gather [hbm4b:s1+s2], $0x2710, $0x38;
	[tilespmem:$0x16480] =	vst v63  }
0xd9: {  	_ =	swait.ge [sflag:s18], $0x2710  }
0xda: {  	[sflag:s18] =	ssyncset.done $0x0  }
0xdb: {  	[sflag:s18] =	ssyncadd.s32 $0xFFFFD8F0  }
0xdc: {  	_ =	swait.ge [sflag:s19], $0x2710  }
0xdd: {  	[sflag:s19] =	ssyncset.done $0x0  }
0xde: {  	s3 =	simm.s32 $0x4F20;
	[sflag:s19] =	ssyncadd.s32 $0xFFFFD8F0  }
0xdf: {  	v8 =	vld [tilespmem:s3+$0xFFFFFFE0]  }
0xe0: {  	vm4 =	vgt.f32 v6, v12  }
0xe1: {  	v13 =	vnsel vm3, $0xFF800000, v13;
	v6 =	vsel vm4, v6, v12  }
0xe2: {  	v4 =	vsel vm2, v4, v14;
	vm2 =	vgt.f32 v13, v6;
	v16 =	vld [tilespmem:s3+$0xFFFFFFF0]  }
0xe3: {  	v6 =	vsel vm2, v13, v6;
	v5 =	vadd.f32 v15, v5;
	v9 =	vadd.s32 s30, v0;
	v12 =	vld [tilespmem:s3+$0x20]  }
0xe4: {  	v11 =	vnsel vm1, $0xFF800000, v11;
	v4 =	vsel vm4, v9, v4;
	v14 =	vld [tilespmem:s3+$0x10];
	v9 =	vsub.f32 v8, v3  }
0xe5: {  	s4 =	simm.s32 $0xC5A0;
	v15 =	vadd.s32 s29, v0;
	v5 =	vnsel vm0, $0xFF800000, v5;
	vm0 =	vgt.f32 v11, v6;
	v13 =	vld [tilespmem:s3+$0x0]  }
0xe6: {  	s26 =	simm.s32 $0x4E40;
	v6 =	vsel vm0, v11, v6;
	v4 =	vsel vm2, v15, v4;
	v11 =	vld [tilespmem:s4+$0xFFFFFFF0];
	v9 =	vmul.f32 $1.442695020e+00, v9  }
0xe7: {  	v58 =	vadd.s32 s26, v0;
	v4 =	vsel vm0, v10, v4;
	v10 =	vld [tilespmem:s4+$0xFFFFFFE0];
	v15 =	vsub.f32 v16, v3  }
0xe8: {  	vm0 =	vgt.f32 v5, v6;
	v17 =	vsub.f32 v12, v3;
	(erf) = vpow2.f32 v9  }
0xe9: {  	v5 =	vsel vm0, v5, v6;
	v6 =	vld [tilespmem:s4+$0x0];
	v54 =	vsub.f32 v14, v3;
	v15 =	vmul.f32 $1.442695020e+00, v15  }
0xea: {  	s0 =	simm.s32 $0x4F70;
	v7 =	vsel vm0, v7, v4;
	v20 =	vsub.f32 v13, v3;
	v17 =	vmul.f32 $1.442695020e+00, v17  }
0xeb: {  	v56 =	vld [tilespmem:s0+$0xFFFFFFF0];
	v11 =	vadd.f32 v11, v16;
	v9 =	vmul.f32 $1.442695020e+00, v54;
	(erf) = vpow2.f32 v15  }
0xec: {  	v10 =	vadd.f32 v10, v8;
	vm1 =	vge.f32 v8, v1;
	v8 =	vld [tilespmem:s4+$0x20];
	(erf) = vpow2.f32 v17  }
0xed: {  	s25 =	simm.s32 $0x4E50;
	vm0 =	vge.f32 v16, v1;
	v4 =	vmul.f32 $1.442695020e+00, v20;
	(erf) = vpow2.f32 v9  }
0xee: {  	v55 =	vld [tilespmem:s4+$0x10];
	v6 =	vadd.f32 v6, v13;
	v16 =	vadd.s32 s25, v0;
	vm14 =	vge.f32 v12, v1  }
0xef: {  	s4 =	simm.s32 $0x4E30;
	vm5 =	vge.f32 v14, v1;
	(erf) = vpow2.f32 v4;
	v4 =	vnsel vm1, $0xFF800000, v10  }
0xf0: {  	s1 =	simm.s32 $0x4E20;
	v24 =	vsub.f32 v56, v3;
	v57 =	vadd.s32 s4, v0;
	vm2 =	vgt.f32 v4, v5  }
0xf1: {  	s3 =	simm.s32 $0x4E60;
	v9 =	vadd.s32 s1, v0;
	v15 =	vsel vm2, v4, v5;
	v5 =	vadd.f32 v8, v12;
	v8 =	vpop (erf)  }
0xf2: {  	v11 =	vnsel vm0, $0xFF800000, v11;
	v17 =	vadd.s32 s3, v0;
	v8 =	vmul.f32 v8, v2  }
0xf3: {  	s31 =	simm.s32 $0x4E70;
	s3 =	simm.s32 $0xC5F0;
	v10 =	vadd.f32 v55, v14;
	v7 =	vsel vm2, v9, v7;
	vm2 =	vge.f32 v13, v1;
	v12 =	vld [tilespmem:s0+$0xFFFFFFE0]  }
0xf4: {  	v4 =	vadd.s32 s31, v0;
	v13 =	vld [tilespmem:s3+$0xFFFFFFF0];
	vm3 =	vgt.f32 v11, v15;
	v21 =	vnsel vm2, $0xFF800000, v6;
	v9 =	vpop (erf)  }
0xf5: {  	v23 =	vld [tilespmem:s3+$0xFFFFFFE0];
	v22 =	vnsel vm14, $0xFF800000, v5;
	v7 =	vsel vm3, v57, v7;
	v11 =	vsel vm3, v11, v15;
	v6 =	vpop (erf)  }
0xf6: {  	v5 =	vld [tilespmem:s0+$0x20];
	vm3 =	vgt.f32 v21, v11;
	v14 =	vnsel vm1, $0x0, v8;
	v6 =	vmul.f32 v6, v2;
	v8 =	vpop (erf)  }
0xf7: {  	v27 =	vnsel vm5, $0xFF800000, v10;
	v11 =	vsel vm3, v21, v11;
	v25 =	vmul.f32 v8, v2;
	v8 =	vld [tilespmem:s0+$0x10]  }
0xf8: {  	v10 =	vld [tilespmem:s0+$0x0];
	v9 =	vmul.f32 v9, v2;
	v28 =	vnsel vm14, $0x0, v6;
	v6 =	vsub.f32 v12, v3  }
0xf9: {  	v15 =	vmul.f32 $1.442695020e+00, v24;
	v13 =	vadd.f32 v13, v56;
	vm15 =	vgt.f32 v27, v11  }
0xfa: {  	vm1 =	vge.f32 v56, v1;
	v9 =	vnsel vm0, $0x0, v9;
	v60 =	vmul.f32 $1.442695020e+00, v6  }
0xfb: {  	vm0 =	vge.f32 v12, v1;
	v61 =	vsub.f32 v5, v3;
	v12 =	vadd.f32 v23, v12  }
0xfc: {  	v6 =	vnsel vm1, $0xFF800000, v13;
	(erf) = vpow2.f32 v60;
	v13 =	vsub.f32 v8, v3  }
0xfd: {  	v23 =	vmul.f32 $1.442695020e+00, v61;
	(erf) = vpow2.f32 v15;
	v15 =	vsub.f32 v10, v3  }
0xfe: {  	v62 =	vld [tilespmem:s3+$0x10];
	v7 =	vsel vm3, v58, v7;
	v11 =	vsel vm15, v27, v11;
	v13 =	vmul.f32 $1.442695020e+00, v13  }
0xff: {  	s25 =	simm.s32 $0x13C20;
	v63 =	vld [tilespmem:s3+$0x0];
	v7 =	vsel vm15, v16, v7;
	v26 =	vpop (erf);
	(erf) = vpow2.f32 v23;
	v15 =	vmul.f32 $1.442695020e+00, v15  }
0x100: {  	[tilespmem:s25+$0xFFFFFFE0] =	vst v14;
	vm3 =	vgt.f32 v22, v11;
	v26 =	vmul.f32 v26, v2;
	(erf) = vpow2.f32 v13  }
0x101: {  	[tilespmem:s25+$0xFFFFFFF0] =	vst v9;
	v16 =	vsel vm3, v22, v11;
	v12 =	vnsel vm0, $0xFF800000, v12;
	(erf) = vpow2.f32 v15;
	v15 =	vld [tilespmem:s3+$0x20]  }
0x102: {  	s28 =	simm.s32 $0x4FC0;
	s31 =	simm.s32 $0x4EB0;
	[tilespmem:s25+$0x20] =	vst v28;
	v59 =	vnsel vm5, $0x0, v25;
	v9 =	vnsel vm2, $0x0, v26;
	vm2 =	vgt.f32 v12, v16  }
0x103: {  	s26 =	simm.s32 $0x5;
	s29 =	simm.s32 $0x4E90;
	s4 =	simm.s32 $0x4EA0;
	v14 =	vsel vm3, v17, v7;
	v7 =	vadd.s32 s31, v0;
	[tilespmem:s25+$0x10] =	vst v59;
	v12 =	vsel vm2, v12, v16  }
0x104: {  	s30 =	simm.s32 $0x4E80;
	s1 =	simm.s32 $0x4EC0;
	s0 =	simm.s32 $0xC640;
	[tilespmem:s25+$0x0] =	vst v9;
	v9 =	vadd.s32 s4, v0;
	v11 =	vadd.f32 v62, v8;
	v13 =	vadd.f32 v63, v10  }
.LBB2_6:
0x105: {  	v16 =	vadd.s32 s1, v0;
	v17 =	vld [tilespmem:s28+$0xFFFFFFF0];
	s26 =	sadd.s32 $0x5, s26;
	v18 =	vadd.s32 s30, v0;
	v19 =	vadd.s32 s29, v0;
	s25 =	sadd.s32 $0x50, s25  }
0x106: {  	v14 =	vsel vm2, v4, v14;
	vm3 =	vgt.f32 v6, v12;
	v20 =	vld [tilespmem:s0+$0xFFFFFFF0];
	p0 =	slt.u32 s26, $0x26C;
	v25 =	vadd.f32 v15, v5;
	v15 =	vpop (erf)  }
0x107: {  	vm2 =	vge.f32 v10, v1;
	vm4 =	vge.f32 v5, v1;
	v21 =	vld [tilespmem:s0+$0x10];
	v15 =	vmul.f32 v15, v2;
	v5 =	vpop (erf)  }
0x108: {  	vm5 =	vge.f32 v8, v1;
	v13 =	vnsel vm2, $0xFF800000, v13;
	v22 =	vld [tilespmem:s28+$0xFFFFFFE0];
	v10 =	vmul.f32 v5, v2;
	v8 =	vpop (erf)  }
0x109: {  	v24 =	vnsel vm4, $0xFF800000, v25;
	v5 =	vld [tilespmem:s28+$0x20];
	v15 =	vnsel vm0, $0x0, v15;
	v23 =	vmul.f32 v8, v2;
	v4 =	vpop (erf)  }
0x10a: {  	v25 =	vld [tilespmem:s0+$0xFFFFFFE0];
	v26 =	vsub.f32 v17, v3;
	[tilespmem:s25+$0xFFFFFFE0] =	vst v15;
	v10 =	vnsel vm1, $0x0, v10;
	v15 =	vmul.f32 v4, v2;
	v4 =	vpop (erf)  }
0x10b: {  	v11 =	vnsel vm5, $0xFF800000, v11;
	v8 =	vld [tilespmem:s28+$0x10];
	[tilespmem:s25+$0xFFFFFFF0] =	vst v10;
	v27 =	vmul.f32 v4, v2;
	v23 =	vnsel vm4, $0x0, v23;
	v4 =	vmovc v16  }
0x10c: {  	v14 =	vsel vm3, v18, v14;
	v16 =	vmul.f32 $1.442695020e+00, v26;
	v10 =	vld [tilespmem:s28+$0x0];
	v15 =	vnsel vm5, $0x0, v15;
	[tilespmem:s25+$0x20] =	vst v23  }
0x10d: {  	v12 =	vsel vm3, v6, v12;
	vm0 =	vge.f32 v22, v1;
	v18 =	vsub.f32 v22, v3;
	[tilespmem:s25+$0x10] =	vst v15  }
0x10e: {  	vm3 =	vgt.f32 v13, v12;
	v6 =	vadd.f32 v20, v17;
	v15 =	vsub.f32 v5, v3  }
0x10f: {  	vm1 =	vge.f32 v17, v1;
	v18 =	vmul.f32 $1.442695020e+00, v18;
	v20 =	vadd.f32 v25, v22  }
0x110: {  	v6 =	vnsel vm1, $0xFF800000, v6;
	v17 =	vsub.f32 v8, v3;
	v15 =	vmul.f32 $1.442695020e+00, v15  }
0x111: {  	v20 =	vnsel vm0, $0xFF800000, v20;
	v22 =	vsub.f32 v10, v3;
	(erf) = vpow2.f32 v18  }
0x112: {  	v12 =	vsel vm3, v13, v12;
	v18 =	vld [tilespmem:s0+$0x0];
	v17 =	vmul.f32 $1.442695020e+00, v17;
	(erf) = vpow2.f32 v16  }
0x113: {  	vm4 =	vgt.f32 v11, v12;
	v13 =	vmul.f32 $1.442695020e+00, v22;
	(erf) = vpow2.f32 v15  }
.Ltmp2:
0x114: {  	v14 =	vsel vm3, v19, v14;
	v11 =	vsel vm4, v11, v12;
	(erf) = vpow2.f32 v17;
	(pc) =	sbr.rel @p0 .LBB2_6-.Ltmp2, $4  }
0x115: {  	v9 =	vsel vm4, v9, v14;
	vm3 =	vgt.f32 v24, v11;
	v15 =	vld [tilespmem:s0+$0x20];
	(erf) = vpow2.f32 v13  }
0x116: {  	s28 =	sadd.s32 $0x50, s28;
	v12 =	vnsel vm2, $0x0, v27;
	v14 =	vsel vm3, v7, v9;
	v16 =	vsel vm3, v24, v11  }
0x117: {  	s3 =	sadd.s32 $0x30, s1;
	s4 =	sadd.s32 $0x40, s1;
	v11 =	vadd.f32 v21, v8;
	vm2 =	vgt.f32 v20, v16;
	s0 =	sadd.s32 $0x50, s0;
	v13 =	vadd.f32 v18, v10;
	[tilespmem:s25+$0x0] =	vst v12  }
0x118: {  	s30 =	sadd.s32 $0x10, s1;
	s29 =	sadd.s32 $0x20, s1;
	s1 =	sadd.s32 $0x50, s1;
	v9 =	vadd.s32 s3, v0;
	v7 =	vadd.s32 s4, v0;
	v12 =	vsel vm2, v20, v16  }
0x119: {  	_ = 	snop  }
0x11a: {  	v16 =	vpop (erf)  }
0x11b: {  	v16 =	vmul.f32 v16, v2;
	v17 =	vpop (erf)  }
0x11c: {  	v17 =	vmul.f32 v17, v2;
	v18 =	vpop (erf)  }
0x11d: {  	s0 =	sadd.s32 $0x50, s25;
	v16 =	vnsel vm0, $0x0, v16;
	v18 =	vmul.f32 v18, v2;
	v19 =	vpop (erf)  }
0x11e: {  	vm0 =	vge.f32 v5, v1;
	[tilespmem:s0+$0xFFFFFFE0] =	vst v16;
	v16 =	vnsel vm1, $0x0, v17;
	v17 =	vmul.f32 v19, v2;
	v53 =	vpop (erf)  }
0x11f: {  	vm1 =	vge.f32 v8, v1;
	[tilespmem:s0+$0xFFFFFFF0] =	vst v16;
	v8 =	vmul.f32 v53, v2;
	v16 =	vnsel vm0, $0x0, v18  }
0x120: {  	vm3 =	vge.f32 v10, v1;
	v10 =	vnsel vm1, $0x0, v17;
	[tilespmem:s0+$0x20] =	vst v16  }
0x121: {  	[tilespmem:s0+$0x10] =	vst v10;
	v8 =	vnsel vm3, $0x0, v8  }
0x122: {  	[tilespmem:s0+$0x0] =	vst v8  }
0x123: {  	s0 =	rddreg [dreg:$0xc]  }
0x124: {  	[hbm4b:s0+s2] =	stream.linear.scatter [tilespmem:s20], [sflag:$0x9], $0x2710, $0x38;
	[tilespmem:$0x16480] =	vst v63  }
0x125: {  	s31 =	rddreg [dreg:$0xd]  }
0x126: {  	[tilespmem:s10], [sflag:$0x3] =	stream.linear.gather [hbm4b:s31+s2], $0x2710, $0x38;
	[tilespmem:$0x16480] =	vst v63  }
0x127: {  	s1 =	rddreg [dreg:$0xe]  }
0x128: {  	[tilespmem:s11], [sflag:$0x6] =	stream.linear.gather [hbm4b:s1+s2], $0x2710, $0x38;
	[tilespmem:$0x16480] =	vst v63  }
0x129: {  	_ =	swait.ge [sflag:s12], $0x2710  }
0x12a: {  	[sflag:s12] =	ssyncset.done $0x0  }
0x12b: {  	[sflag:s12] =	ssyncadd.s32 $0xFFFFD8F0  }
0x12c: {  	_ =	swait.ge [sflag:s13], $0x2710  }
0x12d: {  	[sflag:s13] =	ssyncset.done $0x0  }
0x12e: {  	[sflag:s13] =	ssyncadd.s32 $0xFFFFD8F0  }
0x12f: {  	_ =	swait.ge [sflag:s21], $0x2710  }
0x130: {  	[sflag:s21] =	ssyncset.done $0x0  }
0x131: {  	s3 =	simm.s32 $0x20;
	[sflag:s21] =	ssyncadd.s32 $0xFFFFD8F0  }
0x132: {  	vm4 =	vgt.f32 v6, v12;
	v8 =	vld [tilespmem:s3+$0xFFFFFFE0]  }
0x133: {  	v13 =	vnsel vm3, $0xFF800000, v13;
	v6 =	vsel vm4, v6, v12;
	v16 =	vld [tilespmem:s3+$0xFFFFFFF0]  }
0x134: {  	v4 =	vsel vm2, v4, v14;
	vm2 =	vgt.f32 v13, v6;
	v5 =	vadd.f32 v15, v5  }
0x135: {  	v6 =	vsel vm2, v13, v6  }
0x136: {  	v15 =	vadd.s32 s29, v0;
	v5 =	vnsel vm0, $0xFF800000, v5;
	v10 =	vadd.s32 s30, v0;
	v12 =	vld [tilespmem:s3+$0x20]  }
0x137: {  	v11 =	vnsel vm1, $0xFF800000, v11;
	v4 =	vsel vm4, v10, v4;
	v14 =	vld [tilespmem:s3+$0x10];
	v10 =	vsub.f32 v8, v3  }
0x138: {  	s4 =	simm.s32 $0x76A0;
	vm0 =	vgt.f32 v11, v6;
	v4 =	vsel vm2, v15, v4;
	v13 =	vld [tilespmem:s3+$0x0];
	v15 =	vsub.f32 v16, v3  }
0x139: {  	v4 =	vsel vm0, v9, v4;
	v9 =	vld [tilespmem:s4+$0xFFFFFFE0];
	v10 =	vmul.f32 $1.442695020e+00, v10  }
0x13a: {  	v6 =	vsel vm0, v11, v6;
	v15 =	vmul.f32 $1.442695020e+00, v15  }
0x13b: {  	vm0 =	vgt.f32 v5, v6;
	v11 =	vld [tilespmem:s4+$0xFFFFFFF0];
	v17 =	vsub.f32 v12, v3;
	(erf) = vpow2.f32 v10  }
0x13c: {  	s26 =	simm.s32 $0x7550;
	v5 =	vsel vm0, v5, v6;
	v6 =	vld [tilespmem:s4+$0x0];
	v54 =	vsub.f32 v14, v3;
	(erf) = vpow2.f32 v15  }
0x13d: {  	v58 =	vadd.s32 s26, v0;
	s0 =	simm.s32 $0x70;
	v20 =	vsub.f32 v13, v3;
	v17 =	vmul.f32 $1.442695020e+00, v17  }
0x13e: {  	v7 =	vsel vm0, v7, v4;
	v56 =	vld [tilespmem:s0+$0xFFFFFFF0];
	v9 =	vadd.f32 v9, v8;
	v10 =	vmul.f32 $1.442695020e+00, v54  }
0x13f: {  	vm1 =	vge.f32 v8, v1;
	v8 =	vld [tilespmem:s4+$0x20];
	v4 =	vmul.f32 $1.442695020e+00, v20;
	(erf) = vpow2.f32 v17  }
0x140: {  	s25 =	simm.s32 $0x7560;
	v11 =	vadd.f32 v11, v16;
	vm0 =	vge.f32 v16, v1;
	(erf) = vpow2.f32 v10  }
0x141: {  	s1 =	simm.s32 $0x7530;
	v55 =	vld [tilespmem:s4+$0x10];
	v6 =	vadd.f32 v6, v13;
	v16 =	vadd.s32 s25, v0;
	(erf) = vpow2.f32 v4  }
0x142: {  	vm14 =	vge.f32 v12, v1;
	v10 =	vadd.s32 s1, v0;
	v4 =	vnsel vm1, $0xFF800000, v9  }
0x143: {  	s4 =	simm.s32 $0x7540;
	vm5 =	vge.f32 v14, v1;
	v24 =	vsub.f32 v56, v3;
	vm2 =	vgt.f32 v4, v5  }
0x144: {  	v57 =	vadd.s32 s4, v0;
	v15 =	vsel vm2, v4, v5;
	v5 =	vadd.f32 v8, v12;
	v8 =	vpop (erf)  }
0x145: {  	s3 =	simm.s32 $0x7570;
	v11 =	vnsel vm0, $0xFF800000, v11;
	v7 =	vsel vm2, v10, v7;
	v8 =	vmul.f32 v8, v2;
	v10 =	vpop (erf)  }
0x146: {  	s31 =	simm.s32 $0x7580;
	v17 =	vadd.s32 s3, v0;
	s3 =	simm.s32 $0x76F0;
	v9 =	vadd.f32 v55, v14;
	v12 =	vld [tilespmem:s0+$0xFFFFFFE0];
	v10 =	vmul.f32 v10, v2  }
0x147: {  	v23 =	vld [tilespmem:s3+$0xFFFFFFE0];
	v4 =	vadd.s32 s31, v0;
	vm2 =	vge.f32 v13, v1;
	vm3 =	vgt.f32 v11, v15  }
0x148: {  	v13 =	vld [tilespmem:s3+$0xFFFFFFF0];
	v21 =	vnsel vm2, $0xFF800000, v6;
	v22 =	vnsel vm14, $0xFF800000, v5;
	v7 =	vsel vm3, v57, v7;
	v6 =	vpop (erf)  }
0x149: {  	v5 =	vld [tilespmem:s0+$0x20];
	v11 =	vsel vm3, v11, v15;
	v14 =	vnsel vm1, $0x0, v8;
	v6 =	vmul.f32 v6, v2;
	v8 =	vpop (erf)  }
0x14a: {  	vm3 =	vgt.f32 v21, v11;
	v25 =	vnsel vm0, $0x0, v10;
	v26 =	vmul.f32 v8, v2;
	v10 =	vpop (erf);
	v8 =	vld [tilespmem:s0+$0x10]  }
0x14b: {  	v28 =	vnsel vm14, $0x0, v6;
	v6 =	vsub.f32 v12, v3;
	v27 =	vmul.f32 v10, v2;
	v10 =	vld [tilespmem:s0+$0x0]  }
0x14c: {  	v9 =	vnsel vm5, $0xFF800000, v9;
	v15 =	vmul.f32 $1.442695020e+00, v24;
	v11 =	vsel vm3, v21, v11  }
0x14d: {  	v13 =	vadd.f32 v13, v56;
	vm1 =	vge.f32 v56, v1;
	v60 =	vmul.f32 $1.442695020e+00, v6  }
0x14e: {  	vm0 =	vge.f32 v12, v1;
	v61 =	vsub.f32 v5, v3;
	v12 =	vadd.f32 v23, v12  }
0x14f: {  	v6 =	vnsel vm1, $0xFF800000, v13;
	(erf) = vpow2.f32 v60;
	v13 =	vsub.f32 v8, v3  }
0x150: {  	v23 =	vmul.f32 $1.442695020e+00, v61;
	(erf) = vpow2.f32 v15;
	v15 =	vsub.f32 v10, v3  }
0x151: {  	v62 =	vld [tilespmem:s3+$0x10];
	v7 =	vsel vm3, v58, v7;
	vm15 =	vgt.f32 v9, v11;
	v13 =	vmul.f32 $1.442695020e+00, v13  }
0x152: {  	s25 =	simm.s32 $0xED20;
	v63 =	vld [tilespmem:s3+$0x0];
	v9 =	vsel vm15, v9, v11;
	(erf) = vpow2.f32 v23;
	v15 =	vmul.f32 $1.442695020e+00, v15  }
0x153: {  	v7 =	vsel vm15, v16, v7;
	[tilespmem:s25+$0xFFFFFFE0] =	vst v14;
	vm3 =	vgt.f32 v22, v9;
	(erf) = vpow2.f32 v13  }
0x154: {  	[tilespmem:s25+$0xFFFFFFF0] =	vst v25;
	v9 =	vsel vm3, v22, v9;
	v12 =	vnsel vm0, $0xFF800000, v12;
	(erf) = vpow2.f32 v15;
	v15 =	vld [tilespmem:s3+$0x20]  }
0x155: {  	s28 =	simm.s32 $0xC0;
	s31 =	simm.s32 $0x75C0;
	[tilespmem:s25+$0x20] =	vst v28;
	v59 =	vnsel vm5, $0x0, v26;
	v16 =	vnsel vm2, $0x0, v27;
	vm2 =	vgt.f32 v12, v9  }
0x156: {  	s26 =	simm.s32 $0x5;
	s29 =	simm.s32 $0x75A0;
	s4 =	simm.s32 $0x75B0;
	v14 =	vsel vm3, v17, v7;
	v7 =	vadd.s32 s31, v0;
	[tilespmem:s25+$0x10] =	vst v59;
	v12 =	vsel vm2, v12, v9  }
0x157: {  	s30 =	simm.s32 $0x7590;
	s1 =	simm.s32 $0x75D0;
	s0 =	simm.s32 $0x7740;
	[tilespmem:s25+$0x0] =	vst v16;
	v9 =	vadd.s32 s4, v0;
	v11 =	vadd.f32 v62, v8;
	v13 =	vadd.f32 v63, v10  }
.LBB2_8:
0x158: {  	v16 =	vadd.s32 s1, v0;
	v17 =	vld [tilespmem:s28+$0xFFFFFFF0];
	s26 =	sadd.s32 $0x5, s26;
	v18 =	vadd.s32 s30, v0;
	v19 =	vadd.s32 s29, v0;
	s25 =	sadd.s32 $0x50, s25  }
0x159: {  	v14 =	vsel vm2, v4, v14;
	vm3 =	vgt.f32 v6, v12;
	v20 =	vld [tilespmem:s0+$0xFFFFFFF0];
	p0 =	slt.u32 s26, $0x26C;
	v25 =	vadd.f32 v15, v5;
	v15 =	vpop (erf)  }
0x15a: {  	vm2 =	vge.f32 v10, v1;
	vm4 =	vge.f32 v5, v1;
	v21 =	vld [tilespmem:s0+$0x10];
	v15 =	vmul.f32 v15, v2;
	v5 =	vpop (erf)  }
0x15b: {  	vm5 =	vge.f32 v8, v1;
	v13 =	vnsel vm2, $0xFF800000, v13;
	v22 =	vld [tilespmem:s28+$0xFFFFFFE0];
	v10 =	vmul.f32 v5, v2;
	v8 =	vpop (erf)  }
0x15c: {  	v24 =	vnsel vm4, $0xFF800000, v25;
	v5 =	vld [tilespmem:s28+$0x20];
	v15 =	vnsel vm0, $0x0, v15;
	v23 =	vmul.f32 v8, v2;
	v4 =	vpop (erf)  }
0x15d: {  	v25 =	vld [tilespmem:s0+$0xFFFFFFE0];
	v26 =	vsub.f32 v17, v3;
	[tilespmem:s25+$0xFFFFFFE0] =	vst v15;
	v10 =	vnsel vm1, $0x0, v10;
	v15 =	vmul.f32 v4, v2;
	v4 =	vpop (erf)  }
0x15e: {  	v11 =	vnsel vm5, $0xFF800000, v11;
	v8 =	vld [tilespmem:s28+$0x10];
	[tilespmem:s25+$0xFFFFFFF0] =	vst v10;
	v27 =	vmul.f32 v4, v2;
	v23 =	vnsel vm4, $0x0, v23;
	v4 =	vmovc v16  }
0x15f: {  	v14 =	vsel vm3, v18, v14;
	v16 =	vmul.f32 $1.442695020e+00, v26;
	v10 =	vld [tilespmem:s28+$0x0];
	v15 =	vnsel vm5, $0x0, v15;
	[tilespmem:s25+$0x20] =	vst v23  }
0x160: {  	v12 =	vsel vm3, v6, v12;
	vm0 =	vge.f32 v22, v1;
	v18 =	vsub.f32 v22, v3;
	[tilespmem:s25+$0x10] =	vst v15  }
0x161: {  	vm3 =	vgt.f32 v13, v12;
	v6 =	vadd.f32 v20, v17;
	v15 =	vsub.f32 v5, v3  }
0x162: {  	vm1 =	vge.f32 v17, v1;
	v18 =	vmul.f32 $1.442695020e+00, v18;
	v20 =	vadd.f32 v25, v22  }
0x163: {  	v6 =	vnsel vm1, $0xFF800000, v6;
	v17 =	vsub.f32 v8, v3;
	v15 =	vmul.f32 $1.442695020e+00, v15  }
0x164: {  	v20 =	vnsel vm0, $0xFF800000, v20;
	v22 =	vsub.f32 v10, v3;
	(erf) = vpow2.f32 v18  }
0x165: {  	v12 =	vsel vm3, v13, v12;
	v18 =	vld [tilespmem:s0+$0x0];
	v17 =	vmul.f32 $1.442695020e+00, v17;
	(erf) = vpow2.f32 v16  }
0x166: {  	vm4 =	vgt.f32 v11, v12;
	v13 =	vmul.f32 $1.442695020e+00, v22;
	(erf) = vpow2.f32 v15  }
.Ltmp3:
0x167: {  	v14 =	vsel vm3, v19, v14;
	v11 =	vsel vm4, v11, v12;
	(erf) = vpow2.f32 v17;
	(pc) =	sbr.rel @p0 .LBB2_8-.Ltmp3, $4  }
0x168: {  	v9 =	vsel vm4, v9, v14;
	vm3 =	vgt.f32 v24, v11;
	v15 =	vld [tilespmem:s0+$0x20];
	(erf) = vpow2.f32 v13  }
0x169: {  	s28 =	sadd.s32 $0x50, s28;
	v12 =	vnsel vm2, $0x0, v27;
	v14 =	vsel vm3, v7, v9;
	v16 =	vsel vm3, v24, v11  }
0x16a: {  	s3 =	sadd.s32 $0x30, s1;
	s4 =	sadd.s32 $0x40, s1;
	v11 =	vadd.f32 v21, v8;
	vm2 =	vgt.f32 v20, v16;
	s0 =	sadd.s32 $0x50, s0;
	v13 =	vadd.f32 v18, v10;
	[tilespmem:s25+$0x0] =	vst v12  }
0x16b: {  	s30 =	sadd.s32 $0x10, s1;
	s29 =	sadd.s32 $0x20, s1;
	s1 =	sadd.s32 $0x50, s1;
	v9 =	vadd.s32 s3, v0;
	v7 =	vadd.s32 s4, v0;
	v12 =	vsel vm2, v20, v16  }
0x16c: {  	_ = 	snop  }
0x16d: {  	v16 =	vpop (erf)  }
0x16e: {  	v16 =	vmul.f32 v16, v2;
	v17 =	vpop (erf)  }
0x16f: {  	v17 =	vmul.f32 v17, v2;
	v18 =	vpop (erf)  }
0x170: {  	s0 =	sadd.s32 $0x50, s25;
	v16 =	vnsel vm0, $0x0, v16;
	v18 =	vmul.f32 v18, v2;
	v19 =	vpop (erf)  }
0x171: {  	vm0 =	vge.f32 v5, v1;
	[tilespmem:s0+$0xFFFFFFE0] =	vst v16;
	v16 =	vnsel vm1, $0x0, v17;
	v17 =	vmul.f32 v19, v2;
	v53 =	vpop (erf)  }
0x172: {  	vm1 =	vge.f32 v8, v1;
	[tilespmem:s0+$0xFFFFFFF0] =	vst v16;
	v8 =	vmul.f32 v53, v2;
	v16 =	vnsel vm0, $0x0, v18  }
0x173: {  	vm3 =	vge.f32 v10, v1;
	v10 =	vnsel vm1, $0x0, v17;
	[tilespmem:s0+$0x20] =	vst v16  }
0x174: {  	[tilespmem:s0+$0x10] =	vst v10;
	v8 =	vnsel vm3, $0x0, v8  }
0x175: {  	[tilespmem:s0+$0x0] =	vst v8  }
0x176: {  	s0 =	rddreg [dreg:$0xf]  }
0x177: {  	[hbm4b:s0+s2] =	stream.linear.scatter [tilespmem:s14], [sflag:$0x7], $0x2710, $0x38;
	[tilespmem:$0x16480] =	vst v63  }
0x178: {  	s31 =	rddreg [dreg:$0x12]  }
0x179: {  	[tilespmem:s2], [sflag:$0x1] =	stream.linear.gather [hbm4b:s31+s2], $0x2710, $0x38;
	[tilespmem:$0x16480] =	vst v63  }
0x17a: {  	s1 =	rddreg [dreg:$0x13]  }
0x17b: {  	[tilespmem:s6], [sflag:$0x4] =	stream.linear.gather [hbm4b:s1+s2], $0x2710, $0x38;
	[tilespmem:$0x16480] =	vst v63  }
0x17c: {  	_ =	swait.ge [sflag:s15], $0x2710  }
0x17d: {  	[sflag:s15] =	ssyncset.done $0x0  }
0x17e: {  	[sflag:s15] =	ssyncadd.s32 $0xFFFFD8F0  }
0x17f: {  	_ =	swait.ge [sflag:s16], $0x2710  }
0x180: {  	[sflag:s16] =	ssyncset.done $0x0  }
0x181: {  	[sflag:s16] =	ssyncadd.s32 $0xFFFFD8F0  }
0x182: {  	_ =	swait.ge [sflag:s22], $0x2710  }
0x183: {  	[sflag:s22] =	ssyncset.done $0x0  }
0x184: {  	s3 =	simm.s32 $0x27A0;
	[sflag:s22] =	ssyncadd.s32 $0xFFFFD8F0  }
0x185: {  	vm4 =	vgt.f32 v6, v12;
	v8 =	vld [tilespmem:s3+$0xFFFFFFE0]  }
0x186: {  	v13 =	vnsel vm3, $0xFF800000, v13;
	v6 =	vsel vm4, v6, v12;
	v16 =	vld [tilespmem:s3+$0xFFFFFFF0]  }
0x187: {  	v4 =	vsel vm2, v4, v14;
	vm2 =	vgt.f32 v13, v6;
	v5 =	vadd.f32 v15, v5  }
0x188: {  	v6 =	vsel vm2, v13, v6  }
0x189: {  	v15 =	vadd.s32 s29, v0;
	v5 =	vnsel vm0, $0xFF800000, v5;
	v10 =	vadd.s32 s30, v0;
	v12 =	vld [tilespmem:s3+$0x20]  }
0x18a: {  	v11 =	vnsel vm1, $0xFF800000, v11;
	v4 =	vsel vm4, v10, v4;
	v14 =	vld [tilespmem:s3+$0x10];
	v10 =	vsub.f32 v8, v3  }
0x18b: {  	s4 =	simm.s32 $0x9E20;
	vm0 =	vgt.f32 v11, v6;
	v4 =	vsel vm2, v15, v4;
	v13 =	vld [tilespmem:s3+$0x0];
	v15 =	vsub.f32 v16, v3  }
0x18c: {  	v4 =	vsel vm0, v9, v4;
	v9 =	vld [tilespmem:s4+$0xFFFFFFE0];
	v10 =	vmul.f32 $1.442695020e+00, v10  }
0x18d: {  	v6 =	vsel vm0, v11, v6;
	v15 =	vmul.f32 $1.442695020e+00, v15  }
0x18e: {  	vm0 =	vgt.f32 v5, v6;
	v11 =	vld [tilespmem:s4+$0xFFFFFFF0];
	v17 =	vsub.f32 v12, v3;
	(erf) = vpow2.f32 v10  }
0x18f: {  	s26 =	simm.s32 $0x9C60;
	v5 =	vsel vm0, v5, v6;
	v6 =	vld [tilespmem:s4+$0x0];
	v54 =	vsub.f32 v14, v3;
	(erf) = vpow2.f32 v15  }
0x190: {  	v58 =	vadd.s32 s26, v0;
	s0 =	simm.s32 $0x27F0;
	v20 =	vsub.f32 v13, v3;
	v17 =	vmul.f32 $1.442695020e+00, v17  }
0x191: {  	v7 =	vsel vm0, v7, v4;
	v56 =	vld [tilespmem:s0+$0xFFFFFFF0];
	v9 =	vadd.f32 v9, v8;
	v10 =	vmul.f32 $1.442695020e+00, v54  }
0x192: {  	vm1 =	vge.f32 v8, v1;
	v8 =	vld [tilespmem:s4+$0x20];
	v4 =	vmul.f32 $1.442695020e+00, v20;
	(erf) = vpow2.f32 v17  }
0x193: {  	s25 =	simm.s32 $0x9C70;
	v11 =	vadd.f32 v11, v16;
	vm0 =	vge.f32 v16, v1;
	(erf) = vpow2.f32 v10  }
0x194: {  	s1 =	simm.s32 $0x9C40;
	v55 =	vld [tilespmem:s4+$0x10];
	v6 =	vadd.f32 v6, v13;
	v16 =	vadd.s32 s25, v0;
	(erf) = vpow2.f32 v4  }
0x195: {  	vm14 =	vge.f32 v12, v1;
	v10 =	vadd.s32 s1, v0;
	v4 =	vnsel vm1, $0xFF800000, v9  }
0x196: {  	s4 =	simm.s32 $0x9C50;
	vm5 =	vge.f32 v14, v1;
	v24 =	vsub.f32 v56, v3;
	vm2 =	vgt.f32 v4, v5  }
0x197: {  	v57 =	vadd.s32 s4, v0;
	v15 =	vsel vm2, v4, v5;
	v5 =	vadd.f32 v8, v12;
	v8 =	vpop (erf)  }
0x198: {  	s3 =	simm.s32 $0x9C80;
	v11 =	vnsel vm0, $0xFF800000, v11;
	v7 =	vsel vm2, v10, v7;
	v8 =	vmul.f32 v8, v2;
	v10 =	vpop (erf)  }
0x199: {  	s31 =	simm.s32 $0x9C90;
	v17 =	vadd.s32 s3, v0;
	s3 =	simm.s32 $0x9E70;
	v9 =	vadd.f32 v55, v14;
	v12 =	vld [tilespmem:s0+$0xFFFFFFE0];
	v10 =	vmul.f32 v10, v2  }
0x19a: {  	v23 =	vld [tilespmem:s3+$0xFFFFFFE0];
	v4 =	vadd.s32 s31, v0;
	vm2 =	vge.f32 v13, v1;
	vm3 =	vgt.f32 v11, v15  }
0x19b: {  	v13 =	vld [tilespmem:s3+$0xFFFFFFF0];
	v21 =	vnsel vm2, $0xFF800000, v6;
	v22 =	vnsel vm14, $0xFF800000, v5;
	v7 =	vsel vm3, v57, v7;
	v6 =	vpop (erf)  }
0x19c: {  	v5 =	vld [tilespmem:s0+$0x20];
	v11 =	vsel vm3, v11, v15;
	v14 =	vnsel vm1, $0x0, v8;
	v6 =	vmul.f32 v6, v2;
	v8 =	vpop (erf)  }
0x19d: {  	vm3 =	vgt.f32 v21, v11;
	v25 =	vnsel vm0, $0x0, v10;
	v26 =	vmul.f32 v8, v2;
	v10 =	vpop (erf);
	v8 =	vld [tilespmem:s0+$0x10]  }
0x19e: {  	v28 =	vnsel vm14, $0x0, v6;
	v6 =	vsub.f32 v12, v3;
	v27 =	vmul.f32 v10, v2;
	v10 =	vld [tilespmem:s0+$0x0]  }
0x19f: {  	v9 =	vnsel vm5, $0xFF800000, v9;
	v15 =	vmul.f32 $1.442695020e+00, v24;
	v11 =	vsel vm3, v21, v11  }
0x1a0: {  	v13 =	vadd.f32 v13, v56;
	vm1 =	vge.f32 v56, v1;
	v60 =	vmul.f32 $1.442695020e+00, v6  }
0x1a1: {  	vm0 =	vge.f32 v12, v1;
	v61 =	vsub.f32 v5, v3;
	v12 =	vadd.f32 v23, v12  }
0x1a2: {  	v6 =	vnsel vm1, $0xFF800000, v13;
	(erf) = vpow2.f32 v60;
	v13 =	vsub.f32 v8, v3  }
0x1a3: {  	v23 =	vmul.f32 $1.442695020e+00, v61;
	(erf) = vpow2.f32 v15;
	v15 =	vsub.f32 v10, v3  }
0x1a4: {  	v62 =	vld [tilespmem:s3+$0x10];
	v7 =	vsel vm3, v58, v7;
	vm15 =	vgt.f32 v9, v11;
	v13 =	vmul.f32 $1.442695020e+00, v13  }
0x1a5: {  	s25 =	simm.s32 $0x114A0;
	v63 =	vld [tilespmem:s3+$0x0];
	v9 =	vsel vm15, v9, v11;
	(erf) = vpow2.f32 v23;
	v15 =	vmul.f32 $1.442695020e+00, v15  }
0x1a6: {  	v7 =	vsel vm15, v16, v7;
	[tilespmem:s25+$0xFFFFFFE0] =	vst v14;
	vm3 =	vgt.f32 v22, v9;
	(erf) = vpow2.f32 v13  }
0x1a7: {  	[tilespmem:s25+$0xFFFFFFF0] =	vst v25;
	v9 =	vsel vm3, v22, v9;
	v12 =	vnsel vm0, $0xFF800000, v12;
	(erf) = vpow2.f32 v15;
	v15 =	vld [tilespmem:s3+$0x20]  }
0x1a8: {  	s28 =	simm.s32 $0x2840;
	s31 =	simm.s32 $0x9CD0;
	[tilespmem:s25+$0x20] =	vst v28;
	v59 =	vnsel vm5, $0x0, v26;
	v16 =	vnsel vm2, $0x0, v27;
	vm2 =	vgt.f32 v12, v9  }
0x1a9: {  	s26 =	simm.s32 $0x5;
	s29 =	simm.s32 $0x9CB0;
	s4 =	simm.s32 $0x9CC0;
	v14 =	vsel vm3, v17, v7;
	v7 =	vadd.s32 s31, v0;
	[tilespmem:s25+$0x10] =	vst v59;
	v12 =	vsel vm2, v12, v9  }
0x1aa: {  	s30 =	simm.s32 $0x9CA0;
	s1 =	simm.s32 $0x9CE0;
	s0 =	simm.s32 $0x9EC0;
	[tilespmem:s25+$0x0] =	vst v16;
	v9 =	vadd.s32 s4, v0;
	v11 =	vadd.f32 v62, v8;
	v13 =	vadd.f32 v63, v10  }
.LBB2_10:
0x1ab: {  	v16 =	vadd.s32 s1, v0;
	v17 =	vld [tilespmem:s28+$0xFFFFFFF0];
	s26 =	sadd.s32 $0x5, s26;
	v18 =	vadd.s32 s30, v0;
	v19 =	vadd.s32 s29, v0;
	s25 =	sadd.s32 $0x50, s25  }
0x1ac: {  	v14 =	vsel vm2, v4, v14;
	vm3 =	vgt.f32 v6, v12;
	v20 =	vld [tilespmem:s0+$0xFFFFFFF0];
	p0 =	slt.u32 s26, $0x26C;
	v25 =	vadd.f32 v15, v5;
	v15 =	vpop (erf)  }
0x1ad: {  	vm2 =	vge.f32 v10, v1;
	vm4 =	vge.f32 v5, v1;
	v21 =	vld [tilespmem:s0+$0x10];
	v15 =	vmul.f32 v15, v2;
	v5 =	vpop (erf)  }
0x1ae: {  	vm5 =	vge.f32 v8, v1;
	v13 =	vnsel vm2, $0xFF800000, v13;
	v22 =	vld [tilespmem:s28+$0xFFFFFFE0];
	v10 =	vmul.f32 v5, v2;
	v8 =	vpop (erf)  }
0x1af: {  	v24 =	vnsel vm4, $0xFF800000, v25;
	v5 =	vld [tilespmem:s28+$0x20];
	v15 =	vnsel vm0, $0x0, v15;
	v23 =	vmul.f32 v8, v2;
	v4 =	vpop (erf)  }
0x1b0: {  	v25 =	vld [tilespmem:s0+$0xFFFFFFE0];
	v26 =	vsub.f32 v17, v3;
	[tilespmem:s25+$0xFFFFFFE0] =	vst v15;
	v10 =	vnsel vm1, $0x0, v10;
	v15 =	vmul.f32 v4, v2;
	v4 =	vpop (erf)  }
0x1b1: {  	v11 =	vnsel vm5, $0xFF800000, v11;
	v8 =	vld [tilespmem:s28+$0x10];
	[tilespmem:s25+$0xFFFFFFF0] =	vst v10;
	v27 =	vmul.f32 v4, v2;
	v23 =	vnsel vm4, $0x0, v23;
	v4 =	vmovc v16  }
0x1b2: {  	v14 =	vsel vm3, v18, v14;
	v16 =	vmul.f32 $1.442695020e+00, v26;
	v10 =	vld [tilespmem:s28+$0x0];
	v15 =	vnsel vm5, $0x0, v15;
	[tilespmem:s25+$0x20] =	vst v23  }
0x1b3: {  	v12 =	vsel vm3, v6, v12;
	vm0 =	vge.f32 v22, v1;
	v18 =	vsub.f32 v22, v3;
	[tilespmem:s25+$0x10] =	vst v15  }
0x1b4: {  	vm3 =	vgt.f32 v13, v12;
	v6 =	vadd.f32 v20, v17;
	v15 =	vsub.f32 v5, v3  }
0x1b5: {  	vm1 =	vge.f32 v17, v1;
	v18 =	vmul.f32 $1.442695020e+00, v18;
	v20 =	vadd.f32 v25, v22  }
0x1b6: {  	v6 =	vnsel vm1, $0xFF800000, v6;
	v17 =	vsub.f32 v8, v3;
	v15 =	vmul.f32 $1.442695020e+00, v15  }
0x1b7: {  	v20 =	vnsel vm0, $0xFF800000, v20;
	v22 =	vsub.f32 v10, v3;
	(erf) = vpow2.f32 v18  }
0x1b8: {  	v12 =	vsel vm3, v13, v12;
	v18 =	vld [tilespmem:s0+$0x0];
	v17 =	vmul.f32 $1.442695020e+00, v17;
	(erf) = vpow2.f32 v16  }
0x1b9: {  	vm4 =	vgt.f32 v11, v12;
	v13 =	vmul.f32 $1.442695020e+00, v22;
	(erf) = vpow2.f32 v15  }
.Ltmp4:
0x1ba: {  	v14 =	vsel vm3, v19, v14;
	v11 =	vsel vm4, v11, v12;
	(erf) = vpow2.f32 v17;
	(pc) =	sbr.rel @p0 .LBB2_10-.Ltmp4, $4  }
0x1bb: {  	v9 =	vsel vm4, v9, v14;
	vm3 =	vgt.f32 v24, v11;
	v15 =	vld [tilespmem:s0+$0x20];
	(erf) = vpow2.f32 v13  }
0x1bc: {  	s28 =	sadd.s32 $0x50, s28;
	v12 =	vnsel vm2, $0x0, v27;
	v14 =	vsel vm3, v7, v9;
	v16 =	vsel vm3, v24, v11  }
0x1bd: {  	s3 =	sadd.s32 $0x30, s1;
	s4 =	sadd.s32 $0x40, s1;
	v11 =	vadd.f32 v21, v8;
	vm2 =	vgt.f32 v20, v16;
	s0 =	sadd.s32 $0x50, s0;
	v13 =	vadd.f32 v18, v10;
	[tilespmem:s25+$0x0] =	vst v12  }
0x1be: {  	s30 =	sadd.s32 $0x10, s1;
	s29 =	sadd.s32 $0x20, s1;
	s1 =	sadd.s32 $0x50, s1;
	v9 =	vadd.s32 s3, v0;
	v7 =	vadd.s32 s4, v0;
	v12 =	vsel vm2, v20, v16  }
0x1bf: {  	_ = 	snop  }
0x1c0: {  	v16 =	vpop (erf)  }
0x1c1: {  	v16 =	vmul.f32 v16, v2;
	v17 =	vpop (erf)  }
0x1c2: {  	v17 =	vmul.f32 v17, v2;
	v18 =	vpop (erf)  }
0x1c3: {  	s0 =	sadd.s32 $0x50, s25;
	v16 =	vnsel vm0, $0x0, v16;
	v18 =	vmul.f32 v18, v2;
	v19 =	vpop (erf)  }
0x1c4: {  	vm0 =	vge.f32 v5, v1;
	[tilespmem:s0+$0xFFFFFFE0] =	vst v16;
	v16 =	vnsel vm1, $0x0, v17;
	v17 =	vmul.f32 v19, v2;
	v53 =	vpop (erf)  }
0x1c5: {  	vm1 =	vge.f32 v8, v1;
	[tilespmem:s0+$0xFFFFFFF0] =	vst v16;
	v8 =	vmul.f32 v53, v2;
	v16 =	vnsel vm0, $0x0, v18  }
0x1c6: {  	vm3 =	vge.f32 v10, v1;
	v10 =	vnsel vm1, $0x0, v17;
	[tilespmem:s0+$0x20] =	vst v16  }
0x1c7: {  	[tilespmem:s0+$0x10] =	vst v10;
	v8 =	vnsel vm3, $0x0, v8  }
0x1c8: {  	[tilespmem:s0+$0x0] =	vst v8  }
0x1c9: {  	s0 =	rddreg [dreg:$0x10]  }
0x1ca: {  	[hbm4b:s0+s2] =	stream.linear.scatter [tilespmem:s17], [sflag:$0x8], $0x2710, $0x38;
	[tilespmem:$0x16480] =	vst v63  }
0x1cb: {  	s31 =	rddreg [dreg:$0x18]  }
0x1cc: {  	[tilespmem:s7], [sflag:$0x2] =	stream.linear.gather [hbm4b:s31+s2], $0x2710, $0x38;
	[tilespmem:$0x16480] =	vst v63  }
0x1cd: {  	s1 =	rddreg [dreg:$0x1b]  }
0x1ce: {  	[tilespmem:s8], [sflag:$0x5] =	stream.linear.gather [hbm4b:s1+s2], $0x2710, $0x38;
	[tilespmem:$0x16480] =	vst v63  }
0x1cf: {  	_ =	swait.ge [sflag:s18], $0x2710  }
0x1d0: {  	[sflag:s18] =	ssyncset.done $0x0  }
0x1d1: {  	[sflag:s18] =	ssyncadd.s32 $0xFFFFD8F0  }
0x1d2: {  	_ =	swait.ge [sflag:s19], $0x2710  }
0x1d3: {  	[sflag:s19] =	ssyncset.done $0x0  }
0x1d4: {  	[sflag:s19] =	ssyncadd.s32 $0xFFFFD8F0  }
0x1d5: {  	_ =	swait.ge [sflag:s23], $0x2710  }
0x1d6: {  	[sflag:s23] =	ssyncset.done $0x0  }
0x1d7: {  	s3 =	simm.s32 $0x4F20;
	[sflag:s23] =	ssyncadd.s32 $0xFFFFD8F0  }
0x1d8: {  	vm4 =	vgt.f32 v6, v12;
	v8 =	vld [tilespmem:s3+$0xFFFFFFE0]  }
0x1d9: {  	v13 =	vnsel vm3, $0xFF800000, v13;
	v6 =	vsel vm4, v6, v12;
	v16 =	vld [tilespmem:s3+$0xFFFFFFF0]  }
0x1da: {  	v4 =	vsel vm2, v4, v14;
	vm2 =	vgt.f32 v13, v6;
	v5 =	vadd.f32 v15, v5  }
0x1db: {  	v6 =	vsel vm2, v13, v6  }
0x1dc: {  	v15 =	vadd.s32 s29, v0;
	v5 =	vnsel vm0, $0xFF800000, v5;
	v10 =	vadd.s32 s30, v0;
	v12 =	vld [tilespmem:s3+$0x20]  }
0x1dd: {  	v11 =	vnsel vm1, $0xFF800000, v11;
	v4 =	vsel vm4, v10, v4;
	v14 =	vld [tilespmem:s3+$0x10];
	v10 =	vsub.f32 v8, v3  }
0x1de: {  	s4 =	simm.s32 $0xC5A0;
	vm0 =	vgt.f32 v11, v6;
	v4 =	vsel vm2, v15, v4;
	v13 =	vld [tilespmem:s3+$0x0];
	v15 =	vsub.f32 v16, v3  }
0x1df: {  	v4 =	vsel vm0, v9, v4;
	v9 =	vld [tilespmem:s4+$0xFFFFFFE0];
	v10 =	vmul.f32 $1.442695020e+00, v10  }
0x1e0: {  	v6 =	vsel vm0, v11, v6;
	v15 =	vmul.f32 $1.442695020e+00, v15  }
0x1e1: {  	vm0 =	vgt.f32 v5, v6;
	v11 =	vld [tilespmem:s4+$0xFFFFFFF0];
	v17 =	vsub.f32 v12, v3;
	(erf) = vpow2.f32 v10  }
0x1e2: {  	s26 =	simm.s32 $0xC370;
	v5 =	vsel vm0, v5, v6;
	v6 =	vld [tilespmem:s4+$0x0];
	v54 =	vsub.f32 v14, v3;
	(erf) = vpow2.f32 v15  }
0x1e3: {  	v58 =	vadd.s32 s26, v0;
	s0 =	simm.s32 $0x4F70;
	v20 =	vsub.f32 v13, v3;
	v17 =	vmul.f32 $1.442695020e+00, v17  }
0x1e4: {  	v7 =	vsel vm0, v7, v4;
	v56 =	vld [tilespmem:s0+$0xFFFFFFF0];
	v9 =	vadd.f32 v9, v8;
	v10 =	vmul.f32 $1.442695020e+00, v54  }
0x1e5: {  	vm1 =	vge.f32 v8, v1;
	v8 =	vld [tilespmem:s4+$0x20];
	v4 =	vmul.f32 $1.442695020e+00, v20;
	(erf) = vpow2.f32 v17  }
0x1e6: {  	s25 =	simm.s32 $0xC380;
	v11 =	vadd.f32 v11, v16;
	vm0 =	vge.f32 v16, v1;
	(erf) = vpow2.f32 v10  }
0x1e7: {  	s1 =	simm.s32 $0xC350;
	v55 =	vld [tilespmem:s4+$0x10];
	v6 =	vadd.f32 v6, v13;
	v16 =	vadd.s32 s25, v0;
	(erf) = vpow2.f32 v4  }
0x1e8: {  	vm14 =	vge.f32 v12, v1;
	v10 =	vadd.s32 s1, v0;
	v4 =	vnsel vm1, $0xFF800000, v9  }
0x1e9: {  	s4 =	simm.s32 $0xC360;
	vm5 =	vge.f32 v14, v1;
	v24 =	vsub.f32 v56, v3;
	vm2 =	vgt.f32 v4, v5  }
0x1ea: {  	v57 =	vadd.s32 s4, v0;
	v15 =	vsel vm2, v4, v5;
	v5 =	vadd.f32 v8, v12;
	v8 =	vpop (erf)  }
0x1eb: {  	s3 =	simm.s32 $0xC390;
	v11 =	vnsel vm0, $0xFF800000, v11;
	v7 =	vsel vm2, v10, v7;
	v8 =	vmul.f32 v8, v2;
	v10 =	vpop (erf)  }
0x1ec: {  	s31 =	simm.s32 $0xC3A0;
	v17 =	vadd.s32 s3, v0;
	s3 =	simm.s32 $0xC5F0;
	v9 =	vadd.f32 v55, v14;
	v12 =	vld [tilespmem:s0+$0xFFFFFFE0];
	v10 =	vmul.f32 v10, v2  }
0x1ed: {  	v23 =	vld [tilespmem:s3+$0xFFFFFFE0];
	v4 =	vadd.s32 s31, v0;
	vm2 =	vge.f32 v13, v1;
	vm3 =	vgt.f32 v11, v15  }
0x1ee: {  	v13 =	vld [tilespmem:s3+$0xFFFFFFF0];
	v21 =	vnsel vm2, $0xFF800000, v6;
	v22 =	vnsel vm14, $0xFF800000, v5;
	v7 =	vsel vm3, v57, v7;
	v6 =	vpop (erf)  }
0x1ef: {  	v5 =	vld [tilespmem:s0+$0x20];
	v11 =	vsel vm3, v11, v15;
	v14 =	vnsel vm1, $0x0, v8;
	v6 =	vmul.f32 v6, v2;
	v8 =	vpop (erf)  }
0x1f0: {  	vm3 =	vgt.f32 v21, v11;
	v25 =	vnsel vm0, $0x0, v10;
	v26 =	vmul.f32 v8, v2;
	v10 =	vpop (erf);
	v8 =	vld [tilespmem:s0+$0x10]  }
0x1f1: {  	v28 =	vnsel vm14, $0x0, v6;
	v6 =	vsub.f32 v12, v3;
	v27 =	vmul.f32 v10, v2;
	v10 =	vld [tilespmem:s0+$0x0]  }
0x1f2: {  	v9 =	vnsel vm5, $0xFF800000, v9;
	v15 =	vmul.f32 $1.442695020e+00, v24;
	v11 =	vsel vm3, v21, v11  }
0x1f3: {  	v13 =	vadd.f32 v13, v56;
	vm1 =	vge.f32 v56, v1;
	v60 =	vmul.f32 $1.442695020e+00, v6  }
0x1f4: {  	vm0 =	vge.f32 v12, v1;
	v61 =	vsub.f32 v5, v3;
	v12 =	vadd.f32 v23, v12  }
0x1f5: {  	v6 =	vnsel vm1, $0xFF800000, v13;
	(erf) = vpow2.f32 v60;
	v13 =	vsub.f32 v8, v3  }
0x1f6: {  	v23 =	vmul.f32 $1.442695020e+00, v61;
	(erf) = vpow2.f32 v15;
	v15 =	vsub.f32 v10, v3  }
0x1f7: {  	v62 =	vld [tilespmem:s3+$0x10];
	v7 =	vsel vm3, v58, v7;
	vm15 =	vgt.f32 v9, v11;
	v13 =	vmul.f32 $1.442695020e+00, v13  }
0x1f8: {  	s25 =	simm.s32 $0x13C20;
	v63 =	vld [tilespmem:s3+$0x0];
	v9 =	vsel vm15, v9, v11;
	(erf) = vpow2.f32 v23;
	v15 =	vmul.f32 $1.442695020e+00, v15  }
0x1f9: {  	v7 =	vsel vm15, v16, v7;
	[tilespmem:s25+$0xFFFFFFE0] =	vst v14;
	vm3 =	vgt.f32 v22, v9;
	(erf) = vpow2.f32 v13  }
0x1fa: {  	[tilespmem:s25+$0xFFFFFFF0] =	vst v25;
	v9 =	vsel vm3, v22, v9;
	v12 =	vnsel vm0, $0xFF800000, v12;
	(erf) = vpow2.f32 v15;
	v15 =	vld [tilespmem:s3+$0x20]  }
0x1fb: {  	s28 =	simm.s32 $0x4FC0;
	s31 =	simm.s32 $0xC3E0;
	[tilespmem:s25+$0x20] =	vst v28;
	v59 =	vnsel vm5, $0x0, v26;
	v16 =	vnsel vm2, $0x0, v27;
	vm2 =	vgt.f32 v12, v9  }
0x1fc: {  	s26 =	simm.s32 $0x5;
	s29 =	simm.s32 $0xC3C0;
	s4 =	simm.s32 $0xC3D0;
	v14 =	vsel vm3, v17, v7;
	v7 =	vadd.s32 s31, v0;
	[tilespmem:s25+$0x10] =	vst v59;
	v12 =	vsel vm2, v12, v9  }
0x1fd: {  	s30 =	simm.s32 $0xC3B0;
	s1 =	simm.s32 $0xC3F0;
	s0 =	simm.s32 $0xC640;
	[tilespmem:s25+$0x0] =	vst v16;
	v9 =	vadd.s32 s4, v0;
	v11 =	vadd.f32 v62, v8;
	v13 =	vadd.f32 v63, v10  }
.LBB2_12:
0x1fe: {  	v16 =	vadd.s32 s1, v0;
	v17 =	vld [tilespmem:s28+$0xFFFFFFF0];
	s26 =	sadd.s32 $0x5, s26;
	v18 =	vadd.s32 s30, v0;
	v19 =	vadd.s32 s29, v0;
	s25 =	sadd.s32 $0x50, s25  }
0x1ff: {  	v14 =	vsel vm2, v4, v14;
	vm3 =	vgt.f32 v6, v12;
	v20 =	vld [tilespmem:s0+$0xFFFFFFF0];
	p0 =	slt.u32 s26, $0x26C;
	v25 =	vadd.f32 v15, v5;
	v15 =	vpop (erf)  }
0x200: {  	vm2 =	vge.f32 v10, v1;
	vm4 =	vge.f32 v5, v1;
	v21 =	vld [tilespmem:s0+$0x10];
	v15 =	vmul.f32 v15, v2;
	v5 =	vpop (erf)  }
0x201: {  	vm5 =	vge.f32 v8, v1;
	v13 =	vnsel vm2, $0xFF800000, v13;
	v22 =	vld [tilespmem:s28+$0xFFFFFFE0];
	v10 =	vmul.f32 v5, v2;
	v8 =	vpop (erf)  }
0x202: {  	v24 =	vnsel vm4, $0xFF800000, v25;
	v5 =	vld [tilespmem:s28+$0x20];
	v15 =	vnsel vm0, $0x0, v15;
	v23 =	vmul.f32 v8, v2;
	v4 =	vpop (erf)  }
0x203: {  	v25 =	vld [tilespmem:s0+$0xFFFFFFE0];
	v26 =	vsub.f32 v17, v3;
	[tilespmem:s25+$0xFFFFFFE0] =	vst v15;
	v10 =	vnsel vm1, $0x0, v10;
	v15 =	vmul.f32 v4, v2;
	v4 =	vpop (erf)  }
0x204: {  	v11 =	vnsel vm5, $0xFF800000, v11;
	v8 =	vld [tilespmem:s28+$0x10];
	[tilespmem:s25+$0xFFFFFFF0] =	vst v10;
	v27 =	vmul.f32 v4, v2;
	v23 =	vnsel vm4, $0x0, v23;
	v4 =	vmovc v16  }
0x205: {  	v14 =	vsel vm3, v18, v14;
	v16 =	vmul.f32 $1.442695020e+00, v26;
	v10 =	vld [tilespmem:s28+$0x0];
	v15 =	vnsel vm5, $0x0, v15;
	[tilespmem:s25+$0x20] =	vst v23  }
0x206: {  	v12 =	vsel vm3, v6, v12;
	vm0 =	vge.f32 v22, v1;
	v18 =	vsub.f32 v22, v3;
	[tilespmem:s25+$0x10] =	vst v15  }
0x207: {  	vm3 =	vgt.f32 v13, v12;
	v6 =	vadd.f32 v20, v17;
	v15 =	vsub.f32 v5, v3  }
0x208: {  	vm1 =	vge.f32 v17, v1;
	v18 =	vmul.f32 $1.442695020e+00, v18;
	v20 =	vadd.f32 v25, v22  }
0x209: {  	v6 =	vnsel vm1, $0xFF800000, v6;
	v17 =	vsub.f32 v8, v3;
	v15 =	vmul.f32 $1.442695020e+00, v15  }
0x20a: {  	v20 =	vnsel vm0, $0xFF800000, v20;
	v22 =	vsub.f32 v10, v3;
	(erf) = vpow2.f32 v18  }
0x20b: {  	v12 =	vsel vm3, v13, v12;
	v18 =	vld [tilespmem:s0+$0x0];
	v17 =	vmul.f32 $1.442695020e+00, v17;
	(erf) = vpow2.f32 v16  }
0x20c: {  	vm4 =	vgt.f32 v11, v12;
	v13 =	vmul.f32 $1.442695020e+00, v22;
	(erf) = vpow2.f32 v15  }
.Ltmp5:
0x20d: {  	v14 =	vsel vm3, v19, v14;
	v11 =	vsel vm4, v11, v12;
	(erf) = vpow2.f32 v17;
	(pc) =	sbr.rel @p0 .LBB2_12-.Ltmp5, $4  }
0x20e: {  	v9 =	vsel vm4, v9, v14;
	vm3 =	vgt.f32 v24, v11;
	v15 =	vld [tilespmem:s0+$0x20];
	(erf) = vpow2.f32 v13  }
0x20f: {  	s28 =	sadd.s32 $0x50, s28;
	v12 =	vnsel vm2, $0x0, v27;
	v14 =	vsel vm3, v7, v9;
	v16 =	vsel vm3, v24, v11  }
0x210: {  	s3 =	sadd.s32 $0x30, s1;
	s4 =	sadd.s32 $0x40, s1;
	v11 =	vadd.f32 v21, v8;
	vm2 =	vgt.f32 v20, v16;
	s0 =	sadd.s32 $0x50, s0;
	v13 =	vadd.f32 v18, v10;
	[tilespmem:s25+$0x0] =	vst v12  }
0x211: {  	s30 =	sadd.s32 $0x10, s1;
	s29 =	sadd.s32 $0x20, s1;
	s1 =	sadd.s32 $0x50, s1;
	v9 =	vadd.s32 s3, v0;
	v7 =	vadd.s32 s4, v0;
	v12 =	vsel vm2, v20, v16  }
0x212: {  	_ = 	snop  }
0x213: {  	v16 =	vpop (erf)  }
0x214: {  	v16 =	vmul.f32 v16, v2;
	v17 =	vpop (erf)  }
0x215: {  	v17 =	vmul.f32 v17, v2;
	v18 =	vpop (erf)  }
0x216: {  	s0 =	sadd.s32 $0x50, s25;
	v16 =	vnsel vm0, $0x0, v16;
	v18 =	vmul.f32 v18, v2;
	v19 =	vpop (erf)  }
0x217: {  	vm0 =	vge.f32 v5, v1;
	[tilespmem:s0+$0xFFFFFFE0] =	vst v16;
	v16 =	vnsel vm1, $0x0, v17;
	v17 =	vmul.f32 v19, v2;
	v53 =	vpop (erf)  }
0x218: {  	vm1 =	vge.f32 v8, v1;
	[tilespmem:s0+$0xFFFFFFF0] =	vst v16;
	v8 =	vmul.f32 v53, v2;
	v16 =	vnsel vm0, $0x0, v18  }
0x219: {  	vm3 =	vge.f32 v10, v1;
	v10 =	vnsel vm1, $0x0, v17;
	[tilespmem:s0+$0x20] =	vst v16  }
0x21a: {  	[tilespmem:s0+$0x10] =	vst v10;
	v8 =	vnsel vm3, $0x0, v8  }
0x21b: {  	[tilespmem:s0+$0x0] =	vst v8  }
0x21c: {  	s0 =	rddreg [dreg:$0x11]  }
0x21d: {  	[hbm4b:s0+s2] =	stream.linear.scatter [tilespmem:s20], [sflag:$0x9], $0x2710, $0x38;
	[tilespmem:$0x16480] =	vst v63  }
0x21e: {  	s31 =	rddreg [dreg:$0x19]  }
0x21f: {  	[tilespmem:s10], [sflag:$0x3] =	stream.linear.gather [hbm4b:s31+s2], $0x2710, $0x38;
	[tilespmem:$0x16480] =	vst v63  }
0x220: {  	s1 =	rddreg [dreg:$0x1c]  }
0x221: {  	[tilespmem:s11], [sflag:$0x6] =	stream.linear.gather [hbm4b:s1+s2], $0x2710, $0x38;
	[tilespmem:$0x16480] =	vst v63  }
0x222: {  	_ =	swait.ge [sflag:s12], $0x2710  }
0x223: {  	[sflag:s12] =	ssyncset.done $0x0  }
0x224: {  	[sflag:s12] =	ssyncadd.s32 $0xFFFFD8F0  }
0x225: {  	_ =	swait.ge [sflag:s13], $0x2710  }
0x226: {  	[sflag:s13] =	ssyncset.done $0x0  }
0x227: {  	[sflag:s13] =	ssyncadd.s32 $0xFFFFD8F0  }
0x228: {  	_ =	swait.ge [sflag:s21], $0x2710  }
0x229: {  	[sflag:s21] =	ssyncset.done $0x0  }
0x22a: {  	s3 =	simm.s32 $0x20;
	[sflag:s21] =	ssyncadd.s32 $0xFFFFD8F0  }
0x22b: {  	vm4 =	vgt.f32 v6, v12;
	v8 =	vld [tilespmem:s3+$0xFFFFFFE0]  }
0x22c: {  	v13 =	vnsel vm3, $0xFF800000, v13;
	v6 =	vsel vm4, v6, v12;
	v16 =	vld [tilespmem:s3+$0xFFFFFFF0]  }
0x22d: {  	v4 =	vsel vm2, v4, v14;
	vm2 =	vgt.f32 v13, v6;
	v5 =	vadd.f32 v15, v5  }
0x22e: {  	v6 =	vsel vm2, v13, v6  }
0x22f: {  	v15 =	vadd.s32 s29, v0;
	v5 =	vnsel vm0, $0xFF800000, v5;
	v10 =	vadd.s32 s30, v0;
	v12 =	vld [tilespmem:s3+$0x20]  }
0x230: {  	v11 =	vnsel vm1, $0xFF800000, v11;
	v4 =	vsel vm4, v10, v4;
	v14 =	vld [tilespmem:s3+$0x10];
	v10 =	vsub.f32 v8, v3  }
0x231: {  	s4 =	simm.s32 $0x76A0;
	vm0 =	vgt.f32 v11, v6;
	v4 =	vsel vm2, v15, v4;
	v13 =	vld [tilespmem:s3+$0x0];
	v15 =	vsub.f32 v16, v3  }
0x232: {  	v4 =	vsel vm0, v9, v4;
	v9 =	vld [tilespmem:s4+$0xFFFFFFE0];
	v10 =	vmul.f32 $1.442695020e+00, v10  }
0x233: {  	v6 =	vsel vm0, v11, v6;
	v15 =	vmul.f32 $1.442695020e+00, v15  }
0x234: {  	vm0 =	vgt.f32 v5, v6;
	v11 =	vld [tilespmem:s4+$0xFFFFFFF0];
	v17 =	vsub.f32 v12, v3;
	(erf) = vpow2.f32 v10  }
0x235: {  	s26 =	simm.s32 $0xEA80;
	v5 =	vsel vm0, v5, v6;
	v6 =	vld [tilespmem:s4+$0x0];
	v54 =	vsub.f32 v14, v3;
	(erf) = vpow2.f32 v15  }
0x236: {  	v58 =	vadd.s32 s26, v0;
	s0 =	simm.s32 $0x70;
	v20 =	vsub.f32 v13, v3;
	v17 =	vmul.f32 $1.442695020e+00, v17  }
0x237: {  	v7 =	vsel vm0, v7, v4;
	v56 =	vld [tilespmem:s0+$0xFFFFFFF0];
	v9 =	vadd.f32 v9, v8;
	v10 =	vmul.f32 $1.442695020e+00, v54  }
0x238: {  	vm1 =	vge.f32 v8, v1;
	v8 =	vld [tilespmem:s4+$0x20];
	v4 =	vmul.f32 $1.442695020e+00, v20;
	(erf) = vpow2.f32 v17  }
0x239: {  	s25 =	simm.s32 $0xEA90;
	v11 =	vadd.f32 v11, v16;
	vm0 =	vge.f32 v16, v1;
	(erf) = vpow2.f32 v10  }
0x23a: {  	s1 =	simm.s32 $0xEA60;
	v55 =	vld [tilespmem:s4+$0x10];
	v6 =	vadd.f32 v6, v13;
	v16 =	vadd.s32 s25, v0;
	(erf) = vpow2.f32 v4  }
0x23b: {  	vm14 =	vge.f32 v12, v1;
	v10 =	vadd.s32 s1, v0;
	v4 =	vnsel vm1, $0xFF800000, v9  }
0x23c: {  	s4 =	simm.s32 $0xEA70;
	vm5 =	vge.f32 v14, v1;
	v24 =	vsub.f32 v56, v3;
	vm2 =	vgt.f32 v4, v5  }
0x23d: {  	v57 =	vadd.s32 s4, v0;
	v15 =	vsel vm2, v4, v5;
	v5 =	vadd.f32 v8, v12;
	v8 =	vpop (erf)  }
0x23e: {  	s3 =	simm.s32 $0xEAA0;
	v11 =	vnsel vm0, $0xFF800000, v11;
	v7 =	vsel vm2, v10, v7;
	v8 =	vmul.f32 v8, v2;
	v10 =	vpop (erf)  }
0x23f: {  	s31 =	simm.s32 $0xEAB0;
	v17 =	vadd.s32 s3, v0;
	s3 =	simm.s32 $0x76F0;
	v9 =	vadd.f32 v55, v14;
	v12 =	vld [tilespmem:s0+$0xFFFFFFE0];
	v10 =	vmul.f32 v10, v2  }
0x240: {  	v23 =	vld [tilespmem:s3+$0xFFFFFFE0];
	v4 =	vadd.s32 s31, v0;
	vm2 =	vge.f32 v13, v1;
	vm3 =	vgt.f32 v11, v15  }
0x241: {  	v13 =	vld [tilespmem:s3+$0xFFFFFFF0];
	v21 =	vnsel vm2, $0xFF800000, v6;
	v22 =	vnsel vm14, $0xFF800000, v5;
	v7 =	vsel vm3, v57, v7;
	v6 =	vpop (erf)  }
0x242: {  	v5 =	vld [tilespmem:s0+$0x20];
	v11 =	vsel vm3, v11, v15;
	v14 =	vnsel vm1, $0x0, v8;
	v6 =	vmul.f32 v6, v2;
	v8 =	vpop (erf)  }
0x243: {  	vm3 =	vgt.f32 v21, v11;
	v25 =	vnsel vm0, $0x0, v10;
	v26 =	vmul.f32 v8, v2;
	v10 =	vpop (erf);
	v8 =	vld [tilespmem:s0+$0x10]  }
0x244: {  	v28 =	vnsel vm14, $0x0, v6;
	v6 =	vsub.f32 v12, v3;
	v27 =	vmul.f32 v10, v2;
	v10 =	vld [tilespmem:s0+$0x0]  }
0x245: {  	v9 =	vnsel vm5, $0xFF800000, v9;
	v15 =	vmul.f32 $1.442695020e+00, v24;
	v11 =	vsel vm3, v21, v11  }
0x246: {  	v13 =	vadd.f32 v13, v56;
	vm1 =	vge.f32 v56, v1;
	v60 =	vmul.f32 $1.442695020e+00, v6  }
0x247: {  	vm0 =	vge.f32 v12, v1;
	v61 =	vsub.f32 v5, v3;
	v12 =	vadd.f32 v23, v12  }
0x248: {  	v6 =	vnsel vm1, $0xFF800000, v13;
	(erf) = vpow2.f32 v60;
	v13 =	vsub.f32 v8, v3  }
0x249: {  	v23 =	vmul.f32 $1.442695020e+00, v61;
	(erf) = vpow2.f32 v15;
	v15 =	vsub.f32 v10, v3  }
0x24a: {  	v62 =	vld [tilespmem:s3+$0x10];
	v7 =	vsel vm3, v58, v7;
	vm15 =	vgt.f32 v9, v11;
	v13 =	vmul.f32 $1.442695020e+00, v13  }
0x24b: {  	s25 =	simm.s32 $0xED20;
	v63 =	vld [tilespmem:s3+$0x0];
	v9 =	vsel vm15, v9, v11;
	(erf) = vpow2.f32 v23;
	v15 =	vmul.f32 $1.442695020e+00, v15  }
0x24c: {  	v7 =	vsel vm15, v16, v7;
	[tilespmem:s25+$0xFFFFFFE0] =	vst v14;
	vm3 =	vgt.f32 v22, v9;
	(erf) = vpow2.f32 v13  }
0x24d: {  	[tilespmem:s25+$0xFFFFFFF0] =	vst v25;
	v9 =	vsel vm3, v22, v9;
	v12 =	vnsel vm0, $0xFF800000, v12;
	(erf) = vpow2.f32 v15;
	v15 =	vld [tilespmem:s3+$0x20]  }
0x24e: {  	s28 =	simm.s32 $0xC0;
	s31 =	simm.s32 $0xEAF0;
	[tilespmem:s25+$0x20] =	vst v28;
	v59 =	vnsel vm5, $0x0, v26;
	v16 =	vnsel vm2, $0x0, v27;
	vm2 =	vgt.f32 v12, v9  }
0x24f: {  	s26 =	simm.s32 $0x5;
	s29 =	simm.s32 $0xEAD0;
	s4 =	simm.s32 $0xEAE0;
	v14 =	vsel vm3, v17, v7;
	v7 =	vadd.s32 s31, v0;
	[tilespmem:s25+$0x10] =	vst v59;
	v12 =	vsel vm2, v12, v9  }
0x250: {  	s30 =	simm.s32 $0xEAC0;
	s1 =	simm.s32 $0xEB00;
	s0 =	simm.s32 $0x7740;
	[tilespmem:s25+$0x0] =	vst v16;
	v9 =	vadd.s32 s4, v0;
	v11 =	vadd.f32 v62, v8;
	v13 =	vadd.f32 v63, v10  }
.LBB2_14:
0x251: {  	v16 =	vadd.s32 s1, v0;
	v17 =	vld [tilespmem:s28+$0xFFFFFFF0];
	s26 =	sadd.s32 $0x5, s26;
	v18 =	vadd.s32 s30, v0;
	v19 =	vadd.s32 s29, v0;
	s25 =	sadd.s32 $0x50, s25  }
0x252: {  	v14 =	vsel vm2, v4, v14;
	vm3 =	vgt.f32 v6, v12;
	v20 =	vld [tilespmem:s0+$0xFFFFFFF0];
	p0 =	slt.u32 s26, $0x26C;
	v25 =	vadd.f32 v15, v5;
	v15 =	vpop (erf)  }
0x253: {  	vm2 =	vge.f32 v10, v1;
	vm4 =	vge.f32 v5, v1;
	v21 =	vld [tilespmem:s0+$0x10];
	v15 =	vmul.f32 v15, v2;
	v5 =	vpop (erf)  }
0x254: {  	vm5 =	vge.f32 v8, v1;
	v13 =	vnsel vm2, $0xFF800000, v13;
	v22 =	vld [tilespmem:s28+$0xFFFFFFE0];
	v10 =	vmul.f32 v5, v2;
	v8 =	vpop (erf)  }
0x255: {  	v24 =	vnsel vm4, $0xFF800000, v25;
	v5 =	vld [tilespmem:s28+$0x20];
	v15 =	vnsel vm0, $0x0, v15;
	v23 =	vmul.f32 v8, v2;
	v4 =	vpop (erf)  }
0x256: {  	v25 =	vld [tilespmem:s0+$0xFFFFFFE0];
	v26 =	vsub.f32 v17, v3;
	[tilespmem:s25+$0xFFFFFFE0] =	vst v15;
	v10 =	vnsel vm1, $0x0, v10;
	v15 =	vmul.f32 v4, v2;
	v4 =	vpop (erf)  }
0x257: {  	v11 =	vnsel vm5, $0xFF800000, v11;
	v8 =	vld [tilespmem:s28+$0x10];
	[tilespmem:s25+$0xFFFFFFF0] =	vst v10;
	v27 =	vmul.f32 v4, v2;
	v23 =	vnsel vm4, $0x0, v23;
	v4 =	vmovc v16  }
0x258: {  	v14 =	vsel vm3, v18, v14;
	v16 =	vmul.f32 $1.442695020e+00, v26;
	v10 =	vld [tilespmem:s28+$0x0];
	v15 =	vnsel vm5, $0x0, v15;
	[tilespmem:s25+$0x20] =	vst v23  }
0x259: {  	v12 =	vsel vm3, v6, v12;
	vm0 =	vge.f32 v22, v1;
	v18 =	vsub.f32 v22, v3;
	[tilespmem:s25+$0x10] =	vst v15  }
0x25a: {  	vm3 =	vgt.f32 v13, v12;
	v6 =	vadd.f32 v20, v17;
	v15 =	vsub.f32 v5, v3  }
0x25b: {  	vm1 =	vge.f32 v17, v1;
	v18 =	vmul.f32 $1.442695020e+00, v18;
	v20 =	vadd.f32 v25, v22  }
0x25c: {  	v6 =	vnsel vm1, $0xFF800000, v6;
	v17 =	vsub.f32 v8, v3;
	v15 =	vmul.f32 $1.442695020e+00, v15  }
0x25d: {  	v20 =	vnsel vm0, $0xFF800000, v20;
	v22 =	vsub.f32 v10, v3;
	(erf) = vpow2.f32 v18  }
0x25e: {  	v12 =	vsel vm3, v13, v12;
	v18 =	vld [tilespmem:s0+$0x0];
	v17 =	vmul.f32 $1.442695020e+00, v17;
	(erf) = vpow2.f32 v16  }
0x25f: {  	vm4 =	vgt.f32 v11, v12;
	v13 =	vmul.f32 $1.442695020e+00, v22;
	(erf) = vpow2.f32 v15  }
.Ltmp6:
0x260: {  	v14 =	vsel vm3, v19, v14;
	v11 =	vsel vm4, v11, v12;
	(erf) = vpow2.f32 v17;
	(pc) =	sbr.rel @p0 .LBB2_14-.Ltmp6, $4  }
0x261: {  	v9 =	vsel vm4, v9, v14;
	vm3 =	vgt.f32 v24, v11;
	v15 =	vld [tilespmem:s0+$0x20];
	(erf) = vpow2.f32 v13  }
0x262: {  	s28 =	sadd.s32 $0x50, s28;
	v12 =	vnsel vm2, $0x0, v27;
	v14 =	vsel vm3, v7, v9;
	v16 =	vsel vm3, v24, v11  }
0x263: {  	s3 =	sadd.s32 $0x30, s1;
	s4 =	sadd.s32 $0x40, s1;
	v11 =	vadd.f32 v21, v8;
	vm2 =	vgt.f32 v20, v16;
	s0 =	sadd.s32 $0x50, s0;
	v13 =	vadd.f32 v18, v10;
	[tilespmem:s25+$0x0] =	vst v12  }
0x264: {  	s30 =	sadd.s32 $0x10, s1;
	s29 =	sadd.s32 $0x20, s1;
	s1 =	sadd.s32 $0x50, s1;
	v9 =	vadd.s32 s3, v0;
	v7 =	vadd.s32 s4, v0;
	v12 =	vsel vm2, v20, v16  }
0x265: {  	_ = 	snop  }
0x266: {  	v16 =	vpop (erf)  }
0x267: {  	v16 =	vmul.f32 v16, v2;
	v17 =	vpop (erf)  }
0x268: {  	v17 =	vmul.f32 v17, v2;
	v18 =	vpop (erf)  }
0x269: {  	s0 =	sadd.s32 $0x50, s25;
	v16 =	vnsel vm0, $0x0, v16;
	v18 =	vmul.f32 v18, v2;
	v19 =	vpop (erf)  }
0x26a: {  	vm0 =	vge.f32 v5, v1;
	[tilespmem:s0+$0xFFFFFFE0] =	vst v16;
	v16 =	vnsel vm1, $0x0, v17;
	v17 =	vmul.f32 v19, v2;
	v53 =	vpop (erf)  }
0x26b: {  	vm1 =	vge.f32 v8, v1;
	[tilespmem:s0+$0xFFFFFFF0] =	vst v16;
	v8 =	vmul.f32 v53, v2;
	v16 =	vnsel vm0, $0x0, v18  }
0x26c: {  	vm3 =	vge.f32 v10, v1;
	v10 =	vnsel vm1, $0x0, v17;
	[tilespmem:s0+$0x20] =	vst v16  }
0x26d: {  	[tilespmem:s0+$0x10] =	vst v10;
	v8 =	vnsel vm3, $0x0, v8  }
0x26e: {  	[tilespmem:s0+$0x0] =	vst v8  }
0x26f: {  	s0 =	rddreg [dreg:$0x14]  }
0x270: {  	[hbm4b:s0+s2] =	stream.linear.scatter [tilespmem:s14], [sflag:$0x7], $0x2710, $0x38;
	[tilespmem:$0x16480] =	vst v63  }
0x271: {  	s31 =	rddreg [dreg:$0x1a]  }
0x272: {  	[tilespmem:s2], [sflag:$0x1] =	stream.linear.gather [hbm4b:s31+s2], $0x2710, $0x38;
	[tilespmem:$0x16480] =	vst v63  }
0x273: {  	s1 =	rddreg [dreg:$0x1d]  }
0x274: {  	[tilespmem:s6], [sflag:$0x4] =	stream.linear.gather [hbm4b:s1+s2], $0x2710, $0x38;
	[tilespmem:$0x16480] =	vst v63  }
0x275: {  	_ =	swait.ge [sflag:s15], $0x2710  }
0x276: {  	[sflag:s15] =	ssyncset.done $0x0  }
0x277: {  	[sflag:s15] =	ssyncadd.s32 $0xFFFFD8F0  }
0x278: {  	_ =	swait.ge [sflag:s16], $0x2710  }
0x279: {  	[sflag:s16] =	ssyncset.done $0x0  }
0x27a: {  	[sflag:s16] =	ssyncadd.s32 $0xFFFFD8F0  }
0x27b: {  	_ =	swait.ge [sflag:s22], $0x2710  }
0x27c: {  	[sflag:s22] =	ssyncset.done $0x0  }
0x27d: {  	s3 =	simm.s32 $0x27A0;
	[sflag:s22] =	ssyncadd.s32 $0xFFFFD8F0  }
0x27e: {  	v8 =	vld [tilespmem:s3+$0xFFFFFFE0]  }
0x27f: {  	vm4 =	vgt.f32 v6, v12  }
0x280: {  	v13 =	vnsel vm3, $0xFF800000, v13;
	v6 =	vsel vm4, v6, v12  }
0x281: {  	v4 =	vsel vm2, v4, v14;
	vm2 =	vgt.f32 v13, v6;
	v16 =	vld [tilespmem:s3+$0xFFFFFFF0]  }
0x282: {  	v6 =	vsel vm2, v13, v6;
	v5 =	vadd.f32 v15, v5;
	v10 =	vadd.s32 s30, v0;
	v12 =	vld [tilespmem:s3+$0x20]  }
0x283: {  	v11 =	vnsel vm1, $0xFF800000, v11;
	v4 =	vsel vm4, v10, v4;
	v14 =	vld [tilespmem:s3+$0x10];
	v10 =	vsub.f32 v8, v3  }
0x284: {  	s4 =	simm.s32 $0x9E20;
	v15 =	vadd.s32 s29, v0;
	v5 =	vnsel vm0, $0xFF800000, v5;
	vm0 =	vgt.f32 v11, v6;
	v13 =	vld [tilespmem:s3+$0x0]  }
0x285: {  	s26 =	simm.s32 $0x11190;
	v6 =	vsel vm0, v11, v6;
	v4 =	vsel vm2, v15, v4;
	v11 =	vld [tilespmem:s4+$0xFFFFFFF0];
	v10 =	vmul.f32 $1.442695020e+00, v10  }
0x286: {  	v58 =	vadd.s32 s26, v0;
	v4 =	vsel vm0, v9, v4;
	v9 =	vld [tilespmem:s4+$0xFFFFFFE0];
	v15 =	vsub.f32 v16, v3  }
0x287: {  	vm0 =	vgt.f32 v5, v6;
	v17 =	vsub.f32 v12, v3;
	(erf) = vpow2.f32 v10  }
0x288: {  	v5 =	vsel vm0, v5, v6;
	v6 =	vld [tilespmem:s4+$0x0];
	v54 =	vsub.f32 v14, v3;
	v15 =	vmul.f32 $1.442695020e+00, v15  }
0x289: {  	s0 =	simm.s32 $0x27F0;
	v7 =	vsel vm0, v7, v4;
	v20 =	vsub.f32 v13, v3;
	v17 =	vmul.f32 $1.442695020e+00, v17  }
0x28a: {  	v56 =	vld [tilespmem:s0+$0xFFFFFFF0];
	v11 =	vadd.f32 v11, v16;
	v10 =	vmul.f32 $1.442695020e+00, v54;
	(erf) = vpow2.f32 v15  }
0x28b: {  	v9 =	vadd.f32 v9, v8;
	vm1 =	vge.f32 v8, v1;
	v8 =	vld [tilespmem:s4+$0x20];
	(erf) = vpow2.f32 v17  }
0x28c: {  	s25 =	simm.s32 $0x111A0;
	vm0 =	vge.f32 v16, v1;
	v4 =	vmul.f32 $1.442695020e+00, v20;
	(erf) = vpow2.f32 v10  }
0x28d: {  	v55 =	vld [tilespmem:s4+$0x10];
	v6 =	vadd.f32 v6, v13;
	v16 =	vadd.s32 s25, v0;
	vm14 =	vge.f32 v12, v1  }
0x28e: {  	s4 =	simm.s32 $0x11180;
	vm5 =	vge.f32 v14, v1;
	(erf) = vpow2.f32 v4;
	v4 =	vnsel vm1, $0xFF800000, v9  }
0x28f: {  	s1 =	simm.s32 $0x11170;
	v24 =	vsub.f32 v56, v3;
	v57 =	vadd.s32 s4, v0;
	vm2 =	vgt.f32 v4, v5  }
0x290: {  	s3 =	simm.s32 $0x111B0;
	v10 =	vadd.s32 s1, v0;
	v15 =	vsel vm2, v4, v5;
	v5 =	vadd.f32 v8, v12;
	v8 =	vpop (erf)  }
0x291: {  	v11 =	vnsel vm0, $0xFF800000, v11;
	v17 =	vadd.s32 s3, v0;
	v8 =	vmul.f32 v8, v2  }
0x292: {  	s31 =	simm.s32 $0x111C0;
	s3 =	simm.s32 $0x9E70;
	v9 =	vadd.f32 v55, v14;
	v7 =	vsel vm2, v10, v7;
	vm2 =	vge.f32 v13, v1;
	v12 =	vld [tilespmem:s0+$0xFFFFFFE0]  }
0x293: {  	v4 =	vadd.s32 s31, v0;
	v13 =	vld [tilespmem:s3+$0xFFFFFFF0];
	vm3 =	vgt.f32 v11, v15;
	v21 =	vnsel vm2, $0xFF800000, v6;
	v10 =	vpop (erf)  }
0x294: {  	v23 =	vld [tilespmem:s3+$0xFFFFFFE0];
	v22 =	vnsel vm14, $0xFF800000, v5;
	v7 =	vsel vm3, v57, v7;
	v11 =	vsel vm3, v11, v15;
	v6 =	vpop (erf)  }
0x295: {  	v5 =	vld [tilespmem:s0+$0x20];
	vm3 =	vgt.f32 v21, v11;
	v14 =	vnsel vm1, $0x0, v8;
	v6 =	vmul.f32 v6, v2;
	v8 =	vpop (erf)  }
0x296: {  	v27 =	vnsel vm5, $0xFF800000, v9;
	v11 =	vsel vm3, v21, v11;
	v25 =	vmul.f32 v8, v2;
	v8 =	vld [tilespmem:s0+$0x10]  }
0x297: {  	v9 =	vld [tilespmem:s0+$0x0];
	v10 =	vmul.f32 v10, v2;
	v28 =	vnsel vm14, $0x0, v6;
	v6 =	vsub.f32 v12, v3  }
0x298: {  	v15 =	vmul.f32 $1.442695020e+00, v24;
	v13 =	vadd.f32 v13, v56;
	vm15 =	vgt.f32 v27, v11  }
0x299: {  	vm1 =	vge.f32 v56, v1;
	v10 =	vnsel vm0, $0x0, v10;
	v60 =	vmul.f32 $1.442695020e+00, v6  }
0x29a: {  	vm0 =	vge.f32 v12, v1;
	v61 =	vsub.f32 v5, v3;
	v12 =	vadd.f32 v23, v12  }
0x29b: {  	v6 =	vnsel vm1, $0xFF800000, v13;
	(erf) = vpow2.f32 v60;
	v13 =	vsub.f32 v8, v3  }
0x29c: {  	v23 =	vmul.f32 $1.442695020e+00, v61;
	(erf) = vpow2.f32 v15;
	v15 =	vsub.f32 v9, v3  }
0x29d: {  	v62 =	vld [tilespmem:s3+$0x10];
	v7 =	vsel vm3, v58, v7;
	v11 =	vsel vm15, v27, v11;
	v13 =	vmul.f32 $1.442695020e+00, v13  }
0x29e: {  	s25 =	simm.s32 $0x114A0;
	v63 =	vld [tilespmem:s3+$0x0];
	v7 =	vsel vm15, v16, v7;
	v26 =	vpop (erf);
	(erf) = vpow2.f32 v23;
	v15 =	vmul.f32 $1.442695020e+00, v15  }
0x29f: {  	[tilespmem:s25+$0xFFFFFFE0] =	vst v14;
	vm3 =	vgt.f32 v22, v11;
	v26 =	vmul.f32 v26, v2;
	(erf) = vpow2.f32 v13  }
0x2a0: {  	[tilespmem:s25+$0xFFFFFFF0] =	vst v10;
	v16 =	vsel vm3, v22, v11;
	v12 =	vnsel vm0, $0xFF800000, v12;
	(erf) = vpow2.f32 v15;
	v15 =	vld [tilespmem:s3+$0x20]  }
0x2a1: {  	s28 =	simm.s32 $0x2840;
	s31 =	simm.s32 $0x11200;
	[tilespmem:s25+$0x20] =	vst v28;
	v59 =	vnsel vm5, $0x0, v25;
	v10 =	vnsel vm2, $0x0, v26;
	vm2 =	vgt.f32 v12, v16  }
0x2a2: {  	s26 =	simm.s32 $0x5;
	s29 =	simm.s32 $0x111E0;
	s4 =	simm.s32 $0x111F0;
	v14 =	vsel vm3, v17, v7;
	v7 =	vadd.s32 s31, v0;
	[tilespmem:s25+$0x10] =	vst v59;
	v12 =	vsel vm2, v12, v16  }
0x2a3: {  	s30 =	simm.s32 $0x111D0;
	s1 =	simm.s32 $0x11210;
	s0 =	simm.s32 $0x9EC0;
	[tilespmem:s25+$0x0] =	vst v10;
	v10 =	vadd.s32 s4, v0;
	v11 =	vadd.f32 v62, v8;
	v13 =	vadd.f32 v63, v9  }
.LBB2_16:
0x2a4: {  	v16 =	vadd.s32 s1, v0;
	v17 =	vld [tilespmem:s28+$0xFFFFFFF0];
	s26 =	sadd.s32 $0x5, s26;
	v18 =	vadd.s32 s30, v0;
	v19 =	vadd.s32 s29, v0;
	s25 =	sadd.s32 $0x50, s25  }
0x2a5: {  	v14 =	vsel vm2, v4, v14;
	vm3 =	vgt.f32 v6, v12;
	v20 =	vld [tilespmem:s0+$0xFFFFFFF0];
	p0 =	slt.u32 s26, $0x26C;
	v25 =	vadd.f32 v15, v5;
	v15 =	vpop (erf)  }
0x2a6: {  	vm2 =	vge.f32 v9, v1;
	vm4 =	vge.f32 v5, v1;
	v21 =	vld [tilespmem:s0+$0x10];
	v15 =	vmul.f32 v15, v2;
	v5 =	vpop (erf)  }
0x2a7: {  	vm5 =	vge.f32 v8, v1;
	v13 =	vnsel vm2, $0xFF800000, v13;
	v22 =	vld [tilespmem:s28+$0xFFFFFFE0];
	v9 =	vmul.f32 v5, v2;
	v8 =	vpop (erf)  }
0x2a8: {  	v24 =	vnsel vm4, $0xFF800000, v25;
	v5 =	vld [tilespmem:s28+$0x20];
	v15 =	vnsel vm0, $0x0, v15;
	v23 =	vmul.f32 v8, v2;
	v4 =	vpop (erf)  }
0x2a9: {  	v25 =	vld [tilespmem:s0+$0xFFFFFFE0];
	v26 =	vsub.f32 v17, v3;
	[tilespmem:s25+$0xFFFFFFE0] =	vst v15;
	v9 =	vnsel vm1, $0x0, v9;
	v15 =	vmul.f32 v4, v2;
	v4 =	vpop (erf)  }
0x2aa: {  	v11 =	vnsel vm5, $0xFF800000, v11;
	v8 =	vld [tilespmem:s28+$0x10];
	[tilespmem:s25+$0xFFFFFFF0] =	vst v9;
	v27 =	vmul.f32 v4, v2;
	v23 =	vnsel vm4, $0x0, v23;
	v4 =	vmovc v16  }
0x2ab: {  	v14 =	vsel vm3, v18, v14;
	v16 =	vmul.f32 $1.442695020e+00, v26;
	v9 =	vld [tilespmem:s28+$0x0];
	v15 =	vnsel vm5, $0x0, v15;
	[tilespmem:s25+$0x20] =	vst v23  }
0x2ac: {  	v12 =	vsel vm3, v6, v12;
	vm0 =	vge.f32 v22, v1;
	v18 =	vsub.f32 v22, v3;
	[tilespmem:s25+$0x10] =	vst v15  }
0x2ad: {  	vm3 =	vgt.f32 v13, v12;
	v6 =	vadd.f32 v20, v17;
	v15 =	vsub.f32 v5, v3  }
0x2ae: {  	vm1 =	vge.f32 v17, v1;
	v18 =	vmul.f32 $1.442695020e+00, v18;
	v20 =	vadd.f32 v25, v22  }
0x2af: {  	v6 =	vnsel vm1, $0xFF800000, v6;
	v17 =	vsub.f32 v8, v3;
	v15 =	vmul.f32 $1.442695020e+00, v15  }
0x2b0: {  	v20 =	vnsel vm0, $0xFF800000, v20;
	v22 =	vsub.f32 v9, v3;
	(erf) = vpow2.f32 v18  }
0x2b1: {  	v12 =	vsel vm3, v13, v12;
	v18 =	vld [tilespmem:s0+$0x0];
	v17 =	vmul.f32 $1.442695020e+00, v17;
	(erf) = vpow2.f32 v16  }
0x2b2: {  	vm4 =	vgt.f32 v11, v12;
	v13 =	vmul.f32 $1.442695020e+00, v22;
	(erf) = vpow2.f32 v15  }
.Ltmp7:
0x2b3: {  	v14 =	vsel vm3, v19, v14;
	v11 =	vsel vm4, v11, v12;
	(erf) = vpow2.f32 v17;
	(pc) =	sbr.rel @p0 .LBB2_16-.Ltmp7, $4  }
0x2b4: {  	v10 =	vsel vm4, v10, v14;
	vm3 =	vgt.f32 v24, v11;
	v15 =	vld [tilespmem:s0+$0x20];
	(erf) = vpow2.f32 v13  }
0x2b5: {  	s28 =	sadd.s32 $0x50, s28;
	v12 =	vnsel vm2, $0x0, v27;
	v14 =	vsel vm3, v7, v10;
	v16 =	vsel vm3, v24, v11  }
0x2b6: {  	s3 =	sadd.s32 $0x30, s1;
	s4 =	sadd.s32 $0x40, s1;
	v11 =	vadd.f32 v21, v8;
	vm2 =	vgt.f32 v20, v16;
	s0 =	sadd.s32 $0x50, s0;
	v13 =	vadd.f32 v18, v9;
	[tilespmem:s25+$0x0] =	vst v12  }
0x2b7: {  	s30 =	sadd.s32 $0x10, s1;
	s29 =	sadd.s32 $0x20, s1;
	s1 =	sadd.s32 $0x50, s1;
	v10 =	vadd.s32 s3, v0;
	v7 =	vadd.s32 s4, v0;
	v12 =	vsel vm2, v20, v16  }
0x2b8: {  	_ = 	snop  }
0x2b9: {  	v16 =	vpop (erf)  }
0x2ba: {  	v16 =	vmul.f32 v16, v2;
	v17 =	vpop (erf)  }
0x2bb: {  	v17 =	vmul.f32 v17, v2;
	v18 =	vpop (erf)  }
0x2bc: {  	s0 =	sadd.s32 $0x50, s25;
	v16 =	vnsel vm0, $0x0, v16;
	v18 =	vmul.f32 v18, v2;
	v19 =	vpop (erf)  }
0x2bd: {  	vm0 =	vge.f32 v5, v1;
	[tilespmem:s0+$0xFFFFFFE0] =	vst v16;
	v16 =	vnsel vm1, $0x0, v17;
	v17 =	vmul.f32 v19, v2;
	v53 =	vpop (erf)  }
0x2be: {  	vm1 =	vge.f32 v8, v1;
	[tilespmem:s0+$0xFFFFFFF0] =	vst v16;
	v8 =	vmul.f32 v53, v2;
	v16 =	vnsel vm0, $0x0, v18  }
0x2bf: {  	vm3 =	vge.f32 v9, v1;
	v9 =	vnsel vm1, $0x0, v17;
	[tilespmem:s0+$0x20] =	vst v16  }
0x2c0: {  	[tilespmem:s0+$0x10] =	vst v9;
	v8 =	vnsel vm3, $0x0, v8  }
0x2c1: {  	[tilespmem:s0+$0x0] =	vst v8  }
0x2c2: {  	s0 =	rddreg [dreg:$0x1e]  }
0x2c3: {  	[hbm4b:s0+s2] =	stream.linear.scatter [tilespmem:s17], [sflag:$0x8], $0x2710, $0x38;
	[tilespmem:$0x16480] =	vst v63  }
0x2c4: {  	_ =	swait.ge [sflag:s18], $0x2710  }
0x2c5: {  	[sflag:s18] =	ssyncset.done $0x0  }
0x2c6: {  	[sflag:s18] =	ssyncadd.s32 $0xFFFFD8F0  }
0x2c7: {  	_ =	swait.ge [sflag:s19], $0x2710  }
0x2c8: {  	[sflag:s19] =	ssyncset.done $0x0  }
0x2c9: {  	[sflag:s19] =	ssyncadd.s32 $0xFFFFD8F0  }
0x2ca: {  	_ =	swait.ge [sflag:s23], $0x2710  }
0x2cb: {  	[sflag:s23] =	ssyncset.done $0x0  }
0x2cc: {  	s3 =	simm.s32 $0x4F20;
	[sflag:s23] =	ssyncadd.s32 $0xFFFFD8F0  }
0x2cd: {  	vm4 =	vgt.f32 v6, v12;
	v8 =	vld [tilespmem:s3+$0xFFFFFFE0]  }
0x2ce: {  	v13 =	vnsel vm3, $0xFF800000, v13;
	v6 =	vsel vm4, v6, v12;
	v16 =	vld [tilespmem:s3+$0xFFFFFFF0]  }
0x2cf: {  	v4 =	vsel vm2, v4, v14;
	vm2 =	vgt.f32 v13, v6;
	v5 =	vadd.f32 v15, v5  }
0x2d0: {  	v6 =	vsel vm2, v13, v6  }
0x2d1: {  	v15 =	vadd.s32 s29, v0;
	v5 =	vnsel vm0, $0xFF800000, v5;
	v9 =	vadd.s32 s30, v0;
	v12 =	vld [tilespmem:s3+$0x20]  }
0x2d2: {  	v11 =	vnsel vm1, $0xFF800000, v11;
	v4 =	vsel vm4, v9, v4;
	v14 =	vld [tilespmem:s3+$0x10];
	v9 =	vsub.f32 v8, v3  }
0x2d3: {  	s4 =	simm.s32 $0xC5A0;
	vm0 =	vgt.f32 v11, v6;
	v4 =	vsel vm2, v15, v4;
	v13 =	vld [tilespmem:s3+$0x0];
	v15 =	vsub.f32 v16, v3  }
0x2d4: {  	v4 =	vsel vm0, v10, v4;
	v10 =	vld [tilespmem:s4+$0xFFFFFFE0];
	v9 =	vmul.f32 $1.442695020e+00, v9  }
0x2d5: {  	v6 =	vsel vm0, v11, v6;
	v15 =	vmul.f32 $1.442695020e+00, v15  }
0x2d6: {  	vm0 =	vgt.f32 v5, v6;
	v11 =	vld [tilespmem:s4+$0xFFFFFFF0];
	v17 =	vsub.f32 v12, v3;
	(erf) = vpow2.f32 v9  }
0x2d7: {  	s26 =	simm.s32 $0x138A0;
	v5 =	vsel vm0, v5, v6;
	v6 =	vld [tilespmem:s4+$0x0];
	v54 =	vsub.f32 v14, v3;
	(erf) = vpow2.f32 v15  }
0x2d8: {  	v58 =	vadd.s32 s26, v0;
	s0 =	simm.s32 $0x4F70;
	v20 =	vsub.f32 v13, v3;
	v17 =	vmul.f32 $1.442695020e+00, v17  }
0x2d9: {  	v7 =	vsel vm0, v7, v4;
	v56 =	vld [tilespmem:s0+$0xFFFFFFF0];
	v10 =	vadd.f32 v10, v8;
	v9 =	vmul.f32 $1.442695020e+00, v54  }
0x2da: {  	vm1 =	vge.f32 v8, v1;
	v8 =	vld [tilespmem:s4+$0x20];
	v4 =	vmul.f32 $1.442695020e+00, v20;
	(erf) = vpow2.f32 v17  }
0x2db: {  	s25 =	simm.s32 $0x138B0;
	v11 =	vadd.f32 v11, v16;
	vm0 =	vge.f32 v16, v1;
	(erf) = vpow2.f32 v9  }
0x2dc: {  	s1 =	simm.s32 $0x13880;
	v55 =	vld [tilespmem:s4+$0x10];
	v6 =	vadd.f32 v6, v13;
	v16 =	vadd.s32 s25, v0;
	(erf) = vpow2.f32 v4  }
0x2dd: {  	vm14 =	vge.f32 v12, v1;
	v9 =	vadd.s32 s1, v0;
	v4 =	vnsel vm1, $0xFF800000, v10  }
0x2de: {  	s4 =	simm.s32 $0x13890;
	vm5 =	vge.f32 v14, v1;
	v24 =	vsub.f32 v56, v3;
	vm2 =	vgt.f32 v4, v5  }
0x2df: {  	v57 =	vadd.s32 s4, v0;
	v15 =	vsel vm2, v4, v5;
	v5 =	vadd.f32 v8, v12;
	v8 =	vpop (erf)  }
0x2e0: {  	s3 =	simm.s32 $0x138C0;
	v11 =	vnsel vm0, $0xFF800000, v11;
	v7 =	vsel vm2, v9, v7;
	v8 =	vmul.f32 v8, v2;
	v9 =	vpop (erf)  }
0x2e1: {  	s31 =	simm.s32 $0x138D0;
	v17 =	vadd.s32 s3, v0;
	s3 =	simm.s32 $0xC5F0;
	v10 =	vadd.f32 v55, v14;
	v12 =	vld [tilespmem:s0+$0xFFFFFFE0];
	v9 =	vmul.f32 v9, v2  }
0x2e2: {  	v23 =	vld [tilespmem:s3+$0xFFFFFFE0];
	v4 =	vadd.s32 s31, v0;
	vm2 =	vge.f32 v13, v1;
	vm3 =	vgt.f32 v11, v15  }
0x2e3: {  	v13 =	vld [tilespmem:s3+$0xFFFFFFF0];
	v21 =	vnsel vm2, $0xFF800000, v6;
	v22 =	vnsel vm14, $0xFF800000, v5;
	v7 =	vsel vm3, v57, v7;
	v6 =	vpop (erf)  }
0x2e4: {  	v5 =	vld [tilespmem:s0+$0x20];
	v11 =	vsel vm3, v11, v15;
	v14 =	vnsel vm1, $0x0, v8;
	v6 =	vmul.f32 v6, v2;
	v8 =	vpop (erf)  }
0x2e5: {  	vm3 =	vgt.f32 v21, v11;
	v25 =	vnsel vm0, $0x0, v9;
	v26 =	vmul.f32 v8, v2;
	v9 =	vpop (erf);
	v8 =	vld [tilespmem:s0+$0x10]  }
0x2e6: {  	v28 =	vnsel vm14, $0x0, v6;
	v6 =	vsub.f32 v12, v3;
	v27 =	vmul.f32 v9, v2;
	v9 =	vld [tilespmem:s0+$0x0]  }
0x2e7: {  	v10 =	vnsel vm5, $0xFF800000, v10;
	v15 =	vmul.f32 $1.442695020e+00, v24;
	v11 =	vsel vm3, v21, v11  }
0x2e8: {  	v13 =	vadd.f32 v13, v56;
	vm1 =	vge.f32 v56, v1;
	v60 =	vmul.f32 $1.442695020e+00, v6  }
0x2e9: {  	vm0 =	vge.f32 v12, v1;
	v61 =	vsub.f32 v5, v3;
	v12 =	vadd.f32 v23, v12  }
0x2ea: {  	v6 =	vnsel vm1, $0xFF800000, v13;
	(erf) = vpow2.f32 v60;
	v13 =	vsub.f32 v8, v3  }
0x2eb: {  	v23 =	vmul.f32 $1.442695020e+00, v61;
	(erf) = vpow2.f32 v15;
	v15 =	vsub.f32 v9, v3  }
0x2ec: {  	v62 =	vld [tilespmem:s3+$0x10];
	v7 =	vsel vm3, v58, v7;
	vm15 =	vgt.f32 v10, v11;
	v13 =	vmul.f32 $1.442695020e+00, v13  }
0x2ed: {  	s25 =	simm.s32 $0x13C20;
	v63 =	vld [tilespmem:s3+$0x0];
	v10 =	vsel vm15, v10, v11;
	(erf) = vpow2.f32 v23;
	v15 =	vmul.f32 $1.442695020e+00, v15  }
0x2ee: {  	v7 =	vsel vm15, v16, v7;
	[tilespmem:s25+$0xFFFFFFE0] =	vst v14;
	vm3 =	vgt.f32 v22, v10;
	(erf) = vpow2.f32 v13  }
0x2ef: {  	[tilespmem:s25+$0xFFFFFFF0] =	vst v25;
	v10 =	vsel vm3, v22, v10;
	v12 =	vnsel vm0, $0xFF800000, v12;
	(erf) = vpow2.f32 v15;
	v15 =	vld [tilespmem:s3+$0x20]  }
0x2f0: {  	s28 =	simm.s32 $0x4FC0;
	s31 =	simm.s32 $0x13910;
	[tilespmem:s25+$0x20] =	vst v28;
	v59 =	vnsel vm5, $0x0, v26;
	v16 =	vnsel vm2, $0x0, v27;
	vm2 =	vgt.f32 v12, v10  }
0x2f1: {  	s26 =	simm.s32 $0x5;
	s29 =	simm.s32 $0x138F0;
	s4 =	simm.s32 $0x13900;
	v14 =	vsel vm3, v17, v7;
	v7 =	vadd.s32 s31, v0;
	[tilespmem:s25+$0x10] =	vst v59;
	v12 =	vsel vm2, v12, v10  }
0x2f2: {  	s30 =	simm.s32 $0x138E0;
	s1 =	simm.s32 $0x13920;
	s0 =	simm.s32 $0xC640;
	[tilespmem:s25+$0x0] =	vst v16;
	v10 =	vadd.s32 s4, v0;
	v11 =	vadd.f32 v62, v8;
	v13 =	vadd.f32 v63, v9  }
.LBB2_18:
0x2f3: {  	v16 =	vadd.s32 s1, v0;
	v17 =	vld [tilespmem:s28+$0xFFFFFFF0];
	s26 =	sadd.s32 $0x5, s26;
	v18 =	vadd.s32 s30, v0;
	v19 =	vadd.s32 s29, v0;
	s25 =	sadd.s32 $0x50, s25  }
0x2f4: {  	v14 =	vsel vm2, v4, v14;
	vm3 =	vgt.f32 v6, v12;
	v20 =	vld [tilespmem:s0+$0xFFFFFFF0];
	p0 =	slt.u32 s26, $0x26C;
	v25 =	vadd.f32 v15, v5;
	v15 =	vpop (erf)  }
0x2f5: {  	vm2 =	vge.f32 v9, v1;
	vm4 =	vge.f32 v5, v1;
	v21 =	vld [tilespmem:s0+$0x10];
	v15 =	vmul.f32 v15, v2;
	v5 =	vpop (erf)  }
0x2f6: {  	vm5 =	vge.f32 v8, v1;
	v13 =	vnsel vm2, $0xFF800000, v13;
	v22 =	vld [tilespmem:s28+$0xFFFFFFE0];
	v9 =	vmul.f32 v5, v2;
	v8 =	vpop (erf)  }
0x2f7: {  	v24 =	vnsel vm4, $0xFF800000, v25;
	v5 =	vld [tilespmem:s28+$0x20];
	v15 =	vnsel vm0, $0x0, v15;
	v23 =	vmul.f32 v8, v2;
	v4 =	vpop (erf)  }
0x2f8: {  	v25 =	vld [tilespmem:s0+$0xFFFFFFE0];
	v26 =	vsub.f32 v17, v3;
	[tilespmem:s25+$0xFFFFFFE0] =	vst v15;
	v9 =	vnsel vm1, $0x0, v9;
	v15 =	vmul.f32 v4, v2;
	v4 =	vpop (erf)  }
0x2f9: {  	v11 =	vnsel vm5, $0xFF800000, v11;
	v8 =	vld [tilespmem:s28+$0x10];
	[tilespmem:s25+$0xFFFFFFF0] =	vst v9;
	v27 =	vmul.f32 v4, v2;
	v23 =	vnsel vm4, $0x0, v23;
	v4 =	vmovc v16  }
0x2fa: {  	v14 =	vsel vm3, v18, v14;
	v16 =	vmul.f32 $1.442695020e+00, v26;
	v9 =	vld [tilespmem:s28+$0x0];
	v15 =	vnsel vm5, $0x0, v15;
	[tilespmem:s25+$0x20] =	vst v23  }
0x2fb: {  	v12 =	vsel vm3, v6, v12;
	vm0 =	vge.f32 v22, v1;
	v18 =	vsub.f32 v22, v3;
	[tilespmem:s25+$0x10] =	vst v15  }
0x2fc: {  	vm3 =	vgt.f32 v13, v12;
	v6 =	vadd.f32 v20, v17;
	v15 =	vsub.f32 v5, v3  }
0x2fd: {  	vm1 =	vge.f32 v17, v1;
	v18 =	vmul.f32 $1.442695020e+00, v18;
	v20 =	vadd.f32 v25, v22  }
0x2fe: {  	v6 =	vnsel vm1, $0xFF800000, v6;
	v17 =	vsub.f32 v8, v3;
	v15 =	vmul.f32 $1.442695020e+00, v15  }
0x2ff: {  	v20 =	vnsel vm0, $0xFF800000, v20;
	v22 =	vsub.f32 v9, v3;
	(erf) = vpow2.f32 v18  }
0x300: {  	v12 =	vsel vm3, v13, v12;
	v18 =	vld [tilespmem:s0+$0x0];
	v17 =	vmul.f32 $1.442695020e+00, v17;
	(erf) = vpow2.f32 v16  }
0x301: {  	vm4 =	vgt.f32 v11, v12;
	v13 =	vmul.f32 $1.442695020e+00, v22;
	(erf) = vpow2.f32 v15  }
.Ltmp8:
0x302: {  	v14 =	vsel vm3, v19, v14;
	v11 =	vsel vm4, v11, v12;
	(erf) = vpow2.f32 v17;
	(pc) =	sbr.rel @p0 .LBB2_18-.Ltmp8, $4  }
0x303: {  	v10 =	vsel vm4, v10, v14;
	vm3 =	vgt.f32 v24, v11;
	v15 =	vld [tilespmem:s0+$0x20];
	(erf) = vpow2.f32 v13  }
0x304: {  	s28 =	sadd.s32 $0x50, s28;
	v12 =	vnsel vm2, $0x0, v27;
	v14 =	vsel vm3, v7, v10;
	v16 =	vsel vm3, v24, v11  }
0x305: {  	s3 =	sadd.s32 $0x30, s1;
	s4 =	sadd.s32 $0x40, s1;
	v11 =	vadd.f32 v21, v8;
	vm2 =	vgt.f32 v20, v16;
	s0 =	sadd.s32 $0x50, s0;
	v13 =	vadd.f32 v18, v9;
	[tilespmem:s25+$0x0] =	vst v12  }
0x306: {  	s30 =	sadd.s32 $0x10, s1;
	s29 =	sadd.s32 $0x20, s1;
	s1 =	sadd.s32 $0x50, s1;
	v10 =	vadd.s32 s3, v0;
	v7 =	vadd.s32 s4, v0;
	v12 =	vsel vm2, v20, v16  }
0x307: {  	_ = 	snop  }
0x308: {  	v16 =	vpop (erf)  }
0x309: {  	v16 =	vmul.f32 v16, v2;
	v17 =	vpop (erf)  }
0x30a: {  	v17 =	vmul.f32 v17, v2;
	v18 =	vpop (erf)  }
0x30b: {  	s0 =	sadd.s32 $0x50, s25;
	v16 =	vnsel vm0, $0x0, v16;
	v18 =	vmul.f32 v18, v2;
	v19 =	vpop (erf)  }
0x30c: {  	vm0 =	vge.f32 v5, v1;
	[tilespmem:s0+$0xFFFFFFE0] =	vst v16;
	v16 =	vnsel vm1, $0x0, v17;
	v17 =	vmul.f32 v19, v2;
	v53 =	vpop (erf)  }
0x30d: {  	vm1 =	vge.f32 v8, v1;
	[tilespmem:s0+$0xFFFFFFF0] =	vst v16;
	v8 =	vmul.f32 v53, v2;
	v16 =	vnsel vm0, $0x0, v18  }
0x30e: {  	vm3 =	vge.f32 v9, v1;
	v9 =	vnsel vm1, $0x0, v17;
	[tilespmem:s0+$0x20] =	vst v16  }
0x30f: {  	[tilespmem:s0+$0x10] =	vst v9;
	v8 =	vnsel vm3, $0x0, v8  }
0x310: {  	[tilespmem:s0+$0x0] =	vst v8  }
0x311: {  	s0 =	rddreg [dreg:$0x1f]  }
0x312: {  	[hbm4b:s0+s2] =	stream.linear.scatter [tilespmem:s20], [sflag:$0x9], $0x2710, $0x38;
	[tilespmem:$0x16480] =	vst v63  }
0x313: {  	_ =	swait.ge [sflag:s12], $0x2710  }
0x314: {  	[sflag:s12] =	ssyncset.done $0x0  }
0x315: {  	[sflag:s12] =	ssyncadd.s32 $0xFFFFD8F0  }
0x316: {  	_ =	swait.ge [sflag:s13], $0x2710  }
0x317: {  	[sflag:s13] =	ssyncset.done $0x0  }
0x318: {  	[sflag:s13] =	ssyncadd.s32 $0xFFFFD8F0  }
0x319: {  	_ =	swait.ge [sflag:s21], $0x2710  }
0x31a: {  	[sflag:s21] =	ssyncset.done $0x0  }
0x31b: {  	s3 =	simm.s32 $0x20;
	[sflag:s21] =	ssyncadd.s32 $0xFFFFD8F0  }
0x31c: {  	vm4 =	vgt.f32 v6, v12;
	v8 =	vld [tilespmem:s3+$0xFFFFFFE0]  }
0x31d: {  	v13 =	vnsel vm3, $0xFF800000, v13;
	v6 =	vsel vm4, v6, v12;
	v16 =	vld [tilespmem:s3+$0xFFFFFFF0]  }
0x31e: {  	v4 =	vsel vm2, v4, v14;
	vm2 =	vgt.f32 v13, v6;
	v5 =	vadd.f32 v15, v5  }
0x31f: {  	v6 =	vsel vm2, v13, v6  }
0x320: {  	v15 =	vadd.s32 s29, v0;
	v5 =	vnsel vm0, $0xFF800000, v5;
	v9 =	vadd.s32 s30, v0;
	v12 =	vld [tilespmem:s3+$0x20]  }
0x321: {  	v11 =	vnsel vm1, $0xFF800000, v11;
	v4 =	vsel vm4, v9, v4;
	v14 =	vld [tilespmem:s3+$0x10];
	v9 =	vsub.f32 v8, v3  }
0x322: {  	s4 =	simm.s32 $0x76A0;
	vm0 =	vgt.f32 v11, v6;
	v4 =	vsel vm2, v15, v4;
	v13 =	vld [tilespmem:s3+$0x0];
	v15 =	vsub.f32 v16, v3  }
0x323: {  	v6 =	vsel vm0, v11, v6;
	v11 =	vld [tilespmem:s4+$0xFFFFFFF0];
	v9 =	vmul.f32 $1.442695020e+00, v9  }
0x324: {  	v4 =	vsel vm0, v10, v4;
	v10 =	vld [tilespmem:s4+$0xFFFFFFE0];
	v15 =	vmul.f32 $1.442695020e+00, v15  }
0x325: {  	vm0 =	vgt.f32 v5, v6;
	v17 =	vsub.f32 v12, v3;
	(erf) = vpow2.f32 v9  }
0x326: {  	s26 =	simm.s32 $0x15FB0;
	v5 =	vsel vm0, v5, v6;
	v6 =	vld [tilespmem:s4+$0x0];
	v54 =	vsub.f32 v14, v3;
	(erf) = vpow2.f32 v15  }
0x327: {  	v58 =	vadd.s32 s26, v0;
	s0 =	simm.s32 $0x70;
	v20 =	vsub.f32 v13, v3;
	v17 =	vmul.f32 $1.442695020e+00, v17  }
0x328: {  	v7 =	vsel vm0, v7, v4;
	v56 =	vld [tilespmem:s0+$0xFFFFFFF0];
	v11 =	vadd.f32 v11, v16;
	v9 =	vmul.f32 $1.442695020e+00, v54  }
0x329: {  	v10 =	vadd.f32 v10, v8;
	v4 =	vmul.f32 $1.442695020e+00, v20;
	(erf) = vpow2.f32 v17  }
0x32a: {  	s25 =	simm.s32 $0x15FC0;
	vm1 =	vge.f32 v8, v1;
	vm0 =	vge.f32 v16, v1;
	v8 =	vld [tilespmem:s4+$0x20];
	(erf) = vpow2.f32 v9  }
0x32b: {  	v55 =	vld [tilespmem:s4+$0x10];
	v6 =	vadd.f32 v6, v13;
	v16 =	vadd.s32 s25, v0;
	(erf) = vpow2.f32 v4  }
0x32c: {  	s1 =	simm.s32 $0x15F90;
	vm14 =	vge.f32 v12, v1;
	vm5 =	vge.f32 v14, v1;
	v4 =	vnsel vm1, $0xFF800000, v10  }
0x32d: {  	s4 =	simm.s32 $0x15FA0;
	v24 =	vsub.f32 v56, v3;
	v9 =	vadd.s32 s1, v0;
	vm2 =	vgt.f32 v4, v5  }
0x32e: {  	v57 =	vadd.s32 s4, v0;
	v11 =	vnsel vm0, $0xFF800000, v11;
	v9 =	vsel vm2, v9, v7;
	v7 =	vpop (erf)  }
0x32f: {  	s3 =	simm.s32 $0x15FD0;
	v15 =	vsel vm2, v4, v5;
	v5 =	vadd.f32 v8, v12;
	v7 =	vmul.f32 v7, v2;
	v8 =	vpop (erf)  }
0x330: {  	s31 =	simm.s32 $0x15FE0;
	v17 =	vadd.s32 s3, v0;
	s3 =	simm.s32 $0x76F0;
	v10 =	vadd.f32 v55, v14;
	v12 =	vld [tilespmem:s0+$0xFFFFFFE0];
	v8 =	vmul.f32 v8, v2  }
0x331: {  	v23 =	vld [tilespmem:s3+$0xFFFFFFE0];
	v4 =	vadd.s32 s31, v0;
	vm2 =	vge.f32 v13, v1;
	vm3 =	vgt.f32 v11, v15  }
0x332: {  	v13 =	vld [tilespmem:s3+$0xFFFFFFF0];
	v21 =	vnsel vm2, $0xFF800000, v6;
	v22 =	vnsel vm14, $0xFF800000, v5;
	v9 =	vsel vm3, v57, v9;
	v6 =	vpop (erf)  }
0x333: {  	v5 =	vld [tilespmem:s0+$0x20];
	v11 =	vsel vm3, v11, v15;
	v14 =	vnsel vm1, $0x0, v7;
	v6 =	vmul.f32 v6, v2;
	v7 =	vpop (erf)  }
0x334: {  	vm3 =	vgt.f32 v21, v11;
	v25 =	vnsel vm0, $0x0, v8;
	v26 =	vmul.f32 v7, v2;
	v8 =	vpop (erf);
	v7 =	vld [tilespmem:s0+$0x10]  }
0x335: {  	v28 =	vnsel vm14, $0x0, v6;
	v6 =	vsub.f32 v12, v3;
	v27 =	vmul.f32 v8, v2;
	v8 =	vld [tilespmem:s0+$0x0]  }
0x336: {  	v10 =	vnsel vm5, $0xFF800000, v10;
	v15 =	vmul.f32 $1.442695020e+00, v24;
	v11 =	vsel vm3, v21, v11  }
0x337: {  	v13 =	vadd.f32 v13, v56;
	vm1 =	vge.f32 v56, v1;
	v60 =	vmul.f32 $1.442695020e+00, v6  }
0x338: {  	vm0 =	vge.f32 v12, v1;
	v61 =	vsub.f32 v5, v3;
	v12 =	vadd.f32 v23, v12  }
0x339: {  	v6 =	vnsel vm1, $0xFF800000, v13;
	(erf) = vpow2.f32 v60;
	v13 =	vsub.f32 v7, v3  }
0x33a: {  	v23 =	vmul.f32 $1.442695020e+00, v61;
	(erf) = vpow2.f32 v15;
	v15 =	vsub.f32 v8, v3  }
0x33b: {  	v62 =	vld [tilespmem:s3+$0x10];
	v9 =	vsel vm3, v58, v9;
	vm15 =	vgt.f32 v10, v11;
	v13 =	vmul.f32 $1.442695020e+00, v13  }
0x33c: {  	s25 =	simm.s32 $0xED20;
	v63 =	vld [tilespmem:s3+$0x0];
	v10 =	vsel vm15, v10, v11;
	(erf) = vpow2.f32 v23;
	v15 =	vmul.f32 $1.442695020e+00, v15  }
0x33d: {  	v9 =	vsel vm15, v16, v9;
	[tilespmem:s25+$0xFFFFFFE0] =	vst v14;
	vm3 =	vgt.f32 v22, v10;
	(erf) = vpow2.f32 v13  }
0x33e: {  	v14 =	vld [tilespmem:s3+$0x20];
	[tilespmem:s25+$0xFFFFFFF0] =	vst v25;
	v10 =	vsel vm3, v22, v10;
	v12 =	vnsel vm0, $0xFF800000, v12;
	(erf) = vpow2.f32 v15  }
0x33f: {  	s28 =	simm.s32 $0xC0;
	s4 =	simm.s32 $0x16010;
	[tilespmem:s25+$0x20] =	vst v28;
	v59 =	vnsel vm5, $0x0, v26;
	v16 =	vnsel vm2, $0x0, v27;
	vm2 =	vgt.f32 v12, v10  }
0x340: {  	s26 =	simm.s32 $0x5;
	s29 =	simm.s32 $0x16000;
	s31 =	simm.s32 $0x16020;
	[tilespmem:s25+$0x10] =	vst v59;
	v12 =	vsel vm2, v12, v10;
	v10 =	vadd.s32 s4, v0;
	v11 =	vadd.f32 v62, v7  }
0x341: {  	s30 =	simm.s32 $0x15FF0;
	s1 =	simm.s32 $0x16030;
	s0 =	simm.s32 $0x7740;
	[tilespmem:s25+$0x0] =	vst v16;
	v13 =	vsel vm3, v17, v9;
	v9 =	vadd.s32 s31, v0;
	v15 =	vadd.f32 v63, v8  }
.LBB2_20:
0x342: {  	v16 =	vadd.s32 s1, v0;
	v17 =	vld [tilespmem:s28+$0xFFFFFFF0];
	s26 =	sadd.s32 $0x5, s26;
	v18 =	vadd.s32 s30, v0;
	v19 =	vadd.s32 s29, v0;
	s25 =	sadd.s32 $0x50, s25  }
0x343: {  	v13 =	vsel vm2, v4, v13;
	vm3 =	vgt.f32 v6, v12;
	v20 =	vld [tilespmem:s0+$0xFFFFFFF0];
	p0 =	slt.u32 s26, $0x26C;
	v25 =	vadd.f32 v14, v5;
	v14 =	vpop (erf)  }
0x344: {  	vm2 =	vge.f32 v8, v1;
	vm4 =	vge.f32 v5, v1;
	v21 =	vld [tilespmem:s0+$0x10];
	v14 =	vmul.f32 v14, v2;
	v5 =	vpop (erf)  }
0x345: {  	vm5 =	vge.f32 v7, v1;
	v15 =	vnsel vm2, $0xFF800000, v15;
	v22 =	vld [tilespmem:s28+$0xFFFFFFE0];
	v8 =	vmul.f32 v5, v2;
	v7 =	vpop (erf)  }
0x346: {  	v24 =	vnsel vm4, $0xFF800000, v25;
	v5 =	vld [tilespmem:s28+$0x20];
	v14 =	vnsel vm0, $0x0, v14;
	v23 =	vmul.f32 v7, v2;
	v4 =	vpop (erf)  }
0x347: {  	v25 =	vld [tilespmem:s0+$0xFFFFFFE0];
	v26 =	vsub.f32 v17, v3;
	[tilespmem:s25+$0xFFFFFFE0] =	vst v14;
	v8 =	vnsel vm1, $0x0, v8;
	v14 =	vmul.f32 v4, v2;
	v4 =	vpop (erf)  }
0x348: {  	v11 =	vnsel vm5, $0xFF800000, v11;
	v7 =	vld [tilespmem:s28+$0x10];
	[tilespmem:s25+$0xFFFFFFF0] =	vst v8;
	v27 =	vmul.f32 v4, v2;
	v23 =	vnsel vm4, $0x0, v23;
	v4 =	vmovc v16  }
0x349: {  	v13 =	vsel vm3, v18, v13;
	v16 =	vmul.f32 $1.442695020e+00, v26;
	v8 =	vld [tilespmem:s28+$0x0];
	v14 =	vnsel vm5, $0x0, v14;
	[tilespmem:s25+$0x20] =	vst v23  }
0x34a: {  	v12 =	vsel vm3, v6, v12;
	vm0 =	vge.f32 v22, v1;
	v18 =	vsub.f32 v22, v3;
	[tilespmem:s25+$0x10] =	vst v14  }
0x34b: {  	vm3 =	vgt.f32 v15, v12;
	v6 =	vadd.f32 v20, v17;
	v14 =	vsub.f32 v5, v3  }
0x34c: {  	vm1 =	vge.f32 v17, v1;
	v18 =	vmul.f32 $1.442695020e+00, v18;
	v20 =	vadd.f32 v25, v22  }
0x34d: {  	v6 =	vnsel vm1, $0xFF800000, v6;
	v17 =	vsub.f32 v7, v3;
	v14 =	vmul.f32 $1.442695020e+00, v14  }
0x34e: {  	v20 =	vnsel vm0, $0xFF800000, v20;
	v22 =	vsub.f32 v8, v3;
	(erf) = vpow2.f32 v18  }
0x34f: {  	v12 =	vsel vm3, v15, v12;
	v18 =	vld [tilespmem:s0+$0x0];
	v17 =	vmul.f32 $1.442695020e+00, v17;
	(erf) = vpow2.f32 v16  }
0x350: {  	vm4 =	vgt.f32 v11, v12;
	v15 =	vmul.f32 $1.442695020e+00, v22;
	(erf) = vpow2.f32 v14  }
.Ltmp9:
0x351: {  	v13 =	vsel vm3, v19, v13;
	v11 =	vsel vm4, v11, v12;
	(erf) = vpow2.f32 v17;
	(pc) =	sbr.rel @p0 .LBB2_20-.Ltmp9, $4  }
0x352: {  	v10 =	vsel vm4, v10, v13;
	vm3 =	vgt.f32 v24, v11;
	v14 =	vld [tilespmem:s0+$0x20];
	(erf) = vpow2.f32 v15  }
0x353: {  	s28 =	sadd.s32 $0x50, s28;
	v12 =	vnsel vm2, $0x0, v27;
	v13 =	vsel vm3, v9, v10;
	v16 =	vsel vm3, v24, v11  }
0x354: {  	s3 =	sadd.s32 $0x30, s1;
	s4 =	sadd.s32 $0x40, s1;
	v11 =	vadd.f32 v21, v7;
	vm2 =	vgt.f32 v20, v16;
	s0 =	sadd.s32 $0x50, s0;
	v15 =	vadd.f32 v18, v8;
	[tilespmem:s25+$0x0] =	vst v12  }
0x355: {  	s30 =	sadd.s32 $0x10, s1;
	s29 =	sadd.s32 $0x20, s1;
	s1 =	sadd.s32 $0x50, s1;
	v10 =	vadd.s32 s3, v0;
	v9 =	vadd.s32 s4, v0;
	v12 =	vsel vm2, v20, v16  }
0x356: {  	_ = 	snop  }
0x357: {  	v3 =	vpop (erf)  }
0x358: {  	v3 =	vmul.f32 v3, v2;
	v16 =	vpop (erf)  }
0x359: {  	v16 =	vmul.f32 v16, v2;
	v17 =	vpop (erf)  }
0x35a: {  	s0 =	sadd.s32 $0x50, s25;
	v3 =	vnsel vm0, $0x0, v3;
	v17 =	vmul.f32 v17, v2;
	v18 =	vpop (erf)  }
0x35b: {  	vm13 =	vge.f32 v5, v1;
	[tilespmem:s0+$0xFFFFFFE0] =	vst v3;
	v3 =	vnsel vm1, $0x0, v16;
	v60 =	vmul.f32 v18, v2;
	v61 =	vpop (erf)  }
0x35c: {  	vm14 =	vge.f32 v7, v1;
	[tilespmem:s0+$0xFFFFFFF0] =	vst v3;
	v2 =	vmul.f32 v61, v2;
	v3 =	vnsel vm13, $0x0, v17  }
0x35d: {  	vm3 =	vge.f32 v8, v1;
	v1 =	vnsel vm14, $0x0, v60;
	[tilespmem:s0+$0x20] =	vst v3  }
0x35e: {  	[tilespmem:s0+$0x10] =	vst v1;
	v1 =	vnsel vm3, $0x0, v2  }
0x35f: {  	[tilespmem:s0+$0x0] =	vst v1  }
0x360: {  	s0 =	sld [smem:$0x7FB];
	_ =	sdelay $0x2  }
0x361: {  	vm4 =	vgt.f32 v6, v12;
	[hbm4b:s0+s2] =	stream.linear.scatter [tilespmem:s14], [sflag:$0x7], $0x2710, $0x38;
	[tilespmem:$0x16480] =	vst v63  }
0x362: {  	v2 =	vsel vm4, v6, v12;
	v1 =	vnsel vm3, $0xFF800000, v15;
	_ =	swait.ge [sflag:s22], $0x2710  }
0x363: {  	vm3 =	vgt.f32 v1, v2;
	[sflag:s22] =	ssyncset.done $0x0  }
0x364: {  	v62 =	vnsel vm14, $0xFF800000, v11;
	v3 =	vadd.f32 v14, v5;
	v1 =	vsel vm3, v1, v2;
	[sflag:s22] =	ssyncadd.s32 $0xFFFFD8F0  }
0x365: {  	vm1 =	vgt.f32 v62, v1;
	_ =	swait.ge [sflag:s23], $0x2710  }
0x366: {  	v2 =	vnsel vm13, $0xFF800000, v3;
	v1 =	vsel vm1, v62, v1;
	[sflag:s23] =	ssyncset.done $0x0  }
0x367: {  	vm0 =	vgt.f32 v2, v1;
	[sflag:s23] =	ssyncadd.s32 $0xFFFFD8F0  }
0x368: {  	v1 =	vsel vm0, v2, v1;
	_ =	swait.ge [sflag:s21], $0x2710  }
0x369: {  	(xrf0) =	vmax.scan.msk.f32 $0xffff, v1;
	_ =	sdelay $0x2  }
0x36a: {  	v3 =	vsel vm2, v4, v13;
	v2 =	vadd.s32 s30, v0  }
0x36b: {  	v63 =	vadd.s32 s29, v0;
	v2 =	vsel vm4, v2, v3  }
0x36c: {  	v2 =	vsel vm3, v63, v2  }
0x36d: {  	v2 =	vsel vm1, v10, v2;
	v3, _, _ =	vpop (xrf0)  }
0x36e: {  	v2 =	vsel vm0, v9, v2;
	v3 =	vbroadcast v3, $0xF  }
0x36f: {  	v2 =	vcvt.s32.f32 v2  }
0x370: {  	vm15 =	veq.f32 v1, v3  }
0x371: {  	v1 =	vnsel vm15, $0x4BE4E1C0, v2  }
0x372: {  	(xrf0) =	vmin.scan.msk.f32 $0xffff, v1;
	_ =	sdelay $0x5  }
0x373: {  	v1, _, _ =	vpop (xrf0)  }
0x374: {  	(v2sf) =	vpush v1, $0xF;
	_ =	sdelay $0xe  }
0x375: {  	s30 =	spop (v2sf)  }
0x376: {  	s0 =	scvt.f32.s32 s30  }
0x377: {  	s24 =	sadd.s32 $0x1, s24;
	[sflag:s21] =	ssyncset.done $0x0;
	s31 =	sld [smem:$0x7FD]  }
0x378: {  	p0 =	sne.s32 s24, s5;
	[sflag:s21] =	ssyncadd.s32 $0xFFFFD8F0;
	v1 =	vmov s0  }
.Ltmp10:
0x379: {  	s1 =	simm.s32 $0x16400;
	[tilespmem:$0x16400] =	vst v1;
	(pc) =	sbr.rel @p0 .LBB2_1-.Ltmp10, $4  }
0x37a: {  	[hbm4b:s31+s2] =	stream.linear.scatter [tilespmem:s1], [sflag:$0xA], $0x10, $0x38;
	[tilespmem:$0x16480] =	vst v63  }
0x37b: {  	_ =	swait.ge [sflag:s9], $0x10  }
0x37c: {  	[sflag:s9] =	ssyncset.done $0x0  }
0x37d: {  	[sflag:s9] =	ssyncadd.s32 $0xFFFFFFF0  }
0x37e: {  	_ =	sfence.sel $0x180000  }
0x37f: {  	[bflag:$0x0] =	sbarrier.arrive $0xFFFF  }
0x380: {  	_ =	strace $0x9000004A  }
0x381: {  	s0 =	stileid.u32;
	[bflag:$0x2] =	sbarrier.arrive $0xFFFF  }
0x382: {  	p0 =	sne.s32 s0, $0x0;
	s0 =	rddreg [dreg:$0x2]  }
0x383: {  	s0 =	sadd.s32 @!p0 $0x100000, s0  }
0x384: {  	[sflag:s0] =	ssyncadd.tile.s32 @!p0 $0x1;
	_ =	shalt  }
.Lfunc_end2:
_tile_overlayer_lowered:
.L_overlay_start_2:
0x385: {  	(tag) =	ssettag $0x2  }
0x386: {  	s0 =	rddreg [dreg:$0x0];
	s2 =	stileid.u32  }
0x387: {  	s1 =	rddreg [dreg:$0x1];
	p0 =	sne.s32 s2, $0x0  }
0x388: {  	s3 =	rddreg [dreg:$0x2];
	[bflag:$0x3] =	sbarrier.arrive $0xFFFF;
	s2 =	simm.s32 @!p0 $0x1C0A  }
0x389: {  	[timem:s3], [sflag:s2] =	dma.local @!p0 [hbm:s0], s1  }
0x38a: {  	s0 =	simm.s32 @!p0 $0xA  }
0x38b: {  	_ =	swait.ge @!p0 [sflag:s0], s1  }
0x38c: {  	s1 =	ssub.s32 @!p0 $0x0, s1;
	[sflag:s0] =	ssyncset.done @!p0 $0x0  }
0x38d: {  	[sflag:s0] =	ssyncadd.s32 @!p0 s1  }
0x38e: {  	[bflag:$0x3] =	sbarrier.arrive $0xFFFF  }
0x38f: {  	_ =	shalt  }

</sc_bundles>
